<compile_context>
chip_gen: v7x
topology: tpu7x:2x2x1
jax: 0.10.2.dev20260603
libtpu: 0.0.44.dev20260713+nightly
codegen_flags: <defaults>
</compile_context>

<pallas_src>
import functools

import jax
import jax.numpy as jnp
from jax import lax
from jax.experimental import pallas as pl
from jax.experimental.pallas import tpu as pltpu
from jax.experimental.pallas import tpu_sc as plsc

N = 10000
E = 320000
IND = 128
H0 = 512
D = 128
NCLS = 16
EPS = 1e-5

NC = 2
NS = 16
NW = NC * NS
K = 128
RPW = 80
ROWS2D = NW * RPW
EPAD = ROWS2D * K
NPADROWS = 240
NPAD = N + NPADROWS
RPT = NPAD // NS
NBUF = 5
LOOKAHEAD = 3
CPT = ROWS2D // NS
DH = D // 2

_mesh = plsc.VectorSubcoreMesh(
    core_axis_name="c", subcore_axis_name="s", num_cores=NC, num_subcores=NS
)


@functools.partial(
    pl.kernel,
    out_type=jax.ShapeDtypeStruct((NC * NPAD,), jnp.float32),
    mesh=_mesh,
    scratch_types=[
        pltpu.VMEM((RPW, K), jnp.int32),
        pltpu.VMEM((K,), jnp.float32),
        pltpu.VMEM((640,), jnp.float32),
        pltpu.VMEM_SHARED((NPAD,), jnp.float32),
    ],
)
def _deg_kernel(dst_hbm, out_hbm, dstv, ones_v, buf_v, acc):
    cid = lax.axis_index("c")
    sid = lax.axis_index("s")
    wid = sid * NC + cid
    for i in range(K // 16):
        ones_v[pl.ds(i * 16, 16)] = jnp.ones((16,), jnp.float32)
    for i in range(640 // 16):
        buf_v[pl.ds(i * 16, 16)] = jnp.zeros((16,), jnp.float32)

    pltpu.sync_copy(buf_v.at[pl.ds(0, RPT)], acc.at[pl.ds(sid * RPT, RPT)])

    pltpu.sync_copy(dst_hbm.at[pl.ds(wid * RPW, RPW)], dstv)
    plsc.subcore_barrier()

    def body(j, carry):
        pltpu.sync_copy(ones_v, acc.at[dstv.at[j]], add=True)
        return carry

    lax.fori_loop(0, RPW, body, 0)
    plsc.subcore_barrier()

    pltpu.sync_copy(acc.at[pl.ds(sid * RPT, RPT)], buf_v.at[pl.ds(0, RPT)])
    pltpu.sync_copy(
        buf_v.at[pl.ds(0, RPT)], out_hbm.at[pl.ds(cid * NPAD + sid * RPT, RPT)]
    )


def _conv_body(u_hbm, src_hbm, dst_hbm, out_hbm, srcv, dstv, rows, zbuf,
               acc, semg, sems, semz):
    cid = lax.axis_index("c")
    sid = lax.axis_index("s")
    base = sid * RPT

    pltpu.sync_copy(src_hbm.at[pl.ds(cid * ROWS2D + sid * CPT, CPT)], srcv)
    pltpu.sync_copy(dst_hbm.at[pl.ds(sid * CPT, CPT)], dstv)
    for b in range(LOOKAHEAD):
        pltpu.async_copy(u_hbm.at[srcv.at[b]], rows.at[b], semg.at[b])

    for r in range(16):
        for c in range(DH // 16):
            zbuf[r, pl.ds(c * 16, 16)] = jnp.zeros((16,), jnp.float32)

    def zero_start(i, carry):
        pltpu.async_copy(zbuf, acc.at[pl.ds(base + i * 16, 16)], semz)
        return carry

    lax.fori_loop(0, RPT // 16, zero_start, 0)

    def zero_drain(i, carry):
        pltpu.make_async_copy(zbuf, acc.at[pl.ds(base, 16)], semz).wait()
        return carry

    lax.fori_loop(0, RPT // 16, zero_drain, 0)
    plsc.subcore_barrier()

    def step(g, carry):
        for b in range(NBUF):
            j = g * NBUF + b
            pltpu.make_async_copy(u_hbm.at[srcv.at[j]], rows.at[b], semg.at[b]).wait()
            pltpu.async_copy(rows.at[b], acc.at[dstv.at[j]], sems.at[b], add=True)
            jj = j + LOOKAHEAD
            bb = (b + LOOKAHEAD) % NBUF

            @pl.when(jj < CPT)
            def _():
                @pl.when(j >= NBUF - LOOKAHEAD)
                def _():
                    pltpu.make_async_copy(
                        rows.at[bb], acc.at[dstv.at[j]], sems.at[bb]
                    ).wait()

                pltpu.async_copy(u_hbm.at[srcv.at[jj]], rows.at[bb], semg.at[bb])

        return carry

    lax.fori_loop(0, CPT // NBUF, step, 0)
    for b in range(NBUF):
        pltpu.make_async_copy(rows.at[b], acc.at[dstv.at[0]], sems.at[b]).wait()
    plsc.subcore_barrier()

    for i in range(RPT // K):
        b = i % NBUF
        if i >= NBUF:
            pltpu.make_async_copy(
                rows.at[b], out_hbm.at[cid, pl.ds(base, K)], sems.at[b]
            ).wait()
        pltpu.async_copy(acc.at[pl.ds(base + i * K, K)], rows.at[b], semg.at[b])
        pltpu.make_async_copy(acc.at[pl.ds(base, K)], rows.at[b], semg.at[b]).wait()
        pltpu.async_copy(rows.at[b], out_hbm.at[cid, pl.ds(base + i * K, K)], sems.at[b])
    for i in range(max(0, RPT // K - NBUF), RPT // K):
        b = i % NBUF
        pltpu.make_async_copy(
            rows.at[b], out_hbm.at[cid, pl.ds(base, K)], sems.at[b]
        ).wait()


RB = 2000
GB = N // RB


def _dinv_block(degt_blk):
    dsum = degt_blk[:, 0:1] + degt_blk[:, 1:2] + 1.0
    return jnp.broadcast_to(lax.rsqrt(dsum), (RB, D))


def _tc1_body(degt_ref, x_ref, w0_ref, b0_ref, w1_ref, u1_ref, us_ref):
    dinv_b = _dinv_block(degt_ref[...])
    h0 = jnp.dot(x_ref[...], w0_ref[...], preferred_element_type=jnp.float32)
    h0 = h0 + b0_ref[...]
    t = jnp.dot(h0, w1_ref[...], preferred_element_type=jnp.float32)
    u = t * dinv_b
    u1_ref[...] = u
    us_ref[0] = u[:, :DH]
    us_ref[1] = u[:, DH:]


_tc1 = pl.pallas_call(
    _tc1_body,
    grid=(GB,),
    in_specs=[
        pl.BlockSpec((RB, 2), lambda i: (i, 0)),
        pl.BlockSpec((RB, IND), lambda i: (i, 0)),
        pl.BlockSpec((IND, H0), lambda i: (0, 0)),
        pl.BlockSpec((1, H0), lambda i: (0, 0)),
        pl.BlockSpec((H0, D), lambda i: (0, 0)),
    ],
    out_specs=[
        pl.BlockSpec((RB, D), lambda i: (i, 0)),
        pl.BlockSpec((NC, RB, DH), lambda i: (0, i, 0)),
    ],
    out_shape=[
        jax.ShapeDtypeStruct((N, D), jnp.float32),
        jax.ShapeDtypeStruct((NC, N, DH), jnp.float32),
    ],
)


def _agg_body(parts_ref, u_ref, degt_ref, b_ref, agg_ref, stats_ref):
    dinv_b = _dinv_block(degt_ref[...])
    scat = jnp.concatenate([parts_ref[0], parts_ref[1]], axis=1)
    ag = dinv_b * (scat + u_ref[...]) + b_ref[...]
    agg_ref[...] = ag

    @pl.when(pl.program_id(0) == 0)
    def _():
        stats_ref[...] = jnp.zeros((2, D), jnp.float32)

    stats_ref[0:1, :] += jnp.sum(ag, axis=0, keepdims=True)
    stats_ref[1:2, :] += jnp.sum(ag * ag, axis=0, keepdims=True)


_tc_agg = pl.pallas_call(
    _agg_body,
    grid=(GB,),
    in_specs=[
        pl.BlockSpec((NC, RB, DH), lambda i: (0, i, 0)),
        pl.BlockSpec((RB, D), lambda i: (i, 0)),
        pl.BlockSpec((RB, 2), lambda i: (i, 0)),
        pl.BlockSpec((1, D), lambda i: (0, 0)),
    ],
    out_specs=[
        pl.BlockSpec((RB, D), lambda i: (i, 0)),
        pl.BlockSpec((2, D), lambda i: (0, 0)),
    ],
    out_shape=[
        jax.ShapeDtypeStruct((N, D), jnp.float32),
        jax.ShapeDtypeStruct((2, D), jnp.float32),
    ],
)


def _bn_mm_body(agg_ref, stats_ref, degt_ref, g_ref, be_ref, w_ref, u_ref, us_ref):
    dinv_b = _dinv_block(degt_ref[...])
    m = stats_ref[0:1, :] * (1.0 / N)
    var = stats_ref[1:2, :] * (1.0 / N) - m * m
    sc = g_ref[...] * lax.rsqrt(var + EPS)
    h = (agg_ref[...] - m) * sc + be_ref[...]
    h = jnp.maximum(h, 0.0)
    t = jnp.dot(h, w_ref[...], preferred_element_type=jnp.float32)
    u = t * dinv_b
    u_ref[...] = u
    us_ref[0] = u[:, :DH]
    us_ref[1] = u[:, DH:]


_tc_bn_mm = pl.pallas_call(
    _bn_mm_body,
    grid=(GB,),
    in_specs=[
        pl.BlockSpec((RB, D), lambda i: (i, 0)),
        pl.BlockSpec((2, D), lambda i: (0, 0)),
        pl.BlockSpec((RB, 2), lambda i: (i, 0)),
        pl.BlockSpec((1, D), lambda i: (0, 0)),
        pl.BlockSpec((1, D), lambda i: (0, 0)),
        pl.BlockSpec((D, D), lambda i: (0, 0)),
    ],
    out_specs=[
        pl.BlockSpec((RB, D), lambda i: (i, 0)),
        pl.BlockSpec((NC, RB, DH), lambda i: (0, i, 0)),
    ],
    out_shape=[
        jax.ShapeDtypeStruct((N, D), jnp.float32),
        jax.ShapeDtypeStruct((NC, N, DH), jnp.float32),
    ],
)


def _head_body(agg_ref, stats_ref, g_ref, be_ref, w_ref, bo_ref, out_ref):
    m = stats_ref[0:1, :] * (1.0 / N)
    var = stats_ref[1:2, :] * (1.0 / N) - m * m
    sc = g_ref[...] * lax.rsqrt(var + EPS)
    h = (agg_ref[...] - m) * sc + be_ref[...]
    h = jnp.maximum(h, 0.0)
    z = jnp.dot(h, w_ref[...], preferred_element_type=jnp.float32) + bo_ref[...]
    zm = jnp.max(z, axis=1, keepdims=True)
    lse = jnp.log(jnp.sum(jnp.exp(z - zm), axis=1, keepdims=True))
    out_ref[...] = z - zm - lse


_tc_head = pl.pallas_call(
    _head_body,
    grid=(GB,),
    in_specs=[
        pl.BlockSpec((RB, D), lambda i: (i, 0)),
        pl.BlockSpec((2, D), lambda i: (0, 0)),
        pl.BlockSpec((1, D), lambda i: (0, 0)),
        pl.BlockSpec((1, D), lambda i: (0, 0)),
        pl.BlockSpec((D, NCLS), lambda i: (0, 0)),
        pl.BlockSpec((1, NCLS), lambda i: (0, 0)),
    ],
    out_specs=pl.BlockSpec((RB, NCLS), lambda i: (i, 0)),
    out_shape=jax.ShapeDtypeStruct((N, NCLS), jnp.float32),
)


_conv_hbm = pl.kernel(
    _conv_body,
    out_type=jax.ShapeDtypeStruct((NC, NPAD, DH), jnp.float32),
    mesh=_mesh,
    scratch_types=[
        pltpu.VMEM((CPT, K), jnp.int32),
        pltpu.VMEM((CPT, K), jnp.int32),
        pltpu.VMEM((NBUF, K, DH), jnp.float32),
        pltpu.VMEM((16, DH), jnp.float32),
        pltpu.VMEM_SHARED((NPAD, DH), jnp.float32),
        pltpu.SemaphoreType.DMA((NBUF,)),
        pltpu.SemaphoreType.DMA((NBUF,)),
        pltpu.SemaphoreType.DMA,
    ],
    compiler_params=pltpu.CompilerParams(use_tc_tiling_on_sc=False),
)


def kernel(x, edge_index, W0, b0, W1, b1, W2, b2, g1, be1, g2, be2, Wout, bout):
    src = edge_index[0].astype(jnp.int32)
    dst = edge_index[1].astype(jnp.int32)
    pad = EPAD - E
    src2d = jnp.concatenate([src, jnp.zeros((pad,), jnp.int32)]).reshape(ROWS2D, K)
    dst2d = jnp.concatenate(
        [dst, N + (jnp.arange(pad, dtype=jnp.int32) % NPADROWS)]
    ).reshape(ROWS2D, K)
    srcb = jnp.concatenate([src2d, src2d + N], axis=0)

    degp = _deg_kernel(dst2d).reshape(NC, NPAD)
    degt = degp.T

    u1, u1s = _tc1(degt, x, W0, b0.reshape(1, H0), W1)
    parts1 = _conv_hbm(u1s.reshape(NC * N, DH), srcb, dst2d)
    agg1, stats1 = _tc_agg(parts1, u1, degt, b1.reshape(1, D))
    u2, u2s = _tc_bn_mm(
        agg1, stats1, degt, g1.reshape(1, D), be1.reshape(1, D), W2
    )
    parts2 = _conv_hbm(u2s.reshape(NC * N, DH), srcb, dst2d)
    agg2, stats2 = _tc_agg(parts2, u2, degt, b2.reshape(1, D))
    return _tc_head(
        agg2, stats2, g2.reshape(1, D), be2.reshape(1, D), Wout, bout.reshape(1, NCLS)
    )

# --- scband reference (transcript-rebuilt; emitter-appended) ---
"""Pipeline reference for scband-gcn-14671608283464 (READ-ONLY COPY).

The authoritative reference and input builder live on the scoring server;
editing this copy changes nothing except your own understanding.
"""

import jax, jax.numpy as jnp
import numpy as np

N_NODES = 10000
N_EDGES = 320000
IN_DIM = 128
HID = 128
NUM_CLASSES = 16
EPS = 1e-5


def setup_inputs(seed: int = 0) -> dict:
    key = jax.random.key(seed)
    ks = jax.random.split(key, 16)
    x = jax.random.normal(ks[0], (N_NODES, IN_DIM), dtype=jnp.float32)
    edge_index = jax.random.randint(ks[1], (2, N_EDGES), 0, N_NODES, dtype=jnp.int64)
    W0 = jax.random.normal(ks[2], (IN_DIM, 512), dtype=jnp.float32) * 0.05
    b0 = jnp.zeros((512,), dtype=jnp.float32)
    W1 = jax.random.normal(ks[3], (512, HID), dtype=jnp.float32) * 0.05
    b1 = jnp.zeros((HID,), dtype=jnp.float32)
    W2 = jax.random.normal(ks[4], (HID, HID), dtype=jnp.float32) * 0.05
    b2 = jnp.zeros((HID,), dtype=jnp.float32)
    g1 = jnp.ones((HID,), dtype=jnp.float32)
    be1 = jnp.zeros((HID,), dtype=jnp.float32)
    g2 = jnp.ones((HID,), dtype=jnp.float32)
    be2 = jnp.zeros((HID,), dtype=jnp.float32)
    Wout = jax.random.normal(ks[5], (HID, NUM_CLASSES), dtype=jnp.float32) * 0.05
    bout = jnp.zeros((NUM_CLASSES,), dtype=jnp.float32)
    return {"x": x, "edge_index": edge_index, "W0": W0, "b0": b0, "W1": W1, "b1": b1,
            "W2": W2, "b2": b2, "g1": g1, "be1": be1, "g2": g2, "be2": be2,
            "Wout": Wout, "bout": bout}


def _gcn_conv(h, W, b, src, dst, n):
    # linear transform first (PyG GCNConv)
    h = h @ W
    # add self loops
    loop = jnp.arange(n, dtype=src.dtype)
    src2 = jnp.concatenate([src, loop])
    dst2 = jnp.concatenate([dst, loop])
    # symmetric normalization D^{-1/2} (A+I) D^{-1/2}
    deg = jnp.zeros((n,), dtype=h.dtype).at[dst2].add(1.0)
    dinv = jnp.where(deg > 0, deg ** -0.5, 0.0)
    norm = dinv[src2] * dinv[dst2]
    msg = h[src2] * norm[:, None]
    out = jnp.zeros((n, h.shape[1]), dtype=h.dtype).at[dst2].add(msg)
    return out + b


def _batch_norm(h, g, b):
    m = jnp.mean(h, axis=0)
    v = jnp.var(h, axis=0)  # biased variance, matches torch BN normalization
    return g * (h - m) / jnp.sqrt(v + EPS) + b


def reference(x, edge_index, W0, b0, W1, b1, W2, b2, g1, be1, g2, be2, Wout, bout):
    src = edge_index[0]
    dst = edge_index[1]
    n = x.shape[0]
    h = x @ W0 + b0
    h = _gcn_conv(h, W1, b1, src, dst, n)
    h = _batch_norm(h, g1, be1)
    h = jax.nn.relu(h)
    # dropout is identity in eval mode
    h = _gcn_conv(h, W2, b2, src, dst, n)
    h = _batch_norm(h, g2, be2)
    h = jax.nn.relu(h)
    h = h @ Wout + bout
    return jax.nn.log_softmax(h, axis=1)

if __name__ == "__main__":
    import jax
    _d = setup_inputs()
    print(jax.jit(kernel)(*tuple(_d.values())))

</pallas_src>

<mosaic_0001>
#map = affine_map<(d0, d1) -> (0, 0)>
#map1 = affine_map<(d0, d1) -> (0, 0, 0)>
module attributes {stable_mosaic.version = 14 : i64} {
  func.func @_conv_body(%arg0: i32, %arg1: i32, %arg2: memref<20000x64xf32, #tpu.memory_space<hbm>>, %arg3: memref<5120x128xi32, #tpu.memory_space<hbm>>, %arg4: memref<2560x128xi32, #tpu.memory_space<hbm>>, %arg5: memref<2x10240x64xf32, #tpu.memory_space<hbm>>, %arg6: memref<160x128xi32, #tpu.memory_space<vmem>>, %arg7: memref<160x128xi32, #tpu.memory_space<vmem>>, %arg8: memref<5x128x64xf32, #tpu.memory_space<vmem>>, %arg9: memref<16x64xf32, #tpu.memory_space<vmem>>, %arg10: memref<10240x64xf32, #tpu.memory_space<vmem_shared>>, %arg11: memref<5x!tpu.dma_semaphore, #tpu.memory_space<semaphore_mem>>, %arg12: memref<5x!tpu.dma_semaphore, #tpu.memory_space<semaphore_mem>>, %arg13: memref<!tpu.dma_semaphore, #tpu.memory_space<semaphore_mem>>) attributes {dimension_semantics = [#tpu.dimension_semantics<core_parallel>, #tpu.dimension_semantics<subcore_parallel>], iteration_bounds = array<i64: 2, 16>, scalar_prefetch = 0 : i64, scratch_operands = 8 : i64, tpu.core_type = #tpu.core_type<sc_vector_subcore>, window_params = [{transform_indices = #map}, {transform_indices = #map}, {transform_indices = #map}, {transform_indices = #map1}]} {
    %mul3A = arith.constant 640 : i32
    %mul3A_0 = arith.muli %arg1, %mul3A : i32
    %mul3A_1 = arith.constant 2560 : i32
    %mul3A_2 = arith.muli %arg0, %mul3A_1 : i32
    %mul3A_3 = arith.constant 160 : i32
    %mul3A_4 = arith.muli %arg1, %mul3A_3 : i32
    %add3A = arith.addi %mul3A_2, %mul3A_4 : i32
    "tpu.region"() ({
      %run_scoped3A = tpu.sem_alloc : memref<!tpu.dma_semaphore, #tpu.memory_space<semaphore_mem>>
      %dma_start3A_1013 = arith.constant 0 : i32
      %dma_start3A_1014 = tpu.memref_slice %arg3[%add3A, %dma_start3A_1013] : memref<5120x128xi32, #tpu.memory_space<hbm>> -> memref<160x128xi32, #tpu.memory_space<hbm>>
      %dma_start3A_1015 = arith.constant 0 : i32
      %dma_start3A_1016 = tpu.memref_slice %arg3[%add3A, %dma_start3A_1015] : memref<5120x128xi32, #tpu.memory_space<hbm>> -> memref<160x128xi32, #tpu.memory_space<hbm>>
      tpu.enqueue_dma source(%dma_start3A_1016 : memref<160x128xi32, #tpu.memory_space<hbm>>) target(%arg6 : memref<160x128xi32, #tpu.memory_space<vmem>>) target_semaphore(%run_scoped3A : memref<!tpu.dma_semaphore, #tpu.memory_space<semaphore_mem>>)
      %dma_wait3A_1017 = arith.constant 0 : i32
      %dma_wait3A_1018 = tpu.memref_slice %arg3[%add3A, %dma_wait3A_1017] : memref<5120x128xi32, #tpu.memory_space<hbm>> -> memref<160x128xi32, #tpu.memory_space<hbm>>
      %dma_wait3A_1019 = arith.constant 0 : i32
      %dma_wait3A_1020 = tpu.memref_slice %arg3[%add3A, %dma_wait3A_1019] : memref<5120x128xi32, #tpu.memory_space<hbm>> -> memref<160x128xi32, #tpu.memory_space<hbm>>
      tpu.wait_dma2 semaphore(%run_scoped3A : memref<!tpu.dma_semaphore, #tpu.memory_space<semaphore_mem>>) src(%dma_wait3A_1020 : memref<160x128xi32, #tpu.memory_space<hbm>>) dst(%arg6 : memref<160x128xi32, #tpu.memory_space<vmem>>)
      tpu.yield
    }) : () -> ()
    %mul3A_5 = arith.constant 160 : i32
    %mul3A_6 = arith.muli %arg1, %mul3A_5 : i32
    "tpu.region"() ({
      %run_scoped3A = tpu.sem_alloc : memref<!tpu.dma_semaphore, #tpu.memory_space<semaphore_mem>>
      %dma_start3A_1013 = arith.constant 0 : i32
      %dma_start3A_1014 = tpu.memref_slice %arg4[%mul3A_6, %dma_start3A_1013] : memref<2560x128xi32, #tpu.memory_space<hbm>> -> memref<160x128xi32, #tpu.memory_space<hbm>>
      %dma_start3A_1015 = arith.constant 0 : i32
      %dma_start3A_1016 = tpu.memref_slice %arg4[%mul3A_6, %dma_start3A_1015] : memref<2560x128xi32, #tpu.memory_space<hbm>> -> memref<160x128xi32, #tpu.memory_space<hbm>>
      tpu.enqueue_dma source(%dma_start3A_1016 : memref<160x128xi32, #tpu.memory_space<hbm>>) target(%arg7 : memref<160x128xi32, #tpu.memory_space<vmem>>) target_semaphore(%run_scoped3A : memref<!tpu.dma_semaphore, #tpu.memory_space<semaphore_mem>>)
      %dma_wait3A_1017 = arith.constant 0 : i32
      %dma_wait3A_1018 = tpu.memref_slice %arg4[%mul3A_6, %dma_wait3A_1017] : memref<2560x128xi32, #tpu.memory_space<hbm>> -> memref<160x128xi32, #tpu.memory_space<hbm>>
      %dma_wait3A_1019 = arith.constant 0 : i32
      %dma_wait3A_1020 = tpu.memref_slice %arg4[%mul3A_6, %dma_wait3A_1019] : memref<2560x128xi32, #tpu.memory_space<hbm>> -> memref<160x128xi32, #tpu.memory_space<hbm>>
      tpu.wait_dma2 semaphore(%run_scoped3A : memref<!tpu.dma_semaphore, #tpu.memory_space<semaphore_mem>>) src(%dma_wait3A_1020 : memref<160x128xi32, #tpu.memory_space<hbm>>) dst(%arg7 : memref<160x128xi32, #tpu.memory_space<vmem>>)
      tpu.yield
    }) : () -> ()
    %dma_start3A = arith.constant 0 : i32
    %dma_start3A_7 = arith.constant 0 : i32
    %dma_start3A_8 = arith.constant 0 : i32
    %dma_start3A_9 = arith.constant 0 : i32
    %dma_start3A_10 = arith.constant 0 : i32
    %dma_start3A_11 = tpu.memref_slice %arg8[%dma_start3A_7, %dma_start3A_9, %dma_start3A_10] : memref<5x128x64xf32, #tpu.memory_space<vmem>> -> memref<1x128x64xf32, #tpu.memory_space<vmem>>
    %dma_start3A_12 = tpu.memref_squeeze %dma_start3A_11 : memref<1x128x64xf32, #tpu.memory_space<vmem>> -> memref<128x64xf32, #tpu.memory_space<vmem>>
    %dma_start3A_13 = arith.constant 0 : i32
    %dma_start3A_14 = tpu.memref_slice %arg6[%dma_start3A, %dma_start3A_13] : memref<160x128xi32, #tpu.memory_space<vmem>> -> memref<1x128xi32, #tpu.memory_space<vmem>>
    %dma_start3A_15 = tpu.memref_squeeze %dma_start3A_14 : memref<1x128xi32, #tpu.memory_space<vmem>> -> memref<128xi32, #tpu.memory_space<vmem>>
    %dma_start3A_16 = arith.constant 0 : i32
    %dma_start3A_17 = arith.constant 0 : i32
    %dma_start3A_18 = tpu.memref_slice %arg2[%dma_start3A_16, %dma_start3A_17] : memref<20000x64xf32, #tpu.memory_space<hbm>> -> memref<20000x64xf32, #tpu.memory_space<hbm>>
    %dma_start3A_19 = tpu.memref_slice %arg11[%dma_start3A_8] : memref<5x!tpu.dma_semaphore, #tpu.memory_space<semaphore_mem>> -> memref<1x!tpu.dma_semaphore, #tpu.memory_space<semaphore_mem>>
    %dma_start3A_20 = tpu.memref_squeeze %dma_start3A_19 : memref<1x!tpu.dma_semaphore, #tpu.memory_space<semaphore_mem>> -> memref<!tpu.dma_semaphore, #tpu.memory_space<semaphore_mem>>
    tpu.enqueue_indirect_dma source(%dma_start3A_18 : memref<20000x64xf32, #tpu.memory_space<hbm>>) target(%dma_start3A_12 : memref<128x64xf32, #tpu.memory_space<vmem>>) offsets(%dma_start3A_15 : memref<128xi32, #tpu.memory_space<vmem>>) semaphore(%dma_start3A_20 : memref<!tpu.dma_semaphore, #tpu.memory_space<semaphore_mem>>)
    %dma_start3A_21 = arith.constant 1 : i32
    %dma_start3A_22 = arith.constant 1 : i32
    %dma_start3A_23 = arith.constant 1 : i32
    %dma_start3A_24 = arith.constant 0 : i32
    %dma_start3A_25 = arith.constant 0 : i32
    %dma_start3A_26 = tpu.memref_slice %arg8[%dma_start3A_22, %dma_start3A_24, %dma_start3A_25] : memref<5x128x64xf32, #tpu.memory_space<vmem>> -> memref<1x128x64xf32, #tpu.memory_space<vmem>>
    %dma_start3A_27 = tpu.memref_squeeze %dma_start3A_26 : memref<1x128x64xf32, #tpu.memory_space<vmem>> -> memref<128x64xf32, #tpu.memory_space<vmem>>
    %dma_start3A_28 = arith.constant 0 : i32
    %dma_start3A_29 = tpu.memref_slice %arg6[%dma_start3A_21, %dma_start3A_28] : memref<160x128xi32, #tpu.memory_space<vmem>> -> memref<1x128xi32, #tpu.memory_space<vmem>>
    %dma_start3A_30 = tpu.memref_squeeze %dma_start3A_29 : memref<1x128xi32, #tpu.memory_space<vmem>> -> memref<128xi32, #tpu.memory_space<vmem>>
    %dma_start3A_31 = arith.constant 0 : i32
    %dma_start3A_32 = arith.constant 0 : i32
    %dma_start3A_33 = tpu.memref_slice %arg2[%dma_start3A_31, %dma_start3A_32] : memref<20000x64xf32, #tpu.memory_space<hbm>> -> memref<20000x64xf32, #tpu.memory_space<hbm>>
    %dma_start3A_34 = tpu.memref_slice %arg11[%dma_start3A_23] : memref<5x!tpu.dma_semaphore, #tpu.memory_space<semaphore_mem>> -> memref<1x!tpu.dma_semaphore, #tpu.memory_space<semaphore_mem>>
    %dma_start3A_35 = tpu.memref_squeeze %dma_start3A_34 : memref<1x!tpu.dma_semaphore, #tpu.memory_space<semaphore_mem>> -> memref<!tpu.dma_semaphore, #tpu.memory_space<semaphore_mem>>
    tpu.enqueue_indirect_dma source(%dma_start3A_33 : memref<20000x64xf32, #tpu.memory_space<hbm>>) target(%dma_start3A_27 : memref<128x64xf32, #tpu.memory_space<vmem>>) offsets(%dma_start3A_30 : memref<128xi32, #tpu.memory_space<vmem>>) semaphore(%dma_start3A_35 : memref<!tpu.dma_semaphore, #tpu.memory_space<semaphore_mem>>)
    %dma_start3A_36 = arith.constant 2 : i32
    %dma_start3A_37 = arith.constant 2 : i32
    %dma_start3A_38 = arith.constant 2 : i32
    %dma_start3A_39 = arith.constant 0 : i32
    %dma_start3A_40 = arith.constant 0 : i32
    %dma_start3A_41 = tpu.memref_slice %arg8[%dma_start3A_37, %dma_start3A_39, %dma_start3A_40] : memref<5x128x64xf32, #tpu.memory_space<vmem>> -> memref<1x128x64xf32, #tpu.memory_space<vmem>>
    %dma_start3A_42 = tpu.memref_squeeze %dma_start3A_41 : memref<1x128x64xf32, #tpu.memory_space<vmem>> -> memref<128x64xf32, #tpu.memory_space<vmem>>
    %dma_start3A_43 = arith.constant 0 : i32
    %dma_start3A_44 = tpu.memref_slice %arg6[%dma_start3A_36, %dma_start3A_43] : memref<160x128xi32, #tpu.memory_space<vmem>> -> memref<1x128xi32, #tpu.memory_space<vmem>>
    %dma_start3A_45 = tpu.memref_squeeze %dma_start3A_44 : memref<1x128xi32, #tpu.memory_space<vmem>> -> memref<128xi32, #tpu.memory_space<vmem>>
    %dma_start3A_46 = arith.constant 0 : i32
    %dma_start3A_47 = arith.constant 0 : i32
    %dma_start3A_48 = tpu.memref_slice %arg2[%dma_start3A_46, %dma_start3A_47] : memref<20000x64xf32, #tpu.memory_space<hbm>> -> memref<20000x64xf32, #tpu.memory_space<hbm>>
    %dma_start3A_49 = tpu.memref_slice %arg11[%dma_start3A_38] : memref<5x!tpu.dma_semaphore, #tpu.memory_space<semaphore_mem>> -> memref<1x!tpu.dma_semaphore, #tpu.memory_space<semaphore_mem>>
    %dma_start3A_50 = tpu.memref_squeeze %dma_start3A_49 : memref<1x!tpu.dma_semaphore, #tpu.memory_space<semaphore_mem>> -> memref<!tpu.dma_semaphore, #tpu.memory_space<semaphore_mem>>
    tpu.enqueue_indirect_dma source(%dma_start3A_48 : memref<20000x64xf32, #tpu.memory_space<hbm>>) target(%dma_start3A_42 : memref<128x64xf32, #tpu.memory_space<vmem>>) offsets(%dma_start3A_45 : memref<128xi32, #tpu.memory_space<vmem>>) semaphore(%dma_start3A_50 : memref<!tpu.dma_semaphore, #tpu.memory_space<semaphore_mem>>)
    %broadcast_in_dim3A = arith.constant 0.000000e+00 : f32
    %broadcast_in_dim3A_51 = vector.broadcast %broadcast_in_dim3A : f32 to vector<16xf32>
    %swap3A = arith.constant 0 : i32
    %swap3A_52 = arith.index_cast %swap3A : i32 to index
    %swap3A_53 = arith.constant 0 : index
    %swap3A_54 = tpu.vector_load %arg9[%swap3A_52, %swap3A_53] {strides = array<i32>} : memref<16x64xf32, #tpu.memory_space<vmem>>, vector<1x16xf32>,
    %swap3A_55 = vector.shape_cast %swap3A_54 : vector<1x16xf32> to vector<16xf32>
    %swap3A_56 = vector.shape_cast %broadcast_in_dim3A_51 : vector<16xf32> to vector<1x16xf32>
    tpu.vector_store %arg9[%swap3A_52, %swap3A_53], %swap3A_56 {strides = array<i32>} : memref<16x64xf32, #tpu.memory_space<vmem>>, vector<1x16xf32>,
    %broadcast_in_dim3A_57 = arith.constant 0.000000e+00 : f32
    %broadcast_in_dim3A_58 = vector.broadcast %broadcast_in_dim3A_57 : f32 to vector<16xf32>
    %swap3A_59 = arith.constant 0 : i32
    %swap3A_60 = arith.index_cast %swap3A_59 : i32 to index
    %swap3A_61 = arith.constant 16 : index
    %swap3A_62 = tpu.vector_load %arg9[%swap3A_60, %swap3A_61] {strides = array<i32>} : memref<16x64xf32, #tpu.memory_space<vmem>>, vector<1x16xf32>,
    %swap3A_63 = vector.shape_cast %swap3A_62 : vector<1x16xf32> to vector<16xf32>
    %swap3A_64 = vector.shape_cast %broadcast_in_dim3A_58 : vector<16xf32> to vector<1x16xf32>
    tpu.vector_store %arg9[%swap3A_60, %swap3A_61], %swap3A_64 {strides = array<i32>} : memref<16x64xf32, #tpu.memory_space<vmem>>, vector<1x16xf32>,
    %broadcast_in_dim3A_65 = arith.constant 0.000000e+00 : f32
    %broadcast_in_dim3A_66 = vector.broadcast %broadcast_in_dim3A_65 : f32 to vector<16xf32>
    %swap3A_67 = arith.constant 0 : i32
    %swap3A_68 = arith.index_cast %swap3A_67 : i32 to index
    %swap3A_69 = arith.constant 32 : index
    %swap3A_70 = tpu.vector_load %arg9[%swap3A_68, %swap3A_69] {strides = array<i32>} : memref<16x64xf32, #tpu.memory_space<vmem>>, vector<1x16xf32>,
    %swap3A_71 = vector.shape_cast %swap3A_70 : vector<1x16xf32> to vector<16xf32>
    %swap3A_72 = vector.shape_cast %broadcast_in_dim3A_66 : vector<16xf32> to vector<1x16xf32>
    tpu.vector_store %arg9[%swap3A_68, %swap3A_69], %swap3A_72 {strides = array<i32>} : memref<16x64xf32, #tpu.memory_space<vmem>>, vector<1x16xf32>,
    %broadcast_in_dim3A_73 = arith.constant 0.000000e+00 : f32
    %broadcast_in_dim3A_74 = vector.broadcast %broadcast_in_dim3A_73 : f32 to vector<16xf32>
    %swap3A_75 = arith.constant 0 : i32
    %swap3A_76 = arith.index_cast %swap3A_75 : i32 to index
    %swap3A_77 = arith.constant 48 : index
    %swap3A_78 = tpu.vector_load %arg9[%swap3A_76, %swap3A_77] {strides = array<i32>} : memref<16x64xf32, #tpu.memory_space<vmem>>, vector<1x16xf32>,
    %swap3A_79 = vector.shape_cast %swap3A_78 : vector<1x16xf32> to vector<16xf32>
    %swap3A_80 = vector.shape_cast %broadcast_in_dim3A_74 : vector<16xf32> to vector<1x16xf32>
    tpu.vector_store %arg9[%swap3A_76, %swap3A_77], %swap3A_80 {strides = array<i32>} : memref<16x64xf32, #tpu.memory_space<vmem>>, vector<1x16xf32>,
    %broadcast_in_dim3A_81 = arith.constant 0.000000e+00 : f32
    %broadcast_in_dim3A_82 = vector.broadcast %broadcast_in_dim3A_81 : f32 to vector<16xf32>
    %swap3A_83 = arith.constant 1 : i32
    %swap3A_84 = arith.index_cast %swap3A_83 : i32 to index
    %swap3A_85 = arith.constant 0 : index
    %swap3A_86 = tpu.vector_load %arg9[%swap3A_84, %swap3A_85] {strides = array<i32>} : memref<16x64xf32, #tpu.memory_space<vmem>>, vector<1x16xf32>,
    %swap3A_87 = vector.shape_cast %swap3A_86 : vector<1x16xf32> to vector<16xf32>
    %swap3A_88 = vector.shape_cast %broadcast_in_dim3A_82 : vector<16xf32> to vector<1x16xf32>
    tpu.vector_store %arg9[%swap3A_84, %swap3A_85], %swap3A_88 {strides = array<i32>} : memref<16x64xf32, #tpu.memory_space<vmem>>, vector<1x16xf32>,
    %broadcast_in_dim3A_89 = arith.constant 0.000000e+00 : f32
    %broadcast_in_dim3A_90 = vector.broadcast %broadcast_in_dim3A_89 : f32 to vector<16xf32>
    %swap3A_91 = arith.constant 1 : i32
    %swap3A_92 = arith.index_cast %swap3A_91 : i32 to index
    %swap3A_93 = arith.constant 16 : index
    %swap3A_94 = tpu.vector_load %arg9[%swap3A_92, %swap3A_93] {strides = array<i32>} : memref<16x64xf32, #tpu.memory_space<vmem>>, vector<1x16xf32>,
    %swap3A_95 = vector.shape_cast %swap3A_94 : vector<1x16xf32> to vector<16xf32>
    %swap3A_96 = vector.shape_cast %broadcast_in_dim3A_90 : vector<16xf32> to vector<1x16xf32>
    tpu.vector_store %arg9[%swap3A_92, %swap3A_93], %swap3A_96 {strides = array<i32>} : memref<16x64xf32, #tpu.memory_space<vmem>>, vector<1x16xf32>,
    %broadcast_in_dim3A_97 = arith.constant 0.000000e+00 : f32
    %broadcast_in_dim3A_98 = vector.broadcast %broadcast_in_dim3A_97 : f32 to vector<16xf32>
    %swap3A_99 = arith.constant 1 : i32
    %swap3A_100 = arith.index_cast %swap3A_99 : i32 to index
    %swap3A_101 = arith.constant 32 : index
    %swap3A_102 = tpu.vector_load %arg9[%swap3A_100, %swap3A_101] {strides = array<i32>} : memref<16x64xf32, #tpu.memory_space<vmem>>, vector<1x16xf32>,
    %swap3A_103 = vector.shape_cast %swap3A_102 : vector<1x16xf32> to vector<16xf32>
    %swap3A_104 = vector.shape_cast %broadcast_in_dim3A_98 : vector<16xf32> to vector<1x16xf32>
    tpu.vector_store %arg9[%swap3A_100, %swap3A_101], %swap3A_104 {strides = array<i32>} : memref<16x64xf32, #tpu.memory_space<vmem>>, vector<1x16xf32>,
    %broadcast_in_dim3A_105 = arith.constant 0.000000e+00 : f32
    %broadcast_in_dim3A_106 = vector.broadcast %broadcast_in_dim3A_105 : f32 to vector<16xf32>
    %swap3A_107 = arith.constant 1 : i32
    %swap3A_108 = arith.index_cast %swap3A_107 : i32 to index
    %swap3A_109 = arith.constant 48 : index
    %swap3A_110 = tpu.vector_load %arg9[%swap3A_108, %swap3A_109] {strides = array<i32>} : memref<16x64xf32, #tpu.memory_space<vmem>>, vector<1x16xf32>,
    %swap3A_111 = vector.shape_cast %swap3A_110 : vector<1x16xf32> to vector<16xf32>
    %swap3A_112 = vector.shape_cast %broadcast_in_dim3A_106 : vector<16xf32> to vector<1x16xf32>
    tpu.vector_store %arg9[%swap3A_108, %swap3A_109], %swap3A_112 {strides = array<i32>} : memref<16x64xf32, #tpu.memory_space<vmem>>, vector<1x16xf32>,
    %broadcast_in_dim3A_113 = arith.constant 0.000000e+00 : f32
    %broadcast_in_dim3A_114 = vector.broadcast %broadcast_in_dim3A_113 : f32 to vector<16xf32>
    %swap3A_115 = arith.constant 2 : i32
    %swap3A_116 = arith.index_cast %swap3A_115 : i32 to index
    %swap3A_117 = arith.constant 0 : index
    %swap3A_118 = tpu.vector_load %arg9[%swap3A_116, %swap3A_117] {strides = array<i32>} : memref<16x64xf32, #tpu.memory_space<vmem>>, vector<1x16xf32>,
    %swap3A_119 = vector.shape_cast %swap3A_118 : vector<1x16xf32> to vector<16xf32>
    %swap3A_120 = vector.shape_cast %broadcast_in_dim3A_114 : vector<16xf32> to vector<1x16xf32>
    tpu.vector_store %arg9[%swap3A_116, %swap3A_117], %swap3A_120 {strides = array<i32>} : memref<16x64xf32, #tpu.memory_space<vmem>>, vector<1x16xf32>,
    %broadcast_in_dim3A_121 = arith.constant 0.000000e+00 : f32
    %broadcast_in_dim3A_122 = vector.broadcast %broadcast_in_dim3A_121 : f32 to vector<16xf32>
    %swap3A_123 = arith.constant 2 : i32
    %swap3A_124 = arith.index_cast %swap3A_123 : i32 to index
    %swap3A_125 = arith.constant 16 : index
    %swap3A_126 = tpu.vector_load %arg9[%swap3A_124, %swap3A_125] {strides = array<i32>} : memref<16x64xf32, #tpu.memory_space<vmem>>, vector<1x16xf32>,
    %swap3A_127 = vector.shape_cast %swap3A_126 : vector<1x16xf32> to vector<16xf32>
    %swap3A_128 = vector.shape_cast %broadcast_in_dim3A_122 : vector<16xf32> to vector<1x16xf32>
    tpu.vector_store %arg9[%swap3A_124, %swap3A_125], %swap3A_128 {strides = array<i32>} : memref<16x64xf32, #tpu.memory_space<vmem>>, vector<1x16xf32>,
    %broadcast_in_dim3A_129 = arith.constant 0.000000e+00 : f32
    %broadcast_in_dim3A_130 = vector.broadcast %broadcast_in_dim3A_129 : f32 to vector<16xf32>
    %swap3A_131 = arith.constant 2 : i32
    %swap3A_132 = arith.index_cast %swap3A_131 : i32 to index
    %swap3A_133 = arith.constant 32 : index
    %swap3A_134 = tpu.vector_load %arg9[%swap3A_132, %swap3A_133] {strides = array<i32>} : memref<16x64xf32, #tpu.memory_space<vmem>>, vector<1x16xf32>,
    %swap3A_135 = vector.shape_cast %swap3A_134 : vector<1x16xf32> to vector<16xf32>
    %swap3A_136 = vector.shape_cast %broadcast_in_dim3A_130 : vector<16xf32> to vector<1x16xf32>
    tpu.vector_store %arg9[%swap3A_132, %swap3A_133], %swap3A_136 {strides = array<i32>} : memref<16x64xf32, #tpu.memory_space<vmem>>, vector<1x16xf32>,
    %broadcast_in_dim3A_137 = arith.constant 0.000000e+00 : f32
    %broadcast_in_dim3A_138 = vector.broadcast %broadcast_in_dim3A_137 : f32 to vector<16xf32>
    %swap3A_139 = arith.constant 2 : i32
    %swap3A_140 = arith.index_cast %swap3A_139 : i32 to index
    %swap3A_141 = arith.constant 48 : index
    %swap3A_142 = tpu.vector_load %arg9[%swap3A_140, %swap3A_141] {strides = array<i32>} : memref<16x64xf32, #tpu.memory_space<vmem>>, vector<1x16xf32>,
    %swap3A_143 = vector.shape_cast %swap3A_142 : vector<1x16xf32> to vector<16xf32>
    %swap3A_144 = vector.shape_cast %broadcast_in_dim3A_138 : vector<16xf32> to vector<1x16xf32>
    tpu.vector_store %arg9[%swap3A_140, %swap3A_141], %swap3A_144 {strides = array<i32>} : memref<16x64xf32, #tpu.memory_space<vmem>>, vector<1x16xf32>,
    %broadcast_in_dim3A_145 = arith.constant 0.000000e+00 : f32
    %broadcast_in_dim3A_146 = vector.broadcast %broadcast_in_dim3A_145 : f32 to vector<16xf32>
    %swap3A_147 = arith.constant 3 : i32
    %swap3A_148 = arith.index_cast %swap3A_147 : i32 to index
    %swap3A_149 = arith.constant 0 : index
    %swap3A_150 = tpu.vector_load %arg9[%swap3A_148, %swap3A_149] {strides = array<i32>} : memref<16x64xf32, #tpu.memory_space<vmem>>, vector<1x16xf32>,
    %swap3A_151 = vector.shape_cast %swap3A_150 : vector<1x16xf32> to vector<16xf32>
    %swap3A_152 = vector.shape_cast %broadcast_in_dim3A_146 : vector<16xf32> to vector<1x16xf32>
    tpu.vector_store %arg9[%swap3A_148, %swap3A_149], %swap3A_152 {strides = array<i32>} : memref<16x64xf32, #tpu.memory_space<vmem>>, vector<1x16xf32>,
    %broadcast_in_dim3A_153 = arith.constant 0.000000e+00 : f32
    %broadcast_in_dim3A_154 = vector.broadcast %broadcast_in_dim3A_153 : f32 to vector<16xf32>
    %swap3A_155 = arith.constant 3 : i32
    %swap3A_156 = arith.index_cast %swap3A_155 : i32 to index
    %swap3A_157 = arith.constant 16 : index
    %swap3A_158 = tpu.vector_load %arg9[%swap3A_156, %swap3A_157] {strides = array<i32>} : memref<16x64xf32, #tpu.memory_space<vmem>>, vector<1x16xf32>,
    %swap3A_159 = vector.shape_cast %swap3A_158 : vector<1x16xf32> to vector<16xf32>
    %swap3A_160 = vector.shape_cast %broadcast_in_dim3A_154 : vector<16xf32> to vector<1x16xf32>
    tpu.vector_store %arg9[%swap3A_156, %swap3A_157], %swap3A_160 {strides = array<i32>} : memref<16x64xf32, #tpu.memory_space<vmem>>, vector<1x16xf32>,
    %broadcast_in_dim3A_161 = arith.constant 0.000000e+00 : f32
    %broadcast_in_dim3A_162 = vector.broadcast %broadcast_in_dim3A_161 : f32 to vector<16xf32>
    %swap3A_163 = arith.constant 3 : i32
    %swap3A_164 = arith.index_cast %swap3A_163 : i32 to index
    %swap3A_165 = arith.constant 32 : index
    %swap3A_166 = tpu.vector_load %arg9[%swap3A_164, %swap3A_165] {strides = array<i32>} : memref<16x64xf32, #tpu.memory_space<vmem>>, vector<1x16xf32>,
    %swap3A_167 = vector.shape_cast %swap3A_166 : vector<1x16xf32> to vector<16xf32>
    %swap3A_168 = vector.shape_cast %broadcast_in_dim3A_162 : vector<16xf32> to vector<1x16xf32>
    tpu.vector_store %arg9[%swap3A_164, %swap3A_165], %swap3A_168 {strides = array<i32>} : memref<16x64xf32, #tpu.memory_space<vmem>>, vector<1x16xf32>,
    %broadcast_in_dim3A_169 = arith.constant 0.000000e+00 : f32
    %broadcast_in_dim3A_170 = vector.broadcast %broadcast_in_dim3A_169 : f32 to vector<16xf32>
    %swap3A_171 = arith.constant 3 : i32
    %swap3A_172 = arith.index_cast %swap3A_171 : i32 to index
    %swap3A_173 = arith.constant 48 : index
    %swap3A_174 = tpu.vector_load %arg9[%swap3A_172, %swap3A_173] {strides = array<i32>} : memref<16x64xf32, #tpu.memory_space<vmem>>, vector<1x16xf32>,
    %swap3A_175 = vector.shape_cast %swap3A_174 : vector<1x16xf32> to vector<16xf32>
    %swap3A_176 = vector.shape_cast %broadcast_in_dim3A_170 : vector<16xf32> to vector<1x16xf32>
    tpu.vector_store %arg9[%swap3A_172, %swap3A_173], %swap3A_176 {strides = array<i32>} : memref<16x64xf32, #tpu.memory_space<vmem>>, vector<1x16xf32>,
    %broadcast_in_dim3A_177 = arith.constant 0.000000e+00 : f32
    %broadcast_in_dim3A_178 = vector.broadcast %broadcast_in_dim3A_177 : f32 to vector<16xf32>
    %swap3A_179 = arith.constant 4 : i32
    %swap3A_180 = arith.index_cast %swap3A_179 : i32 to index
    %swap3A_181 = arith.constant 0 : index
    %swap3A_182 = tpu.vector_load %arg9[%swap3A_180, %swap3A_181] {strides = array<i32>} : memref<16x64xf32, #tpu.memory_space<vmem>>, vector<1x16xf32>,
    %swap3A_183 = vector.shape_cast %swap3A_182 : vector<1x16xf32> to vector<16xf32>
    %swap3A_184 = vector.shape_cast %broadcast_in_dim3A_178 : vector<16xf32> to vector<1x16xf32>
    tpu.vector_store %arg9[%swap3A_180, %swap3A_181], %swap3A_184 {strides = array<i32>} : memref<16x64xf32, #tpu.memory_space<vmem>>, vector<1x16xf32>,
    %broadcast_in_dim3A_185 = arith.constant 0.000000e+00 : f32
    %broadcast_in_dim3A_186 = vector.broadcast %broadcast_in_dim3A_185 : f32 to vector<16xf32>
    %swap3A_187 = arith.constant 4 : i32
    %swap3A_188 = arith.index_cast %swap3A_187 : i32 to index
    %swap3A_189 = arith.constant 16 : index
    %swap3A_190 = tpu.vector_load %arg9[%swap3A_188, %swap3A_189] {strides = array<i32>} : memref<16x64xf32, #tpu.memory_space<vmem>>, vector<1x16xf32>,
    %swap3A_191 = vector.shape_cast %swap3A_190 : vector<1x16xf32> to vector<16xf32>
    %swap3A_192 = vector.shape_cast %broadcast_in_dim3A_186 : vector<16xf32> to vector<1x16xf32>
    tpu.vector_store %arg9[%swap3A_188, %swap3A_189], %swap3A_192 {strides = array<i32>} : memref<16x64xf32, #tpu.memory_space<vmem>>, vector<1x16xf32>,
    %broadcast_in_dim3A_193 = arith.constant 0.000000e+00 : f32
    %broadcast_in_dim3A_194 = vector.broadcast %broadcast_in_dim3A_193 : f32 to vector<16xf32>
    %swap3A_195 = arith.constant 4 : i32
    %swap3A_196 = arith.index_cast %swap3A_195 : i32 to index
    %swap3A_197 = arith.constant 32 : index
    %swap3A_198 = tpu.vector_load %arg9[%swap3A_196, %swap3A_197] {strides = array<i32>} : memref<16x64xf32, #tpu.memory_space<vmem>>, vector<1x16xf32>,
    %swap3A_199 = vector.shape_cast %swap3A_198 : vector<1x16xf32> to vector<16xf32>
    %swap3A_200 = vector.shape_cast %broadcast_in_dim3A_194 : vector<16xf32> to vector<1x16xf32>
    tpu.vector_store %arg9[%swap3A_196, %swap3A_197], %swap3A_200 {strides = array<i32>} : memref<16x64xf32, #tpu.memory_space<vmem>>, vector<1x16xf32>,
    %broadcast_in_dim3A_201 = arith.constant 0.000000e+00 : f32
    %broadcast_in_dim3A_202 = vector.broadcast %broadcast_in_dim3A_201 : f32 to vector<16xf32>
    %swap3A_203 = arith.constant 4 : i32
    %swap3A_204 = arith.index_cast %swap3A_203 : i32 to index
    %swap3A_205 = arith.constant 48 : index
    %swap3A_206 = tpu.vector_load %arg9[%swap3A_204, %swap3A_205] {strides = array<i32>} : memref<16x64xf32, #tpu.memory_space<vmem>>, vector<1x16xf32>,
    %swap3A_207 = vector.shape_cast %swap3A_206 : vector<1x16xf32> to vector<16xf32>
    %swap3A_208 = vector.shape_cast %broadcast_in_dim3A_202 : vector<16xf32> to vector<1x16xf32>
    tpu.vector_store %arg9[%swap3A_204, %swap3A_205], %swap3A_208 {strides = array<i32>} : memref<16x64xf32, #tpu.memory_space<vmem>>, vector<1x16xf32>,
    %broadcast_in_dim3A_209 = arith.constant 0.000000e+00 : f32
    %broadcast_in_dim3A_210 = vector.broadcast %broadcast_in_dim3A_209 : f32 to vector<16xf32>
    %swap3A_211 = arith.constant 5 : i32
    %swap3A_212 = arith.index_cast %swap3A_211 : i32 to index
    %swap3A_213 = arith.constant 0 : index
    %swap3A_214 = tpu.vector_load %arg9[%swap3A_212, %swap3A_213] {strides = array<i32>} : memref<16x64xf32, #tpu.memory_space<vmem>>, vector<1x16xf32>,
    %swap3A_215 = vector.shape_cast %swap3A_214 : vector<1x16xf32> to vector<16xf32>
    %swap3A_216 = vector.shape_cast %broadcast_in_dim3A_210 : vector<16xf32> to vector<1x16xf32>
    tpu.vector_store %arg9[%swap3A_212, %swap3A_213], %swap3A_216 {strides = array<i32>} : memref<16x64xf32, #tpu.memory_space<vmem>>, vector<1x16xf32>,
    %broadcast_in_dim3A_217 = arith.constant 0.000000e+00 : f32
    %broadcast_in_dim3A_218 = vector.broadcast %broadcast_in_dim3A_217 : f32 to vector<16xf32>
    %swap3A_219 = arith.constant 5 : i32
    %swap3A_220 = arith.index_cast %swap3A_219 : i32 to index
    %swap3A_221 = arith.constant 16 : index
    %swap3A_222 = tpu.vector_load %arg9[%swap3A_220, %swap3A_221] {strides = array<i32>} : memref<16x64xf32, #tpu.memory_space<vmem>>, vector<1x16xf32>,
    %swap3A_223 = vector.shape_cast %swap3A_222 : vector<1x16xf32> to vector<16xf32>
    %swap3A_224 = vector.shape_cast %broadcast_in_dim3A_218 : vector<16xf32> to vector<1x16xf32>
    tpu.vector_store %arg9[%swap3A_220, %swap3A_221], %swap3A_224 {strides = array<i32>} : memref<16x64xf32, #tpu.memory_space<vmem>>, vector<1x16xf32>,
    %broadcast_in_dim3A_225 = arith.constant 0.000000e+00 : f32
    %broadcast_in_dim3A_226 = vector.broadcast %broadcast_in_dim3A_225 : f32 to vector<16xf32>
    %swap3A_227 = arith.constant 5 : i32
    %swap3A_228 = arith.index_cast %swap3A_227 : i32 to index
    %swap3A_229 = arith.constant 32 : index
    %swap3A_230 = tpu.vector_load %arg9[%swap3A_228, %swap3A_229] {strides = array<i32>} : memref<16x64xf32, #tpu.memory_space<vmem>>, vector<1x16xf32>,
    %swap3A_231 = vector.shape_cast %swap3A_230 : vector<1x16xf32> to vector<16xf32>
    %swap3A_232 = vector.shape_cast %broadcast_in_dim3A_226 : vector<16xf32> to vector<1x16xf32>
    tpu.vector_store %arg9[%swap3A_228, %swap3A_229], %swap3A_232 {strides = array<i32>} : memref<16x64xf32, #tpu.memory_space<vmem>>, vector<1x16xf32>,
    %broadcast_in_dim3A_233 = arith.constant 0.000000e+00 : f32
    %broadcast_in_dim3A_234 = vector.broadcast %broadcast_in_dim3A_233 : f32 to vector<16xf32>
    %swap3A_235 = arith.constant 5 : i32
    %swap3A_236 = arith.index_cast %swap3A_235 : i32 to index
    %swap3A_237 = arith.constant 48 : index
    %swap3A_238 = tpu.vector_load %arg9[%swap3A_236, %swap3A_237] {strides = array<i32>} : memref<16x64xf32, #tpu.memory_space<vmem>>, vector<1x16xf32>,
    %swap3A_239 = vector.shape_cast %swap3A_238 : vector<1x16xf32> to vector<16xf32>
    %swap3A_240 = vector.shape_cast %broadcast_in_dim3A_234 : vector<16xf32> to vector<1x16xf32>
    tpu.vector_store %arg9[%swap3A_236, %swap3A_237], %swap3A_240 {strides = array<i32>} : memref<16x64xf32, #tpu.memory_space<vmem>>, vector<1x16xf32>,
    %broadcast_in_dim3A_241 = arith.constant 0.000000e+00 : f32
    %broadcast_in_dim3A_242 = vector.broadcast %broadcast_in_dim3A_241 : f32 to vector<16xf32>
    %swap3A_243 = arith.constant 6 : i32
    %swap3A_244 = arith.index_cast %swap3A_243 : i32 to index
    %swap3A_245 = arith.constant 0 : index
    %swap3A_246 = tpu.vector_load %arg9[%swap3A_244, %swap3A_245] {strides = array<i32>} : memref<16x64xf32, #tpu.memory_space<vmem>>, vector<1x16xf32>,
    %swap3A_247 = vector.shape_cast %swap3A_246 : vector<1x16xf32> to vector<16xf32>
    %swap3A_248 = vector.shape_cast %broadcast_in_dim3A_242 : vector<16xf32> to vector<1x16xf32>
    tpu.vector_store %arg9[%swap3A_244, %swap3A_245], %swap3A_248 {strides = array<i32>} : memref<16x64xf32, #tpu.memory_space<vmem>>, vector<1x16xf32>,
    %broadcast_in_dim3A_249 = arith.constant 0.000000e+00 : f32
    %broadcast_in_dim3A_250 = vector.broadcast %broadcast_in_dim3A_249 : f32 to vector<16xf32>
    %swap3A_251 = arith.constant 6 : i32
    %swap3A_252 = arith.index_cast %swap3A_251 : i32 to index
    %swap3A_253 = arith.constant 16 : index
    %swap3A_254 = tpu.vector_load %arg9[%swap3A_252, %swap3A_253] {strides = array<i32>} : memref<16x64xf32, #tpu.memory_space<vmem>>, vector<1x16xf32>,
    %swap3A_255 = vector.shape_cast %swap3A_254 : vector<1x16xf32> to vector<16xf32>
    %swap3A_256 = vector.shape_cast %broadcast_in_dim3A_250 : vector<16xf32> to vector<1x16xf32>
    tpu.vector_store %arg9[%swap3A_252, %swap3A_253], %swap3A_256 {strides = array<i32>} : memref<16x64xf32, #tpu.memory_space<vmem>>, vector<1x16xf32>,
    %broadcast_in_dim3A_257 = arith.constant 0.000000e+00 : f32
    %broadcast_in_dim3A_258 = vector.broadcast %broadcast_in_dim3A_257 : f32 to vector<16xf32>
    %swap3A_259 = arith.constant 6 : i32
    %swap3A_260 = arith.index_cast %swap3A_259 : i32 to index
    %swap3A_261 = arith.constant 32 : index
    %swap3A_262 = tpu.vector_load %arg9[%swap3A_260, %swap3A_261] {strides = array<i32>} : memref<16x64xf32, #tpu.memory_space<vmem>>, vector<1x16xf32>,
    %swap3A_263 = vector.shape_cast %swap3A_262 : vector<1x16xf32> to vector<16xf32>
    %swap3A_264 = vector.shape_cast %broadcast_in_dim3A_258 : vector<16xf32> to vector<1x16xf32>
    tpu.vector_store %arg9[%swap3A_260, %swap3A_261], %swap3A_264 {strides = array<i32>} : memref<16x64xf32, #tpu.memory_space<vmem>>, vector<1x16xf32>,
    %broadcast_in_dim3A_265 = arith.constant 0.000000e+00 : f32
    %broadcast_in_dim3A_266 = vector.broadcast %broadcast_in_dim3A_265 : f32 to vector<16xf32>
    %swap3A_267 = arith.constant 6 : i32
    %swap3A_268 = arith.index_cast %swap3A_267 : i32 to index
    %swap3A_269 = arith.constant 48 : index
    %swap3A_270 = tpu.vector_load %arg9[%swap3A_268, %swap3A_269] {strides = array<i32>} : memref<16x64xf32, #tpu.memory_space<vmem>>, vector<1x16xf32>,
    %swap3A_271 = vector.shape_cast %swap3A_270 : vector<1x16xf32> to vector<16xf32>
    %swap3A_272 = vector.shape_cast %broadcast_in_dim3A_266 : vector<16xf32> to vector<1x16xf32>
    tpu.vector_store %arg9[%swap3A_268, %swap3A_269], %swap3A_272 {strides = array<i32>} : memref<16x64xf32, #tpu.memory_space<vmem>>, vector<1x16xf32>,
    %broadcast_in_dim3A_273 = arith.constant 0.000000e+00 : f32
    %broadcast_in_dim3A_274 = vector.broadcast %broadcast_in_dim3A_273 : f32 to vector<16xf32>
    %swap3A_275 = arith.constant 7 : i32
    %swap3A_276 = arith.index_cast %swap3A_275 : i32 to index
    %swap3A_277 = arith.constant 0 : index
    %swap3A_278 = tpu.vector_load %arg9[%swap3A_276, %swap3A_277] {strides = array<i32>} : memref<16x64xf32, #tpu.memory_space<vmem>>, vector<1x16xf32>,
    %swap3A_279 = vector.shape_cast %swap3A_278 : vector<1x16xf32> to vector<16xf32>
    %swap3A_280 = vector.shape_cast %broadcast_in_dim3A_274 : vector<16xf32> to vector<1x16xf32>
    tpu.vector_store %arg9[%swap3A_276, %swap3A_277], %swap3A_280 {strides = array<i32>} : memref<16x64xf32, #tpu.memory_space<vmem>>, vector<1x16xf32>,
    %broadcast_in_dim3A_281 = arith.constant 0.000000e+00 : f32
    %broadcast_in_dim3A_282 = vector.broadcast %broadcast_in_dim3A_281 : f32 to vector<16xf32>
    %swap3A_283 = arith.constant 7 : i32
    %swap3A_284 = arith.index_cast %swap3A_283 : i32 to index
    %swap3A_285 = arith.constant 16 : index
    %swap3A_286 = tpu.vector_load %arg9[%swap3A_284, %swap3A_285] {strides = array<i32>} : memref<16x64xf32, #tpu.memory_space<vmem>>, vector<1x16xf32>,
    %swap3A_287 = vector.shape_cast %swap3A_286 : vector<1x16xf32> to vector<16xf32>
    %swap3A_288 = vector.shape_cast %broadcast_in_dim3A_282 : vector<16xf32> to vector<1x16xf32>
    tpu.vector_store %arg9[%swap3A_284, %swap3A_285], %swap3A_288 {strides = array<i32>} : memref<16x64xf32, #tpu.memory_space<vmem>>, vector<1x16xf32>,
    %broadcast_in_dim3A_289 = arith.constant 0.000000e+00 : f32
    %broadcast_in_dim3A_290 = vector.broadcast %broadcast_in_dim3A_289 : f32 to vector<16xf32>
    %swap3A_291 = arith.constant 7 : i32
    %swap3A_292 = arith.index_cast %swap3A_291 : i32 to index
    %swap3A_293 = arith.constant 32 : index
    %swap3A_294 = tpu.vector_load %arg9[%swap3A_292, %swap3A_293] {strides = array<i32>} : memref<16x64xf32, #tpu.memory_space<vmem>>, vector<1x16xf32>,
    %swap3A_295 = vector.shape_cast %swap3A_294 : vector<1x16xf32> to vector<16xf32>
    %swap3A_296 = vector.shape_cast %broadcast_in_dim3A_290 : vector<16xf32> to vector<1x16xf32>
    tpu.vector_store %arg9[%swap3A_292, %swap3A_293], %swap3A_296 {strides = array<i32>} : memref<16x64xf32, #tpu.memory_space<vmem>>, vector<1x16xf32>,
    %broadcast_in_dim3A_297 = arith.constant 0.000000e+00 : f32
    %broadcast_in_dim3A_298 = vector.broadcast %broadcast_in_dim3A_297 : f32 to vector<16xf32>
    %swap3A_299 = arith.constant 7 : i32
    %swap3A_300 = arith.index_cast %swap3A_299 : i32 to index
    %swap3A_301 = arith.constant 48 : index
    %swap3A_302 = tpu.vector_load %arg9[%swap3A_300, %swap3A_301] {strides = array<i32>} : memref<16x64xf32, #tpu.memory_space<vmem>>, vector<1x16xf32>,
    %swap3A_303 = vector.shape_cast %swap3A_302 : vector<1x16xf32> to vector<16xf32>
    %swap3A_304 = vector.shape_cast %broadcast_in_dim3A_298 : vector<16xf32> to vector<1x16xf32>
    tpu.vector_store %arg9[%swap3A_300, %swap3A_301], %swap3A_304 {strides = array<i32>} : memref<16x64xf32, #tpu.memory_space<vmem>>, vector<1x16xf32>,
    %broadcast_in_dim3A_305 = arith.constant 0.000000e+00 : f32
    %broadcast_in_dim3A_306 = vector.broadcast %broadcast_in_dim3A_305 : f32 to vector<16xf32>
    %swap3A_307 = arith.constant 8 : i32
    %swap3A_308 = arith.index_cast %swap3A_307 : i32 to index
    %swap3A_309 = arith.constant 0 : index
    %swap3A_310 = tpu.vector_load %arg9[%swap3A_308, %swap3A_309] {strides = array<i32>} : memref<16x64xf32, #tpu.memory_space<vmem>>, vector<1x16xf32>,
    %swap3A_311 = vector.shape_cast %swap3A_310 : vector<1x16xf32> to vector<16xf32>
    %swap3A_312 = vector.shape_cast %broadcast_in_dim3A_306 : vector<16xf32> to vector<1x16xf32>
    tpu.vector_store %arg9[%swap3A_308, %swap3A_309], %swap3A_312 {strides = array<i32>} : memref<16x64xf32, #tpu.memory_space<vmem>>, vector<1x16xf32>,
    %broadcast_in_dim3A_313 = arith.constant 0.000000e+00 : f32
    %broadcast_in_dim3A_314 = vector.broadcast %broadcast_in_dim3A_313 : f32 to vector<16xf32>
    %swap3A_315 = arith.constant 8 : i32
    %swap3A_316 = arith.index_cast %swap3A_315 : i32 to index
    %swap3A_317 = arith.constant 16 : index
    %swap3A_318 = tpu.vector_load %arg9[%swap3A_316, %swap3A_317] {strides = array<i32>} : memref<16x64xf32, #tpu.memory_space<vmem>>, vector<1x16xf32>,
    %swap3A_319 = vector.shape_cast %swap3A_318 : vector<1x16xf32> to vector<16xf32>
    %swap3A_320 = vector.shape_cast %broadcast_in_dim3A_314 : vector<16xf32> to vector<1x16xf32>
    tpu.vector_store %arg9[%swap3A_316, %swap3A_317], %swap3A_320 {strides = array<i32>} : memref<16x64xf32, #tpu.memory_space<vmem>>, vector<1x16xf32>,
    %broadcast_in_dim3A_321 = arith.constant 0.000000e+00 : f32
    %broadcast_in_dim3A_322 = vector.broadcast %broadcast_in_dim3A_321 : f32 to vector<16xf32>
    %swap3A_323 = arith.constant 8 : i32
    %swap3A_324 = arith.index_cast %swap3A_323 : i32 to index
    %swap3A_325 = arith.constant 32 : index
    %swap3A_326 = tpu.vector_load %arg9[%swap3A_324, %swap3A_325] {strides = array<i32>} : memref<16x64xf32, #tpu.memory_space<vmem>>, vector<1x16xf32>,
    %swap3A_327 = vector.shape_cast %swap3A_326 : vector<1x16xf32> to vector<16xf32>
    %swap3A_328 = vector.shape_cast %broadcast_in_dim3A_322 : vector<16xf32> to vector<1x16xf32>
    tpu.vector_store %arg9[%swap3A_324, %swap3A_325], %swap3A_328 {strides = array<i32>} : memref<16x64xf32, #tpu.memory_space<vmem>>, vector<1x16xf32>,
    %broadcast_in_dim3A_329 = arith.constant 0.000000e+00 : f32
    %broadcast_in_dim3A_330 = vector.broadcast %broadcast_in_dim3A_329 : f32 to vector<16xf32>
    %swap3A_331 = arith.constant 8 : i32
    %swap3A_332 = arith.index_cast %swap3A_331 : i32 to index
    %swap3A_333 = arith.constant 48 : index
    %swap3A_334 = tpu.vector_load %arg9[%swap3A_332, %swap3A_333] {strides = array<i32>} : memref<16x64xf32, #tpu.memory_space<vmem>>, vector<1x16xf32>,
    %swap3A_335 = vector.shape_cast %swap3A_334 : vector<1x16xf32> to vector<16xf32>
    %swap3A_336 = vector.shape_cast %broadcast_in_dim3A_330 : vector<16xf32> to vector<1x16xf32>
    tpu.vector_store %arg9[%swap3A_332, %swap3A_333], %swap3A_336 {strides = array<i32>} : memref<16x64xf32, #tpu.memory_space<vmem>>, vector<1x16xf32>,
    %broadcast_in_dim3A_337 = arith.constant 0.000000e+00 : f32
    %broadcast_in_dim3A_338 = vector.broadcast %broadcast_in_dim3A_337 : f32 to vector<16xf32>
    %swap3A_339 = arith.constant 9 : i32
    %swap3A_340 = arith.index_cast %swap3A_339 : i32 to index
    %swap3A_341 = arith.constant 0 : index
    %swap3A_342 = tpu.vector_load %arg9[%swap3A_340, %swap3A_341] {strides = array<i32>} : memref<16x64xf32, #tpu.memory_space<vmem>>, vector<1x16xf32>,
    %swap3A_343 = vector.shape_cast %swap3A_342 : vector<1x16xf32> to vector<16xf32>
    %swap3A_344 = vector.shape_cast %broadcast_in_dim3A_338 : vector<16xf32> to vector<1x16xf32>
    tpu.vector_store %arg9[%swap3A_340, %swap3A_341], %swap3A_344 {strides = array<i32>} : memref<16x64xf32, #tpu.memory_space<vmem>>, vector<1x16xf32>,
    %broadcast_in_dim3A_345 = arith.constant 0.000000e+00 : f32
    %broadcast_in_dim3A_346 = vector.broadcast %broadcast_in_dim3A_345 : f32 to vector<16xf32>
    %swap3A_347 = arith.constant 9 : i32
    %swap3A_348 = arith.index_cast %swap3A_347 : i32 to index
    %swap3A_349 = arith.constant 16 : index
    %swap3A_350 = tpu.vector_load %arg9[%swap3A_348, %swap3A_349] {strides = array<i32>} : memref<16x64xf32, #tpu.memory_space<vmem>>, vector<1x16xf32>,
    %swap3A_351 = vector.shape_cast %swap3A_350 : vector<1x16xf32> to vector<16xf32>
    %swap3A_352 = vector.shape_cast %broadcast_in_dim3A_346 : vector<16xf32> to vector<1x16xf32>
    tpu.vector_store %arg9[%swap3A_348, %swap3A_349], %swap3A_352 {strides = array<i32>} : memref<16x64xf32, #tpu.memory_space<vmem>>, vector<1x16xf32>,
    %broadcast_in_dim3A_353 = arith.constant 0.000000e+00 : f32
    %broadcast_in_dim3A_354 = vector.broadcast %broadcast_in_dim3A_353 : f32 to vector<16xf32>
    %swap3A_355 = arith.constant 9 : i32
    %swap3A_356 = arith.index_cast %swap3A_355 : i32 to index
    %swap3A_357 = arith.constant 32 : index
    %swap3A_358 = tpu.vector_load %arg9[%swap3A_356, %swap3A_357] {strides = array<i32>} : memref<16x64xf32, #tpu.memory_space<vmem>>, vector<1x16xf32>,
    %swap3A_359 = vector.shape_cast %swap3A_358 : vector<1x16xf32> to vector<16xf32>
    %swap3A_360 = vector.shape_cast %broadcast_in_dim3A_354 : vector<16xf32> to vector<1x16xf32>
    tpu.vector_store %arg9[%swap3A_356, %swap3A_357], %swap3A_360 {strides = array<i32>} : memref<16x64xf32, #tpu.memory_space<vmem>>, vector<1x16xf32>,
    %broadcast_in_dim3A_361 = arith.constant 0.000000e+00 : f32
    %broadcast_in_dim3A_362 = vector.broadcast %broadcast_in_dim3A_361 : f32 to vector<16xf32>
    %swap3A_363 = arith.constant 9 : i32
    %swap3A_364 = arith.index_cast %swap3A_363 : i32 to index
    %swap3A_365 = arith.constant 48 : index
    %swap3A_366 = tpu.vector_load %arg9[%swap3A_364, %swap3A_365] {strides = array<i32>} : memref<16x64xf32, #tpu.memory_space<vmem>>, vector<1x16xf32>,
    %swap3A_367 = vector.shape_cast %swap3A_366 : vector<1x16xf32> to vector<16xf32>
    %swap3A_368 = vector.shape_cast %broadcast_in_dim3A_362 : vector<16xf32> to vector<1x16xf32>
    tpu.vector_store %arg9[%swap3A_364, %swap3A_365], %swap3A_368 {strides = array<i32>} : memref<16x64xf32, #tpu.memory_space<vmem>>, vector<1x16xf32>,
    %broadcast_in_dim3A_369 = arith.constant 0.000000e+00 : f32
    %broadcast_in_dim3A_370 = vector.broadcast %broadcast_in_dim3A_369 : f32 to vector<16xf32>
    %swap3A_371 = arith.constant 10 : i32
    %swap3A_372 = arith.index_cast %swap3A_371 : i32 to index
    %swap3A_373 = arith.constant 0 : index
    %swap3A_374 = tpu.vector_load %arg9[%swap3A_372, %swap3A_373] {strides = array<i32>} : memref<16x64xf32, #tpu.memory_space<vmem>>, vector<1x16xf32>,
    %swap3A_375 = vector.shape_cast %swap3A_374 : vector<1x16xf32> to vector<16xf32>
    %swap3A_376 = vector.shape_cast %broadcast_in_dim3A_370 : vector<16xf32> to vector<1x16xf32>
    tpu.vector_store %arg9[%swap3A_372, %swap3A_373], %swap3A_376 {strides = array<i32>} : memref<16x64xf32, #tpu.memory_space<vmem>>, vector<1x16xf32>,
    %broadcast_in_dim3A_377 = arith.constant 0.000000e+00 : f32
    %broadcast_in_dim3A_378 = vector.broadcast %broadcast_in_dim3A_377 : f32 to vector<16xf32>
    %swap3A_379 = arith.constant 10 : i32
    %swap3A_380 = arith.index_cast %swap3A_379 : i32 to index
    %swap3A_381 = arith.constant 16 : index
    %swap3A_382 = tpu.vector_load %arg9[%swap3A_380, %swap3A_381] {strides = array<i32>} : memref<16x64xf32, #tpu.memory_space<vmem>>, vector<1x16xf32>,
    %swap3A_383 = vector.shape_cast %swap3A_382 : vector<1x16xf32> to vector<16xf32>
    %swap3A_384 = vector.shape_cast %broadcast_in_dim3A_378 : vector<16xf32> to vector<1x16xf32>
    tpu.vector_store %arg9[%swap3A_380, %swap3A_381], %swap3A_384 {strides = array<i32>} : memref<16x64xf32, #tpu.memory_space<vmem>>, vector<1x16xf32>,
    %broadcast_in_dim3A_385 = arith.constant 0.000000e+00 : f32
    %broadcast_in_dim3A_386 = vector.broadcast %broadcast_in_dim3A_385 : f32 to vector<16xf32>
    %swap3A_387 = arith.constant 10 : i32
    %swap3A_388 = arith.index_cast %swap3A_387 : i32 to index
    %swap3A_389 = arith.constant 32 : index
    %swap3A_390 = tpu.vector_load %arg9[%swap3A_388, %swap3A_389] {strides = array<i32>} : memref<16x64xf32, #tpu.memory_space<vmem>>, vector<1x16xf32>,
    %swap3A_391 = vector.shape_cast %swap3A_390 : vector<1x16xf32> to vector<16xf32>
    %swap3A_392 = vector.shape_cast %broadcast_in_dim3A_386 : vector<16xf32> to vector<1x16xf32>
    tpu.vector_store %arg9[%swap3A_388, %swap3A_389], %swap3A_392 {strides = array<i32>} : memref<16x64xf32, #tpu.memory_space<vmem>>, vector<1x16xf32>,
    %broadcast_in_dim3A_393 = arith.constant 0.000000e+00 : f32
    %broadcast_in_dim3A_394 = vector.broadcast %broadcast_in_dim3A_393 : f32 to vector<16xf32>
    %swap3A_395 = arith.constant 10 : i32
    %swap3A_396 = arith.index_cast %swap3A_395 : i32 to index
    %swap3A_397 = arith.constant 48 : index
    %swap3A_398 = tpu.vector_load %arg9[%swap3A_396, %swap3A_397] {strides = array<i32>} : memref<16x64xf32, #tpu.memory_space<vmem>>, vector<1x16xf32>,
    %swap3A_399 = vector.shape_cast %swap3A_398 : vector<1x16xf32> to vector<16xf32>
    %swap3A_400 = vector.shape_cast %broadcast_in_dim3A_394 : vector<16xf32> to vector<1x16xf32>
    tpu.vector_store %arg9[%swap3A_396, %swap3A_397], %swap3A_400 {strides = array<i32>} : memref<16x64xf32, #tpu.memory_space<vmem>>, vector<1x16xf32>,
    %broadcast_in_dim3A_401 = arith.constant 0.000000e+00 : f32
    %broadcast_in_dim3A_402 = vector.broadcast %broadcast_in_dim3A_401 : f32 to vector<16xf32>
    %swap3A_403 = arith.constant 11 : i32
    %swap3A_404 = arith.index_cast %swap3A_403 : i32 to index
    %swap3A_405 = arith.constant 0 : index
    %swap3A_406 = tpu.vector_load %arg9[%swap3A_404, %swap3A_405] {strides = array<i32>} : memref<16x64xf32, #tpu.memory_space<vmem>>, vector<1x16xf32>,
    %swap3A_407 = vector.shape_cast %swap3A_406 : vector<1x16xf32> to vector<16xf32>
    %swap3A_408 = vector.shape_cast %broadcast_in_dim3A_402 : vector<16xf32> to vector<1x16xf32>
    tpu.vector_store %arg9[%swap3A_404, %swap3A_405], %swap3A_408 {strides = array<i32>} : memref<16x64xf32, #tpu.memory_space<vmem>>, vector<1x16xf32>,
    %broadcast_in_dim3A_409 = arith.constant 0.000000e+00 : f32
    %broadcast_in_dim3A_410 = vector.broadcast %broadcast_in_dim3A_409 : f32 to vector<16xf32>
    %swap3A_411 = arith.constant 11 : i32
    %swap3A_412 = arith.index_cast %swap3A_411 : i32 to index
    %swap3A_413 = arith.constant 16 : index
    %swap3A_414 = tpu.vector_load %arg9[%swap3A_412, %swap3A_413] {strides = array<i32>} : memref<16x64xf32, #tpu.memory_space<vmem>>, vector<1x16xf32>,
    %swap3A_415 = vector.shape_cast %swap3A_414 : vector<1x16xf32> to vector<16xf32>
    %swap3A_416 = vector.shape_cast %broadcast_in_dim3A_410 : vector<16xf32> to vector<1x16xf32>
    tpu.vector_store %arg9[%swap3A_412, %swap3A_413], %swap3A_416 {strides = array<i32>} : memref<16x64xf32, #tpu.memory_space<vmem>>, vector<1x16xf32>,
    %broadcast_in_dim3A_417 = arith.constant 0.000000e+00 : f32
    %broadcast_in_dim3A_418 = vector.broadcast %broadcast_in_dim3A_417 : f32 to vector<16xf32>
    %swap3A_419 = arith.constant 11 : i32
    %swap3A_420 = arith.index_cast %swap3A_419 : i32 to index
    %swap3A_421 = arith.constant 32 : index
    %swap3A_422 = tpu.vector_load %arg9[%swap3A_420, %swap3A_421] {strides = array<i32>} : memref<16x64xf32, #tpu.memory_space<vmem>>, vector<1x16xf32>,
    %swap3A_423 = vector.shape_cast %swap3A_422 : vector<1x16xf32> to vector<16xf32>
    %swap3A_424 = vector.shape_cast %broadcast_in_dim3A_418 : vector<16xf32> to vector<1x16xf32>
    tpu.vector_store %arg9[%swap3A_420, %swap3A_421], %swap3A_424 {strides = array<i32>} : memref<16x64xf32, #tpu.memory_space<vmem>>, vector<1x16xf32>,
    %broadcast_in_dim3A_425 = arith.constant 0.000000e+00 : f32
    %broadcast_in_dim3A_426 = vector.broadcast %broadcast_in_dim3A_425 : f32 to vector<16xf32>
    %swap3A_427 = arith.constant 11 : i32
    %swap3A_428 = arith.index_cast %swap3A_427 : i32 to index
    %swap3A_429 = arith.constant 48 : index
    %swap3A_430 = tpu.vector_load %arg9[%swap3A_428, %swap3A_429] {strides = array<i32>} : memref<16x64xf32, #tpu.memory_space<vmem>>, vector<1x16xf32>,
    %swap3A_431 = vector.shape_cast %swap3A_430 : vector<1x16xf32> to vector<16xf32>
    %swap3A_432 = vector.shape_cast %broadcast_in_dim3A_426 : vector<16xf32> to vector<1x16xf32>
    tpu.vector_store %arg9[%swap3A_428, %swap3A_429], %swap3A_432 {strides = array<i32>} : memref<16x64xf32, #tpu.memory_space<vmem>>, vector<1x16xf32>,
    %broadcast_in_dim3A_433 = arith.constant 0.000000e+00 : f32
    %broadcast_in_dim3A_434 = vector.broadcast %broadcast_in_dim3A_433 : f32 to vector<16xf32>
    %swap3A_435 = arith.constant 12 : i32
    %swap3A_436 = arith.index_cast %swap3A_435 : i32 to index
    %swap3A_437 = arith.constant 0 : index
    %swap3A_438 = tpu.vector_load %arg9[%swap3A_436, %swap3A_437] {strides = array<i32>} : memref<16x64xf32, #tpu.memory_space<vmem>>, vector<1x16xf32>,
    %swap3A_439 = vector.shape_cast %swap3A_438 : vector<1x16xf32> to vector<16xf32>
    %swap3A_440 = vector.shape_cast %broadcast_in_dim3A_434 : vector<16xf32> to vector<1x16xf32>
    tpu.vector_store %arg9[%swap3A_436, %swap3A_437], %swap3A_440 {strides = array<i32>} : memref<16x64xf32, #tpu.memory_space<vmem>>, vector<1x16xf32>,
    %broadcast_in_dim3A_441 = arith.constant 0.000000e+00 : f32
    %broadcast_in_dim3A_442 = vector.broadcast %broadcast_in_dim3A_441 : f32 to vector<16xf32>
    %swap3A_443 = arith.constant 12 : i32
    %swap3A_444 = arith.index_cast %swap3A_443 : i32 to index
    %swap3A_445 = arith.constant 16 : index
    %swap3A_446 = tpu.vector_load %arg9[%swap3A_444, %swap3A_445] {strides = array<i32>} : memref<16x64xf32, #tpu.memory_space<vmem>>, vector<1x16xf32>,
    %swap3A_447 = vector.shape_cast %swap3A_446 : vector<1x16xf32> to vector<16xf32>
    %swap3A_448 = vector.shape_cast %broadcast_in_dim3A_442 : vector<16xf32> to vector<1x16xf32>
    tpu.vector_store %arg9[%swap3A_444, %swap3A_445], %swap3A_448 {strides = array<i32>} : memref<16x64xf32, #tpu.memory_space<vmem>>, vector<1x16xf32>,
    %broadcast_in_dim3A_449 = arith.constant 0.000000e+00 : f32
    %broadcast_in_dim3A_450 = vector.broadcast %broadcast_in_dim3A_449 : f32 to vector<16xf32>
    %swap3A_451 = arith.constant 12 : i32
    %swap3A_452 = arith.index_cast %swap3A_451 : i32 to index
    %swap3A_453 = arith.constant 32 : index
    %swap3A_454 = tpu.vector_load %arg9[%swap3A_452, %swap3A_453] {strides = array<i32>} : memref<16x64xf32, #tpu.memory_space<vmem>>, vector<1x16xf32>,
    %swap3A_455 = vector.shape_cast %swap3A_454 : vector<1x16xf32> to vector<16xf32>
    %swap3A_456 = vector.shape_cast %broadcast_in_dim3A_450 : vector<16xf32> to vector<1x16xf32>
    tpu.vector_store %arg9[%swap3A_452, %swap3A_453], %swap3A_456 {strides = array<i32>} : memref<16x64xf32, #tpu.memory_space<vmem>>, vector<1x16xf32>,
    %broadcast_in_dim3A_457 = arith.constant 0.000000e+00 : f32
    %broadcast_in_dim3A_458 = vector.broadcast %broadcast_in_dim3A_457 : f32 to vector<16xf32>
    %swap3A_459 = arith.constant 12 : i32
    %swap3A_460 = arith.index_cast %swap3A_459 : i32 to index
    %swap3A_461 = arith.constant 48 : index
    %swap3A_462 = tpu.vector_load %arg9[%swap3A_460, %swap3A_461] {strides = array<i32>} : memref<16x64xf32, #tpu.memory_space<vmem>>, vector<1x16xf32>,
    %swap3A_463 = vector.shape_cast %swap3A_462 : vector<1x16xf32> to vector<16xf32>
    %swap3A_464 = vector.shape_cast %broadcast_in_dim3A_458 : vector<16xf32> to vector<1x16xf32>
    tpu.vector_store %arg9[%swap3A_460, %swap3A_461], %swap3A_464 {strides = array<i32>} : memref<16x64xf32, #tpu.memory_space<vmem>>, vector<1x16xf32>,
    %broadcast_in_dim3A_465 = arith.constant 0.000000e+00 : f32
    %broadcast_in_dim3A_466 = vector.broadcast %broadcast_in_dim3A_465 : f32 to vector<16xf32>
    %swap3A_467 = arith.constant 13 : i32
    %swap3A_468 = arith.index_cast %swap3A_467 : i32 to index
    %swap3A_469 = arith.constant 0 : index
    %swap3A_470 = tpu.vector_load %arg9[%swap3A_468, %swap3A_469] {strides = array<i32>} : memref<16x64xf32, #tpu.memory_space<vmem>>, vector<1x16xf32>,
    %swap3A_471 = vector.shape_cast %swap3A_470 : vector<1x16xf32> to vector<16xf32>
    %swap3A_472 = vector.shape_cast %broadcast_in_dim3A_466 : vector<16xf32> to vector<1x16xf32>
    tpu.vector_store %arg9[%swap3A_468, %swap3A_469], %swap3A_472 {strides = array<i32>} : memref<16x64xf32, #tpu.memory_space<vmem>>, vector<1x16xf32>,
    %broadcast_in_dim3A_473 = arith.constant 0.000000e+00 : f32
    %broadcast_in_dim3A_474 = vector.broadcast %broadcast_in_dim3A_473 : f32 to vector<16xf32>
    %swap3A_475 = arith.constant 13 : i32
    %swap3A_476 = arith.index_cast %swap3A_475 : i32 to index
    %swap3A_477 = arith.constant 16 : index
    %swap3A_478 = tpu.vector_load %arg9[%swap3A_476, %swap3A_477] {strides = array<i32>} : memref<16x64xf32, #tpu.memory_space<vmem>>, vector<1x16xf32>,
    %swap3A_479 = vector.shape_cast %swap3A_478 : vector<1x16xf32> to vector<16xf32>
    %swap3A_480 = vector.shape_cast %broadcast_in_dim3A_474 : vector<16xf32> to vector<1x16xf32>
    tpu.vector_store %arg9[%swap3A_476, %swap3A_477], %swap3A_480 {strides = array<i32>} : memref<16x64xf32, #tpu.memory_space<vmem>>, vector<1x16xf32>,
    %broadcast_in_dim3A_481 = arith.constant 0.000000e+00 : f32
    %broadcast_in_dim3A_482 = vector.broadcast %broadcast_in_dim3A_481 : f32 to vector<16xf32>
    %swap3A_483 = arith.constant 13 : i32
    %swap3A_484 = arith.index_cast %swap3A_483 : i32 to index
    %swap3A_485 = arith.constant 32 : index
    %swap3A_486 = tpu.vector_load %arg9[%swap3A_484, %swap3A_485] {strides = array<i32>} : memref<16x64xf32, #tpu.memory_space<vmem>>, vector<1x16xf32>,
    %swap3A_487 = vector.shape_cast %swap3A_486 : vector<1x16xf32> to vector<16xf32>
    %swap3A_488 = vector.shape_cast %broadcast_in_dim3A_482 : vector<16xf32> to vector<1x16xf32>
    tpu.vector_store %arg9[%swap3A_484, %swap3A_485], %swap3A_488 {strides = array<i32>} : memref<16x64xf32, #tpu.memory_space<vmem>>, vector<1x16xf32>,
    %broadcast_in_dim3A_489 = arith.constant 0.000000e+00 : f32
    %broadcast_in_dim3A_490 = vector.broadcast %broadcast_in_dim3A_489 : f32 to vector<16xf32>
    %swap3A_491 = arith.constant 13 : i32
    %swap3A_492 = arith.index_cast %swap3A_491 : i32 to index
    %swap3A_493 = arith.constant 48 : index
    %swap3A_494 = tpu.vector_load %arg9[%swap3A_492, %swap3A_493] {strides = array<i32>} : memref<16x64xf32, #tpu.memory_space<vmem>>, vector<1x16xf32>,
    %swap3A_495 = vector.shape_cast %swap3A_494 : vector<1x16xf32> to vector<16xf32>
    %swap3A_496 = vector.shape_cast %broadcast_in_dim3A_490 : vector<16xf32> to vector<1x16xf32>
    tpu.vector_store %arg9[%swap3A_492, %swap3A_493], %swap3A_496 {strides = array<i32>} : memref<16x64xf32, #tpu.memory_space<vmem>>, vector<1x16xf32>,
    %broadcast_in_dim3A_497 = arith.constant 0.000000e+00 : f32
    %broadcast_in_dim3A_498 = vector.broadcast %broadcast_in_dim3A_497 : f32 to vector<16xf32>
    %swap3A_499 = arith.constant 14 : i32
    %swap3A_500 = arith.index_cast %swap3A_499 : i32 to index
    %swap3A_501 = arith.constant 0 : index
    %swap3A_502 = tpu.vector_load %arg9[%swap3A_500, %swap3A_501] {strides = array<i32>} : memref<16x64xf32, #tpu.memory_space<vmem>>, vector<1x16xf32>,
    %swap3A_503 = vector.shape_cast %swap3A_502 : vector<1x16xf32> to vector<16xf32>
    %swap3A_504 = vector.shape_cast %broadcast_in_dim3A_498 : vector<16xf32> to vector<1x16xf32>
    tpu.vector_store %arg9[%swap3A_500, %swap3A_501], %swap3A_504 {strides = array<i32>} : memref<16x64xf32, #tpu.memory_space<vmem>>, vector<1x16xf32>,
    %broadcast_in_dim3A_505 = arith.constant 0.000000e+00 : f32
    %broadcast_in_dim3A_506 = vector.broadcast %broadcast_in_dim3A_505 : f32 to vector<16xf32>
    %swap3A_507 = arith.constant 14 : i32
    %swap3A_508 = arith.index_cast %swap3A_507 : i32 to index
    %swap3A_509 = arith.constant 16 : index
    %swap3A_510 = tpu.vector_load %arg9[%swap3A_508, %swap3A_509] {strides = array<i32>} : memref<16x64xf32, #tpu.memory_space<vmem>>, vector<1x16xf32>,
    %swap3A_511 = vector.shape_cast %swap3A_510 : vector<1x16xf32> to vector<16xf32>
    %swap3A_512 = vector.shape_cast %broadcast_in_dim3A_506 : vector<16xf32> to vector<1x16xf32>
    tpu.vector_store %arg9[%swap3A_508, %swap3A_509], %swap3A_512 {strides = array<i32>} : memref<16x64xf32, #tpu.memory_space<vmem>>, vector<1x16xf32>,
    %broadcast_in_dim3A_513 = arith.constant 0.000000e+00 : f32
    %broadcast_in_dim3A_514 = vector.broadcast %broadcast_in_dim3A_513 : f32 to vector<16xf32>
    %swap3A_515 = arith.constant 14 : i32
    %swap3A_516 = arith.index_cast %swap3A_515 : i32 to index
    %swap3A_517 = arith.constant 32 : index
    %swap3A_518 = tpu.vector_load %arg9[%swap3A_516, %swap3A_517] {strides = array<i32>} : memref<16x64xf32, #tpu.memory_space<vmem>>, vector<1x16xf32>,
    %swap3A_519 = vector.shape_cast %swap3A_518 : vector<1x16xf32> to vector<16xf32>
    %swap3A_520 = vector.shape_cast %broadcast_in_dim3A_514 : vector<16xf32> to vector<1x16xf32>
    tpu.vector_store %arg9[%swap3A_516, %swap3A_517], %swap3A_520 {strides = array<i32>} : memref<16x64xf32, #tpu.memory_space<vmem>>, vector<1x16xf32>,
    %broadcast_in_dim3A_521 = arith.constant 0.000000e+00 : f32
    %broadcast_in_dim3A_522 = vector.broadcast %broadcast_in_dim3A_521 : f32 to vector<16xf32>
    %swap3A_523 = arith.constant 14 : i32
    %swap3A_524 = arith.index_cast %swap3A_523 : i32 to index
    %swap3A_525 = arith.constant 48 : index
    %swap3A_526 = tpu.vector_load %arg9[%swap3A_524, %swap3A_525] {strides = array<i32>} : memref<16x64xf32, #tpu.memory_space<vmem>>, vector<1x16xf32>,
    %swap3A_527 = vector.shape_cast %swap3A_526 : vector<1x16xf32> to vector<16xf32>
    %swap3A_528 = vector.shape_cast %broadcast_in_dim3A_522 : vector<16xf32> to vector<1x16xf32>
    tpu.vector_store %arg9[%swap3A_524, %swap3A_525], %swap3A_528 {strides = array<i32>} : memref<16x64xf32, #tpu.memory_space<vmem>>, vector<1x16xf32>,
    %broadcast_in_dim3A_529 = arith.constant 0.000000e+00 : f32
    %broadcast_in_dim3A_530 = vector.broadcast %broadcast_in_dim3A_529 : f32 to vector<16xf32>
    %swap3A_531 = arith.constant 15 : i32
    %swap3A_532 = arith.index_cast %swap3A_531 : i32 to index
    %swap3A_533 = arith.constant 0 : index
    %swap3A_534 = tpu.vector_load %arg9[%swap3A_532, %swap3A_533] {strides = array<i32>} : memref<16x64xf32, #tpu.memory_space<vmem>>, vector<1x16xf32>,
    %swap3A_535 = vector.shape_cast %swap3A_534 : vector<1x16xf32> to vector<16xf32>
    %swap3A_536 = vector.shape_cast %broadcast_in_dim3A_530 : vector<16xf32> to vector<1x16xf32>
    tpu.vector_store %arg9[%swap3A_532, %swap3A_533], %swap3A_536 {strides = array<i32>} : memref<16x64xf32, #tpu.memory_space<vmem>>, vector<1x16xf32>,
    %broadcast_in_dim3A_537 = arith.constant 0.000000e+00 : f32
    %broadcast_in_dim3A_538 = vector.broadcast %broadcast_in_dim3A_537 : f32 to vector<16xf32>
    %swap3A_539 = arith.constant 15 : i32
    %swap3A_540 = arith.index_cast %swap3A_539 : i32 to index
    %swap3A_541 = arith.constant 16 : index
    %swap3A_542 = tpu.vector_load %arg9[%swap3A_540, %swap3A_541] {strides = array<i32>} : memref<16x64xf32, #tpu.memory_space<vmem>>, vector<1x16xf32>,
    %swap3A_543 = vector.shape_cast %swap3A_542 : vector<1x16xf32> to vector<16xf32>
    %swap3A_544 = vector.shape_cast %broadcast_in_dim3A_538 : vector<16xf32> to vector<1x16xf32>
    tpu.vector_store %arg9[%swap3A_540, %swap3A_541], %swap3A_544 {strides = array<i32>} : memref<16x64xf32, #tpu.memory_space<vmem>>, vector<1x16xf32>,
    %broadcast_in_dim3A_545 = arith.constant 0.000000e+00 : f32
    %broadcast_in_dim3A_546 = vector.broadcast %broadcast_in_dim3A_545 : f32 to vector<16xf32>
    %swap3A_547 = arith.constant 15 : i32
    %swap3A_548 = arith.index_cast %swap3A_547 : i32 to index
    %swap3A_549 = arith.constant 32 : index
    %swap3A_550 = tpu.vector_load %arg9[%swap3A_548, %swap3A_549] {strides = array<i32>} : memref<16x64xf32, #tpu.memory_space<vmem>>, vector<1x16xf32>,
    %swap3A_551 = vector.shape_cast %swap3A_550 : vector<1x16xf32> to vector<16xf32>
    %swap3A_552 = vector.shape_cast %broadcast_in_dim3A_546 : vector<16xf32> to vector<1x16xf32>
    tpu.vector_store %arg9[%swap3A_548, %swap3A_549], %swap3A_552 {strides = array<i32>} : memref<16x64xf32, #tpu.memory_space<vmem>>, vector<1x16xf32>,
    %broadcast_in_dim3A_553 = arith.constant 0.000000e+00 : f32
    %broadcast_in_dim3A_554 = vector.broadcast %broadcast_in_dim3A_553 : f32 to vector<16xf32>
    %swap3A_555 = arith.constant 15 : i32
    %swap3A_556 = arith.index_cast %swap3A_555 : i32 to index
    %swap3A_557 = arith.constant 48 : index
    %swap3A_558 = tpu.vector_load %arg9[%swap3A_556, %swap3A_557] {strides = array<i32>} : memref<16x64xf32, #tpu.memory_space<vmem>>, vector<1x16xf32>,
    %swap3A_559 = vector.shape_cast %swap3A_558 : vector<1x16xf32> to vector<16xf32>
    %swap3A_560 = vector.shape_cast %broadcast_in_dim3A_554 : vector<16xf32> to vector<1x16xf32>
    tpu.vector_store %arg9[%swap3A_556, %swap3A_557], %swap3A_560 {strides = array<i32>} : memref<16x64xf32, #tpu.memory_space<vmem>>, vector<1x16xf32>,
    %scan3A = arith.constant 0 : i32
    %scan3A_561 = arith.constant 0 : i32
    %scan3A_562 = arith.constant 40 : i32
    %scan3A_563 = arith.addi %scan3A_561, %scan3A_562 : i32
    %scan3A_564 = arith.constant 1 : i32
    scf.for %scan3A_1013 = %scan3A_561 to %scan3A_563 step %scan3A_564  : i32 {
      %mul3A_1014 = arith.constant 16 : i32
      %mul3A_1015 = arith.muli %scan3A_1013, %mul3A_1014 : i32
      %add3A_1016 = arith.addi %mul3A_0, %mul3A_1015 : i32
      %dma_start3A_1017 = arith.constant 0 : i32
      %dma_start3A_1018 = tpu.memref_slice %arg10[%add3A_1016, %dma_start3A_1017] : memref<10240x64xf32, #tpu.memory_space<vmem_shared>> -> memref<16x64xf32, #tpu.memory_space<vmem_shared>>
      %dma_start3A_1019 = arith.constant 0 : i32
      %dma_start3A_1020 = tpu.memref_slice %arg10[%add3A_1016, %dma_start3A_1019] : memref<10240x64xf32, #tpu.memory_space<vmem_shared>> -> memref<16x64xf32, #tpu.memory_space<vmem_shared>>
      tpu.enqueue_dma source(%arg9 : memref<16x64xf32, #tpu.memory_space<vmem>>) target(%dma_start3A_1020 : memref<16x64xf32, #tpu.memory_space<vmem_shared>>) target_semaphore(%arg13 : memref<!tpu.dma_semaphore, #tpu.memory_space<semaphore_mem>>)
    }
    %scan3A_565 = arith.constant 40 : i32
    %scan3A_566 = arith.constant 0 : i32
    %scan3A_567 = arith.constant 0 : i32
    %scan3A_568 = arith.constant 40 : i32
    %scan3A_569 = arith.addi %scan3A_567, %scan3A_568 : i32
    %scan3A_570 = arith.constant 1 : i32
    scf.for %scan3A_1013 = %scan3A_567 to %scan3A_569 step %scan3A_570  : i32 {
      %dma_wait3A_1014 = arith.constant 0 : i32
      %dma_wait3A_1015 = tpu.memref_slice %arg10[%mul3A_0, %dma_wait3A_1014] : memref<10240x64xf32, #tpu.memory_space<vmem_shared>> -> memref<16x64xf32, #tpu.memory_space<vmem_shared>>
      %dma_wait3A_1016 = arith.constant 0 : i32
      %dma_wait3A_1017 = tpu.memref_slice %arg10[%mul3A_0, %dma_wait3A_1016] : memref<10240x64xf32, #tpu.memory_space<vmem_shared>> -> memref<16x64xf32, #tpu.memory_space<vmem_shared>>
      tpu.wait_dma2 semaphore(%arg13 : memref<!tpu.dma_semaphore, #tpu.memory_space<semaphore_mem>>) src(%arg9 : memref<16x64xf32, #tpu.memory_space<vmem>>) dst(%dma_wait3A_1017 : memref<16x64xf32, #tpu.memory_space<vmem_shared>>)
    }
    %scan3A_571 = arith.constant 40 : i32
    %barrier3A = arith.constant 0 : index
    tpu.barrier barrier_id(%barrier3A)
    %scan3A_572 = arith.constant 0 : i32
    %scan3A_573 = arith.constant 0 : i32
    %scan3A_574 = arith.constant 32 : i32
    %scan3A_575 = arith.addi %scan3A_573, %scan3A_574 : i32
    %scan3A_576 = arith.constant 1 : i32
    scf.for %scan3A_1013 = %scan3A_573 to %scan3A_575 step %scan3A_576  : i32 {
      %mul3A_1014 = arith.constant 5 : i32
      %mul3A_1015 = arith.muli %scan3A_1013, %mul3A_1014 : i32
      %add3A_1016 = arith.constant 0 : i32
      %add3A_1017 = arith.addi %mul3A_1015, %add3A_1016 : i32
      %dma_wait3A_1018 = arith.constant 0 : i32
      %dma_wait3A_1019 = arith.constant 0 : i32
      %dma_wait3A_1020 = arith.constant 0 : i32
      %dma_wait3A_1021 = arith.constant 0 : i32
      %dma_wait3A_1022 = tpu.memref_slice %arg8[%dma_wait3A_1018, %dma_wait3A_1020, %dma_wait3A_1021] : memref<5x128x64xf32, #tpu.memory_space<vmem>> -> memref<1x128x64xf32, #tpu.memory_space<vmem>>
      %dma_wait3A_1023 = tpu.memref_squeeze %dma_wait3A_1022 : memref<1x128x64xf32, #tpu.memory_space<vmem>> -> memref<128x64xf32, #tpu.memory_space<vmem>>
      %dma_wait3A_1024 = arith.constant 0 : i32
      %dma_wait3A_1025 = tpu.memref_slice %arg6[%add3A_1017, %dma_wait3A_1024] : memref<160x128xi32, #tpu.memory_space<vmem>> -> memref<1x128xi32, #tpu.memory_space<vmem>>
      %dma_wait3A_1026 = tpu.memref_squeeze %dma_wait3A_1025 : memref<1x128xi32, #tpu.memory_space<vmem>> -> memref<128xi32, #tpu.memory_space<vmem>>
      %dma_wait3A_1027 = arith.constant 0 : i32
      %dma_wait3A_1028 = arith.constant 0 : i32
      %dma_wait3A_1029 = tpu.memref_slice %arg2[%dma_wait3A_1027, %dma_wait3A_1028] : memref<20000x64xf32, #tpu.memory_space<hbm>> -> memref<20000x64xf32, #tpu.memory_space<hbm>>
      %dma_wait3A_1030 = tpu.memref_slice %arg11[%dma_wait3A_1019] : memref<5x!tpu.dma_semaphore, #tpu.memory_space<semaphore_mem>> -> memref<1x!tpu.dma_semaphore, #tpu.memory_space<semaphore_mem>>
      %dma_wait3A_1031 = tpu.memref_squeeze %dma_wait3A_1030 : memref<1x!tpu.dma_semaphore, #tpu.memory_space<semaphore_mem>> -> memref<!tpu.dma_semaphore, #tpu.memory_space<semaphore_mem>>
      tpu.wait_indirect_dma semaphore(%dma_wait3A_1031 : memref<!tpu.dma_semaphore, #tpu.memory_space<semaphore_mem>>) src(%dma_wait3A_1029 : memref<20000x64xf32, #tpu.memory_space<hbm>>) dst(%dma_wait3A_1023 : memref<128x64xf32, #tpu.memory_space<vmem>>)
      %dma_start3A_1032 = arith.constant 0 : i32
      %dma_start3A_1033 = arith.constant 0 : i32
      %dma_start3A_1034 = arith.constant 0 : i32
      %dma_start3A_1035 = arith.constant 0 : i32
      %dma_start3A_1036 = tpu.memref_slice %arg8[%dma_start3A_1032, %dma_start3A_1034, %dma_start3A_1035] : memref<5x128x64xf32, #tpu.memory_space<vmem>> -> memref<1x128x64xf32, #tpu.memory_space<vmem>>
      %dma_start3A_1037 = tpu.memref_squeeze %dma_start3A_1036 : memref<1x128x64xf32, #tpu.memory_space<vmem>> -> memref<128x64xf32, #tpu.memory_space<vmem>>
      %dma_start3A_1038 = arith.constant 0 : i32
      %dma_start3A_1039 = tpu.memref_slice %arg7[%add3A_1017, %dma_start3A_1038] : memref<160x128xi32, #tpu.memory_space<vmem>> -> memref<1x128xi32, #tpu.memory_space<vmem>>
      %dma_start3A_1040 = tpu.memref_squeeze %dma_start3A_1039 : memref<1x128xi32, #tpu.memory_space<vmem>> -> memref<128xi32, #tpu.memory_space<vmem>>
      %dma_start3A_1041 = arith.constant 0 : i32
      %dma_start3A_1042 = arith.constant 0 : i32
      %dma_start3A_1043 = tpu.memref_slice %arg10[%dma_start3A_1041, %dma_start3A_1042] : memref<10240x64xf32, #tpu.memory_space<vmem_shared>> -> memref<10240x64xf32, #tpu.memory_space<vmem_shared>>
      %dma_start3A_1044 = tpu.memref_slice %arg12[%dma_start3A_1033] : memref<5x!tpu.dma_semaphore, #tpu.memory_space<semaphore_mem>> -> memref<1x!tpu.dma_semaphore, #tpu.memory_space<semaphore_mem>>
      %dma_start3A_1045 = tpu.memref_squeeze %dma_start3A_1044 : memref<1x!tpu.dma_semaphore, #tpu.memory_space<semaphore_mem>> -> memref<!tpu.dma_semaphore, #tpu.memory_space<semaphore_mem>>
      tpu.enqueue_indirect_dma source(%dma_start3A_1037 : memref<128x64xf32, #tpu.memory_space<vmem>>) target(%dma_start3A_1043 : memref<10240x64xf32, #tpu.memory_space<vmem_shared>>) offsets(%dma_start3A_1040 : memref<128xi32, #tpu.memory_space<vmem>>) semaphore(%dma_start3A_1045 : memref<!tpu.dma_semaphore, #tpu.memory_space<semaphore_mem>>) {add = true}
      %add3A_1046 = arith.constant 3 : i32
      %add3A_1047 = arith.addi %add3A_1017, %add3A_1046 : i32
      %lt3A = arith.constant 160 : i32
      %lt3A_1048 = arith.cmpi slt, %add3A_1047, %lt3A : i32
      %convert_element_type3A = arith.extui %lt3A_1048 : i1 to i32
      %cond3A = arith.constant 0 : i32
      %cond3A_1049 = arith.cmpi ne, %convert_element_type3A, %cond3A : i32
      scf.if %cond3A_1049 {
        %ge3A = arith.constant 2 : i32
        %ge3A_1206 = arith.cmpi sge, %add3A_1017, %ge3A : i32
        %convert_element_type3A_1207 = arith.extui %ge3A_1206 : i1 to i32
        %cond3A_1208 = arith.constant 0 : i32
        %cond3A_1209 = arith.cmpi ne, %convert_element_type3A_1207, %cond3A_1208 : i32
        scf.if %cond3A_1209 {
          %dma_wait3A_1224 = arith.constant 3 : i32
          %dma_wait3A_1225 = arith.constant 3 : i32
          %dma_wait3A_1226 = arith.constant 0 : i32
          %dma_wait3A_1227 = arith.constant 0 : i32
          %dma_wait3A_1228 = tpu.memref_slice %arg8[%dma_wait3A_1224, %dma_wait3A_1226, %dma_wait3A_1227] : memref<5x128x64xf32, #tpu.memory_space<vmem>> -> memref<1x128x64xf32, #tpu.memory_space<vmem>>
          %dma_wait3A_1229 = tpu.memref_squeeze %dma_wait3A_1228 : memref<1x128x64xf32, #tpu.memory_space<vmem>> -> memref<128x64xf32, #tpu.memory_space<vmem>>
          %dma_wait3A_1230 = arith.constant 0 : i32
          %dma_wait3A_1231 = tpu.memref_slice %arg7[%add3A_1017, %dma_wait3A_1230] : memref<160x128xi32, #tpu.memory_space<vmem>> -> memref<1x128xi32, #tpu.memory_space<vmem>>
          %dma_wait3A_1232 = tpu.memref_squeeze %dma_wait3A_1231 : memref<1x128xi32, #tpu.memory_space<vmem>> -> memref<128xi32, #tpu.memory_space<vmem>>
          %dma_wait3A_1233 = arith.constant 0 : i32
          %dma_wait3A_1234 = arith.constant 0 : i32
          %dma_wait3A_1235 = tpu.memref_slice %arg10[%dma_wait3A_1233, %dma_wait3A_1234] : memref<10240x64xf32, #tpu.memory_space<vmem_shared>> -> memref<10240x64xf32, #tpu.memory_space<vmem_shared>>
          %dma_wait3A_1236 = tpu.memref_slice %arg12[%dma_wait3A_1225] : memref<5x!tpu.dma_semaphore, #tpu.memory_space<semaphore_mem>> -> memref<1x!tpu.dma_semaphore, #tpu.memory_space<semaphore_mem>>
          %dma_wait3A_1237 = tpu.memref_squeeze %dma_wait3A_1236 : memref<1x!tpu.dma_semaphore, #tpu.memory_space<semaphore_mem>> -> memref<!tpu.dma_semaphore, #tpu.memory_space<semaphore_mem>>
          tpu.wait_indirect_dma semaphore(%dma_wait3A_1237 : memref<!tpu.dma_semaphore, #tpu.memory_space<semaphore_mem>>) src(%dma_wait3A_1229 : memref<128x64xf32, #tpu.memory_space<vmem>>) dst(%dma_wait3A_1235 : memref<10240x64xf32, #tpu.memory_space<vmem_shared>>)
        } else {
        }
        %dma_start3A_1210 = arith.constant 3 : i32
        %dma_start3A_1211 = arith.constant 3 : i32
        %dma_start3A_1212 = arith.constant 0 : i32
        %dma_start3A_1213 = arith.constant 0 : i32
        %dma_start3A_1214 = tpu.memref_slice %arg8[%dma_start3A_1210, %dma_start3A_1212, %dma_start3A_1213] : memref<5x128x64xf32, #tpu.memory_space<vmem>> -> memref<1x128x64xf32, #tpu.memory_space<vmem>>
        %dma_start3A_1215 = tpu.memref_squeeze %dma_start3A_1214 : memref<1x128x64xf32, #tpu.memory_space<vmem>> -> memref<128x64xf32, #tpu.memory_space<vmem>>
        %dma_start3A_1216 = arith.constant 0 : i32
        %dma_start3A_1217 = tpu.memref_slice %arg6[%add3A_1047, %dma_start3A_1216] : memref<160x128xi32, #tpu.memory_space<vmem>> -> memref<1x128xi32, #tpu.memory_space<vmem>>
        %dma_start3A_1218 = tpu.memref_squeeze %dma_start3A_1217 : memref<1x128xi32, #tpu.memory_space<vmem>> -> memref<128xi32, #tpu.memory_space<vmem>>
        %dma_start3A_1219 = arith.constant 0 : i32
        %dma_start3A_1220 = arith.constant 0 : i32
        %dma_start3A_1221 = tpu.memref_slice %arg2[%dma_start3A_1219, %dma_start3A_1220] : memref<20000x64xf32, #tpu.memory_space<hbm>> -> memref<20000x64xf32, #tpu.memory_space<hbm>>
        %dma_start3A_1222 = tpu.memref_slice %arg11[%dma_start3A_1211] : memref<5x!tpu.dma_semaphore, #tpu.memory_space<semaphore_mem>> -> memref<1x!tpu.dma_semaphore, #tpu.memory_space<semaphore_mem>>
        %dma_start3A_1223 = tpu.memref_squeeze %dma_start3A_1222 : memref<1x!tpu.dma_semaphore, #tpu.memory_space<semaphore_mem>> -> memref<!tpu.dma_semaphore, #tpu.memory_space<semaphore_mem>>
        tpu.enqueue_indirect_dma source(%dma_start3A_1221 : memref<20000x64xf32, #tpu.memory_space<hbm>>) target(%dma_start3A_1215 : memref<128x64xf32, #tpu.memory_space<vmem>>) offsets(%dma_start3A_1218 : memref<128xi32, #tpu.memory_space<vmem>>) semaphore(%dma_start3A_1223 : memref<!tpu.dma_semaphore, #tpu.memory_space<semaphore_mem>>)
      } else {
      }
      %mul3A_1050 = arith.constant 5 : i32
      %mul3A_1051 = arith.muli %scan3A_1013, %mul3A_1050 : i32
      %add3A_1052 = arith.constant 1 : i32
      %add3A_1053 = arith.addi %mul3A_1051, %add3A_1052 : i32
      %dma_wait3A_1054 = arith.constant 1 : i32
      %dma_wait3A_1055 = arith.constant 1 : i32
      %dma_wait3A_1056 = arith.constant 0 : i32
      %dma_wait3A_1057 = arith.constant 0 : i32
      %dma_wait3A_1058 = tpu.memref_slice %arg8[%dma_wait3A_1054, %dma_wait3A_1056, %dma_wait3A_1057] : memref<5x128x64xf32, #tpu.memory_space<vmem>> -> memref<1x128x64xf32, #tpu.memory_space<vmem>>
      %dma_wait3A_1059 = tpu.memref_squeeze %dma_wait3A_1058 : memref<1x128x64xf32, #tpu.memory_space<vmem>> -> memref<128x64xf32, #tpu.memory_space<vmem>>
      %dma_wait3A_1060 = arith.constant 0 : i32
      %dma_wait3A_1061 = tpu.memref_slice %arg6[%add3A_1053, %dma_wait3A_1060] : memref<160x128xi32, #tpu.memory_space<vmem>> -> memref<1x128xi32, #tpu.memory_space<vmem>>
      %dma_wait3A_1062 = tpu.memref_squeeze %dma_wait3A_1061 : memref<1x128xi32, #tpu.memory_space<vmem>> -> memref<128xi32, #tpu.memory_space<vmem>>
      %dma_wait3A_1063 = arith.constant 0 : i32
      %dma_wait3A_1064 = arith.constant 0 : i32
      %dma_wait3A_1065 = tpu.memref_slice %arg2[%dma_wait3A_1063, %dma_wait3A_1064] : memref<20000x64xf32, #tpu.memory_space<hbm>> -> memref<20000x64xf32, #tpu.memory_space<hbm>>
      %dma_wait3A_1066 = tpu.memref_slice %arg11[%dma_wait3A_1055] : memref<5x!tpu.dma_semaphore, #tpu.memory_space<semaphore_mem>> -> memref<1x!tpu.dma_semaphore, #tpu.memory_space<semaphore_mem>>
      %dma_wait3A_1067 = tpu.memref_squeeze %dma_wait3A_1066 : memref<1x!tpu.dma_semaphore, #tpu.memory_space<semaphore_mem>> -> memref<!tpu.dma_semaphore, #tpu.memory_space<semaphore_mem>>
      tpu.wait_indirect_dma semaphore(%dma_wait3A_1067 : memref<!tpu.dma_semaphore, #tpu.memory_space<semaphore_mem>>) src(%dma_wait3A_1065 : memref<20000x64xf32, #tpu.memory_space<hbm>>) dst(%dma_wait3A_1059 : memref<128x64xf32, #tpu.memory_space<vmem>>)
      %dma_start3A_1068 = arith.constant 1 : i32
      %dma_start3A_1069 = arith.constant 1 : i32
      %dma_start3A_1070 = arith.constant 0 : i32
      %dma_start3A_1071 = arith.constant 0 : i32
      %dma_start3A_1072 = tpu.memref_slice %arg8[%dma_start3A_1068, %dma_start3A_1070, %dma_start3A_1071] : memref<5x128x64xf32, #tpu.memory_space<vmem>> -> memref<1x128x64xf32, #tpu.memory_space<vmem>>
      %dma_start3A_1073 = tpu.memref_squeeze %dma_start3A_1072 : memref<1x128x64xf32, #tpu.memory_space<vmem>> -> memref<128x64xf32, #tpu.memory_space<vmem>>
      %dma_start3A_1074 = arith.constant 0 : i32
      %dma_start3A_1075 = tpu.memref_slice %arg7[%add3A_1053, %dma_start3A_1074] : memref<160x128xi32, #tpu.memory_space<vmem>> -> memref<1x128xi32, #tpu.memory_space<vmem>>
      %dma_start3A_1076 = tpu.memref_squeeze %dma_start3A_1075 : memref<1x128xi32, #tpu.memory_space<vmem>> -> memref<128xi32, #tpu.memory_space<vmem>>
      %dma_start3A_1077 = arith.constant 0 : i32
      %dma_start3A_1078 = arith.constant 0 : i32
      %dma_start3A_1079 = tpu.memref_slice %arg10[%dma_start3A_1077, %dma_start3A_1078] : memref<10240x64xf32, #tpu.memory_space<vmem_shared>> -> memref<10240x64xf32, #tpu.memory_space<vmem_shared>>
      %dma_start3A_1080 = tpu.memref_slice %arg12[%dma_start3A_1069] : memref<5x!tpu.dma_semaphore, #tpu.memory_space<semaphore_mem>> -> memref<1x!tpu.dma_semaphore, #tpu.memory_space<semaphore_mem>>
      %dma_start3A_1081 = tpu.memref_squeeze %dma_start3A_1080 : memref<1x!tpu.dma_semaphore, #tpu.memory_space<semaphore_mem>> -> memref<!tpu.dma_semaphore, #tpu.memory_space<semaphore_mem>>
      tpu.enqueue_indirect_dma source(%dma_start3A_1073 : memref<128x64xf32, #tpu.memory_space<vmem>>) target(%dma_start3A_1079 : memref<10240x64xf32, #tpu.memory_space<vmem_shared>>) offsets(%dma_start3A_1076 : memref<128xi32, #tpu.memory_space<vmem>>) semaphore(%dma_start3A_1081 : memref<!tpu.dma_semaphore, #tpu.memory_space<semaphore_mem>>) {add = true}
      %add3A_1082 = arith.constant 3 : i32
      %add3A_1083 = arith.addi %add3A_1053, %add3A_1082 : i32
      %lt3A_1084 = arith.constant 160 : i32
      %lt3A_1085 = arith.cmpi slt, %add3A_1083, %lt3A_1084 : i32
      %convert_element_type3A_1086 = arith.extui %lt3A_1085 : i1 to i32
      %cond3A_1087 = arith.constant 0 : i32
      %cond3A_1088 = arith.cmpi ne, %convert_element_type3A_1086, %cond3A_1087 : i32
      scf.if %cond3A_1088 {
        %ge3A = arith.constant 2 : i32
        %ge3A_1206 = arith.cmpi sge, %add3A_1053, %ge3A : i32
        %convert_element_type3A_1207 = arith.extui %ge3A_1206 : i1 to i32
        %cond3A_1208 = arith.constant 0 : i32
        %cond3A_1209 = arith.cmpi ne, %convert_element_type3A_1207, %cond3A_1208 : i32
        scf.if %cond3A_1209 {
          %dma_wait3A_1224 = arith.constant 4 : i32
          %dma_wait3A_1225 = arith.constant 4 : i32
          %dma_wait3A_1226 = arith.constant 0 : i32
          %dma_wait3A_1227 = arith.constant 0 : i32
          %dma_wait3A_1228 = tpu.memref_slice %arg8[%dma_wait3A_1224, %dma_wait3A_1226, %dma_wait3A_1227] : memref<5x128x64xf32, #tpu.memory_space<vmem>> -> memref<1x128x64xf32, #tpu.memory_space<vmem>>
          %dma_wait3A_1229 = tpu.memref_squeeze %dma_wait3A_1228 : memref<1x128x64xf32, #tpu.memory_space<vmem>> -> memref<128x64xf32, #tpu.memory_space<vmem>>
          %dma_wait3A_1230 = arith.constant 0 : i32
          %dma_wait3A_1231 = tpu.memref_slice %arg7[%add3A_1053, %dma_wait3A_1230] : memref<160x128xi32, #tpu.memory_space<vmem>> -> memref<1x128xi32, #tpu.memory_space<vmem>>
          %dma_wait3A_1232 = tpu.memref_squeeze %dma_wait3A_1231 : memref<1x128xi32, #tpu.memory_space<vmem>> -> memref<128xi32, #tpu.memory_space<vmem>>
          %dma_wait3A_1233 = arith.constant 0 : i32
          %dma_wait3A_1234 = arith.constant 0 : i32
          %dma_wait3A_1235 = tpu.memref_slice %arg10[%dma_wait3A_1233, %dma_wait3A_1234] : memref<10240x64xf32, #tpu.memory_space<vmem_shared>> -> memref<10240x64xf32, #tpu.memory_space<vmem_shared>>
          %dma_wait3A_1236 = tpu.memref_slice %arg12[%dma_wait3A_1225] : memref<5x!tpu.dma_semaphore, #tpu.memory_space<semaphore_mem>> -> memref<1x!tpu.dma_semaphore, #tpu.memory_space<semaphore_mem>>
          %dma_wait3A_1237 = tpu.memref_squeeze %dma_wait3A_1236 : memref<1x!tpu.dma_semaphore, #tpu.memory_space<semaphore_mem>> -> memref<!tpu.dma_semaphore, #tpu.memory_space<semaphore_mem>>
          tpu.wait_indirect_dma semaphore(%dma_wait3A_1237 : memref<!tpu.dma_semaphore, #tpu.memory_space<semaphore_mem>>) src(%dma_wait3A_1229 : memref<128x64xf32, #tpu.memory_space<vmem>>) dst(%dma_wait3A_1235 : memref<10240x64xf32, #tpu.memory_space<vmem_shared>>)
        } else {
        }
        %dma_start3A_1210 = arith.constant 4 : i32
        %dma_start3A_1211 = arith.constant 4 : i32
        %dma_start3A_1212 = arith.constant 0 : i32
        %dma_start3A_1213 = arith.constant 0 : i32
        %dma_start3A_1214 = tpu.memref_slice %arg8[%dma_start3A_1210, %dma_start3A_1212, %dma_start3A_1213] : memref<5x128x64xf32, #tpu.memory_space<vmem>> -> memref<1x128x64xf32, #tpu.memory_space<vmem>>
        %dma_start3A_1215 = tpu.memref_squeeze %dma_start3A_1214 : memref<1x128x64xf32, #tpu.memory_space<vmem>> -> memref<128x64xf32, #tpu.memory_space<vmem>>
        %dma_start3A_1216 = arith.constant 0 : i32
        %dma_start3A_1217 = tpu.memref_slice %arg6[%add3A_1083, %dma_start3A_1216] : memref<160x128xi32, #tpu.memory_space<vmem>> -> memref<1x128xi32, #tpu.memory_space<vmem>>
        %dma_start3A_1218 = tpu.memref_squeeze %dma_start3A_1217 : memref<1x128xi32, #tpu.memory_space<vmem>> -> memref<128xi32, #tpu.memory_space<vmem>>
        %dma_start3A_1219 = arith.constant 0 : i32
        %dma_start3A_1220 = arith.constant 0 : i32
        %dma_start3A_1221 = tpu.memref_slice %arg2[%dma_start3A_1219, %dma_start3A_1220] : memref<20000x64xf32, #tpu.memory_space<hbm>> -> memref<20000x64xf32, #tpu.memory_space<hbm>>
        %dma_start3A_1222 = tpu.memref_slice %arg11[%dma_start3A_1211] : memref<5x!tpu.dma_semaphore, #tpu.memory_space<semaphore_mem>> -> memref<1x!tpu.dma_semaphore, #tpu.memory_space<semaphore_mem>>
        %dma_start3A_1223 = tpu.memref_squeeze %dma_start3A_1222 : memref<1x!tpu.dma_semaphore, #tpu.memory_space<semaphore_mem>> -> memref<!tpu.dma_semaphore, #tpu.memory_space<semaphore_mem>>
        tpu.enqueue_indirect_dma source(%dma_start3A_1221 : memref<20000x64xf32, #tpu.memory_space<hbm>>) target(%dma_start3A_1215 : memref<128x64xf32, #tpu.memory_space<vmem>>) offsets(%dma_start3A_1218 : memref<128xi32, #tpu.memory_space<vmem>>) semaphore(%dma_start3A_1223 : memref<!tpu.dma_semaphore, #tpu.memory_space<semaphore_mem>>)
      } else {
      }
      %mul3A_1089 = arith.constant 5 : i32
      %mul3A_1090 = arith.muli %scan3A_1013, %mul3A_1089 : i32
      %add3A_1091 = arith.constant 2 : i32
      %add3A_1092 = arith.addi %mul3A_1090, %add3A_1091 : i32
      %dma_wait3A_1093 = arith.constant 2 : i32
      %dma_wait3A_1094 = arith.constant 2 : i32
      %dma_wait3A_1095 = arith.constant 0 : i32
      %dma_wait3A_1096 = arith.constant 0 : i32
      %dma_wait3A_1097 = tpu.memref_slice %arg8[%dma_wait3A_1093, %dma_wait3A_1095, %dma_wait3A_1096] : memref<5x128x64xf32, #tpu.memory_space<vmem>> -> memref<1x128x64xf32, #tpu.memory_space<vmem>>
      %dma_wait3A_1098 = tpu.memref_squeeze %dma_wait3A_1097 : memref<1x128x64xf32, #tpu.memory_space<vmem>> -> memref<128x64xf32, #tpu.memory_space<vmem>>
      %dma_wait3A_1099 = arith.constant 0 : i32
      %dma_wait3A_1100 = tpu.memref_slice %arg6[%add3A_1092, %dma_wait3A_1099] : memref<160x128xi32, #tpu.memory_space<vmem>> -> memref<1x128xi32, #tpu.memory_space<vmem>>
      %dma_wait3A_1101 = tpu.memref_squeeze %dma_wait3A_1100 : memref<1x128xi32, #tpu.memory_space<vmem>> -> memref<128xi32, #tpu.memory_space<vmem>>
      %dma_wait3A_1102 = arith.constant 0 : i32
      %dma_wait3A_1103 = arith.constant 0 : i32
      %dma_wait3A_1104 = tpu.memref_slice %arg2[%dma_wait3A_1102, %dma_wait3A_1103] : memref<20000x64xf32, #tpu.memory_space<hbm>> -> memref<20000x64xf32, #tpu.memory_space<hbm>>
      %dma_wait3A_1105 = tpu.memref_slice %arg11[%dma_wait3A_1094] : memref<5x!tpu.dma_semaphore, #tpu.memory_space<semaphore_mem>> -> memref<1x!tpu.dma_semaphore, #tpu.memory_space<semaphore_mem>>
      %dma_wait3A_1106 = tpu.memref_squeeze %dma_wait3A_1105 : memref<1x!tpu.dma_semaphore, #tpu.memory_space<semaphore_mem>> -> memref<!tpu.dma_semaphore, #tpu.memory_space<semaphore_mem>>
      tpu.wait_indirect_dma semaphore(%dma_wait3A_1106 : memref<!tpu.dma_semaphore, #tpu.memory_space<semaphore_mem>>) src(%dma_wait3A_1104 : memref<20000x64xf32, #tpu.memory_space<hbm>>) dst(%dma_wait3A_1098 : memref<128x64xf32, #tpu.memory_space<vmem>>)
      %dma_start3A_1107 = arith.constant 2 : i32
      %dma_start3A_1108 = arith.constant 2 : i32
      %dma_start3A_1109 = arith.constant 0 : i32
      %dma_start3A_1110 = arith.constant 0 : i32
      %dma_start3A_1111 = tpu.memref_slice %arg8[%dma_start3A_1107, %dma_start3A_1109, %dma_start3A_1110] : memref<5x128x64xf32, #tpu.memory_space<vmem>> -> memref<1x128x64xf32, #tpu.memory_space<vmem>>
      %dma_start3A_1112 = tpu.memref_squeeze %dma_start3A_1111 : memref<1x128x64xf32, #tpu.memory_space<vmem>> -> memref<128x64xf32, #tpu.memory_space<vmem>>
      %dma_start3A_1113 = arith.constant 0 : i32
      %dma_start3A_1114 = tpu.memref_slice %arg7[%add3A_1092, %dma_start3A_1113] : memref<160x128xi32, #tpu.memory_space<vmem>> -> memref<1x128xi32, #tpu.memory_space<vmem>>
      %dma_start3A_1115 = tpu.memref_squeeze %dma_start3A_1114 : memref<1x128xi32, #tpu.memory_space<vmem>> -> memref<128xi32, #tpu.memory_space<vmem>>
      %dma_start3A_1116 = arith.constant 0 : i32
      %dma_start3A_1117 = arith.constant 0 : i32
      %dma_start3A_1118 = tpu.memref_slice %arg10[%dma_start3A_1116, %dma_start3A_1117] : memref<10240x64xf32, #tpu.memory_space<vmem_shared>> -> memref<10240x64xf32, #tpu.memory_space<vmem_shared>>
      %dma_start3A_1119 = tpu.memref_slice %arg12[%dma_start3A_1108] : memref<5x!tpu.dma_semaphore, #tpu.memory_space<semaphore_mem>> -> memref<1x!tpu.dma_semaphore, #tpu.memory_space<semaphore_mem>>
      %dma_start3A_1120 = tpu.memref_squeeze %dma_start3A_1119 : memref<1x!tpu.dma_semaphore, #tpu.memory_space<semaphore_mem>> -> memref<!tpu.dma_semaphore, #tpu.memory_space<semaphore_mem>>
      tpu.enqueue_indirect_dma source(%dma_start3A_1112 : memref<128x64xf32, #tpu.memory_space<vmem>>) target(%dma_start3A_1118 : memref<10240x64xf32, #tpu.memory_space<vmem_shared>>) offsets(%dma_start3A_1115 : memref<128xi32, #tpu.memory_space<vmem>>) semaphore(%dma_start3A_1120 : memref<!tpu.dma_semaphore, #tpu.memory_space<semaphore_mem>>) {add = true}
      %add3A_1121 = arith.constant 3 : i32
      %add3A_1122 = arith.addi %add3A_1092, %add3A_1121 : i32
      %lt3A_1123 = arith.constant 160 : i32
      %lt3A_1124 = arith.cmpi slt, %add3A_1122, %lt3A_1123 : i32
      %convert_element_type3A_1125 = arith.extui %lt3A_1124 : i1 to i32
      %cond3A_1126 = arith.constant 0 : i32
      %cond3A_1127 = arith.cmpi ne, %convert_element_type3A_1125, %cond3A_1126 : i32
      scf.if %cond3A_1127 {
        %ge3A = arith.constant 2 : i32
        %ge3A_1206 = arith.cmpi sge, %add3A_1092, %ge3A : i32
        %convert_element_type3A_1207 = arith.extui %ge3A_1206 : i1 to i32
        %cond3A_1208 = arith.constant 0 : i32
        %cond3A_1209 = arith.cmpi ne, %convert_element_type3A_1207, %cond3A_1208 : i32
        scf.if %cond3A_1209 {
          %dma_wait3A_1224 = arith.constant 0 : i32
          %dma_wait3A_1225 = arith.constant 0 : i32
          %dma_wait3A_1226 = arith.constant 0 : i32
          %dma_wait3A_1227 = arith.constant 0 : i32
          %dma_wait3A_1228 = tpu.memref_slice %arg8[%dma_wait3A_1224, %dma_wait3A_1226, %dma_wait3A_1227] : memref<5x128x64xf32, #tpu.memory_space<vmem>> -> memref<1x128x64xf32, #tpu.memory_space<vmem>>
          %dma_wait3A_1229 = tpu.memref_squeeze %dma_wait3A_1228 : memref<1x128x64xf32, #tpu.memory_space<vmem>> -> memref<128x64xf32, #tpu.memory_space<vmem>>
          %dma_wait3A_1230 = arith.constant 0 : i32
          %dma_wait3A_1231 = tpu.memref_slice %arg7[%add3A_1092, %dma_wait3A_1230] : memref<160x128xi32, #tpu.memory_space<vmem>> -> memref<1x128xi32, #tpu.memory_space<vmem>>
          %dma_wait3A_1232 = tpu.memref_squeeze %dma_wait3A_1231 : memref<1x128xi32, #tpu.memory_space<vmem>> -> memref<128xi32, #tpu.memory_space<vmem>>
          %dma_wait3A_1233 = arith.constant 0 : i32
          %dma_wait3A_1234 = arith.constant 0 : i32
          %dma_wait3A_1235 = tpu.memref_slice %arg10[%dma_wait3A_1233, %dma_wait3A_1234] : memref<10240x64xf32, #tpu.memory_space<vmem_shared>> -> memref<10240x64xf32, #tpu.memory_space<vmem_shared>>
          %dma_wait3A_1236 = tpu.memref_slice %arg12[%dma_wait3A_1225] : memref<5x!tpu.dma_semaphore, #tpu.memory_space<semaphore_mem>> -> memref<1x!tpu.dma_semaphore, #tpu.memory_space<semaphore_mem>>
          %dma_wait3A_1237 = tpu.memref_squeeze %dma_wait3A_1236 : memref<1x!tpu.dma_semaphore, #tpu.memory_space<semaphore_mem>> -> memref<!tpu.dma_semaphore, #tpu.memory_space<semaphore_mem>>
          tpu.wait_indirect_dma semaphore(%dma_wait3A_1237 : memref<!tpu.dma_semaphore, #tpu.memory_space<semaphore_mem>>) src(%dma_wait3A_1229 : memref<128x64xf32, #tpu.memory_space<vmem>>) dst(%dma_wait3A_1235 : memref<10240x64xf32, #tpu.memory_space<vmem_shared>>)
        } else {
        }
        %dma_start3A_1210 = arith.constant 0 : i32
        %dma_start3A_1211 = arith.constant 0 : i32
        %dma_start3A_1212 = arith.constant 0 : i32
        %dma_start3A_1213 = arith.constant 0 : i32
        %dma_start3A_1214 = tpu.memref_slice %arg8[%dma_start3A_1210, %dma_start3A_1212, %dma_start3A_1213] : memref<5x128x64xf32, #tpu.memory_space<vmem>> -> memref<1x128x64xf32, #tpu.memory_space<vmem>>
        %dma_start3A_1215 = tpu.memref_squeeze %dma_start3A_1214 : memref<1x128x64xf32, #tpu.memory_space<vmem>> -> memref<128x64xf32, #tpu.memory_space<vmem>>
        %dma_start3A_1216 = arith.constant 0 : i32
        %dma_start3A_1217 = tpu.memref_slice %arg6[%add3A_1122, %dma_start3A_1216] : memref<160x128xi32, #tpu.memory_space<vmem>> -> memref<1x128xi32, #tpu.memory_space<vmem>>
        %dma_start3A_1218 = tpu.memref_squeeze %dma_start3A_1217 : memref<1x128xi32, #tpu.memory_space<vmem>> -> memref<128xi32, #tpu.memory_space<vmem>>
        %dma_start3A_1219 = arith.constant 0 : i32
        %dma_start3A_1220 = arith.constant 0 : i32
        %dma_start3A_1221 = tpu.memref_slice %arg2[%dma_start3A_1219, %dma_start3A_1220] : memref<20000x64xf32, #tpu.memory_space<hbm>> -> memref<20000x64xf32, #tpu.memory_space<hbm>>
        %dma_start3A_1222 = tpu.memref_slice %arg11[%dma_start3A_1211] : memref<5x!tpu.dma_semaphore, #tpu.memory_space<semaphore_mem>> -> memref<1x!tpu.dma_semaphore, #tpu.memory_space<semaphore_mem>>
        %dma_start3A_1223 = tpu.memref_squeeze %dma_start3A_1222 : memref<1x!tpu.dma_semaphore, #tpu.memory_space<semaphore_mem>> -> memref<!tpu.dma_semaphore, #tpu.memory_space<semaphore_mem>>
        tpu.enqueue_indirect_dma source(%dma_start3A_1221 : memref<20000x64xf32, #tpu.memory_space<hbm>>) target(%dma_start3A_1215 : memref<128x64xf32, #tpu.memory_space<vmem>>) offsets(%dma_start3A_1218 : memref<128xi32, #tpu.memory_space<vmem>>) semaphore(%dma_start3A_1223 : memref<!tpu.dma_semaphore, #tpu.memory_space<semaphore_mem>>)
      } else {
      }
      %mul3A_1128 = arith.constant 5 : i32
      %mul3A_1129 = arith.muli %scan3A_1013, %mul3A_1128 : i32
      %add3A_1130 = arith.constant 3 : i32
      %add3A_1131 = arith.addi %mul3A_1129, %add3A_1130 : i32
      %dma_wait3A_1132 = arith.constant 3 : i32
      %dma_wait3A_1133 = arith.constant 3 : i32
      %dma_wait3A_1134 = arith.constant 0 : i32
      %dma_wait3A_1135 = arith.constant 0 : i32
      %dma_wait3A_1136 = tpu.memref_slice %arg8[%dma_wait3A_1132, %dma_wait3A_1134, %dma_wait3A_1135] : memref<5x128x64xf32, #tpu.memory_space<vmem>> -> memref<1x128x64xf32, #tpu.memory_space<vmem>>
      %dma_wait3A_1137 = tpu.memref_squeeze %dma_wait3A_1136 : memref<1x128x64xf32, #tpu.memory_space<vmem>> -> memref<128x64xf32, #tpu.memory_space<vmem>>
      %dma_wait3A_1138 = arith.constant 0 : i32
      %dma_wait3A_1139 = tpu.memref_slice %arg6[%add3A_1131, %dma_wait3A_1138] : memref<160x128xi32, #tpu.memory_space<vmem>> -> memref<1x128xi32, #tpu.memory_space<vmem>>
      %dma_wait3A_1140 = tpu.memref_squeeze %dma_wait3A_1139 : memref<1x128xi32, #tpu.memory_space<vmem>> -> memref<128xi32, #tpu.memory_space<vmem>>
      %dma_wait3A_1141 = arith.constant 0 : i32
      %dma_wait3A_1142 = arith.constant 0 : i32
      %dma_wait3A_1143 = tpu.memref_slice %arg2[%dma_wait3A_1141, %dma_wait3A_1142] : memref<20000x64xf32, #tpu.memory_space<hbm>> -> memref<20000x64xf32, #tpu.memory_space<hbm>>
      %dma_wait3A_1144 = tpu.memref_slice %arg11[%dma_wait3A_1133] : memref<5x!tpu.dma_semaphore, #tpu.memory_space<semaphore_mem>> -> memref<1x!tpu.dma_semaphore, #tpu.memory_space<semaphore_mem>>
      %dma_wait3A_1145 = tpu.memref_squeeze %dma_wait3A_1144 : memref<1x!tpu.dma_semaphore, #tpu.memory_space<semaphore_mem>> -> memref<!tpu.dma_semaphore, #tpu.memory_space<semaphore_mem>>
      tpu.wait_indirect_dma semaphore(%dma_wait3A_1145 : memref<!tpu.dma_semaphore, #tpu.memory_space<semaphore_mem>>) src(%dma_wait3A_1143 : memref<20000x64xf32, #tpu.memory_space<hbm>>) dst(%dma_wait3A_1137 : memref<128x64xf32, #tpu.memory_space<vmem>>)
      %dma_start3A_1146 = arith.constant 3 : i32
      %dma_start3A_1147 = arith.constant 3 : i32
      %dma_start3A_1148 = arith.constant 0 : i32
      %dma_start3A_1149 = arith.constant 0 : i32
      %dma_start3A_1150 = tpu.memref_slice %arg8[%dma_start3A_1146, %dma_start3A_1148, %dma_start3A_1149] : memref<5x128x64xf32, #tpu.memory_space<vmem>> -> memref<1x128x64xf32, #tpu.memory_space<vmem>>
      %dma_start3A_1151 = tpu.memref_squeeze %dma_start3A_1150 : memref<1x128x64xf32, #tpu.memory_space<vmem>> -> memref<128x64xf32, #tpu.memory_space<vmem>>
      %dma_start3A_1152 = arith.constant 0 : i32
      %dma_start3A_1153 = tpu.memref_slice %arg7[%add3A_1131, %dma_start3A_1152] : memref<160x128xi32, #tpu.memory_space<vmem>> -> memref<1x128xi32, #tpu.memory_space<vmem>>
      %dma_start3A_1154 = tpu.memref_squeeze %dma_start3A_1153 : memref<1x128xi32, #tpu.memory_space<vmem>> -> memref<128xi32, #tpu.memory_space<vmem>>
      %dma_start3A_1155 = arith.constant 0 : i32
      %dma_start3A_1156 = arith.constant 0 : i32
      %dma_start3A_1157 = tpu.memref_slice %arg10[%dma_start3A_1155, %dma_start3A_1156] : memref<10240x64xf32, #tpu.memory_space<vmem_shared>> -> memref<10240x64xf32, #tpu.memory_space<vmem_shared>>
      %dma_start3A_1158 = tpu.memref_slice %arg12[%dma_start3A_1147] : memref<5x!tpu.dma_semaphore, #tpu.memory_space<semaphore_mem>> -> memref<1x!tpu.dma_semaphore, #tpu.memory_space<semaphore_mem>>
      %dma_start3A_1159 = tpu.memref_squeeze %dma_start3A_1158 : memref<1x!tpu.dma_semaphore, #tpu.memory_space<semaphore_mem>> -> memref<!tpu.dma_semaphore, #tpu.memory_space<semaphore_mem>>
      tpu.enqueue_indirect_dma source(%dma_start3A_1151 : memref<128x64xf32, #tpu.memory_space<vmem>>) target(%dma_start3A_1157 : memref<10240x64xf32, #tpu.memory_space<vmem_shared>>) offsets(%dma_start3A_1154 : memref<128xi32, #tpu.memory_space<vmem>>) semaphore(%dma_start3A_1159 : memref<!tpu.dma_semaphore, #tpu.memory_space<semaphore_mem>>) {add = true}
      %add3A_1160 = arith.constant 3 : i32
      %add3A_1161 = arith.addi %add3A_1131, %add3A_1160 : i32
      %lt3A_1162 = arith.constant 160 : i32
      %lt3A_1163 = arith.cmpi slt, %add3A_1161, %lt3A_1162 : i32
      %convert_element_type3A_1164 = arith.extui %lt3A_1163 : i1 to i32
      %cond3A_1165 = arith.constant 0 : i32
      %cond3A_1166 = arith.cmpi ne, %convert_element_type3A_1164, %cond3A_1165 : i32
      scf.if %cond3A_1166 {
        %ge3A = arith.constant 2 : i32
        %ge3A_1206 = arith.cmpi sge, %add3A_1131, %ge3A : i32
        %convert_element_type3A_1207 = arith.extui %ge3A_1206 : i1 to i32
        %cond3A_1208 = arith.constant 0 : i32
        %cond3A_1209 = arith.cmpi ne, %convert_element_type3A_1207, %cond3A_1208 : i32
        scf.if %cond3A_1209 {
          %dma_wait3A_1224 = arith.constant 1 : i32
          %dma_wait3A_1225 = arith.constant 1 : i32
          %dma_wait3A_1226 = arith.constant 0 : i32
          %dma_wait3A_1227 = arith.constant 0 : i32
          %dma_wait3A_1228 = tpu.memref_slice %arg8[%dma_wait3A_1224, %dma_wait3A_1226, %dma_wait3A_1227] : memref<5x128x64xf32, #tpu.memory_space<vmem>> -> memref<1x128x64xf32, #tpu.memory_space<vmem>>
          %dma_wait3A_1229 = tpu.memref_squeeze %dma_wait3A_1228 : memref<1x128x64xf32, #tpu.memory_space<vmem>> -> memref<128x64xf32, #tpu.memory_space<vmem>>
          %dma_wait3A_1230 = arith.constant 0 : i32
          %dma_wait3A_1231 = tpu.memref_slice %arg7[%add3A_1131, %dma_wait3A_1230] : memref<160x128xi32, #tpu.memory_space<vmem>> -> memref<1x128xi32, #tpu.memory_space<vmem>>
          %dma_wait3A_1232 = tpu.memref_squeeze %dma_wait3A_1231 : memref<1x128xi32, #tpu.memory_space<vmem>> -> memref<128xi32, #tpu.memory_space<vmem>>
          %dma_wait3A_1233 = arith.constant 0 : i32
          %dma_wait3A_1234 = arith.constant 0 : i32
          %dma_wait3A_1235 = tpu.memref_slice %arg10[%dma_wait3A_1233, %dma_wait3A_1234] : memref<10240x64xf32, #tpu.memory_space<vmem_shared>> -> memref<10240x64xf32, #tpu.memory_space<vmem_shared>>
          %dma_wait3A_1236 = tpu.memref_slice %arg12[%dma_wait3A_1225] : memref<5x!tpu.dma_semaphore, #tpu.memory_space<semaphore_mem>> -> memref<1x!tpu.dma_semaphore, #tpu.memory_space<semaphore_mem>>
          %dma_wait3A_1237 = tpu.memref_squeeze %dma_wait3A_1236 : memref<1x!tpu.dma_semaphore, #tpu.memory_space<semaphore_mem>> -> memref<!tpu.dma_semaphore, #tpu.memory_space<semaphore_mem>>
          tpu.wait_indirect_dma semaphore(%dma_wait3A_1237 : memref<!tpu.dma_semaphore, #tpu.memory_space<semaphore_mem>>) src(%dma_wait3A_1229 : memref<128x64xf32, #tpu.memory_space<vmem>>) dst(%dma_wait3A_1235 : memref<10240x64xf32, #tpu.memory_space<vmem_shared>>)
        } else {
        }
        %dma_start3A_1210 = arith.constant 1 : i32
        %dma_start3A_1211 = arith.constant 1 : i32
        %dma_start3A_1212 = arith.constant 0 : i32
        %dma_start3A_1213 = arith.constant 0 : i32
        %dma_start3A_1214 = tpu.memref_slice %arg8[%dma_start3A_1210, %dma_start3A_1212, %dma_start3A_1213] : memref<5x128x64xf32, #tpu.memory_space<vmem>> -> memref<1x128x64xf32, #tpu.memory_space<vmem>>
        %dma_start3A_1215 = tpu.memref_squeeze %dma_start3A_1214 : memref<1x128x64xf32, #tpu.memory_space<vmem>> -> memref<128x64xf32, #tpu.memory_space<vmem>>
        %dma_start3A_1216 = arith.constant 0 : i32
        %dma_start3A_1217 = tpu.memref_slice %arg6[%add3A_1161, %dma_start3A_1216] : memref<160x128xi32, #tpu.memory_space<vmem>> -> memref<1x128xi32, #tpu.memory_space<vmem>>
        %dma_start3A_1218 = tpu.memref_squeeze %dma_start3A_1217 : memref<1x128xi32, #tpu.memory_space<vmem>> -> memref<128xi32, #tpu.memory_space<vmem>>
        %dma_start3A_1219 = arith.constant 0 : i32
        %dma_start3A_1220 = arith.constant 0 : i32
        %dma_start3A_1221 = tpu.memref_slice %arg2[%dma_start3A_1219, %dma_start3A_1220] : memref<20000x64xf32, #tpu.memory_space<hbm>> -> memref<20000x64xf32, #tpu.memory_space<hbm>>
        %dma_start3A_1222 = tpu.memref_slice %arg11[%dma_start3A_1211] : memref<5x!tpu.dma_semaphore, #tpu.memory_space<semaphore_mem>> -> memref<1x!tpu.dma_semaphore, #tpu.memory_space<semaphore_mem>>
        %dma_start3A_1223 = tpu.memref_squeeze %dma_start3A_1222 : memref<1x!tpu.dma_semaphore, #tpu.memory_space<semaphore_mem>> -> memref<!tpu.dma_semaphore, #tpu.memory_space<semaphore_mem>>
        tpu.enqueue_indirect_dma source(%dma_start3A_1221 : memref<20000x64xf32, #tpu.memory_space<hbm>>) target(%dma_start3A_1215 : memref<128x64xf32, #tpu.memory_space<vmem>>) offsets(%dma_start3A_1218 : memref<128xi32, #tpu.memory_space<vmem>>) semaphore(%dma_start3A_1223 : memref<!tpu.dma_semaphore, #tpu.memory_space<semaphore_mem>>)
      } else {
      }
      %mul3A_1167 = arith.constant 5 : i32
      %mul3A_1168 = arith.muli %scan3A_1013, %mul3A_1167 : i32
      %add3A_1169 = arith.constant 4 : i32
      %add3A_1170 = arith.addi %mul3A_1168, %add3A_1169 : i32
      %dma_wait3A_1171 = arith.constant 4 : i32
      %dma_wait3A_1172 = arith.constant 4 : i32
      %dma_wait3A_1173 = arith.constant 0 : i32
      %dma_wait3A_1174 = arith.constant 0 : i32
      %dma_wait3A_1175 = tpu.memref_slice %arg8[%dma_wait3A_1171, %dma_wait3A_1173, %dma_wait3A_1174] : memref<5x128x64xf32, #tpu.memory_space<vmem>> -> memref<1x128x64xf32, #tpu.memory_space<vmem>>
      %dma_wait3A_1176 = tpu.memref_squeeze %dma_wait3A_1175 : memref<1x128x64xf32, #tpu.memory_space<vmem>> -> memref<128x64xf32, #tpu.memory_space<vmem>>
      %dma_wait3A_1177 = arith.constant 0 : i32
      %dma_wait3A_1178 = tpu.memref_slice %arg6[%add3A_1170, %dma_wait3A_1177] : memref<160x128xi32, #tpu.memory_space<vmem>> -> memref<1x128xi32, #tpu.memory_space<vmem>>
      %dma_wait3A_1179 = tpu.memref_squeeze %dma_wait3A_1178 : memref<1x128xi32, #tpu.memory_space<vmem>> -> memref<128xi32, #tpu.memory_space<vmem>>
      %dma_wait3A_1180 = arith.constant 0 : i32
      %dma_wait3A_1181 = arith.constant 0 : i32
      %dma_wait3A_1182 = tpu.memref_slice %arg2[%dma_wait3A_1180, %dma_wait3A_1181] : memref<20000x64xf32, #tpu.memory_space<hbm>> -> memref<20000x64xf32, #tpu.memory_space<hbm>>
      %dma_wait3A_1183 = tpu.memref_slice %arg11[%dma_wait3A_1172] : memref<5x!tpu.dma_semaphore, #tpu.memory_space<semaphore_mem>> -> memref<1x!tpu.dma_semaphore, #tpu.memory_space<semaphore_mem>>
      %dma_wait3A_1184 = tpu.memref_squeeze %dma_wait3A_1183 : memref<1x!tpu.dma_semaphore, #tpu.memory_space<semaphore_mem>> -> memref<!tpu.dma_semaphore, #tpu.memory_space<semaphore_mem>>
      tpu.wait_indirect_dma semaphore(%dma_wait3A_1184 : memref<!tpu.dma_semaphore, #tpu.memory_space<semaphore_mem>>) src(%dma_wait3A_1182 : memref<20000x64xf32, #tpu.memory_space<hbm>>) dst(%dma_wait3A_1176 : memref<128x64xf32, #tpu.memory_space<vmem>>)
      %dma_start3A_1185 = arith.constant 4 : i32
      %dma_start3A_1186 = arith.constant 4 : i32
      %dma_start3A_1187 = arith.constant 0 : i32
      %dma_start3A_1188 = arith.constant 0 : i32
      %dma_start3A_1189 = tpu.memref_slice %arg8[%dma_start3A_1185, %dma_start3A_1187, %dma_start3A_1188] : memref<5x128x64xf32, #tpu.memory_space<vmem>> -> memref<1x128x64xf32, #tpu.memory_space<vmem>>
      %dma_start3A_1190 = tpu.memref_squeeze %dma_start3A_1189 : memref<1x128x64xf32, #tpu.memory_space<vmem>> -> memref<128x64xf32, #tpu.memory_space<vmem>>
      %dma_start3A_1191 = arith.constant 0 : i32
      %dma_start3A_1192 = tpu.memref_slice %arg7[%add3A_1170, %dma_start3A_1191] : memref<160x128xi32, #tpu.memory_space<vmem>> -> memref<1x128xi32, #tpu.memory_space<vmem>>
      %dma_start3A_1193 = tpu.memref_squeeze %dma_start3A_1192 : memref<1x128xi32, #tpu.memory_space<vmem>> -> memref<128xi32, #tpu.memory_space<vmem>>
      %dma_start3A_1194 = arith.constant 0 : i32
      %dma_start3A_1195 = arith.constant 0 : i32
      %dma_start3A_1196 = tpu.memref_slice %arg10[%dma_start3A_1194, %dma_start3A_1195] : memref<10240x64xf32, #tpu.memory_space<vmem_shared>> -> memref<10240x64xf32, #tpu.memory_space<vmem_shared>>
      %dma_start3A_1197 = tpu.memref_slice %arg12[%dma_start3A_1186] : memref<5x!tpu.dma_semaphore, #tpu.memory_space<semaphore_mem>> -> memref<1x!tpu.dma_semaphore, #tpu.memory_space<semaphore_mem>>
      %dma_start3A_1198 = tpu.memref_squeeze %dma_start3A_1197 : memref<1x!tpu.dma_semaphore, #tpu.memory_space<semaphore_mem>> -> memref<!tpu.dma_semaphore, #tpu.memory_space<semaphore_mem>>
      tpu.enqueue_indirect_dma source(%dma_start3A_1190 : memref<128x64xf32, #tpu.memory_space<vmem>>) target(%dma_start3A_1196 : memref<10240x64xf32, #tpu.memory_space<vmem_shared>>) offsets(%dma_start3A_1193 : memref<128xi32, #tpu.memory_space<vmem>>) semaphore(%dma_start3A_1198 : memref<!tpu.dma_semaphore, #tpu.memory_space<semaphore_mem>>) {add = true}
      %add3A_1199 = arith.constant 3 : i32
      %add3A_1200 = arith.addi %add3A_1170, %add3A_1199 : i32
      %lt3A_1201 = arith.constant 160 : i32
      %lt3A_1202 = arith.cmpi slt, %add3A_1200, %lt3A_1201 : i32
      %convert_element_type3A_1203 = arith.extui %lt3A_1202 : i1 to i32
      %cond3A_1204 = arith.constant 0 : i32
      %cond3A_1205 = arith.cmpi ne, %convert_element_type3A_1203, %cond3A_1204 : i32
      scf.if %cond3A_1205 {
        %ge3A = arith.constant 2 : i32
        %ge3A_1206 = arith.cmpi sge, %add3A_1170, %ge3A : i32
        %convert_element_type3A_1207 = arith.extui %ge3A_1206 : i1 to i32
        %cond3A_1208 = arith.constant 0 : i32
        %cond3A_1209 = arith.cmpi ne, %convert_element_type3A_1207, %cond3A_1208 : i32
        scf.if %cond3A_1209 {
          %dma_wait3A_1224 = arith.constant 2 : i32
          %dma_wait3A_1225 = arith.constant 2 : i32
          %dma_wait3A_1226 = arith.constant 0 : i32
          %dma_wait3A_1227 = arith.constant 0 : i32
          %dma_wait3A_1228 = tpu.memref_slice %arg8[%dma_wait3A_1224, %dma_wait3A_1226, %dma_wait3A_1227] : memref<5x128x64xf32, #tpu.memory_space<vmem>> -> memref<1x128x64xf32, #tpu.memory_space<vmem>>
          %dma_wait3A_1229 = tpu.memref_squeeze %dma_wait3A_1228 : memref<1x128x64xf32, #tpu.memory_space<vmem>> -> memref<128x64xf32, #tpu.memory_space<vmem>>
          %dma_wait3A_1230 = arith.constant 0 : i32
          %dma_wait3A_1231 = tpu.memref_slice %arg7[%add3A_1170, %dma_wait3A_1230] : memref<160x128xi32, #tpu.memory_space<vmem>> -> memref<1x128xi32, #tpu.memory_space<vmem>>
          %dma_wait3A_1232 = tpu.memref_squeeze %dma_wait3A_1231 : memref<1x128xi32, #tpu.memory_space<vmem>> -> memref<128xi32, #tpu.memory_space<vmem>>
          %dma_wait3A_1233 = arith.constant 0 : i32
          %dma_wait3A_1234 = arith.constant 0 : i32
          %dma_wait3A_1235 = tpu.memref_slice %arg10[%dma_wait3A_1233, %dma_wait3A_1234] : memref<10240x64xf32, #tpu.memory_space<vmem_shared>> -> memref<10240x64xf32, #tpu.memory_space<vmem_shared>>
          %dma_wait3A_1236 = tpu.memref_slice %arg12[%dma_wait3A_1225] : memref<5x!tpu.dma_semaphore, #tpu.memory_space<semaphore_mem>> -> memref<1x!tpu.dma_semaphore, #tpu.memory_space<semaphore_mem>>
          %dma_wait3A_1237 = tpu.memref_squeeze %dma_wait3A_1236 : memref<1x!tpu.dma_semaphore, #tpu.memory_space<semaphore_mem>> -> memref<!tpu.dma_semaphore, #tpu.memory_space<semaphore_mem>>
          tpu.wait_indirect_dma semaphore(%dma_wait3A_1237 : memref<!tpu.dma_semaphore, #tpu.memory_space<semaphore_mem>>) src(%dma_wait3A_1229 : memref<128x64xf32, #tpu.memory_space<vmem>>) dst(%dma_wait3A_1235 : memref<10240x64xf32, #tpu.memory_space<vmem_shared>>)
        } else {
        }
        %dma_start3A_1210 = arith.constant 2 : i32
        %dma_start3A_1211 = arith.constant 2 : i32
        %dma_start3A_1212 = arith.constant 0 : i32
        %dma_start3A_1213 = arith.constant 0 : i32
        %dma_start3A_1214 = tpu.memref_slice %arg8[%dma_start3A_1210, %dma_start3A_1212, %dma_start3A_1213] : memref<5x128x64xf32, #tpu.memory_space<vmem>> -> memref<1x128x64xf32, #tpu.memory_space<vmem>>
        %dma_start3A_1215 = tpu.memref_squeeze %dma_start3A_1214 : memref<1x128x64xf32, #tpu.memory_space<vmem>> -> memref<128x64xf32, #tpu.memory_space<vmem>>
        %dma_start3A_1216 = arith.constant 0 : i32
        %dma_start3A_1217 = tpu.memref_slice %arg6[%add3A_1200, %dma_start3A_1216] : memref<160x128xi32, #tpu.memory_space<vmem>> -> memref<1x128xi32, #tpu.memory_space<vmem>>
        %dma_start3A_1218 = tpu.memref_squeeze %dma_start3A_1217 : memref<1x128xi32, #tpu.memory_space<vmem>> -> memref<128xi32, #tpu.memory_space<vmem>>
        %dma_start3A_1219 = arith.constant 0 : i32
        %dma_start3A_1220 = arith.constant 0 : i32
        %dma_start3A_1221 = tpu.memref_slice %arg2[%dma_start3A_1219, %dma_start3A_1220] : memref<20000x64xf32, #tpu.memory_space<hbm>> -> memref<20000x64xf32, #tpu.memory_space<hbm>>
        %dma_start3A_1222 = tpu.memref_slice %arg11[%dma_start3A_1211] : memref<5x!tpu.dma_semaphore, #tpu.memory_space<semaphore_mem>> -> memref<1x!tpu.dma_semaphore, #tpu.memory_space<semaphore_mem>>
        %dma_start3A_1223 = tpu.memref_squeeze %dma_start3A_1222 : memref<1x!tpu.dma_semaphore, #tpu.memory_space<semaphore_mem>> -> memref<!tpu.dma_semaphore, #tpu.memory_space<semaphore_mem>>
        tpu.enqueue_indirect_dma source(%dma_start3A_1221 : memref<20000x64xf32, #tpu.memory_space<hbm>>) target(%dma_start3A_1215 : memref<128x64xf32, #tpu.memory_space<vmem>>) offsets(%dma_start3A_1218 : memref<128xi32, #tpu.memory_space<vmem>>) semaphore(%dma_start3A_1223 : memref<!tpu.dma_semaphore, #tpu.memory_space<semaphore_mem>>)
      } else {
      }
    }
    %scan3A_577 = arith.constant 32 : i32
    %dma_wait3A = arith.constant 0 : i32
    %dma_wait3A_578 = arith.constant 0 : i32
    %dma_wait3A_579 = arith.constant 0 : i32
    %dma_wait3A_580 = arith.constant 0 : i32
    %dma_wait3A_581 = arith.constant 0 : i32
    %dma_wait3A_582 = tpu.memref_slice %arg8[%dma_wait3A, %dma_wait3A_580, %dma_wait3A_581] : memref<5x128x64xf32, #tpu.memory_space<vmem>> -> memref<1x128x64xf32, #tpu.memory_space<vmem>>
    %dma_wait3A_583 = tpu.memref_squeeze %dma_wait3A_582 : memref<1x128x64xf32, #tpu.memory_space<vmem>> -> memref<128x64xf32, #tpu.memory_space<vmem>>
    %dma_wait3A_584 = arith.constant 0 : i32
    %dma_wait3A_585 = tpu.memref_slice %arg7[%dma_wait3A_578, %dma_wait3A_584] : memref<160x128xi32, #tpu.memory_space<vmem>> -> memref<1x128xi32, #tpu.memory_space<vmem>>
    %dma_wait3A_586 = tpu.memref_squeeze %dma_wait3A_585 : memref<1x128xi32, #tpu.memory_space<vmem>> -> memref<128xi32, #tpu.memory_space<vmem>>
    %dma_wait3A_587 = arith.constant 0 : i32
    %dma_wait3A_588 = arith.constant 0 : i32
    %dma_wait3A_589 = tpu.memref_slice %arg10[%dma_wait3A_587, %dma_wait3A_588] : memref<10240x64xf32, #tpu.memory_space<vmem_shared>> -> memref<10240x64xf32, #tpu.memory_space<vmem_shared>>
    %dma_wait3A_590 = tpu.memref_slice %arg12[%dma_wait3A_579] : memref<5x!tpu.dma_semaphore, #tpu.memory_space<semaphore_mem>> -> memref<1x!tpu.dma_semaphore, #tpu.memory_space<semaphore_mem>>
    %dma_wait3A_591 = tpu.memref_squeeze %dma_wait3A_590 : memref<1x!tpu.dma_semaphore, #tpu.memory_space<semaphore_mem>> -> memref<!tpu.dma_semaphore, #tpu.memory_space<semaphore_mem>>
    tpu.wait_indirect_dma semaphore(%dma_wait3A_591 : memref<!tpu.dma_semaphore, #tpu.memory_space<semaphore_mem>>) src(%dma_wait3A_583 : memref<128x64xf32, #tpu.memory_space<vmem>>) dst(%dma_wait3A_589 : memref<10240x64xf32, #tpu.memory_space<vmem_shared>>)
    %dma_wait3A_592 = arith.constant 1 : i32
    %dma_wait3A_593 = arith.constant 0 : i32
    %dma_wait3A_594 = arith.constant 1 : i32
    %dma_wait3A_595 = arith.constant 0 : i32
    %dma_wait3A_596 = arith.constant 0 : i32
    %dma_wait3A_597 = tpu.memref_slice %arg8[%dma_wait3A_592, %dma_wait3A_595, %dma_wait3A_596] : memref<5x128x64xf32, #tpu.memory_space<vmem>> -> memref<1x128x64xf32, #tpu.memory_space<vmem>>
    %dma_wait3A_598 = tpu.memref_squeeze %dma_wait3A_597 : memref<1x128x64xf32, #tpu.memory_space<vmem>> -> memref<128x64xf32, #tpu.memory_space<vmem>>
    %dma_wait3A_599 = arith.constant 0 : i32
    %dma_wait3A_600 = tpu.memref_slice %arg7[%dma_wait3A_593, %dma_wait3A_599] : memref<160x128xi32, #tpu.memory_space<vmem>> -> memref<1x128xi32, #tpu.memory_space<vmem>>
    %dma_wait3A_601 = tpu.memref_squeeze %dma_wait3A_600 : memref<1x128xi32, #tpu.memory_space<vmem>> -> memref<128xi32, #tpu.memory_space<vmem>>
    %dma_wait3A_602 = arith.constant 0 : i32
    %dma_wait3A_603 = arith.constant 0 : i32
    %dma_wait3A_604 = tpu.memref_slice %arg10[%dma_wait3A_602, %dma_wait3A_603] : memref<10240x64xf32, #tpu.memory_space<vmem_shared>> -> memref<10240x64xf32, #tpu.memory_space<vmem_shared>>
    %dma_wait3A_605 = tpu.memref_slice %arg12[%dma_wait3A_594] : memref<5x!tpu.dma_semaphore, #tpu.memory_space<semaphore_mem>> -> memref<1x!tpu.dma_semaphore, #tpu.memory_space<semaphore_mem>>
    %dma_wait3A_606 = tpu.memref_squeeze %dma_wait3A_605 : memref<1x!tpu.dma_semaphore, #tpu.memory_space<semaphore_mem>> -> memref<!tpu.dma_semaphore, #tpu.memory_space<semaphore_mem>>
    tpu.wait_indirect_dma semaphore(%dma_wait3A_606 : memref<!tpu.dma_semaphore, #tpu.memory_space<semaphore_mem>>) src(%dma_wait3A_598 : memref<128x64xf32, #tpu.memory_space<vmem>>) dst(%dma_wait3A_604 : memref<10240x64xf32, #tpu.memory_space<vmem_shared>>)
    %dma_wait3A_607 = arith.constant 2 : i32
    %dma_wait3A_608 = arith.constant 0 : i32
    %dma_wait3A_609 = arith.constant 2 : i32
    %dma_wait3A_610 = arith.constant 0 : i32
    %dma_wait3A_611 = arith.constant 0 : i32
    %dma_wait3A_612 = tpu.memref_slice %arg8[%dma_wait3A_607, %dma_wait3A_610, %dma_wait3A_611] : memref<5x128x64xf32, #tpu.memory_space<vmem>> -> memref<1x128x64xf32, #tpu.memory_space<vmem>>
    %dma_wait3A_613 = tpu.memref_squeeze %dma_wait3A_612 : memref<1x128x64xf32, #tpu.memory_space<vmem>> -> memref<128x64xf32, #tpu.memory_space<vmem>>
    %dma_wait3A_614 = arith.constant 0 : i32
    %dma_wait3A_615 = tpu.memref_slice %arg7[%dma_wait3A_608, %dma_wait3A_614] : memref<160x128xi32, #tpu.memory_space<vmem>> -> memref<1x128xi32, #tpu.memory_space<vmem>>
    %dma_wait3A_616 = tpu.memref_squeeze %dma_wait3A_615 : memref<1x128xi32, #tpu.memory_space<vmem>> -> memref<128xi32, #tpu.memory_space<vmem>>
    %dma_wait3A_617 = arith.constant 0 : i32
    %dma_wait3A_618 = arith.constant 0 : i32
    %dma_wait3A_619 = tpu.memref_slice %arg10[%dma_wait3A_617, %dma_wait3A_618] : memref<10240x64xf32, #tpu.memory_space<vmem_shared>> -> memref<10240x64xf32, #tpu.memory_space<vmem_shared>>
    %dma_wait3A_620 = tpu.memref_slice %arg12[%dma_wait3A_609] : memref<5x!tpu.dma_semaphore, #tpu.memory_space<semaphore_mem>> -> memref<1x!tpu.dma_semaphore, #tpu.memory_space<semaphore_mem>>
    %dma_wait3A_621 = tpu.memref_squeeze %dma_wait3A_620 : memref<1x!tpu.dma_semaphore, #tpu.memory_space<semaphore_mem>> -> memref<!tpu.dma_semaphore, #tpu.memory_space<semaphore_mem>>
    tpu.wait_indirect_dma semaphore(%dma_wait3A_621 : memref<!tpu.dma_semaphore, #tpu.memory_space<semaphore_mem>>) src(%dma_wait3A_613 : memref<128x64xf32, #tpu.memory_space<vmem>>) dst(%dma_wait3A_619 : memref<10240x64xf32, #tpu.memory_space<vmem_shared>>)
    %dma_wait3A_622 = arith.constant 3 : i32
    %dma_wait3A_623 = arith.constant 0 : i32
    %dma_wait3A_624 = arith.constant 3 : i32
    %dma_wait3A_625 = arith.constant 0 : i32
    %dma_wait3A_626 = arith.constant 0 : i32
    %dma_wait3A_627 = tpu.memref_slice %arg8[%dma_wait3A_622, %dma_wait3A_625, %dma_wait3A_626] : memref<5x128x64xf32, #tpu.memory_space<vmem>> -> memref<1x128x64xf32, #tpu.memory_space<vmem>>
    %dma_wait3A_628 = tpu.memref_squeeze %dma_wait3A_627 : memref<1x128x64xf32, #tpu.memory_space<vmem>> -> memref<128x64xf32, #tpu.memory_space<vmem>>
    %dma_wait3A_629 = arith.constant 0 : i32
    %dma_wait3A_630 = tpu.memref_slice %arg7[%dma_wait3A_623, %dma_wait3A_629] : memref<160x128xi32, #tpu.memory_space<vmem>> -> memref<1x128xi32, #tpu.memory_space<vmem>>
    %dma_wait3A_631 = tpu.memref_squeeze %dma_wait3A_630 : memref<1x128xi32, #tpu.memory_space<vmem>> -> memref<128xi32, #tpu.memory_space<vmem>>
    %dma_wait3A_632 = arith.constant 0 : i32
    %dma_wait3A_633 = arith.constant 0 : i32
    %dma_wait3A_634 = tpu.memref_slice %arg10[%dma_wait3A_632, %dma_wait3A_633] : memref<10240x64xf32, #tpu.memory_space<vmem_shared>> -> memref<10240x64xf32, #tpu.memory_space<vmem_shared>>
    %dma_wait3A_635 = tpu.memref_slice %arg12[%dma_wait3A_624] : memref<5x!tpu.dma_semaphore, #tpu.memory_space<semaphore_mem>> -> memref<1x!tpu.dma_semaphore, #tpu.memory_space<semaphore_mem>>
    %dma_wait3A_636 = tpu.memref_squeeze %dma_wait3A_635 : memref<1x!tpu.dma_semaphore, #tpu.memory_space<semaphore_mem>> -> memref<!tpu.dma_semaphore, #tpu.memory_space<semaphore_mem>>
    tpu.wait_indirect_dma semaphore(%dma_wait3A_636 : memref<!tpu.dma_semaphore, #tpu.memory_space<semaphore_mem>>) src(%dma_wait3A_628 : memref<128x64xf32, #tpu.memory_space<vmem>>) dst(%dma_wait3A_634 : memref<10240x64xf32, #tpu.memory_space<vmem_shared>>)
    %dma_wait3A_637 = arith.constant 4 : i32
    %dma_wait3A_638 = arith.constant 0 : i32
    %dma_wait3A_639 = arith.constant 4 : i32
    %dma_wait3A_640 = arith.constant 0 : i32
    %dma_wait3A_641 = arith.constant 0 : i32
    %dma_wait3A_642 = tpu.memref_slice %arg8[%dma_wait3A_637, %dma_wait3A_640, %dma_wait3A_641] : memref<5x128x64xf32, #tpu.memory_space<vmem>> -> memref<1x128x64xf32, #tpu.memory_space<vmem>>
    %dma_wait3A_643 = tpu.memref_squeeze %dma_wait3A_642 : memref<1x128x64xf32, #tpu.memory_space<vmem>> -> memref<128x64xf32, #tpu.memory_space<vmem>>
    %dma_wait3A_644 = arith.constant 0 : i32
    %dma_wait3A_645 = tpu.memref_slice %arg7[%dma_wait3A_638, %dma_wait3A_644] : memref<160x128xi32, #tpu.memory_space<vmem>> -> memref<1x128xi32, #tpu.memory_space<vmem>>
    %dma_wait3A_646 = tpu.memref_squeeze %dma_wait3A_645 : memref<1x128xi32, #tpu.memory_space<vmem>> -> memref<128xi32, #tpu.memory_space<vmem>>
    %dma_wait3A_647 = arith.constant 0 : i32
    %dma_wait3A_648 = arith.constant 0 : i32
    %dma_wait3A_649 = tpu.memref_slice %arg10[%dma_wait3A_647, %dma_wait3A_648] : memref<10240x64xf32, #tpu.memory_space<vmem_shared>> -> memref<10240x64xf32, #tpu.memory_space<vmem_shared>>
    %dma_wait3A_650 = tpu.memref_slice %arg12[%dma_wait3A_639] : memref<5x!tpu.dma_semaphore, #tpu.memory_space<semaphore_mem>> -> memref<1x!tpu.dma_semaphore, #tpu.memory_space<semaphore_mem>>
    %dma_wait3A_651 = tpu.memref_squeeze %dma_wait3A_650 : memref<1x!tpu.dma_semaphore, #tpu.memory_space<semaphore_mem>> -> memref<!tpu.dma_semaphore, #tpu.memory_space<semaphore_mem>>
    tpu.wait_indirect_dma semaphore(%dma_wait3A_651 : memref<!tpu.dma_semaphore, #tpu.memory_space<semaphore_mem>>) src(%dma_wait3A_643 : memref<128x64xf32, #tpu.memory_space<vmem>>) dst(%dma_wait3A_649 : memref<10240x64xf32, #tpu.memory_space<vmem_shared>>)
    %barrier3A_652 = arith.constant 0 : index
    tpu.barrier barrier_id(%barrier3A_652)
    %add3A_653 = arith.constant 0 : i32
    %add3A_654 = arith.addi %mul3A_0, %add3A_653 : i32
    %dma_start3A_655 = arith.constant 0 : i32
    %dma_start3A_656 = arith.constant 0 : i32
    %dma_start3A_657 = arith.constant 0 : i32
    %dma_start3A_658 = arith.constant 0 : i32
    %dma_start3A_659 = tpu.memref_slice %arg8[%dma_start3A_655, %dma_start3A_657, %dma_start3A_658] : memref<5x128x64xf32, #tpu.memory_space<vmem>> -> memref<1x128x64xf32, #tpu.memory_space<vmem>>
    %dma_start3A_660 = tpu.memref_squeeze %dma_start3A_659 : memref<1x128x64xf32, #tpu.memory_space<vmem>> -> memref<128x64xf32, #tpu.memory_space<vmem>>
    %dma_start3A_661 = arith.constant 0 : i32
    %dma_start3A_662 = tpu.memref_slice %arg10[%add3A_654, %dma_start3A_661] : memref<10240x64xf32, #tpu.memory_space<vmem_shared>> -> memref<128x64xf32, #tpu.memory_space<vmem_shared>>
    %dma_start3A_663 = tpu.memref_slice %arg11[%dma_start3A_656] : memref<5x!tpu.dma_semaphore, #tpu.memory_space<semaphore_mem>> -> memref<1x!tpu.dma_semaphore, #tpu.memory_space<semaphore_mem>>
    %dma_start3A_664 = tpu.memref_squeeze %dma_start3A_663 : memref<1x!tpu.dma_semaphore, #tpu.memory_space<semaphore_mem>> -> memref<!tpu.dma_semaphore, #tpu.memory_space<semaphore_mem>>
    %dma_start3A_665 = arith.constant 0 : i32
    %dma_start3A_666 = arith.constant 0 : i32
    %dma_start3A_667 = tpu.memref_slice %arg8[%dma_start3A_655, %dma_start3A_665, %dma_start3A_666] : memref<5x128x64xf32, #tpu.memory_space<vmem>> -> memref<1x128x64xf32, #tpu.memory_space<vmem>>
    %dma_start3A_668 = tpu.memref_squeeze %dma_start3A_667 : memref<1x128x64xf32, #tpu.memory_space<vmem>> -> memref<128x64xf32, #tpu.memory_space<vmem>>
    %dma_start3A_669 = arith.constant 0 : i32
    %dma_start3A_670 = tpu.memref_slice %arg10[%add3A_654, %dma_start3A_669] : memref<10240x64xf32, #tpu.memory_space<vmem_shared>> -> memref<128x64xf32, #tpu.memory_space<vmem_shared>>
    tpu.enqueue_dma source(%dma_start3A_670 : memref<128x64xf32, #tpu.memory_space<vmem_shared>>) target(%dma_start3A_668 : memref<128x64xf32, #tpu.memory_space<vmem>>) target_semaphore(%dma_start3A_664 : memref<!tpu.dma_semaphore, #tpu.memory_space<semaphore_mem>>)
    %dma_wait3A_671 = arith.constant 0 : i32
    %dma_wait3A_672 = arith.constant 0 : i32
    %dma_wait3A_673 = arith.constant 0 : i32
    %dma_wait3A_674 = arith.constant 0 : i32
    %dma_wait3A_675 = tpu.memref_slice %arg8[%dma_wait3A_671, %dma_wait3A_673, %dma_wait3A_674] : memref<5x128x64xf32, #tpu.memory_space<vmem>> -> memref<1x128x64xf32, #tpu.memory_space<vmem>>
    %dma_wait3A_676 = tpu.memref_squeeze %dma_wait3A_675 : memref<1x128x64xf32, #tpu.memory_space<vmem>> -> memref<128x64xf32, #tpu.memory_space<vmem>>
    %dma_wait3A_677 = arith.constant 0 : i32
    %dma_wait3A_678 = tpu.memref_slice %arg10[%mul3A_0, %dma_wait3A_677] : memref<10240x64xf32, #tpu.memory_space<vmem_shared>> -> memref<128x64xf32, #tpu.memory_space<vmem_shared>>
    %dma_wait3A_679 = tpu.memref_slice %arg11[%dma_wait3A_672] : memref<5x!tpu.dma_semaphore, #tpu.memory_space<semaphore_mem>> -> memref<1x!tpu.dma_semaphore, #tpu.memory_space<semaphore_mem>>
    %dma_wait3A_680 = tpu.memref_squeeze %dma_wait3A_679 : memref<1x!tpu.dma_semaphore, #tpu.memory_space<semaphore_mem>> -> memref<!tpu.dma_semaphore, #tpu.memory_space<semaphore_mem>>
    %dma_wait3A_681 = arith.constant 0 : i32
    %dma_wait3A_682 = arith.constant 0 : i32
    %dma_wait3A_683 = tpu.memref_slice %arg8[%dma_wait3A_671, %dma_wait3A_681, %dma_wait3A_682] : memref<5x128x64xf32, #tpu.memory_space<vmem>> -> memref<1x128x64xf32, #tpu.memory_space<vmem>>
    %dma_wait3A_684 = tpu.memref_squeeze %dma_wait3A_683 : memref<1x128x64xf32, #tpu.memory_space<vmem>> -> memref<128x64xf32, #tpu.memory_space<vmem>>
    %dma_wait3A_685 = arith.constant 0 : i32
    %dma_wait3A_686 = tpu.memref_slice %arg10[%mul3A_0, %dma_wait3A_685] : memref<10240x64xf32, #tpu.memory_space<vmem_shared>> -> memref<128x64xf32, #tpu.memory_space<vmem_shared>>
    tpu.wait_dma2 semaphore(%dma_wait3A_680 : memref<!tpu.dma_semaphore, #tpu.memory_space<semaphore_mem>>) src(%dma_wait3A_686 : memref<128x64xf32, #tpu.memory_space<vmem_shared>>) dst(%dma_wait3A_684 : memref<128x64xf32, #tpu.memory_space<vmem>>)
    %add3A_687 = arith.constant 0 : i32
    %add3A_688 = arith.addi %mul3A_0, %add3A_687 : i32
    %dma_start3A_689 = arith.constant 0 : i32
    %dma_start3A_690 = arith.constant 0 : i32
    %dma_start3A_691 = arith.constant 0 : i32
    %dma_start3A_692 = arith.constant 0 : i32
    %dma_start3A_693 = tpu.memref_slice %arg8[%dma_start3A_689, %dma_start3A_691, %dma_start3A_692] : memref<5x128x64xf32, #tpu.memory_space<vmem>> -> memref<1x128x64xf32, #tpu.memory_space<vmem>>
    %dma_start3A_694 = tpu.memref_squeeze %dma_start3A_693 : memref<1x128x64xf32, #tpu.memory_space<vmem>> -> memref<128x64xf32, #tpu.memory_space<vmem>>
    %dma_start3A_695 = arith.constant 0 : i32
    %dma_start3A_696 = tpu.memref_slice %arg5[%arg0, %add3A_688, %dma_start3A_695] : memref<2x10240x64xf32, #tpu.memory_space<hbm>> -> memref<1x128x64xf32, #tpu.memory_space<hbm>>
    %dma_start3A_697 = tpu.memref_squeeze %dma_start3A_696 : memref<1x128x64xf32, #tpu.memory_space<hbm>> -> memref<128x64xf32, #tpu.memory_space<hbm>>
    %dma_start3A_698 = tpu.memref_slice %arg12[%dma_start3A_690] : memref<5x!tpu.dma_semaphore, #tpu.memory_space<semaphore_mem>> -> memref<1x!tpu.dma_semaphore, #tpu.memory_space<semaphore_mem>>
    %dma_start3A_699 = tpu.memref_squeeze %dma_start3A_698 : memref<1x!tpu.dma_semaphore, #tpu.memory_space<semaphore_mem>> -> memref<!tpu.dma_semaphore, #tpu.memory_space<semaphore_mem>>
    %dma_start3A_700 = arith.constant 0 : i32
    %dma_start3A_701 = tpu.memref_slice %arg5[%arg0, %add3A_688, %dma_start3A_700] : memref<2x10240x64xf32, #tpu.memory_space<hbm>> -> memref<1x128x64xf32, #tpu.memory_space<hbm>>
    %dma_start3A_702 = tpu.memref_squeeze %dma_start3A_701 : memref<1x128x64xf32, #tpu.memory_space<hbm>> -> memref<128x64xf32, #tpu.memory_space<hbm>>
    %dma_start3A_703 = arith.constant 0 : i32
    %dma_start3A_704 = arith.constant 0 : i32
    %dma_start3A_705 = tpu.memref_slice %arg8[%dma_start3A_689, %dma_start3A_703, %dma_start3A_704] : memref<5x128x64xf32, #tpu.memory_space<vmem>> -> memref<1x128x64xf32, #tpu.memory_space<vmem>>
    %dma_start3A_706 = tpu.memref_squeeze %dma_start3A_705 : memref<1x128x64xf32, #tpu.memory_space<vmem>> -> memref<128x64xf32, #tpu.memory_space<vmem>>
    tpu.enqueue_dma source(%dma_start3A_706 : memref<128x64xf32, #tpu.memory_space<vmem>>) target(%dma_start3A_702 : memref<128x64xf32, #tpu.memory_space<hbm>>) target_semaphore(%dma_start3A_699 : memref<!tpu.dma_semaphore, #tpu.memory_space<semaphore_mem>>)
    %add3A_707 = arith.constant 128 : i32
    %add3A_708 = arith.addi %mul3A_0, %add3A_707 : i32
    %dma_start3A_709 = arith.constant 1 : i32
    %dma_start3A_710 = arith.constant 1 : i32
    %dma_start3A_711 = arith.constant 0 : i32
    %dma_start3A_712 = arith.constant 0 : i32
    %dma_start3A_713 = tpu.memref_slice %arg8[%dma_start3A_709, %dma_start3A_711, %dma_start3A_712] : memref<5x128x64xf32, #tpu.memory_space<vmem>> -> memref<1x128x64xf32, #tpu.memory_space<vmem>>
    %dma_start3A_714 = tpu.memref_squeeze %dma_start3A_713 : memref<1x128x64xf32, #tpu.memory_space<vmem>> -> memref<128x64xf32, #tpu.memory_space<vmem>>
    %dma_start3A_715 = arith.constant 0 : i32
    %dma_start3A_716 = tpu.memref_slice %arg10[%add3A_708, %dma_start3A_715] : memref<10240x64xf32, #tpu.memory_space<vmem_shared>> -> memref<128x64xf32, #tpu.memory_space<vmem_shared>>
    %dma_start3A_717 = tpu.memref_slice %arg11[%dma_start3A_710] : memref<5x!tpu.dma_semaphore, #tpu.memory_space<semaphore_mem>> -> memref<1x!tpu.dma_semaphore, #tpu.memory_space<semaphore_mem>>
    %dma_start3A_718 = tpu.memref_squeeze %dma_start3A_717 : memref<1x!tpu.dma_semaphore, #tpu.memory_space<semaphore_mem>> -> memref<!tpu.dma_semaphore, #tpu.memory_space<semaphore_mem>>
    %dma_start3A_719 = arith.constant 0 : i32
    %dma_start3A_720 = arith.constant 0 : i32
    %dma_start3A_721 = tpu.memref_slice %arg8[%dma_start3A_709, %dma_start3A_719, %dma_start3A_720] : memref<5x128x64xf32, #tpu.memory_space<vmem>> -> memref<1x128x64xf32, #tpu.memory_space<vmem>>
    %dma_start3A_722 = tpu.memref_squeeze %dma_start3A_721 : memref<1x128x64xf32, #tpu.memory_space<vmem>> -> memref<128x64xf32, #tpu.memory_space<vmem>>
    %dma_start3A_723 = arith.constant 0 : i32
    %dma_start3A_724 = tpu.memref_slice %arg10[%add3A_708, %dma_start3A_723] : memref<10240x64xf32, #tpu.memory_space<vmem_shared>> -> memref<128x64xf32, #tpu.memory_space<vmem_shared>>
    tpu.enqueue_dma source(%dma_start3A_724 : memref<128x64xf32, #tpu.memory_space<vmem_shared>>) target(%dma_start3A_722 : memref<128x64xf32, #tpu.memory_space<vmem>>) target_semaphore(%dma_start3A_718 : memref<!tpu.dma_semaphore, #tpu.memory_space<semaphore_mem>>)
    %dma_wait3A_725 = arith.constant 1 : i32
    %dma_wait3A_726 = arith.constant 1 : i32
    %dma_wait3A_727 = arith.constant 0 : i32
    %dma_wait3A_728 = arith.constant 0 : i32
    %dma_wait3A_729 = tpu.memref_slice %arg8[%dma_wait3A_725, %dma_wait3A_727, %dma_wait3A_728] : memref<5x128x64xf32, #tpu.memory_space<vmem>> -> memref<1x128x64xf32, #tpu.memory_space<vmem>>
    %dma_wait3A_730 = tpu.memref_squeeze %dma_wait3A_729 : memref<1x128x64xf32, #tpu.memory_space<vmem>> -> memref<128x64xf32, #tpu.memory_space<vmem>>
    %dma_wait3A_731 = arith.constant 0 : i32
    %dma_wait3A_732 = tpu.memref_slice %arg10[%mul3A_0, %dma_wait3A_731] : memref<10240x64xf32, #tpu.memory_space<vmem_shared>> -> memref<128x64xf32, #tpu.memory_space<vmem_shared>>
    %dma_wait3A_733 = tpu.memref_slice %arg11[%dma_wait3A_726] : memref<5x!tpu.dma_semaphore, #tpu.memory_space<semaphore_mem>> -> memref<1x!tpu.dma_semaphore, #tpu.memory_space<semaphore_mem>>
    %dma_wait3A_734 = tpu.memref_squeeze %dma_wait3A_733 : memref<1x!tpu.dma_semaphore, #tpu.memory_space<semaphore_mem>> -> memref<!tpu.dma_semaphore, #tpu.memory_space<semaphore_mem>>
    %dma_wait3A_735 = arith.constant 0 : i32
    %dma_wait3A_736 = arith.constant 0 : i32
    %dma_wait3A_737 = tpu.memref_slice %arg8[%dma_wait3A_725, %dma_wait3A_735, %dma_wait3A_736] : memref<5x128x64xf32, #tpu.memory_space<vmem>> -> memref<1x128x64xf32, #tpu.memory_space<vmem>>
    %dma_wait3A_738 = tpu.memref_squeeze %dma_wait3A_737 : memref<1x128x64xf32, #tpu.memory_space<vmem>> -> memref<128x64xf32, #tpu.memory_space<vmem>>
    %dma_wait3A_739 = arith.constant 0 : i32
    %dma_wait3A_740 = tpu.memref_slice %arg10[%mul3A_0, %dma_wait3A_739] : memref<10240x64xf32, #tpu.memory_space<vmem_shared>> -> memref<128x64xf32, #tpu.memory_space<vmem_shared>>
    tpu.wait_dma2 semaphore(%dma_wait3A_734 : memref<!tpu.dma_semaphore, #tpu.memory_space<semaphore_mem>>) src(%dma_wait3A_740 : memref<128x64xf32, #tpu.memory_space<vmem_shared>>) dst(%dma_wait3A_738 : memref<128x64xf32, #tpu.memory_space<vmem>>)
    %add3A_741 = arith.constant 128 : i32
    %add3A_742 = arith.addi %mul3A_0, %add3A_741 : i32
    %dma_start3A_743 = arith.constant 1 : i32
    %dma_start3A_744 = arith.constant 1 : i32
    %dma_start3A_745 = arith.constant 0 : i32
    %dma_start3A_746 = arith.constant 0 : i32
    %dma_start3A_747 = tpu.memref_slice %arg8[%dma_start3A_743, %dma_start3A_745, %dma_start3A_746] : memref<5x128x64xf32, #tpu.memory_space<vmem>> -> memref<1x128x64xf32, #tpu.memory_space<vmem>>
    %dma_start3A_748 = tpu.memref_squeeze %dma_start3A_747 : memref<1x128x64xf32, #tpu.memory_space<vmem>> -> memref<128x64xf32, #tpu.memory_space<vmem>>
    %dma_start3A_749 = arith.constant 0 : i32
    %dma_start3A_750 = tpu.memref_slice %arg5[%arg0, %add3A_742, %dma_start3A_749] : memref<2x10240x64xf32, #tpu.memory_space<hbm>> -> memref<1x128x64xf32, #tpu.memory_space<hbm>>
    %dma_start3A_751 = tpu.memref_squeeze %dma_start3A_750 : memref<1x128x64xf32, #tpu.memory_space<hbm>> -> memref<128x64xf32, #tpu.memory_space<hbm>>
    %dma_start3A_752 = tpu.memref_slice %arg12[%dma_start3A_744] : memref<5x!tpu.dma_semaphore, #tpu.memory_space<semaphore_mem>> -> memref<1x!tpu.dma_semaphore, #tpu.memory_space<semaphore_mem>>
    %dma_start3A_753 = tpu.memref_squeeze %dma_start3A_752 : memref<1x!tpu.dma_semaphore, #tpu.memory_space<semaphore_mem>> -> memref<!tpu.dma_semaphore, #tpu.memory_space<semaphore_mem>>
    %dma_start3A_754 = arith.constant 0 : i32
    %dma_start3A_755 = tpu.memref_slice %arg5[%arg0, %add3A_742, %dma_start3A_754] : memref<2x10240x64xf32, #tpu.memory_space<hbm>> -> memref<1x128x64xf32, #tpu.memory_space<hbm>>
    %dma_start3A_756 = tpu.memref_squeeze %dma_start3A_755 : memref<1x128x64xf32, #tpu.memory_space<hbm>> -> memref<128x64xf32, #tpu.memory_space<hbm>>
    %dma_start3A_757 = arith.constant 0 : i32
    %dma_start3A_758 = arith.constant 0 : i32
    %dma_start3A_759 = tpu.memref_slice %arg8[%dma_start3A_743, %dma_start3A_757, %dma_start3A_758] : memref<5x128x64xf32, #tpu.memory_space<vmem>> -> memref<1x128x64xf32, #tpu.memory_space<vmem>>
    %dma_start3A_760 = tpu.memref_squeeze %dma_start3A_759 : memref<1x128x64xf32, #tpu.memory_space<vmem>> -> memref<128x64xf32, #tpu.memory_space<vmem>>
    tpu.enqueue_dma source(%dma_start3A_760 : memref<128x64xf32, #tpu.memory_space<vmem>>) target(%dma_start3A_756 : memref<128x64xf32, #tpu.memory_space<hbm>>) target_semaphore(%dma_start3A_753 : memref<!tpu.dma_semaphore, #tpu.memory_space<semaphore_mem>>)
    %add3A_761 = arith.constant 256 : i32
    %add3A_762 = arith.addi %mul3A_0, %add3A_761 : i32
    %dma_start3A_763 = arith.constant 2 : i32
    %dma_start3A_764 = arith.constant 2 : i32
    %dma_start3A_765 = arith.constant 0 : i32
    %dma_start3A_766 = arith.constant 0 : i32
    %dma_start3A_767 = tpu.memref_slice %arg8[%dma_start3A_763, %dma_start3A_765, %dma_start3A_766] : memref<5x128x64xf32, #tpu.memory_space<vmem>> -> memref<1x128x64xf32, #tpu.memory_space<vmem>>
    %dma_start3A_768 = tpu.memref_squeeze %dma_start3A_767 : memref<1x128x64xf32, #tpu.memory_space<vmem>> -> memref<128x64xf32, #tpu.memory_space<vmem>>
    %dma_start3A_769 = arith.constant 0 : i32
    %dma_start3A_770 = tpu.memref_slice %arg10[%add3A_762, %dma_start3A_769] : memref<10240x64xf32, #tpu.memory_space<vmem_shared>> -> memref<128x64xf32, #tpu.memory_space<vmem_shared>>
    %dma_start3A_771 = tpu.memref_slice %arg11[%dma_start3A_764] : memref<5x!tpu.dma_semaphore, #tpu.memory_space<semaphore_mem>> -> memref<1x!tpu.dma_semaphore, #tpu.memory_space<semaphore_mem>>
    %dma_start3A_772 = tpu.memref_squeeze %dma_start3A_771 : memref<1x!tpu.dma_semaphore, #tpu.memory_space<semaphore_mem>> -> memref<!tpu.dma_semaphore, #tpu.memory_space<semaphore_mem>>
    %dma_start3A_773 = arith.constant 0 : i32
    %dma_start3A_774 = arith.constant 0 : i32
    %dma_start3A_775 = tpu.memref_slice %arg8[%dma_start3A_763, %dma_start3A_773, %dma_start3A_774] : memref<5x128x64xf32, #tpu.memory_space<vmem>> -> memref<1x128x64xf32, #tpu.memory_space<vmem>>
    %dma_start3A_776 = tpu.memref_squeeze %dma_start3A_775 : memref<1x128x64xf32, #tpu.memory_space<vmem>> -> memref<128x64xf32, #tpu.memory_space<vmem>>
    %dma_start3A_777 = arith.constant 0 : i32
    %dma_start3A_778 = tpu.memref_slice %arg10[%add3A_762, %dma_start3A_777] : memref<10240x64xf32, #tpu.memory_space<vmem_shared>> -> memref<128x64xf32, #tpu.memory_space<vmem_shared>>
    tpu.enqueue_dma source(%dma_start3A_778 : memref<128x64xf32, #tpu.memory_space<vmem_shared>>) target(%dma_start3A_776 : memref<128x64xf32, #tpu.memory_space<vmem>>) target_semaphore(%dma_start3A_772 : memref<!tpu.dma_semaphore, #tpu.memory_space<semaphore_mem>>)
    %dma_wait3A_779 = arith.constant 2 : i32
    %dma_wait3A_780 = arith.constant 2 : i32
    %dma_wait3A_781 = arith.constant 0 : i32
    %dma_wait3A_782 = arith.constant 0 : i32
    %dma_wait3A_783 = tpu.memref_slice %arg8[%dma_wait3A_779, %dma_wait3A_781, %dma_wait3A_782] : memref<5x128x64xf32, #tpu.memory_space<vmem>> -> memref<1x128x64xf32, #tpu.memory_space<vmem>>
    %dma_wait3A_784 = tpu.memref_squeeze %dma_wait3A_783 : memref<1x128x64xf32, #tpu.memory_space<vmem>> -> memref<128x64xf32, #tpu.memory_space<vmem>>
    %dma_wait3A_785 = arith.constant 0 : i32
    %dma_wait3A_786 = tpu.memref_slice %arg10[%mul3A_0, %dma_wait3A_785] : memref<10240x64xf32, #tpu.memory_space<vmem_shared>> -> memref<128x64xf32, #tpu.memory_space<vmem_shared>>
    %dma_wait3A_787 = tpu.memref_slice %arg11[%dma_wait3A_780] : memref<5x!tpu.dma_semaphore, #tpu.memory_space<semaphore_mem>> -> memref<1x!tpu.dma_semaphore, #tpu.memory_space<semaphore_mem>>
    %dma_wait3A_788 = tpu.memref_squeeze %dma_wait3A_787 : memref<1x!tpu.dma_semaphore, #tpu.memory_space<semaphore_mem>> -> memref<!tpu.dma_semaphore, #tpu.memory_space<semaphore_mem>>
    %dma_wait3A_789 = arith.constant 0 : i32
    %dma_wait3A_790 = arith.constant 0 : i32
    %dma_wait3A_791 = tpu.memref_slice %arg8[%dma_wait3A_779, %dma_wait3A_789, %dma_wait3A_790] : memref<5x128x64xf32, #tpu.memory_space<vmem>> -> memref<1x128x64xf32, #tpu.memory_space<vmem>>
    %dma_wait3A_792 = tpu.memref_squeeze %dma_wait3A_791 : memref<1x128x64xf32, #tpu.memory_space<vmem>> -> memref<128x64xf32, #tpu.memory_space<vmem>>
    %dma_wait3A_793 = arith.constant 0 : i32
    %dma_wait3A_794 = tpu.memref_slice %arg10[%mul3A_0, %dma_wait3A_793] : memref<10240x64xf32, #tpu.memory_space<vmem_shared>> -> memref<128x64xf32, #tpu.memory_space<vmem_shared>>
    tpu.wait_dma2 semaphore(%dma_wait3A_788 : memref<!tpu.dma_semaphore, #tpu.memory_space<semaphore_mem>>) src(%dma_wait3A_794 : memref<128x64xf32, #tpu.memory_space<vmem_shared>>) dst(%dma_wait3A_792 : memref<128x64xf32, #tpu.memory_space<vmem>>)
    %add3A_795 = arith.constant 256 : i32
    %add3A_796 = arith.addi %mul3A_0, %add3A_795 : i32
    %dma_start3A_797 = arith.constant 2 : i32
    %dma_start3A_798 = arith.constant 2 : i32
    %dma_start3A_799 = arith.constant 0 : i32
    %dma_start3A_800 = arith.constant 0 : i32
    %dma_start3A_801 = tpu.memref_slice %arg8[%dma_start3A_797, %dma_start3A_799, %dma_start3A_800] : memref<5x128x64xf32, #tpu.memory_space<vmem>> -> memref<1x128x64xf32, #tpu.memory_space<vmem>>
    %dma_start3A_802 = tpu.memref_squeeze %dma_start3A_801 : memref<1x128x64xf32, #tpu.memory_space<vmem>> -> memref<128x64xf32, #tpu.memory_space<vmem>>
    %dma_start3A_803 = arith.constant 0 : i32
    %dma_start3A_804 = tpu.memref_slice %arg5[%arg0, %add3A_796, %dma_start3A_803] : memref<2x10240x64xf32, #tpu.memory_space<hbm>> -> memref<1x128x64xf32, #tpu.memory_space<hbm>>
    %dma_start3A_805 = tpu.memref_squeeze %dma_start3A_804 : memref<1x128x64xf32, #tpu.memory_space<hbm>> -> memref<128x64xf32, #tpu.memory_space<hbm>>
    %dma_start3A_806 = tpu.memref_slice %arg12[%dma_start3A_798] : memref<5x!tpu.dma_semaphore, #tpu.memory_space<semaphore_mem>> -> memref<1x!tpu.dma_semaphore, #tpu.memory_space<semaphore_mem>>
    %dma_start3A_807 = tpu.memref_squeeze %dma_start3A_806 : memref<1x!tpu.dma_semaphore, #tpu.memory_space<semaphore_mem>> -> memref<!tpu.dma_semaphore, #tpu.memory_space<semaphore_mem>>
    %dma_start3A_808 = arith.constant 0 : i32
    %dma_start3A_809 = tpu.memref_slice %arg5[%arg0, %add3A_796, %dma_start3A_808] : memref<2x10240x64xf32, #tpu.memory_space<hbm>> -> memref<1x128x64xf32, #tpu.memory_space<hbm>>
    %dma_start3A_810 = tpu.memref_squeeze %dma_start3A_809 : memref<1x128x64xf32, #tpu.memory_space<hbm>> -> memref<128x64xf32, #tpu.memory_space<hbm>>
    %dma_start3A_811 = arith.constant 0 : i32
    %dma_start3A_812 = arith.constant 0 : i32
    %dma_start3A_813 = tpu.memref_slice %arg8[%dma_start3A_797, %dma_start3A_811, %dma_start3A_812] : memref<5x128x64xf32, #tpu.memory_space<vmem>> -> memref<1x128x64xf32, #tpu.memory_space<vmem>>
    %dma_start3A_814 = tpu.memref_squeeze %dma_start3A_813 : memref<1x128x64xf32, #tpu.memory_space<vmem>> -> memref<128x64xf32, #tpu.memory_space<vmem>>
    tpu.enqueue_dma source(%dma_start3A_814 : memref<128x64xf32, #tpu.memory_space<vmem>>) target(%dma_start3A_810 : memref<128x64xf32, #tpu.memory_space<hbm>>) target_semaphore(%dma_start3A_807 : memref<!tpu.dma_semaphore, #tpu.memory_space<semaphore_mem>>)
    %add3A_815 = arith.constant 384 : i32
    %add3A_816 = arith.addi %mul3A_0, %add3A_815 : i32
    %dma_start3A_817 = arith.constant 3 : i32
    %dma_start3A_818 = arith.constant 3 : i32
    %dma_start3A_819 = arith.constant 0 : i32
    %dma_start3A_820 = arith.constant 0 : i32
    %dma_start3A_821 = tpu.memref_slice %arg8[%dma_start3A_817, %dma_start3A_819, %dma_start3A_820] : memref<5x128x64xf32, #tpu.memory_space<vmem>> -> memref<1x128x64xf32, #tpu.memory_space<vmem>>
    %dma_start3A_822 = tpu.memref_squeeze %dma_start3A_821 : memref<1x128x64xf32, #tpu.memory_space<vmem>> -> memref<128x64xf32, #tpu.memory_space<vmem>>
    %dma_start3A_823 = arith.constant 0 : i32
    %dma_start3A_824 = tpu.memref_slice %arg10[%add3A_816, %dma_start3A_823] : memref<10240x64xf32, #tpu.memory_space<vmem_shared>> -> memref<128x64xf32, #tpu.memory_space<vmem_shared>>
    %dma_start3A_825 = tpu.memref_slice %arg11[%dma_start3A_818] : memref<5x!tpu.dma_semaphore, #tpu.memory_space<semaphore_mem>> -> memref<1x!tpu.dma_semaphore, #tpu.memory_space<semaphore_mem>>
    %dma_start3A_826 = tpu.memref_squeeze %dma_start3A_825 : memref<1x!tpu.dma_semaphore, #tpu.memory_space<semaphore_mem>> -> memref<!tpu.dma_semaphore, #tpu.memory_space<semaphore_mem>>
    %dma_start3A_827 = arith.constant 0 : i32
    %dma_start3A_828 = arith.constant 0 : i32
    %dma_start3A_829 = tpu.memref_slice %arg8[%dma_start3A_817, %dma_start3A_827, %dma_start3A_828] : memref<5x128x64xf32, #tpu.memory_space<vmem>> -> memref<1x128x64xf32, #tpu.memory_space<vmem>>
    %dma_start3A_830 = tpu.memref_squeeze %dma_start3A_829 : memref<1x128x64xf32, #tpu.memory_space<vmem>> -> memref<128x64xf32, #tpu.memory_space<vmem>>
    %dma_start3A_831 = arith.constant 0 : i32
    %dma_start3A_832 = tpu.memref_slice %arg10[%add3A_816, %dma_start3A_831] : memref<10240x64xf32, #tpu.memory_space<vmem_shared>> -> memref<128x64xf32, #tpu.memory_space<vmem_shared>>
    tpu.enqueue_dma source(%dma_start3A_832 : memref<128x64xf32, #tpu.memory_space<vmem_shared>>) target(%dma_start3A_830 : memref<128x64xf32, #tpu.memory_space<vmem>>) target_semaphore(%dma_start3A_826 : memref<!tpu.dma_semaphore, #tpu.memory_space<semaphore_mem>>)
    %dma_wait3A_833 = arith.constant 3 : i32
    %dma_wait3A_834 = arith.constant 3 : i32
    %dma_wait3A_835 = arith.constant 0 : i32
    %dma_wait3A_836 = arith.constant 0 : i32
    %dma_wait3A_837 = tpu.memref_slice %arg8[%dma_wait3A_833, %dma_wait3A_835, %dma_wait3A_836] : memref<5x128x64xf32, #tpu.memory_space<vmem>> -> memref<1x128x64xf32, #tpu.memory_space<vmem>>
    %dma_wait3A_838 = tpu.memref_squeeze %dma_wait3A_837 : memref<1x128x64xf32, #tpu.memory_space<vmem>> -> memref<128x64xf32, #tpu.memory_space<vmem>>
    %dma_wait3A_839 = arith.constant 0 : i32
    %dma_wait3A_840 = tpu.memref_slice %arg10[%mul3A_0, %dma_wait3A_839] : memref<10240x64xf32, #tpu.memory_space<vmem_shared>> -> memref<128x64xf32, #tpu.memory_space<vmem_shared>>
    %dma_wait3A_841 = tpu.memref_slice %arg11[%dma_wait3A_834] : memref<5x!tpu.dma_semaphore, #tpu.memory_space<semaphore_mem>> -> memref<1x!tpu.dma_semaphore, #tpu.memory_space<semaphore_mem>>
    %dma_wait3A_842 = tpu.memref_squeeze %dma_wait3A_841 : memref<1x!tpu.dma_semaphore, #tpu.memory_space<semaphore_mem>> -> memref<!tpu.dma_semaphore, #tpu.memory_space<semaphore_mem>>
    %dma_wait3A_843 = arith.constant 0 : i32
    %dma_wait3A_844 = arith.constant 0 : i32
    %dma_wait3A_845 = tpu.memref_slice %arg8[%dma_wait3A_833, %dma_wait3A_843, %dma_wait3A_844] : memref<5x128x64xf32, #tpu.memory_space<vmem>> -> memref<1x128x64xf32, #tpu.memory_space<vmem>>
    %dma_wait3A_846 = tpu.memref_squeeze %dma_wait3A_845 : memref<1x128x64xf32, #tpu.memory_space<vmem>> -> memref<128x64xf32, #tpu.memory_space<vmem>>
    %dma_wait3A_847 = arith.constant 0 : i32
    %dma_wait3A_848 = tpu.memref_slice %arg10[%mul3A_0, %dma_wait3A_847] : memref<10240x64xf32, #tpu.memory_space<vmem_shared>> -> memref<128x64xf32, #tpu.memory_space<vmem_shared>>
    tpu.wait_dma2 semaphore(%dma_wait3A_842 : memref<!tpu.dma_semaphore, #tpu.memory_space<semaphore_mem>>) src(%dma_wait3A_848 : memref<128x64xf32, #tpu.memory_space<vmem_shared>>) dst(%dma_wait3A_846 : memref<128x64xf32, #tpu.memory_space<vmem>>)
    %add3A_849 = arith.constant 384 : i32
    %add3A_850 = arith.addi %mul3A_0, %add3A_849 : i32
    %dma_start3A_851 = arith.constant 3 : i32
    %dma_start3A_852 = arith.constant 3 : i32
    %dma_start3A_853 = arith.constant 0 : i32
    %dma_start3A_854 = arith.constant 0 : i32
    %dma_start3A_855 = tpu.memref_slice %arg8[%dma_start3A_851, %dma_start3A_853, %dma_start3A_854] : memref<5x128x64xf32, #tpu.memory_space<vmem>> -> memref<1x128x64xf32, #tpu.memory_space<vmem>>
    %dma_start3A_856 = tpu.memref_squeeze %dma_start3A_855 : memref<1x128x64xf32, #tpu.memory_space<vmem>> -> memref<128x64xf32, #tpu.memory_space<vmem>>
    %dma_start3A_857 = arith.constant 0 : i32
    %dma_start3A_858 = tpu.memref_slice %arg5[%arg0, %add3A_850, %dma_start3A_857] : memref<2x10240x64xf32, #tpu.memory_space<hbm>> -> memref<1x128x64xf32, #tpu.memory_space<hbm>>
    %dma_start3A_859 = tpu.memref_squeeze %dma_start3A_858 : memref<1x128x64xf32, #tpu.memory_space<hbm>> -> memref<128x64xf32, #tpu.memory_space<hbm>>
    %dma_start3A_860 = tpu.memref_slice %arg12[%dma_start3A_852] : memref<5x!tpu.dma_semaphore, #tpu.memory_space<semaphore_mem>> -> memref<1x!tpu.dma_semaphore, #tpu.memory_space<semaphore_mem>>
    %dma_start3A_861 = tpu.memref_squeeze %dma_start3A_860 : memref<1x!tpu.dma_semaphore, #tpu.memory_space<semaphore_mem>> -> memref<!tpu.dma_semaphore, #tpu.memory_space<semaphore_mem>>
    %dma_start3A_862 = arith.constant 0 : i32
    %dma_start3A_863 = tpu.memref_slice %arg5[%arg0, %add3A_850, %dma_start3A_862] : memref<2x10240x64xf32, #tpu.memory_space<hbm>> -> memref<1x128x64xf32, #tpu.memory_space<hbm>>
    %dma_start3A_864 = tpu.memref_squeeze %dma_start3A_863 : memref<1x128x64xf32, #tpu.memory_space<hbm>> -> memref<128x64xf32, #tpu.memory_space<hbm>>
    %dma_start3A_865 = arith.constant 0 : i32
    %dma_start3A_866 = arith.constant 0 : i32
    %dma_start3A_867 = tpu.memref_slice %arg8[%dma_start3A_851, %dma_start3A_865, %dma_start3A_866] : memref<5x128x64xf32, #tpu.memory_space<vmem>> -> memref<1x128x64xf32, #tpu.memory_space<vmem>>
    %dma_start3A_868 = tpu.memref_squeeze %dma_start3A_867 : memref<1x128x64xf32, #tpu.memory_space<vmem>> -> memref<128x64xf32, #tpu.memory_space<vmem>>
    tpu.enqueue_dma source(%dma_start3A_868 : memref<128x64xf32, #tpu.memory_space<vmem>>) target(%dma_start3A_864 : memref<128x64xf32, #tpu.memory_space<hbm>>) target_semaphore(%dma_start3A_861 : memref<!tpu.dma_semaphore, #tpu.memory_space<semaphore_mem>>)
    %add3A_869 = arith.constant 512 : i32
    %add3A_870 = arith.addi %mul3A_0, %add3A_869 : i32
    %dma_start3A_871 = arith.constant 4 : i32
    %dma_start3A_872 = arith.constant 4 : i32
    %dma_start3A_873 = arith.constant 0 : i32
    %dma_start3A_874 = arith.constant 0 : i32
    %dma_start3A_875 = tpu.memref_slice %arg8[%dma_start3A_871, %dma_start3A_873, %dma_start3A_874] : memref<5x128x64xf32, #tpu.memory_space<vmem>> -> memref<1x128x64xf32, #tpu.memory_space<vmem>>
    %dma_start3A_876 = tpu.memref_squeeze %dma_start3A_875 : memref<1x128x64xf32, #tpu.memory_space<vmem>> -> memref<128x64xf32, #tpu.memory_space<vmem>>
    %dma_start3A_877 = arith.constant 0 : i32
    %dma_start3A_878 = tpu.memref_slice %arg10[%add3A_870, %dma_start3A_877] : memref<10240x64xf32, #tpu.memory_space<vmem_shared>> -> memref<128x64xf32, #tpu.memory_space<vmem_shared>>
    %dma_start3A_879 = tpu.memref_slice %arg11[%dma_start3A_872] : memref<5x!tpu.dma_semaphore, #tpu.memory_space<semaphore_mem>> -> memref<1x!tpu.dma_semaphore, #tpu.memory_space<semaphore_mem>>
    %dma_start3A_880 = tpu.memref_squeeze %dma_start3A_879 : memref<1x!tpu.dma_semaphore, #tpu.memory_space<semaphore_mem>> -> memref<!tpu.dma_semaphore, #tpu.memory_space<semaphore_mem>>
    %dma_start3A_881 = arith.constant 0 : i32
    %dma_start3A_882 = arith.constant 0 : i32
    %dma_start3A_883 = tpu.memref_slice %arg8[%dma_start3A_871, %dma_start3A_881, %dma_start3A_882] : memref<5x128x64xf32, #tpu.memory_space<vmem>> -> memref<1x128x64xf32, #tpu.memory_space<vmem>>
    %dma_start3A_884 = tpu.memref_squeeze %dma_start3A_883 : memref<1x128x64xf32, #tpu.memory_space<vmem>> -> memref<128x64xf32, #tpu.memory_space<vmem>>
    %dma_start3A_885 = arith.constant 0 : i32
    %dma_start3A_886 = tpu.memref_slice %arg10[%add3A_870, %dma_start3A_885] : memref<10240x64xf32, #tpu.memory_space<vmem_shared>> -> memref<128x64xf32, #tpu.memory_space<vmem_shared>>
    tpu.enqueue_dma source(%dma_start3A_886 : memref<128x64xf32, #tpu.memory_space<vmem_shared>>) target(%dma_start3A_884 : memref<128x64xf32, #tpu.memory_space<vmem>>) target_semaphore(%dma_start3A_880 : memref<!tpu.dma_semaphore, #tpu.memory_space<semaphore_mem>>)
    %dma_wait3A_887 = arith.constant 4 : i32
    %dma_wait3A_888 = arith.constant 4 : i32
    %dma_wait3A_889 = arith.constant 0 : i32
    %dma_wait3A_890 = arith.constant 0 : i32
    %dma_wait3A_891 = tpu.memref_slice %arg8[%dma_wait3A_887, %dma_wait3A_889, %dma_wait3A_890] : memref<5x128x64xf32, #tpu.memory_space<vmem>> -> memref<1x128x64xf32, #tpu.memory_space<vmem>>
    %dma_wait3A_892 = tpu.memref_squeeze %dma_wait3A_891 : memref<1x128x64xf32, #tpu.memory_space<vmem>> -> memref<128x64xf32, #tpu.memory_space<vmem>>
    %dma_wait3A_893 = arith.constant 0 : i32
    %dma_wait3A_894 = tpu.memref_slice %arg10[%mul3A_0, %dma_wait3A_893] : memref<10240x64xf32, #tpu.memory_space<vmem_shared>> -> memref<128x64xf32, #tpu.memory_space<vmem_shared>>
    %dma_wait3A_895 = tpu.memref_slice %arg11[%dma_wait3A_888] : memref<5x!tpu.dma_semaphore, #tpu.memory_space<semaphore_mem>> -> memref<1x!tpu.dma_semaphore, #tpu.memory_space<semaphore_mem>>
    %dma_wait3A_896 = tpu.memref_squeeze %dma_wait3A_895 : memref<1x!tpu.dma_semaphore, #tpu.memory_space<semaphore_mem>> -> memref<!tpu.dma_semaphore, #tpu.memory_space<semaphore_mem>>
    %dma_wait3A_897 = arith.constant 0 : i32
    %dma_wait3A_898 = arith.constant 0 : i32
    %dma_wait3A_899 = tpu.memref_slice %arg8[%dma_wait3A_887, %dma_wait3A_897, %dma_wait3A_898] : memref<5x128x64xf32, #tpu.memory_space<vmem>> -> memref<1x128x64xf32, #tpu.memory_space<vmem>>
    %dma_wait3A_900 = tpu.memref_squeeze %dma_wait3A_899 : memref<1x128x64xf32, #tpu.memory_space<vmem>> -> memref<128x64xf32, #tpu.memory_space<vmem>>
    %dma_wait3A_901 = arith.constant 0 : i32
    %dma_wait3A_902 = tpu.memref_slice %arg10[%mul3A_0, %dma_wait3A_901] : memref<10240x64xf32, #tpu.memory_space<vmem_shared>> -> memref<128x64xf32, #tpu.memory_space<vmem_shared>>
    tpu.wait_dma2 semaphore(%dma_wait3A_896 : memref<!tpu.dma_semaphore, #tpu.memory_space<semaphore_mem>>) src(%dma_wait3A_902 : memref<128x64xf32, #tpu.memory_space<vmem_shared>>) dst(%dma_wait3A_900 : memref<128x64xf32, #tpu.memory_space<vmem>>)
    %add3A_903 = arith.constant 512 : i32
    %add3A_904 = arith.addi %mul3A_0, %add3A_903 : i32
    %dma_start3A_905 = arith.constant 4 : i32
    %dma_start3A_906 = arith.constant 4 : i32
    %dma_start3A_907 = arith.constant 0 : i32
    %dma_start3A_908 = arith.constant 0 : i32
    %dma_start3A_909 = tpu.memref_slice %arg8[%dma_start3A_905, %dma_start3A_907, %dma_start3A_908] : memref<5x128x64xf32, #tpu.memory_space<vmem>> -> memref<1x128x64xf32, #tpu.memory_space<vmem>>
    %dma_start3A_910 = tpu.memref_squeeze %dma_start3A_909 : memref<1x128x64xf32, #tpu.memory_space<vmem>> -> memref<128x64xf32, #tpu.memory_space<vmem>>
    %dma_start3A_911 = arith.constant 0 : i32
    %dma_start3A_912 = tpu.memref_slice %arg5[%arg0, %add3A_904, %dma_start3A_911] : memref<2x10240x64xf32, #tpu.memory_space<hbm>> -> memref<1x128x64xf32, #tpu.memory_space<hbm>>
    %dma_start3A_913 = tpu.memref_squeeze %dma_start3A_912 : memref<1x128x64xf32, #tpu.memory_space<hbm>> -> memref<128x64xf32, #tpu.memory_space<hbm>>
    %dma_start3A_914 = tpu.memref_slice %arg12[%dma_start3A_906] : memref<5x!tpu.dma_semaphore, #tpu.memory_space<semaphore_mem>> -> memref<1x!tpu.dma_semaphore, #tpu.memory_space<semaphore_mem>>
    %dma_start3A_915 = tpu.memref_squeeze %dma_start3A_914 : memref<1x!tpu.dma_semaphore, #tpu.memory_space<semaphore_mem>> -> memref<!tpu.dma_semaphore, #tpu.memory_space<semaphore_mem>>
    %dma_start3A_916 = arith.constant 0 : i32
    %dma_start3A_917 = tpu.memref_slice %arg5[%arg0, %add3A_904, %dma_start3A_916] : memref<2x10240x64xf32, #tpu.memory_space<hbm>> -> memref<1x128x64xf32, #tpu.memory_space<hbm>>
    %dma_start3A_918 = tpu.memref_squeeze %dma_start3A_917 : memref<1x128x64xf32, #tpu.memory_space<hbm>> -> memref<128x64xf32, #tpu.memory_space<hbm>>
    %dma_start3A_919 = arith.constant 0 : i32
    %dma_start3A_920 = arith.constant 0 : i32
    %dma_start3A_921 = tpu.memref_slice %arg8[%dma_start3A_905, %dma_start3A_919, %dma_start3A_920] : memref<5x128x64xf32, #tpu.memory_space<vmem>> -> memref<1x128x64xf32, #tpu.memory_space<vmem>>
    %dma_start3A_922 = tpu.memref_squeeze %dma_start3A_921 : memref<1x128x64xf32, #tpu.memory_space<vmem>> -> memref<128x64xf32, #tpu.memory_space<vmem>>
    tpu.enqueue_dma source(%dma_start3A_922 : memref<128x64xf32, #tpu.memory_space<vmem>>) target(%dma_start3A_918 : memref<128x64xf32, #tpu.memory_space<hbm>>) target_semaphore(%dma_start3A_915 : memref<!tpu.dma_semaphore, #tpu.memory_space<semaphore_mem>>)
    %dma_wait3A_923 = arith.constant 0 : i32
    %dma_wait3A_924 = arith.constant 0 : i32
    %dma_wait3A_925 = arith.constant 0 : i32
    %dma_wait3A_926 = arith.constant 0 : i32
    %dma_wait3A_927 = tpu.memref_slice %arg8[%dma_wait3A_923, %dma_wait3A_925, %dma_wait3A_926] : memref<5x128x64xf32, #tpu.memory_space<vmem>> -> memref<1x128x64xf32, #tpu.memory_space<vmem>>
    %dma_wait3A_928 = tpu.memref_squeeze %dma_wait3A_927 : memref<1x128x64xf32, #tpu.memory_space<vmem>> -> memref<128x64xf32, #tpu.memory_space<vmem>>
    %dma_wait3A_929 = arith.constant 0 : i32
    %dma_wait3A_930 = tpu.memref_slice %arg5[%arg0, %mul3A_0, %dma_wait3A_929] : memref<2x10240x64xf32, #tpu.memory_space<hbm>> -> memref<1x128x64xf32, #tpu.memory_space<hbm>>
    %dma_wait3A_931 = tpu.memref_squeeze %dma_wait3A_930 : memref<1x128x64xf32, #tpu.memory_space<hbm>> -> memref<128x64xf32, #tpu.memory_space<hbm>>
    %dma_wait3A_932 = tpu.memref_slice %arg12[%dma_wait3A_924] : memref<5x!tpu.dma_semaphore, #tpu.memory_space<semaphore_mem>> -> memref<1x!tpu.dma_semaphore, #tpu.memory_space<semaphore_mem>>
    %dma_wait3A_933 = tpu.memref_squeeze %dma_wait3A_932 : memref<1x!tpu.dma_semaphore, #tpu.memory_space<semaphore_mem>> -> memref<!tpu.dma_semaphore, #tpu.memory_space<semaphore_mem>>
    %dma_wait3A_934 = arith.constant 0 : i32
    %dma_wait3A_935 = tpu.memref_slice %arg5[%arg0, %mul3A_0, %dma_wait3A_934] : memref<2x10240x64xf32, #tpu.memory_space<hbm>> -> memref<1x128x64xf32, #tpu.memory_space<hbm>>
    %dma_wait3A_936 = tpu.memref_squeeze %dma_wait3A_935 : memref<1x128x64xf32, #tpu.memory_space<hbm>> -> memref<128x64xf32, #tpu.memory_space<hbm>>
    %dma_wait3A_937 = arith.constant 0 : i32
    %dma_wait3A_938 = arith.constant 0 : i32
    %dma_wait3A_939 = tpu.memref_slice %arg8[%dma_wait3A_923, %dma_wait3A_937, %dma_wait3A_938] : memref<5x128x64xf32, #tpu.memory_space<vmem>> -> memref<1x128x64xf32, #tpu.memory_space<vmem>>
    %dma_wait3A_940 = tpu.memref_squeeze %dma_wait3A_939 : memref<1x128x64xf32, #tpu.memory_space<vmem>> -> memref<128x64xf32, #tpu.memory_space<vmem>>
    tpu.wait_dma2 semaphore(%dma_wait3A_933 : memref<!tpu.dma_semaphore, #tpu.memory_space<semaphore_mem>>) src(%dma_wait3A_940 : memref<128x64xf32, #tpu.memory_space<vmem>>) dst(%dma_wait3A_936 : memref<128x64xf32, #tpu.memory_space<hbm>>)
    %dma_wait3A_941 = arith.constant 1 : i32
    %dma_wait3A_942 = arith.constant 1 : i32
    %dma_wait3A_943 = arith.constant 0 : i32
    %dma_wait3A_944 = arith.constant 0 : i32
    %dma_wait3A_945 = tpu.memref_slice %arg8[%dma_wait3A_941, %dma_wait3A_943, %dma_wait3A_944] : memref<5x128x64xf32, #tpu.memory_space<vmem>> -> memref<1x128x64xf32, #tpu.memory_space<vmem>>
    %dma_wait3A_946 = tpu.memref_squeeze %dma_wait3A_945 : memref<1x128x64xf32, #tpu.memory_space<vmem>> -> memref<128x64xf32, #tpu.memory_space<vmem>>
    %dma_wait3A_947 = arith.constant 0 : i32
    %dma_wait3A_948 = tpu.memref_slice %arg5[%arg0, %mul3A_0, %dma_wait3A_947] : memref<2x10240x64xf32, #tpu.memory_space<hbm>> -> memref<1x128x64xf32, #tpu.memory_space<hbm>>
    %dma_wait3A_949 = tpu.memref_squeeze %dma_wait3A_948 : memref<1x128x64xf32, #tpu.memory_space<hbm>> -> memref<128x64xf32, #tpu.memory_space<hbm>>
    %dma_wait3A_950 = tpu.memref_slice %arg12[%dma_wait3A_942] : memref<5x!tpu.dma_semaphore, #tpu.memory_space<semaphore_mem>> -> memref<1x!tpu.dma_semaphore, #tpu.memory_space<semaphore_mem>>
    %dma_wait3A_951 = tpu.memref_squeeze %dma_wait3A_950 : memref<1x!tpu.dma_semaphore, #tpu.memory_space<semaphore_mem>> -> memref<!tpu.dma_semaphore, #tpu.memory_space<semaphore_mem>>
    %dma_wait3A_952 = arith.constant 0 : i32
    %dma_wait3A_953 = tpu.memref_slice %arg5[%arg0, %mul3A_0, %dma_wait3A_952] : memref<2x10240x64xf32, #tpu.memory_space<hbm>> -> memref<1x128x64xf32, #tpu.memory_space<hbm>>
    %dma_wait3A_954 = tpu.memref_squeeze %dma_wait3A_953 : memref<1x128x64xf32, #tpu.memory_space<hbm>> -> memref<128x64xf32, #tpu.memory_space<hbm>>
    %dma_wait3A_955 = arith.constant 0 : i32
    %dma_wait3A_956 = arith.constant 0 : i32
    %dma_wait3A_957 = tpu.memref_slice %arg8[%dma_wait3A_941, %dma_wait3A_955, %dma_wait3A_956] : memref<5x128x64xf32, #tpu.memory_space<vmem>> -> memref<1x128x64xf32, #tpu.memory_space<vmem>>
    %dma_wait3A_958 = tpu.memref_squeeze %dma_wait3A_957 : memref<1x128x64xf32, #tpu.memory_space<vmem>> -> memref<128x64xf32, #tpu.memory_space<vmem>>
    tpu.wait_dma2 semaphore(%dma_wait3A_951 : memref<!tpu.dma_semaphore, #tpu.memory_space<semaphore_mem>>) src(%dma_wait3A_958 : memref<128x64xf32, #tpu.memory_space<vmem>>) dst(%dma_wait3A_954 : memref<128x64xf32, #tpu.memory_space<hbm>>)
    %dma_wait3A_959 = arith.constant 2 : i32
    %dma_wait3A_960 = arith.constant 2 : i32
    %dma_wait3A_961 = arith.constant 0 : i32
    %dma_wait3A_962 = arith.constant 0 : i32
    %dma_wait3A_963 = tpu.memref_slice %arg8[%dma_wait3A_959, %dma_wait3A_961, %dma_wait3A_962] : memref<5x128x64xf32, #tpu.memory_space<vmem>> -> memref<1x128x64xf32, #tpu.memory_space<vmem>>
    %dma_wait3A_964 = tpu.memref_squeeze %dma_wait3A_963 : memref<1x128x64xf32, #tpu.memory_space<vmem>> -> memref<128x64xf32, #tpu.memory_space<vmem>>
    %dma_wait3A_965 = arith.constant 0 : i32
    %dma_wait3A_966 = tpu.memref_slice %arg5[%arg0, %mul3A_0, %dma_wait3A_965] : memref<2x10240x64xf32, #tpu.memory_space<hbm>> -> memref<1x128x64xf32, #tpu.memory_space<hbm>>
    %dma_wait3A_967 = tpu.memref_squeeze %dma_wait3A_966 : memref<1x128x64xf32, #tpu.memory_space<hbm>> -> memref<128x64xf32, #tpu.memory_space<hbm>>
    %dma_wait3A_968 = tpu.memref_slice %arg12[%dma_wait3A_960] : memref<5x!tpu.dma_semaphore, #tpu.memory_space<semaphore_mem>> -> memref<1x!tpu.dma_semaphore, #tpu.memory_space<semaphore_mem>>
    %dma_wait3A_969 = tpu.memref_squeeze %dma_wait3A_968 : memref<1x!tpu.dma_semaphore, #tpu.memory_space<semaphore_mem>> -> memref<!tpu.dma_semaphore, #tpu.memory_space<semaphore_mem>>
    %dma_wait3A_970 = arith.constant 0 : i32
    %dma_wait3A_971 = tpu.memref_slice %arg5[%arg0, %mul3A_0, %dma_wait3A_970] : memref<2x10240x64xf32, #tpu.memory_space<hbm>> -> memref<1x128x64xf32, #tpu.memory_space<hbm>>
    %dma_wait3A_972 = tpu.memref_squeeze %dma_wait3A_971 : memref<1x128x64xf32, #tpu.memory_space<hbm>> -> memref<128x64xf32, #tpu.memory_space<hbm>>
    %dma_wait3A_973 = arith.constant 0 : i32
    %dma_wait3A_974 = arith.constant 0 : i32
    %dma_wait3A_975 = tpu.memref_slice %arg8[%dma_wait3A_959, %dma_wait3A_973, %dma_wait3A_974] : memref<5x128x64xf32, #tpu.memory_space<vmem>> -> memref<1x128x64xf32, #tpu.memory_space<vmem>>
    %dma_wait3A_976 = tpu.memref_squeeze %dma_wait3A_975 : memref<1x128x64xf32, #tpu.memory_space<vmem>> -> memref<128x64xf32, #tpu.memory_space<vmem>>
    tpu.wait_dma2 semaphore(%dma_wait3A_969 : memref<!tpu.dma_semaphore, #tpu.memory_space<semaphore_mem>>) src(%dma_wait3A_976 : memref<128x64xf32, #tpu.memory_space<vmem>>) dst(%dma_wait3A_972 : memref<128x64xf32, #tpu.memory_space<hbm>>)
    %dma_wait3A_977 = arith.constant 3 : i32
    %dma_wait3A_978 = arith.constant 3 : i32
    %dma_wait3A_979 = arith.constant 0 : i32
    %dma_wait3A_980 = arith.constant 0 : i32
    %dma_wait3A_981 = tpu.memref_slice %arg8[%dma_wait3A_977, %dma_wait3A_979, %dma_wait3A_980] : memref<5x128x64xf32, #tpu.memory_space<vmem>> -> memref<1x128x64xf32, #tpu.memory_space<vmem>>
    %dma_wait3A_982 = tpu.memref_squeeze %dma_wait3A_981 : memref<1x128x64xf32, #tpu.memory_space<vmem>> -> memref<128x64xf32, #tpu.memory_space<vmem>>
    %dma_wait3A_983 = arith.constant 0 : i32
    %dma_wait3A_984 = tpu.memref_slice %arg5[%arg0, %mul3A_0, %dma_wait3A_983] : memref<2x10240x64xf32, #tpu.memory_space<hbm>> -> memref<1x128x64xf32, #tpu.memory_space<hbm>>
    %dma_wait3A_985 = tpu.memref_squeeze %dma_wait3A_984 : memref<1x128x64xf32, #tpu.memory_space<hbm>> -> memref<128x64xf32, #tpu.memory_space<hbm>>
    %dma_wait3A_986 = tpu.memref_slice %arg12[%dma_wait3A_978] : memref<5x!tpu.dma_semaphore, #tpu.memory_space<semaphore_mem>> -> memref<1x!tpu.dma_semaphore, #tpu.memory_space<semaphore_mem>>
    %dma_wait3A_987 = tpu.memref_squeeze %dma_wait3A_986 : memref<1x!tpu.dma_semaphore, #tpu.memory_space<semaphore_mem>> -> memref<!tpu.dma_semaphore, #tpu.memory_space<semaphore_mem>>
    %dma_wait3A_988 = arith.constant 0 : i32
    %dma_wait3A_989 = tpu.memref_slice %arg5[%arg0, %mul3A_0, %dma_wait3A_988] : memref<2x10240x64xf32, #tpu.memory_space<hbm>> -> memref<1x128x64xf32, #tpu.memory_space<hbm>>
    %dma_wait3A_990 = tpu.memref_squeeze %dma_wait3A_989 : memref<1x128x64xf32, #tpu.memory_space<hbm>> -> memref<128x64xf32, #tpu.memory_space<hbm>>
    %dma_wait3A_991 = arith.constant 0 : i32
    %dma_wait3A_992 = arith.constant 0 : i32
    %dma_wait3A_993 = tpu.memref_slice %arg8[%dma_wait3A_977, %dma_wait3A_991, %dma_wait3A_992] : memref<5x128x64xf32, #tpu.memory_space<vmem>> -> memref<1x128x64xf32, #tpu.memory_space<vmem>>
    %dma_wait3A_994 = tpu.memref_squeeze %dma_wait3A_993 : memref<1x128x64xf32, #tpu.memory_space<vmem>> -> memref<128x64xf32, #tpu.memory_space<vmem>>
    tpu.wait_dma2 semaphore(%dma_wait3A_987 : memref<!tpu.dma_semaphore, #tpu.memory_space<semaphore_mem>>) src(%dma_wait3A_994 : memref<128x64xf32, #tpu.memory_space<vmem>>) dst(%dma_wait3A_990 : memref<128x64xf32, #tpu.memory_space<hbm>>)
    %dma_wait3A_995 = arith.constant 4 : i32
    %dma_wait3A_996 = arith.constant 4 : i32
    %dma_wait3A_997 = arith.constant 0 : i32
    %dma_wait3A_998 = arith.constant 0 : i32
    %dma_wait3A_999 = tpu.memref_slice %arg8[%dma_wait3A_995, %dma_wait3A_997, %dma_wait3A_998] : memref<5x128x64xf32, #tpu.memory_space<vmem>> -> memref<1x128x64xf32, #tpu.memory_space<vmem>>
    %dma_wait3A_1000 = tpu.memref_squeeze %dma_wait3A_999 : memref<1x128x64xf32, #tpu.memory_space<vmem>> -> memref<128x64xf32, #tpu.memory_space<vmem>>
    %dma_wait3A_1001 = arith.constant 0 : i32
    %dma_wait3A_1002 = tpu.memref_slice %arg5[%arg0, %mul3A_0, %dma_wait3A_1001] : memref<2x10240x64xf32, #tpu.memory_space<hbm>> -> memref<1x128x64xf32, #tpu.memory_space<hbm>>
    %dma_wait3A_1003 = tpu.memref_squeeze %dma_wait3A_1002 : memref<1x128x64xf32, #tpu.memory_space<hbm>> -> memref<128x64xf32, #tpu.memory_space<hbm>>
    %dma_wait3A_1004 = tpu.memref_slice %arg12[%dma_wait3A_996] : memref<5x!tpu.dma_semaphore, #tpu.memory_space<semaphore_mem>> -> memref<1x!tpu.dma_semaphore, #tpu.memory_space<semaphore_mem>>
    %dma_wait3A_1005 = tpu.memref_squeeze %dma_wait3A_1004 : memref<1x!tpu.dma_semaphore, #tpu.memory_space<semaphore_mem>> -> memref<!tpu.dma_semaphore, #tpu.memory_space<semaphore_mem>>
    %dma_wait3A_1006 = arith.constant 0 : i32
    %dma_wait3A_1007 = tpu.memref_slice %arg5[%arg0, %mul3A_0, %dma_wait3A_1006] : memref<2x10240x64xf32, #tpu.memory_space<hbm>> -> memref<1x128x64xf32, #tpu.memory_space<hbm>>
    %dma_wait3A_1008 = tpu.memref_squeeze %dma_wait3A_1007 : memref<1x128x64xf32, #tpu.memory_space<hbm>> -> memref<128x64xf32, #tpu.memory_space<hbm>>
    %dma_wait3A_1009 = arith.constant 0 : i32
    %dma_wait3A_1010 = arith.constant 0 : i32
    %dma_wait3A_1011 = tpu.memref_slice %arg8[%dma_wait3A_995, %dma_wait3A_1009, %dma_wait3A_1010] : memref<5x128x64xf32, #tpu.memory_space<vmem>> -> memref<1x128x64xf32, #tpu.memory_space<vmem>>
    %dma_wait3A_1012 = tpu.memref_squeeze %dma_wait3A_1011 : memref<1x128x64xf32, #tpu.memory_space<vmem>> -> memref<128x64xf32, #tpu.memory_space<vmem>>
    tpu.wait_dma2 semaphore(%dma_wait3A_1005 : memref<!tpu.dma_semaphore, #tpu.memory_space<semaphore_mem>>) src(%dma_wait3A_1012 : memref<128x64xf32, #tpu.memory_space<vmem>>) dst(%dma_wait3A_1008 : memref<128x64xf32, #tpu.memory_space<hbm>>)
    return
  }
}

#map = affine_map<(d0, d1) -> (0, 0)>
#map1 = affine_map<(d0, d1) -> (0)>
module attributes {stable_mosaic.version = 14 : i64} {
  func.func @_deg_kernel(%arg0: i32, %arg1: i32, %arg2: memref<2560x128xi32, #tpu.memory_space<hbm>>, %arg3: memref<20480xf32, #tpu.memory_space<hbm>>, %arg4: memref<80x128xi32, #tpu.memory_space<vmem>>, %arg5: memref<128xf32, #tpu.memory_space<vmem>>, %arg6: memref<640xf32, #tpu.memory_space<vmem>>, %arg7: memref<10240xf32, #tpu.memory_space<vmem_shared>>) attributes {dimension_semantics = [#tpu.dimension_semantics<core_parallel>, #tpu.dimension_semantics<subcore_parallel>], iteration_bounds = array<i64: 2, 16>, scalar_prefetch = 0 : i64, scratch_operands = 4 : i64, tpu.core_type = #tpu.core_type<sc_vector_subcore>, window_params = [{transform_indices = #map}, {transform_indices = #map1}]} {
    %mul3A = arith.constant 2 : i32
    %mul3A_0 = arith.muli %arg1, %mul3A : i32
    %add3A = arith.addi %mul3A_0, %arg0 : i32
    %broadcast_in_dim3A = arith.constant 1.000000e+00 : f32
    %broadcast_in_dim3A_1 = vector.broadcast %broadcast_in_dim3A : f32 to vector<16xf32>
    %swap3A = arith.constant 0 : index
    %swap3A_2 = tpu.vector_load %arg5[%swap3A] {strides = array<i32>} : memref<128xf32, #tpu.memory_space<vmem>>, vector<16xf32>,
    %swap3A_3 = vector.shape_cast %swap3A_2 : vector<16xf32> to vector<16xf32>
    %swap3A_4 = vector.shape_cast %broadcast_in_dim3A_1 : vector<16xf32> to vector<16xf32>
    tpu.vector_store %arg5[%swap3A], %swap3A_4 {strides = array<i32>} : memref<128xf32, #tpu.memory_space<vmem>>, vector<16xf32>,
    %broadcast_in_dim3A_5 = arith.constant 1.000000e+00 : f32
    %broadcast_in_dim3A_6 = vector.broadcast %broadcast_in_dim3A_5 : f32 to vector<16xf32>
    %swap3A_7 = arith.constant 16 : index
    %swap3A_8 = tpu.vector_load %arg5[%swap3A_7] {strides = array<i32>} : memref<128xf32, #tpu.memory_space<vmem>>, vector<16xf32>,
    %swap3A_9 = vector.shape_cast %swap3A_8 : vector<16xf32> to vector<16xf32>
    %swap3A_10 = vector.shape_cast %broadcast_in_dim3A_6 : vector<16xf32> to vector<16xf32>
    tpu.vector_store %arg5[%swap3A_7], %swap3A_10 {strides = array<i32>} : memref<128xf32, #tpu.memory_space<vmem>>, vector<16xf32>,
    %broadcast_in_dim3A_11 = arith.constant 1.000000e+00 : f32
    %broadcast_in_dim3A_12 = vector.broadcast %broadcast_in_dim3A_11 : f32 to vector<16xf32>
    %swap3A_13 = arith.constant 32 : index
    %swap3A_14 = tpu.vector_load %arg5[%swap3A_13] {strides = array<i32>} : memref<128xf32, #tpu.memory_space<vmem>>, vector<16xf32>,
    %swap3A_15 = vector.shape_cast %swap3A_14 : vector<16xf32> to vector<16xf32>
    %swap3A_16 = vector.shape_cast %broadcast_in_dim3A_12 : vector<16xf32> to vector<16xf32>
    tpu.vector_store %arg5[%swap3A_13], %swap3A_16 {strides = array<i32>} : memref<128xf32, #tpu.memory_space<vmem>>, vector<16xf32>,
    %broadcast_in_dim3A_17 = arith.constant 1.000000e+00 : f32
    %broadcast_in_dim3A_18 = vector.broadcast %broadcast_in_dim3A_17 : f32 to vector<16xf32>
    %swap3A_19 = arith.constant 48 : index
    %swap3A_20 = tpu.vector_load %arg5[%swap3A_19] {strides = array<i32>} : memref<128xf32, #tpu.memory_space<vmem>>, vector<16xf32>,
    %swap3A_21 = vector.shape_cast %swap3A_20 : vector<16xf32> to vector<16xf32>
    %swap3A_22 = vector.shape_cast %broadcast_in_dim3A_18 : vector<16xf32> to vector<16xf32>
    tpu.vector_store %arg5[%swap3A_19], %swap3A_22 {strides = array<i32>} : memref<128xf32, #tpu.memory_space<vmem>>, vector<16xf32>,
    %broadcast_in_dim3A_23 = arith.constant 1.000000e+00 : f32
    %broadcast_in_dim3A_24 = vector.broadcast %broadcast_in_dim3A_23 : f32 to vector<16xf32>
    %swap3A_25 = arith.constant 64 : index
    %swap3A_26 = tpu.vector_load %arg5[%swap3A_25] {strides = array<i32>} : memref<128xf32, #tpu.memory_space<vmem>>, vector<16xf32>,
    %swap3A_27 = vector.shape_cast %swap3A_26 : vector<16xf32> to vector<16xf32>
    %swap3A_28 = vector.shape_cast %broadcast_in_dim3A_24 : vector<16xf32> to vector<16xf32>
    tpu.vector_store %arg5[%swap3A_25], %swap3A_28 {strides = array<i32>} : memref<128xf32, #tpu.memory_space<vmem>>, vector<16xf32>,
    %broadcast_in_dim3A_29 = arith.constant 1.000000e+00 : f32
    %broadcast_in_dim3A_30 = vector.broadcast %broadcast_in_dim3A_29 : f32 to vector<16xf32>
    %swap3A_31 = arith.constant 80 : index
    %swap3A_32 = tpu.vector_load %arg5[%swap3A_31] {strides = array<i32>} : memref<128xf32, #tpu.memory_space<vmem>>, vector<16xf32>,
    %swap3A_33 = vector.shape_cast %swap3A_32 : vector<16xf32> to vector<16xf32>
    %swap3A_34 = vector.shape_cast %broadcast_in_dim3A_30 : vector<16xf32> to vector<16xf32>
    tpu.vector_store %arg5[%swap3A_31], %swap3A_34 {strides = array<i32>} : memref<128xf32, #tpu.memory_space<vmem>>, vector<16xf32>,
    %broadcast_in_dim3A_35 = arith.constant 1.000000e+00 : f32
    %broadcast_in_dim3A_36 = vector.broadcast %broadcast_in_dim3A_35 : f32 to vector<16xf32>
    %swap3A_37 = arith.constant 96 : index
    %swap3A_38 = tpu.vector_load %arg5[%swap3A_37] {strides = array<i32>} : memref<128xf32, #tpu.memory_space<vmem>>, vector<16xf32>,
    %swap3A_39 = vector.shape_cast %swap3A_38 : vector<16xf32> to vector<16xf32>
    %swap3A_40 = vector.shape_cast %broadcast_in_dim3A_36 : vector<16xf32> to vector<16xf32>
    tpu.vector_store %arg5[%swap3A_37], %swap3A_40 {strides = array<i32>} : memref<128xf32, #tpu.memory_space<vmem>>, vector<16xf32>,
    %broadcast_in_dim3A_41 = arith.constant 1.000000e+00 : f32
    %broadcast_in_dim3A_42 = vector.broadcast %broadcast_in_dim3A_41 : f32 to vector<16xf32>
    %swap3A_43 = arith.constant 112 : index
    %swap3A_44 = tpu.vector_load %arg5[%swap3A_43] {strides = array<i32>} : memref<128xf32, #tpu.memory_space<vmem>>, vector<16xf32>,
    %swap3A_45 = vector.shape_cast %swap3A_44 : vector<16xf32> to vector<16xf32>
    %swap3A_46 = vector.shape_cast %broadcast_in_dim3A_42 : vector<16xf32> to vector<16xf32>
    tpu.vector_store %arg5[%swap3A_43], %swap3A_46 {strides = array<i32>} : memref<128xf32, #tpu.memory_space<vmem>>, vector<16xf32>,
    %broadcast_in_dim3A_47 = arith.constant 0.000000e+00 : f32
    %broadcast_in_dim3A_48 = vector.broadcast %broadcast_in_dim3A_47 : f32 to vector<16xf32>
    %swap3A_49 = arith.constant 0 : index
    %swap3A_50 = tpu.vector_load %arg6[%swap3A_49] {strides = array<i32>} : memref<640xf32, #tpu.memory_space<vmem>>, vector<16xf32>,
    %swap3A_51 = vector.shape_cast %swap3A_50 : vector<16xf32> to vector<16xf32>
    %swap3A_52 = vector.shape_cast %broadcast_in_dim3A_48 : vector<16xf32> to vector<16xf32>
    tpu.vector_store %arg6[%swap3A_49], %swap3A_52 {strides = array<i32>} : memref<640xf32, #tpu.memory_space<vmem>>, vector<16xf32>,
    %broadcast_in_dim3A_53 = arith.constant 0.000000e+00 : f32
    %broadcast_in_dim3A_54 = vector.broadcast %broadcast_in_dim3A_53 : f32 to vector<16xf32>
    %swap3A_55 = arith.constant 16 : index
    %swap3A_56 = tpu.vector_load %arg6[%swap3A_55] {strides = array<i32>} : memref<640xf32, #tpu.memory_space<vmem>>, vector<16xf32>,
    %swap3A_57 = vector.shape_cast %swap3A_56 : vector<16xf32> to vector<16xf32>
    %swap3A_58 = vector.shape_cast %broadcast_in_dim3A_54 : vector<16xf32> to vector<16xf32>
    tpu.vector_store %arg6[%swap3A_55], %swap3A_58 {strides = array<i32>} : memref<640xf32, #tpu.memory_space<vmem>>, vector<16xf32>,
    %broadcast_in_dim3A_59 = arith.constant 0.000000e+00 : f32
    %broadcast_in_dim3A_60 = vector.broadcast %broadcast_in_dim3A_59 : f32 to vector<16xf32>
    %swap3A_61 = arith.constant 32 : index
    %swap3A_62 = tpu.vector_load %arg6[%swap3A_61] {strides = array<i32>} : memref<640xf32, #tpu.memory_space<vmem>>, vector<16xf32>,
    %swap3A_63 = vector.shape_cast %swap3A_62 : vector<16xf32> to vector<16xf32>
    %swap3A_64 = vector.shape_cast %broadcast_in_dim3A_60 : vector<16xf32> to vector<16xf32>
    tpu.vector_store %arg6[%swap3A_61], %swap3A_64 {strides = array<i32>} : memref<640xf32, #tpu.memory_space<vmem>>, vector<16xf32>,
    %broadcast_in_dim3A_65 = arith.constant 0.000000e+00 : f32
    %broadcast_in_dim3A_66 = vector.broadcast %broadcast_in_dim3A_65 : f32 to vector<16xf32>
    %swap3A_67 = arith.constant 48 : index
    %swap3A_68 = tpu.vector_load %arg6[%swap3A_67] {strides = array<i32>} : memref<640xf32, #tpu.memory_space<vmem>>, vector<16xf32>,
    %swap3A_69 = vector.shape_cast %swap3A_68 : vector<16xf32> to vector<16xf32>
    %swap3A_70 = vector.shape_cast %broadcast_in_dim3A_66 : vector<16xf32> to vector<16xf32>
    tpu.vector_store %arg6[%swap3A_67], %swap3A_70 {strides = array<i32>} : memref<640xf32, #tpu.memory_space<vmem>>, vector<16xf32>,
    %broadcast_in_dim3A_71 = arith.constant 0.000000e+00 : f32
    %broadcast_in_dim3A_72 = vector.broadcast %broadcast_in_dim3A_71 : f32 to vector<16xf32>
    %swap3A_73 = arith.constant 64 : index
    %swap3A_74 = tpu.vector_load %arg6[%swap3A_73] {strides = array<i32>} : memref<640xf32, #tpu.memory_space<vmem>>, vector<16xf32>,
    %swap3A_75 = vector.shape_cast %swap3A_74 : vector<16xf32> to vector<16xf32>
    %swap3A_76 = vector.shape_cast %broadcast_in_dim3A_72 : vector<16xf32> to vector<16xf32>
    tpu.vector_store %arg6[%swap3A_73], %swap3A_76 {strides = array<i32>} : memref<640xf32, #tpu.memory_space<vmem>>, vector<16xf32>,
    %broadcast_in_dim3A_77 = arith.constant 0.000000e+00 : f32
    %broadcast_in_dim3A_78 = vector.broadcast %broadcast_in_dim3A_77 : f32 to vector<16xf32>
    %swap3A_79 = arith.constant 80 : index
    %swap3A_80 = tpu.vector_load %arg6[%swap3A_79] {strides = array<i32>} : memref<640xf32, #tpu.memory_space<vmem>>, vector<16xf32>,
    %swap3A_81 = vector.shape_cast %swap3A_80 : vector<16xf32> to vector<16xf32>
    %swap3A_82 = vector.shape_cast %broadcast_in_dim3A_78 : vector<16xf32> to vector<16xf32>
    tpu.vector_store %arg6[%swap3A_79], %swap3A_82 {strides = array<i32>} : memref<640xf32, #tpu.memory_space<vmem>>, vector<16xf32>,
    %broadcast_in_dim3A_83 = arith.constant 0.000000e+00 : f32
    %broadcast_in_dim3A_84 = vector.broadcast %broadcast_in_dim3A_83 : f32 to vector<16xf32>
    %swap3A_85 = arith.constant 96 : index
    %swap3A_86 = tpu.vector_load %arg6[%swap3A_85] {strides = array<i32>} : memref<640xf32, #tpu.memory_space<vmem>>, vector<16xf32>,
    %swap3A_87 = vector.shape_cast %swap3A_86 : vector<16xf32> to vector<16xf32>
    %swap3A_88 = vector.shape_cast %broadcast_in_dim3A_84 : vector<16xf32> to vector<16xf32>
    tpu.vector_store %arg6[%swap3A_85], %swap3A_88 {strides = array<i32>} : memref<640xf32, #tpu.memory_space<vmem>>, vector<16xf32>,
    %broadcast_in_dim3A_89 = arith.constant 0.000000e+00 : f32
    %broadcast_in_dim3A_90 = vector.broadcast %broadcast_in_dim3A_89 : f32 to vector<16xf32>
    %swap3A_91 = arith.constant 112 : index
    %swap3A_92 = tpu.vector_load %arg6[%swap3A_91] {strides = array<i32>} : memref<640xf32, #tpu.memory_space<vmem>>, vector<16xf32>,
    %swap3A_93 = vector.shape_cast %swap3A_92 : vector<16xf32> to vector<16xf32>
    %swap3A_94 = vector.shape_cast %broadcast_in_dim3A_90 : vector<16xf32> to vector<16xf32>
    tpu.vector_store %arg6[%swap3A_91], %swap3A_94 {strides = array<i32>} : memref<640xf32, #tpu.memory_space<vmem>>, vector<16xf32>,
    %broadcast_in_dim3A_95 = arith.constant 0.000000e+00 : f32
    %broadcast_in_dim3A_96 = vector.broadcast %broadcast_in_dim3A_95 : f32 to vector<16xf32>
    %swap3A_97 = arith.constant 128 : index
    %swap3A_98 = tpu.vector_load %arg6[%swap3A_97] {strides = array<i32>} : memref<640xf32, #tpu.memory_space<vmem>>, vector<16xf32>,
    %swap3A_99 = vector.shape_cast %swap3A_98 : vector<16xf32> to vector<16xf32>
    %swap3A_100 = vector.shape_cast %broadcast_in_dim3A_96 : vector<16xf32> to vector<16xf32>
    tpu.vector_store %arg6[%swap3A_97], %swap3A_100 {strides = array<i32>} : memref<640xf32, #tpu.memory_space<vmem>>, vector<16xf32>,
    %broadcast_in_dim3A_101 = arith.constant 0.000000e+00 : f32
    %broadcast_in_dim3A_102 = vector.broadcast %broadcast_in_dim3A_101 : f32 to vector<16xf32>
    %swap3A_103 = arith.constant 144 : index
    %swap3A_104 = tpu.vector_load %arg6[%swap3A_103] {strides = array<i32>} : memref<640xf32, #tpu.memory_space<vmem>>, vector<16xf32>,
    %swap3A_105 = vector.shape_cast %swap3A_104 : vector<16xf32> to vector<16xf32>
    %swap3A_106 = vector.shape_cast %broadcast_in_dim3A_102 : vector<16xf32> to vector<16xf32>
    tpu.vector_store %arg6[%swap3A_103], %swap3A_106 {strides = array<i32>} : memref<640xf32, #tpu.memory_space<vmem>>, vector<16xf32>,
    %broadcast_in_dim3A_107 = arith.constant 0.000000e+00 : f32
    %broadcast_in_dim3A_108 = vector.broadcast %broadcast_in_dim3A_107 : f32 to vector<16xf32>
    %swap3A_109 = arith.constant 160 : index
    %swap3A_110 = tpu.vector_load %arg6[%swap3A_109] {strides = array<i32>} : memref<640xf32, #tpu.memory_space<vmem>>, vector<16xf32>,
    %swap3A_111 = vector.shape_cast %swap3A_110 : vector<16xf32> to vector<16xf32>
    %swap3A_112 = vector.shape_cast %broadcast_in_dim3A_108 : vector<16xf32> to vector<16xf32>
    tpu.vector_store %arg6[%swap3A_109], %swap3A_112 {strides = array<i32>} : memref<640xf32, #tpu.memory_space<vmem>>, vector<16xf32>,
    %broadcast_in_dim3A_113 = arith.constant 0.000000e+00 : f32
    %broadcast_in_dim3A_114 = vector.broadcast %broadcast_in_dim3A_113 : f32 to vector<16xf32>
    %swap3A_115 = arith.constant 176 : index
    %swap3A_116 = tpu.vector_load %arg6[%swap3A_115] {strides = array<i32>} : memref<640xf32, #tpu.memory_space<vmem>>, vector<16xf32>,
    %swap3A_117 = vector.shape_cast %swap3A_116 : vector<16xf32> to vector<16xf32>
    %swap3A_118 = vector.shape_cast %broadcast_in_dim3A_114 : vector<16xf32> to vector<16xf32>
    tpu.vector_store %arg6[%swap3A_115], %swap3A_118 {strides = array<i32>} : memref<640xf32, #tpu.memory_space<vmem>>, vector<16xf32>,
    %broadcast_in_dim3A_119 = arith.constant 0.000000e+00 : f32
    %broadcast_in_dim3A_120 = vector.broadcast %broadcast_in_dim3A_119 : f32 to vector<16xf32>
    %swap3A_121 = arith.constant 192 : index
    %swap3A_122 = tpu.vector_load %arg6[%swap3A_121] {strides = array<i32>} : memref<640xf32, #tpu.memory_space<vmem>>, vector<16xf32>,
    %swap3A_123 = vector.shape_cast %swap3A_122 : vector<16xf32> to vector<16xf32>
    %swap3A_124 = vector.shape_cast %broadcast_in_dim3A_120 : vector<16xf32> to vector<16xf32>
    tpu.vector_store %arg6[%swap3A_121], %swap3A_124 {strides = array<i32>} : memref<640xf32, #tpu.memory_space<vmem>>, vector<16xf32>,
    %broadcast_in_dim3A_125 = arith.constant 0.000000e+00 : f32
    %broadcast_in_dim3A_126 = vector.broadcast %broadcast_in_dim3A_125 : f32 to vector<16xf32>
    %swap3A_127 = arith.constant 208 : index
    %swap3A_128 = tpu.vector_load %arg6[%swap3A_127] {strides = array<i32>} : memref<640xf32, #tpu.memory_space<vmem>>, vector<16xf32>,
    %swap3A_129 = vector.shape_cast %swap3A_128 : vector<16xf32> to vector<16xf32>
    %swap3A_130 = vector.shape_cast %broadcast_in_dim3A_126 : vector<16xf32> to vector<16xf32>
    tpu.vector_store %arg6[%swap3A_127], %swap3A_130 {strides = array<i32>} : memref<640xf32, #tpu.memory_space<vmem>>, vector<16xf32>,
    %broadcast_in_dim3A_131 = arith.constant 0.000000e+00 : f32
    %broadcast_in_dim3A_132 = vector.broadcast %broadcast_in_dim3A_131 : f32 to vector<16xf32>
    %swap3A_133 = arith.constant 224 : index
    %swap3A_134 = tpu.vector_load %arg6[%swap3A_133] {strides = array<i32>} : memref<640xf32, #tpu.memory_space<vmem>>, vector<16xf32>,
    %swap3A_135 = vector.shape_cast %swap3A_134 : vector<16xf32> to vector<16xf32>
    %swap3A_136 = vector.shape_cast %broadcast_in_dim3A_132 : vector<16xf32> to vector<16xf32>
    tpu.vector_store %arg6[%swap3A_133], %swap3A_136 {strides = array<i32>} : memref<640xf32, #tpu.memory_space<vmem>>, vector<16xf32>,
    %broadcast_in_dim3A_137 = arith.constant 0.000000e+00 : f32
    %broadcast_in_dim3A_138 = vector.broadcast %broadcast_in_dim3A_137 : f32 to vector<16xf32>
    %swap3A_139 = arith.constant 240 : index
    %swap3A_140 = tpu.vector_load %arg6[%swap3A_139] {strides = array<i32>} : memref<640xf32, #tpu.memory_space<vmem>>, vector<16xf32>,
    %swap3A_141 = vector.shape_cast %swap3A_140 : vector<16xf32> to vector<16xf32>
    %swap3A_142 = vector.shape_cast %broadcast_in_dim3A_138 : vector<16xf32> to vector<16xf32>
    tpu.vector_store %arg6[%swap3A_139], %swap3A_142 {strides = array<i32>} : memref<640xf32, #tpu.memory_space<vmem>>, vector<16xf32>,
    %broadcast_in_dim3A_143 = arith.constant 0.000000e+00 : f32
    %broadcast_in_dim3A_144 = vector.broadcast %broadcast_in_dim3A_143 : f32 to vector<16xf32>
    %swap3A_145 = arith.constant 256 : index
    %swap3A_146 = tpu.vector_load %arg6[%swap3A_145] {strides = array<i32>} : memref<640xf32, #tpu.memory_space<vmem>>, vector<16xf32>,
    %swap3A_147 = vector.shape_cast %swap3A_146 : vector<16xf32> to vector<16xf32>
    %swap3A_148 = vector.shape_cast %broadcast_in_dim3A_144 : vector<16xf32> to vector<16xf32>
    tpu.vector_store %arg6[%swap3A_145], %swap3A_148 {strides = array<i32>} : memref<640xf32, #tpu.memory_space<vmem>>, vector<16xf32>,
    %broadcast_in_dim3A_149 = arith.constant 0.000000e+00 : f32
    %broadcast_in_dim3A_150 = vector.broadcast %broadcast_in_dim3A_149 : f32 to vector<16xf32>
    %swap3A_151 = arith.constant 272 : index
    %swap3A_152 = tpu.vector_load %arg6[%swap3A_151] {strides = array<i32>} : memref<640xf32, #tpu.memory_space<vmem>>, vector<16xf32>,
    %swap3A_153 = vector.shape_cast %swap3A_152 : vector<16xf32> to vector<16xf32>
    %swap3A_154 = vector.shape_cast %broadcast_in_dim3A_150 : vector<16xf32> to vector<16xf32>
    tpu.vector_store %arg6[%swap3A_151], %swap3A_154 {strides = array<i32>} : memref<640xf32, #tpu.memory_space<vmem>>, vector<16xf32>,
    %broadcast_in_dim3A_155 = arith.constant 0.000000e+00 : f32
    %broadcast_in_dim3A_156 = vector.broadcast %broadcast_in_dim3A_155 : f32 to vector<16xf32>
    %swap3A_157 = arith.constant 288 : index
    %swap3A_158 = tpu.vector_load %arg6[%swap3A_157] {strides = array<i32>} : memref<640xf32, #tpu.memory_space<vmem>>, vector<16xf32>,
    %swap3A_159 = vector.shape_cast %swap3A_158 : vector<16xf32> to vector<16xf32>
    %swap3A_160 = vector.shape_cast %broadcast_in_dim3A_156 : vector<16xf32> to vector<16xf32>
    tpu.vector_store %arg6[%swap3A_157], %swap3A_160 {strides = array<i32>} : memref<640xf32, #tpu.memory_space<vmem>>, vector<16xf32>,
    %broadcast_in_dim3A_161 = arith.constant 0.000000e+00 : f32
    %broadcast_in_dim3A_162 = vector.broadcast %broadcast_in_dim3A_161 : f32 to vector<16xf32>
    %swap3A_163 = arith.constant 304 : index
    %swap3A_164 = tpu.vector_load %arg6[%swap3A_163] {strides = array<i32>} : memref<640xf32, #tpu.memory_space<vmem>>, vector<16xf32>,
    %swap3A_165 = vector.shape_cast %swap3A_164 : vector<16xf32> to vector<16xf32>
    %swap3A_166 = vector.shape_cast %broadcast_in_dim3A_162 : vector<16xf32> to vector<16xf32>
    tpu.vector_store %arg6[%swap3A_163], %swap3A_166 {strides = array<i32>} : memref<640xf32, #tpu.memory_space<vmem>>, vector<16xf32>,
    %broadcast_in_dim3A_167 = arith.constant 0.000000e+00 : f32
    %broadcast_in_dim3A_168 = vector.broadcast %broadcast_in_dim3A_167 : f32 to vector<16xf32>
    %swap3A_169 = arith.constant 320 : index
    %swap3A_170 = tpu.vector_load %arg6[%swap3A_169] {strides = array<i32>} : memref<640xf32, #tpu.memory_space<vmem>>, vector<16xf32>,
    %swap3A_171 = vector.shape_cast %swap3A_170 : vector<16xf32> to vector<16xf32>
    %swap3A_172 = vector.shape_cast %broadcast_in_dim3A_168 : vector<16xf32> to vector<16xf32>
    tpu.vector_store %arg6[%swap3A_169], %swap3A_172 {strides = array<i32>} : memref<640xf32, #tpu.memory_space<vmem>>, vector<16xf32>,
    %broadcast_in_dim3A_173 = arith.constant 0.000000e+00 : f32
    %broadcast_in_dim3A_174 = vector.broadcast %broadcast_in_dim3A_173 : f32 to vector<16xf32>
    %swap3A_175 = arith.constant 336 : index
    %swap3A_176 = tpu.vector_load %arg6[%swap3A_175] {strides = array<i32>} : memref<640xf32, #tpu.memory_space<vmem>>, vector<16xf32>,
    %swap3A_177 = vector.shape_cast %swap3A_176 : vector<16xf32> to vector<16xf32>
    %swap3A_178 = vector.shape_cast %broadcast_in_dim3A_174 : vector<16xf32> to vector<16xf32>
    tpu.vector_store %arg6[%swap3A_175], %swap3A_178 {strides = array<i32>} : memref<640xf32, #tpu.memory_space<vmem>>, vector<16xf32>,
    %broadcast_in_dim3A_179 = arith.constant 0.000000e+00 : f32
    %broadcast_in_dim3A_180 = vector.broadcast %broadcast_in_dim3A_179 : f32 to vector<16xf32>
    %swap3A_181 = arith.constant 352 : index
    %swap3A_182 = tpu.vector_load %arg6[%swap3A_181] {strides = array<i32>} : memref<640xf32, #tpu.memory_space<vmem>>, vector<16xf32>,
    %swap3A_183 = vector.shape_cast %swap3A_182 : vector<16xf32> to vector<16xf32>
    %swap3A_184 = vector.shape_cast %broadcast_in_dim3A_180 : vector<16xf32> to vector<16xf32>
    tpu.vector_store %arg6[%swap3A_181], %swap3A_184 {strides = array<i32>} : memref<640xf32, #tpu.memory_space<vmem>>, vector<16xf32>,
    %broadcast_in_dim3A_185 = arith.constant 0.000000e+00 : f32
    %broadcast_in_dim3A_186 = vector.broadcast %broadcast_in_dim3A_185 : f32 to vector<16xf32>
    %swap3A_187 = arith.constant 368 : index
    %swap3A_188 = tpu.vector_load %arg6[%swap3A_187] {strides = array<i32>} : memref<640xf32, #tpu.memory_space<vmem>>, vector<16xf32>,
    %swap3A_189 = vector.shape_cast %swap3A_188 : vector<16xf32> to vector<16xf32>
    %swap3A_190 = vector.shape_cast %broadcast_in_dim3A_186 : vector<16xf32> to vector<16xf32>
    tpu.vector_store %arg6[%swap3A_187], %swap3A_190 {strides = array<i32>} : memref<640xf32, #tpu.memory_space<vmem>>, vector<16xf32>,
    %broadcast_in_dim3A_191 = arith.constant 0.000000e+00 : f32
    %broadcast_in_dim3A_192 = vector.broadcast %broadcast_in_dim3A_191 : f32 to vector<16xf32>
    %swap3A_193 = arith.constant 384 : index
    %swap3A_194 = tpu.vector_load %arg6[%swap3A_193] {strides = array<i32>} : memref<640xf32, #tpu.memory_space<vmem>>, vector<16xf32>,
    %swap3A_195 = vector.shape_cast %swap3A_194 : vector<16xf32> to vector<16xf32>
    %swap3A_196 = vector.shape_cast %broadcast_in_dim3A_192 : vector<16xf32> to vector<16xf32>
    tpu.vector_store %arg6[%swap3A_193], %swap3A_196 {strides = array<i32>} : memref<640xf32, #tpu.memory_space<vmem>>, vector<16xf32>,
    %broadcast_in_dim3A_197 = arith.constant 0.000000e+00 : f32
    %broadcast_in_dim3A_198 = vector.broadcast %broadcast_in_dim3A_197 : f32 to vector<16xf32>
    %swap3A_199 = arith.constant 400 : index
    %swap3A_200 = tpu.vector_load %arg6[%swap3A_199] {strides = array<i32>} : memref<640xf32, #tpu.memory_space<vmem>>, vector<16xf32>,
    %swap3A_201 = vector.shape_cast %swap3A_200 : vector<16xf32> to vector<16xf32>
    %swap3A_202 = vector.shape_cast %broadcast_in_dim3A_198 : vector<16xf32> to vector<16xf32>
    tpu.vector_store %arg6[%swap3A_199], %swap3A_202 {strides = array<i32>} : memref<640xf32, #tpu.memory_space<vmem>>, vector<16xf32>,
    %broadcast_in_dim3A_203 = arith.constant 0.000000e+00 : f32
    %broadcast_in_dim3A_204 = vector.broadcast %broadcast_in_dim3A_203 : f32 to vector<16xf32>
    %swap3A_205 = arith.constant 416 : index
    %swap3A_206 = tpu.vector_load %arg6[%swap3A_205] {strides = array<i32>} : memref<640xf32, #tpu.memory_space<vmem>>, vector<16xf32>,
    %swap3A_207 = vector.shape_cast %swap3A_206 : vector<16xf32> to vector<16xf32>
    %swap3A_208 = vector.shape_cast %broadcast_in_dim3A_204 : vector<16xf32> to vector<16xf32>
    tpu.vector_store %arg6[%swap3A_205], %swap3A_208 {strides = array<i32>} : memref<640xf32, #tpu.memory_space<vmem>>, vector<16xf32>,
    %broadcast_in_dim3A_209 = arith.constant 0.000000e+00 : f32
    %broadcast_in_dim3A_210 = vector.broadcast %broadcast_in_dim3A_209 : f32 to vector<16xf32>
    %swap3A_211 = arith.constant 432 : index
    %swap3A_212 = tpu.vector_load %arg6[%swap3A_211] {strides = array<i32>} : memref<640xf32, #tpu.memory_space<vmem>>, vector<16xf32>,
    %swap3A_213 = vector.shape_cast %swap3A_212 : vector<16xf32> to vector<16xf32>
    %swap3A_214 = vector.shape_cast %broadcast_in_dim3A_210 : vector<16xf32> to vector<16xf32>
    tpu.vector_store %arg6[%swap3A_211], %swap3A_214 {strides = array<i32>} : memref<640xf32, #tpu.memory_space<vmem>>, vector<16xf32>,
    %broadcast_in_dim3A_215 = arith.constant 0.000000e+00 : f32
    %broadcast_in_dim3A_216 = vector.broadcast %broadcast_in_dim3A_215 : f32 to vector<16xf32>
    %swap3A_217 = arith.constant 448 : index
    %swap3A_218 = tpu.vector_load %arg6[%swap3A_217] {strides = array<i32>} : memref<640xf32, #tpu.memory_space<vmem>>, vector<16xf32>,
    %swap3A_219 = vector.shape_cast %swap3A_218 : vector<16xf32> to vector<16xf32>
    %swap3A_220 = vector.shape_cast %broadcast_in_dim3A_216 : vector<16xf32> to vector<16xf32>
    tpu.vector_store %arg6[%swap3A_217], %swap3A_220 {strides = array<i32>} : memref<640xf32, #tpu.memory_space<vmem>>, vector<16xf32>,
    %broadcast_in_dim3A_221 = arith.constant 0.000000e+00 : f32
    %broadcast_in_dim3A_222 = vector.broadcast %broadcast_in_dim3A_221 : f32 to vector<16xf32>
    %swap3A_223 = arith.constant 464 : index
    %swap3A_224 = tpu.vector_load %arg6[%swap3A_223] {strides = array<i32>} : memref<640xf32, #tpu.memory_space<vmem>>, vector<16xf32>,
    %swap3A_225 = vector.shape_cast %swap3A_224 : vector<16xf32> to vector<16xf32>
    %swap3A_226 = vector.shape_cast %broadcast_in_dim3A_222 : vector<16xf32> to vector<16xf32>
    tpu.vector_store %arg6[%swap3A_223], %swap3A_226 {strides = array<i32>} : memref<640xf32, #tpu.memory_space<vmem>>, vector<16xf32>,
    %broadcast_in_dim3A_227 = arith.constant 0.000000e+00 : f32
    %broadcast_in_dim3A_228 = vector.broadcast %broadcast_in_dim3A_227 : f32 to vector<16xf32>
    %swap3A_229 = arith.constant 480 : index
    %swap3A_230 = tpu.vector_load %arg6[%swap3A_229] {strides = array<i32>} : memref<640xf32, #tpu.memory_space<vmem>>, vector<16xf32>,
    %swap3A_231 = vector.shape_cast %swap3A_230 : vector<16xf32> to vector<16xf32>
    %swap3A_232 = vector.shape_cast %broadcast_in_dim3A_228 : vector<16xf32> to vector<16xf32>
    tpu.vector_store %arg6[%swap3A_229], %swap3A_232 {strides = array<i32>} : memref<640xf32, #tpu.memory_space<vmem>>, vector<16xf32>,
    %broadcast_in_dim3A_233 = arith.constant 0.000000e+00 : f32
    %broadcast_in_dim3A_234 = vector.broadcast %broadcast_in_dim3A_233 : f32 to vector<16xf32>
    %swap3A_235 = arith.constant 496 : index
    %swap3A_236 = tpu.vector_load %arg6[%swap3A_235] {strides = array<i32>} : memref<640xf32, #tpu.memory_space<vmem>>, vector<16xf32>,
    %swap3A_237 = vector.shape_cast %swap3A_236 : vector<16xf32> to vector<16xf32>
    %swap3A_238 = vector.shape_cast %broadcast_in_dim3A_234 : vector<16xf32> to vector<16xf32>
    tpu.vector_store %arg6[%swap3A_235], %swap3A_238 {strides = array<i32>} : memref<640xf32, #tpu.memory_space<vmem>>, vector<16xf32>,
    %broadcast_in_dim3A_239 = arith.constant 0.000000e+00 : f32
    %broadcast_in_dim3A_240 = vector.broadcast %broadcast_in_dim3A_239 : f32 to vector<16xf32>
    %swap3A_241 = arith.constant 512 : index
    %swap3A_242 = tpu.vector_load %arg6[%swap3A_241] {strides = array<i32>} : memref<640xf32, #tpu.memory_space<vmem>>, vector<16xf32>,
    %swap3A_243 = vector.shape_cast %swap3A_242 : vector<16xf32> to vector<16xf32>
    %swap3A_244 = vector.shape_cast %broadcast_in_dim3A_240 : vector<16xf32> to vector<16xf32>
    tpu.vector_store %arg6[%swap3A_241], %swap3A_244 {strides = array<i32>} : memref<640xf32, #tpu.memory_space<vmem>>, vector<16xf32>,
    %broadcast_in_dim3A_245 = arith.constant 0.000000e+00 : f32
    %broadcast_in_dim3A_246 = vector.broadcast %broadcast_in_dim3A_245 : f32 to vector<16xf32>
    %swap3A_247 = arith.constant 528 : index
    %swap3A_248 = tpu.vector_load %arg6[%swap3A_247] {strides = array<i32>} : memref<640xf32, #tpu.memory_space<vmem>>, vector<16xf32>,
    %swap3A_249 = vector.shape_cast %swap3A_248 : vector<16xf32> to vector<16xf32>
    %swap3A_250 = vector.shape_cast %broadcast_in_dim3A_246 : vector<16xf32> to vector<16xf32>
    tpu.vector_store %arg6[%swap3A_247], %swap3A_250 {strides = array<i32>} : memref<640xf32, #tpu.memory_space<vmem>>, vector<16xf32>,
    %broadcast_in_dim3A_251 = arith.constant 0.000000e+00 : f32
    %broadcast_in_dim3A_252 = vector.broadcast %broadcast_in_dim3A_251 : f32 to vector<16xf32>
    %swap3A_253 = arith.constant 544 : index
    %swap3A_254 = tpu.vector_load %arg6[%swap3A_253] {strides = array<i32>} : memref<640xf32, #tpu.memory_space<vmem>>, vector<16xf32>,
    %swap3A_255 = vector.shape_cast %swap3A_254 : vector<16xf32> to vector<16xf32>
    %swap3A_256 = vector.shape_cast %broadcast_in_dim3A_252 : vector<16xf32> to vector<16xf32>
    tpu.vector_store %arg6[%swap3A_253], %swap3A_256 {strides = array<i32>} : memref<640xf32, #tpu.memory_space<vmem>>, vector<16xf32>,
    %broadcast_in_dim3A_257 = arith.constant 0.000000e+00 : f32
    %broadcast_in_dim3A_258 = vector.broadcast %broadcast_in_dim3A_257 : f32 to vector<16xf32>
    %swap3A_259 = arith.constant 560 : index
    %swap3A_260 = tpu.vector_load %arg6[%swap3A_259] {strides = array<i32>} : memref<640xf32, #tpu.memory_space<vmem>>, vector<16xf32>,
    %swap3A_261 = vector.shape_cast %swap3A_260 : vector<16xf32> to vector<16xf32>
    %swap3A_262 = vector.shape_cast %broadcast_in_dim3A_258 : vector<16xf32> to vector<16xf32>
    tpu.vector_store %arg6[%swap3A_259], %swap3A_262 {strides = array<i32>} : memref<640xf32, #tpu.memory_space<vmem>>, vector<16xf32>,
    %broadcast_in_dim3A_263 = arith.constant 0.000000e+00 : f32
    %broadcast_in_dim3A_264 = vector.broadcast %broadcast_in_dim3A_263 : f32 to vector<16xf32>
    %swap3A_265 = arith.constant 576 : index
    %swap3A_266 = tpu.vector_load %arg6[%swap3A_265] {strides = array<i32>} : memref<640xf32, #tpu.memory_space<vmem>>, vector<16xf32>,
    %swap3A_267 = vector.shape_cast %swap3A_266 : vector<16xf32> to vector<16xf32>
    %swap3A_268 = vector.shape_cast %broadcast_in_dim3A_264 : vector<16xf32> to vector<16xf32>
    tpu.vector_store %arg6[%swap3A_265], %swap3A_268 {strides = array<i32>} : memref<640xf32, #tpu.memory_space<vmem>>, vector<16xf32>,
    %broadcast_in_dim3A_269 = arith.constant 0.000000e+00 : f32
    %broadcast_in_dim3A_270 = vector.broadcast %broadcast_in_dim3A_269 : f32 to vector<16xf32>
    %swap3A_271 = arith.constant 592 : index
    %swap3A_272 = tpu.vector_load %arg6[%swap3A_271] {strides = array<i32>} : memref<640xf32, #tpu.memory_space<vmem>>, vector<16xf32>,
    %swap3A_273 = vector.shape_cast %swap3A_272 : vector<16xf32> to vector<16xf32>
    %swap3A_274 = vector.shape_cast %broadcast_in_dim3A_270 : vector<16xf32> to vector<16xf32>
    tpu.vector_store %arg6[%swap3A_271], %swap3A_274 {strides = array<i32>} : memref<640xf32, #tpu.memory_space<vmem>>, vector<16xf32>,
    %broadcast_in_dim3A_275 = arith.constant 0.000000e+00 : f32
    %broadcast_in_dim3A_276 = vector.broadcast %broadcast_in_dim3A_275 : f32 to vector<16xf32>
    %swap3A_277 = arith.constant 608 : index
    %swap3A_278 = tpu.vector_load %arg6[%swap3A_277] {strides = array<i32>} : memref<640xf32, #tpu.memory_space<vmem>>, vector<16xf32>,
    %swap3A_279 = vector.shape_cast %swap3A_278 : vector<16xf32> to vector<16xf32>
    %swap3A_280 = vector.shape_cast %broadcast_in_dim3A_276 : vector<16xf32> to vector<16xf32>
    tpu.vector_store %arg6[%swap3A_277], %swap3A_280 {strides = array<i32>} : memref<640xf32, #tpu.memory_space<vmem>>, vector<16xf32>,
    %broadcast_in_dim3A_281 = arith.constant 0.000000e+00 : f32
    %broadcast_in_dim3A_282 = vector.broadcast %broadcast_in_dim3A_281 : f32 to vector<16xf32>
    %swap3A_283 = arith.constant 624 : index
    %swap3A_284 = tpu.vector_load %arg6[%swap3A_283] {strides = array<i32>} : memref<640xf32, #tpu.memory_space<vmem>>, vector<16xf32>,
    %swap3A_285 = vector.shape_cast %swap3A_284 : vector<16xf32> to vector<16xf32>
    %swap3A_286 = vector.shape_cast %broadcast_in_dim3A_282 : vector<16xf32> to vector<16xf32>
    tpu.vector_store %arg6[%swap3A_283], %swap3A_286 {strides = array<i32>} : memref<640xf32, #tpu.memory_space<vmem>>, vector<16xf32>,
    %mul3A_287 = arith.constant 640 : i32
    %mul3A_288 = arith.muli %arg1, %mul3A_287 : i32
    "tpu.region"() ({
      %run_scoped3A = tpu.sem_alloc : memref<!tpu.dma_semaphore, #tpu.memory_space<semaphore_mem>>
      %dma_start3A = arith.constant 0 : i32
      %dma_start3A_304 = tpu.memref_slice %arg6[%dma_start3A] : memref<640xf32, #tpu.memory_space<vmem>> -> memref<640xf32, #tpu.memory_space<vmem>>
      %dma_start3A_305 = tpu.memref_slice %arg7[%mul3A_288] : memref<10240xf32, #tpu.memory_space<vmem_shared>> -> memref<640xf32, #tpu.memory_space<vmem_shared>>
      %dma_start3A_306 = tpu.memref_slice %arg7[%mul3A_288] : memref<10240xf32, #tpu.memory_space<vmem_shared>> -> memref<640xf32, #tpu.memory_space<vmem_shared>>
      %dma_start3A_307 = arith.constant 0 : i32
      %dma_start3A_308 = tpu.memref_slice %arg6[%dma_start3A_307] : memref<640xf32, #tpu.memory_space<vmem>> -> memref<640xf32, #tpu.memory_space<vmem>>
      tpu.enqueue_dma source(%dma_start3A_308 : memref<640xf32, #tpu.memory_space<vmem>>) target(%dma_start3A_306 : memref<640xf32, #tpu.memory_space<vmem_shared>>) target_semaphore(%run_scoped3A : memref<!tpu.dma_semaphore, #tpu.memory_space<semaphore_mem>>)
      %dma_wait3A = arith.constant 0 : i32
      %dma_wait3A_309 = tpu.memref_slice %arg6[%dma_wait3A] : memref<640xf32, #tpu.memory_space<vmem>> -> memref<640xf32, #tpu.memory_space<vmem>>
      %dma_wait3A_310 = tpu.memref_slice %arg7[%mul3A_288] : memref<10240xf32, #tpu.memory_space<vmem_shared>> -> memref<640xf32, #tpu.memory_space<vmem_shared>>
      %dma_wait3A_311 = tpu.memref_slice %arg7[%mul3A_288] : memref<10240xf32, #tpu.memory_space<vmem_shared>> -> memref<640xf32, #tpu.memory_space<vmem_shared>>
      %dma_wait3A_312 = arith.constant 0 : i32
      %dma_wait3A_313 = tpu.memref_slice %arg6[%dma_wait3A_312] : memref<640xf32, #tpu.memory_space<vmem>> -> memref<640xf32, #tpu.memory_space<vmem>>
      tpu.wait_dma2 semaphore(%run_scoped3A : memref<!tpu.dma_semaphore, #tpu.memory_space<semaphore_mem>>) src(%dma_wait3A_313 : memref<640xf32, #tpu.memory_space<vmem>>) dst(%dma_wait3A_311 : memref<640xf32, #tpu.memory_space<vmem_shared>>)
      tpu.yield
    }) : () -> ()
    %mul3A_289 = arith.constant 80 : i32
    %mul3A_290 = arith.muli %add3A, %mul3A_289 : i32
    "tpu.region"() ({
      %run_scoped3A = tpu.sem_alloc : memref<!tpu.dma_semaphore, #tpu.memory_space<semaphore_mem>>
      %dma_start3A = arith.constant 0 : i32
      %dma_start3A_304 = tpu.memref_slice %arg2[%mul3A_290, %dma_start3A] : memref<2560x128xi32, #tpu.memory_space<hbm>> -> memref<80x128xi32, #tpu.memory_space<hbm>>
      %dma_start3A_305 = arith.constant 0 : i32
      %dma_start3A_306 = tpu.memref_slice %arg2[%mul3A_290, %dma_start3A_305] : memref<2560x128xi32, #tpu.memory_space<hbm>> -> memref<80x128xi32, #tpu.memory_space<hbm>>
      tpu.enqueue_dma source(%dma_start3A_306 : memref<80x128xi32, #tpu.memory_space<hbm>>) target(%arg4 : memref<80x128xi32, #tpu.memory_space<vmem>>) target_semaphore(%run_scoped3A : memref<!tpu.dma_semaphore, #tpu.memory_space<semaphore_mem>>)
      %dma_wait3A = arith.constant 0 : i32
      %dma_wait3A_307 = tpu.memref_slice %arg2[%mul3A_290, %dma_wait3A] : memref<2560x128xi32, #tpu.memory_space<hbm>> -> memref<80x128xi32, #tpu.memory_space<hbm>>
      %dma_wait3A_308 = arith.constant 0 : i32
      %dma_wait3A_309 = tpu.memref_slice %arg2[%mul3A_290, %dma_wait3A_308] : memref<2560x128xi32, #tpu.memory_space<hbm>> -> memref<80x128xi32, #tpu.memory_space<hbm>>
      tpu.wait_dma2 semaphore(%run_scoped3A : memref<!tpu.dma_semaphore, #tpu.memory_space<semaphore_mem>>) src(%dma_wait3A_309 : memref<80x128xi32, #tpu.memory_space<hbm>>) dst(%arg4 : memref<80x128xi32, #tpu.memory_space<vmem>>)
      tpu.yield
    }) : () -> ()
    %barrier3A = arith.constant 0 : index
    tpu.barrier barrier_id(%barrier3A)
    %scan3A = arith.constant 0 : i32
    %scan3A_291 = arith.constant 0 : i32
    %scan3A_292 = arith.constant 80 : i32
    %scan3A_293 = arith.addi %scan3A_291, %scan3A_292 : i32
    %scan3A_294 = arith.constant 1 : i32
    scf.for %scan3A_304 = %scan3A_291 to %scan3A_293 step %scan3A_294  : i32 {
      "tpu.region"() ({
        %run_scoped3A = tpu.sem_alloc : memref<!tpu.dma_semaphore, #tpu.memory_space<semaphore_mem>>
        %dma_start3A = arith.constant 0 : i32
        %dma_start3A_305 = tpu.memref_slice %arg4[%scan3A_304, %dma_start3A] : memref<80x128xi32, #tpu.memory_space<vmem>> -> memref<1x128xi32, #tpu.memory_space<vmem>>
        %dma_start3A_306 = tpu.memref_squeeze %dma_start3A_305 : memref<1x128xi32, #tpu.memory_space<vmem>> -> memref<128xi32, #tpu.memory_space<vmem>>
        %dma_start3A_307 = arith.constant 0 : i32
        %dma_start3A_308 = tpu.memref_slice %arg7[%dma_start3A_307] : memref<10240xf32, #tpu.memory_space<vmem_shared>> -> memref<10240xf32, #tpu.memory_space<vmem_shared>>
        tpu.enqueue_indirect_dma source(%arg5 : memref<128xf32, #tpu.memory_space<vmem>>) target(%dma_start3A_308 : memref<10240xf32, #tpu.memory_space<vmem_shared>>) offsets(%dma_start3A_306 : memref<128xi32, #tpu.memory_space<vmem>>) semaphore(%run_scoped3A : memref<!tpu.dma_semaphore, #tpu.memory_space<semaphore_mem>>) {add = true}
        %dma_wait3A = arith.constant 0 : i32
        %dma_wait3A_309 = tpu.memref_slice %arg4[%scan3A_304, %dma_wait3A] : memref<80x128xi32, #tpu.memory_space<vmem>> -> memref<1x128xi32, #tpu.memory_space<vmem>>
        %dma_wait3A_310 = tpu.memref_squeeze %dma_wait3A_309 : memref<1x128xi32, #tpu.memory_space<vmem>> -> memref<128xi32, #tpu.memory_space<vmem>>
        %dma_wait3A_311 = arith.constant 0 : i32
        %dma_wait3A_312 = tpu.memref_slice %arg7[%dma_wait3A_311] : memref<10240xf32, #tpu.memory_space<vmem_shared>> -> memref<10240xf32, #tpu.memory_space<vmem_shared>>
        tpu.wait_indirect_dma semaphore(%run_scoped3A : memref<!tpu.dma_semaphore, #tpu.memory_space<semaphore_mem>>) src(%arg5 : memref<128xf32, #tpu.memory_space<vmem>>) dst(%dma_wait3A_312 : memref<10240xf32, #tpu.memory_space<vmem_shared>>)
        tpu.yield
      }) : () -> ()
    }
    %scan3A_295 = arith.constant 80 : i32
    %barrier3A_296 = arith.constant 0 : index
    tpu.barrier barrier_id(%barrier3A_296)
    %mul3A_297 = arith.constant 640 : i32
    %mul3A_298 = arith.muli %arg1, %mul3A_297 : i32
    "tpu.region"() ({
      %run_scoped3A = tpu.sem_alloc : memref<!tpu.dma_semaphore, #tpu.memory_space<semaphore_mem>>
      %dma_start3A = arith.constant 0 : i32
      %dma_start3A_304 = tpu.memref_slice %arg6[%dma_start3A] : memref<640xf32, #tpu.memory_space<vmem>> -> memref<640xf32, #tpu.memory_space<vmem>>
      %dma_start3A_305 = tpu.memref_slice %arg7[%mul3A_298] : memref<10240xf32, #tpu.memory_space<vmem_shared>> -> memref<640xf32, #tpu.memory_space<vmem_shared>>
      %dma_start3A_306 = arith.constant 0 : i32
      %dma_start3A_307 = tpu.memref_slice %arg6[%dma_start3A_306] : memref<640xf32, #tpu.memory_space<vmem>> -> memref<640xf32, #tpu.memory_space<vmem>>
      %dma_start3A_308 = tpu.memref_slice %arg7[%mul3A_298] : memref<10240xf32, #tpu.memory_space<vmem_shared>> -> memref<640xf32, #tpu.memory_space<vmem_shared>>
      tpu.enqueue_dma source(%dma_start3A_308 : memref<640xf32, #tpu.memory_space<vmem_shared>>) target(%dma_start3A_307 : memref<640xf32, #tpu.memory_space<vmem>>) target_semaphore(%run_scoped3A : memref<!tpu.dma_semaphore, #tpu.memory_space<semaphore_mem>>)
      %dma_wait3A = arith.constant 0 : i32
      %dma_wait3A_309 = tpu.memref_slice %arg6[%dma_wait3A] : memref<640xf32, #tpu.memory_space<vmem>> -> memref<640xf32, #tpu.memory_space<vmem>>
      %dma_wait3A_310 = tpu.memref_slice %arg7[%mul3A_298] : memref<10240xf32, #tpu.memory_space<vmem_shared>> -> memref<640xf32, #tpu.memory_space<vmem_shared>>
      %dma_wait3A_311 = arith.constant 0 : i32
      %dma_wait3A_312 = tpu.memref_slice %arg6[%dma_wait3A_311] : memref<640xf32, #tpu.memory_space<vmem>> -> memref<640xf32, #tpu.memory_space<vmem>>
      %dma_wait3A_313 = tpu.memref_slice %arg7[%mul3A_298] : memref<10240xf32, #tpu.memory_space<vmem_shared>> -> memref<640xf32, #tpu.memory_space<vmem_shared>>
      tpu.wait_dma2 semaphore(%run_scoped3A : memref<!tpu.dma_semaphore, #tpu.memory_space<semaphore_mem>>) src(%dma_wait3A_313 : memref<640xf32, #tpu.memory_space<vmem_shared>>) dst(%dma_wait3A_312 : memref<640xf32, #tpu.memory_space<vmem>>)
      tpu.yield
    }) : () -> ()
    %mul3A_299 = arith.constant 10240 : i32
    %mul3A_300 = arith.muli %arg0, %mul3A_299 : i32
    %mul3A_301 = arith.constant 640 : i32
    %mul3A_302 = arith.muli %arg1, %mul3A_301 : i32
    %add3A_303 = arith.addi %mul3A_300, %mul3A_302 : i32
    "tpu.region"() ({
      %run_scoped3A = tpu.sem_alloc : memref<!tpu.dma_semaphore, #tpu.memory_space<semaphore_mem>>
      %dma_start3A = arith.constant 0 : i32
      %dma_start3A_304 = tpu.memref_slice %arg6[%dma_start3A] : memref<640xf32, #tpu.memory_space<vmem>> -> memref<640xf32, #tpu.memory_space<vmem>>
      %dma_start3A_305 = tpu.memref_slice %arg3[%add3A_303] : memref<20480xf32, #tpu.memory_space<hbm>> -> memref<640xf32, #tpu.memory_space<hbm>>
      %dma_start3A_306 = tpu.memref_slice %arg3[%add3A_303] : memref<20480xf32, #tpu.memory_space<hbm>> -> memref<640xf32, #tpu.memory_space<hbm>>
      %dma_start3A_307 = arith.constant 0 : i32
      %dma_start3A_308 = tpu.memref_slice %arg6[%dma_start3A_307] : memref<640xf32, #tpu.memory_space<vmem>> -> memref<640xf32, #tpu.memory_space<vmem>>
      tpu.enqueue_dma source(%dma_start3A_308 : memref<640xf32, #tpu.memory_space<vmem>>) target(%dma_start3A_306 : memref<640xf32, #tpu.memory_space<hbm>>) target_semaphore(%run_scoped3A : memref<!tpu.dma_semaphore, #tpu.memory_space<semaphore_mem>>)
      %dma_wait3A = arith.constant 0 : i32
      %dma_wait3A_309 = tpu.memref_slice %arg6[%dma_wait3A] : memref<640xf32, #tpu.memory_space<vmem>> -> memref<640xf32, #tpu.memory_space<vmem>>
      %dma_wait3A_310 = tpu.memref_slice %arg3[%add3A_303] : memref<20480xf32, #tpu.memory_space<hbm>> -> memref<640xf32, #tpu.memory_space<hbm>>
      %dma_wait3A_311 = tpu.memref_slice %arg3[%add3A_303] : memref<20480xf32, #tpu.memory_space<hbm>> -> memref<640xf32, #tpu.memory_space<hbm>>
      %dma_wait3A_312 = arith.constant 0 : i32
      %dma_wait3A_313 = tpu.memref_slice %arg6[%dma_wait3A_312] : memref<640xf32, #tpu.memory_space<vmem>> -> memref<640xf32, #tpu.memory_space<vmem>>
      tpu.wait_dma2 semaphore(%run_scoped3A : memref<!tpu.dma_semaphore, #tpu.memory_space<semaphore_mem>>) src(%dma_wait3A_313 : memref<640xf32, #tpu.memory_space<vmem>>) dst(%dma_wait3A_311 : memref<640xf32, #tpu.memory_space<hbm>>)
      tpu.yield
    }) : () -> ()
    return
  }
}

#map = affine_map<(d0, d1) -> (0, 0)>
#map1 = affine_map<(d0, d1) -> (0, 0, 0)>
module attributes {stable_mosaic.version = 14 : i64} {
  func.func @_conv_body(%arg0: i32, %arg1: i32, %arg2: memref<20000x64xf32, #tpu.memory_space<hbm>>, %arg3: memref<5120x128xi32, #tpu.memory_space<hbm>>, %arg4: memref<2560x128xi32, #tpu.memory_space<hbm>>, %arg5: memref<2x10240x64xf32, #tpu.memory_space<hbm>>, %arg6: memref<160x128xi32, #tpu.memory_space<vmem>>, %arg7: memref<160x128xi32, #tpu.memory_space<vmem>>, %arg8: memref<5x128x64xf32, #tpu.memory_space<vmem>>, %arg9: memref<16x64xf32, #tpu.memory_space<vmem>>, %arg10: memref<10240x64xf32, #tpu.memory_space<vmem_shared>>, %arg11: memref<5x!tpu.dma_semaphore, #tpu.memory_space<semaphore_mem>>, %arg12: memref<5x!tpu.dma_semaphore, #tpu.memory_space<semaphore_mem>>, %arg13: memref<!tpu.dma_semaphore, #tpu.memory_space<semaphore_mem>>) attributes {dimension_semantics = [#tpu.dimension_semantics<core_parallel>, #tpu.dimension_semantics<subcore_parallel>], iteration_bounds = array<i64: 2, 16>, scalar_prefetch = 0 : i64, scratch_operands = 8 : i64, tpu.core_type = #tpu.core_type<sc_vector_subcore>, window_params = [{transform_indices = #map}, {transform_indices = #map}, {transform_indices = #map}, {transform_indices = #map1}]} {
    %mul3A = arith.constant 640 : i32
    %mul3A_0 = arith.muli %arg1, %mul3A : i32
    %mul3A_1 = arith.constant 2560 : i32
    %mul3A_2 = arith.muli %arg0, %mul3A_1 : i32
    %mul3A_3 = arith.constant 160 : i32
    %mul3A_4 = arith.muli %arg1, %mul3A_3 : i32
    %add3A = arith.addi %mul3A_2, %mul3A_4 : i32
    "tpu.region"() ({
      %run_scoped3A = tpu.sem_alloc : memref<!tpu.dma_semaphore, #tpu.memory_space<semaphore_mem>>
      %dma_start3A_1013 = arith.constant 0 : i32
      %dma_start3A_1014 = tpu.memref_slice %arg3[%add3A, %dma_start3A_1013] : memref<5120x128xi32, #tpu.memory_space<hbm>> -> memref<160x128xi32, #tpu.memory_space<hbm>>
      %dma_start3A_1015 = arith.constant 0 : i32
      %dma_start3A_1016 = tpu.memref_slice %arg3[%add3A, %dma_start3A_1015] : memref<5120x128xi32, #tpu.memory_space<hbm>> -> memref<160x128xi32, #tpu.memory_space<hbm>>
      tpu.enqueue_dma source(%dma_start3A_1016 : memref<160x128xi32, #tpu.memory_space<hbm>>) target(%arg6 : memref<160x128xi32, #tpu.memory_space<vmem>>) target_semaphore(%run_scoped3A : memref<!tpu.dma_semaphore, #tpu.memory_space<semaphore_mem>>)
      %dma_wait3A_1017 = arith.constant 0 : i32
      %dma_wait3A_1018 = tpu.memref_slice %arg3[%add3A, %dma_wait3A_1017] : memref<5120x128xi32, #tpu.memory_space<hbm>> -> memref<160x128xi32, #tpu.memory_space<hbm>>
      %dma_wait3A_1019 = arith.constant 0 : i32
      %dma_wait3A_1020 = tpu.memref_slice %arg3[%add3A, %dma_wait3A_1019] : memref<5120x128xi32, #tpu.memory_space<hbm>> -> memref<160x128xi32, #tpu.memory_space<hbm>>
      tpu.wait_dma2 semaphore(%run_scoped3A : memref<!tpu.dma_semaphore, #tpu.memory_space<semaphore_mem>>) src(%dma_wait3A_1020 : memref<160x128xi32, #tpu.memory_space<hbm>>) dst(%arg6 : memref<160x128xi32, #tpu.memory_space<vmem>>)
      tpu.yield
    }) : () -> ()
    %mul3A_5 = arith.constant 160 : i32
    %mul3A_6 = arith.muli %arg1, %mul3A_5 : i32
    "tpu.region"() ({
      %run_scoped3A = tpu.sem_alloc : memref<!tpu.dma_semaphore, #tpu.memory_space<semaphore_mem>>
      %dma_start3A_1013 = arith.constant 0 : i32
      %dma_start3A_1014 = tpu.memref_slice %arg4[%mul3A_6, %dma_start3A_1013] : memref<2560x128xi32, #tpu.memory_space<hbm>> -> memref<160x128xi32, #tpu.memory_space<hbm>>
      %dma_start3A_1015 = arith.constant 0 : i32
      %dma_start3A_1016 = tpu.memref_slice %arg4[%mul3A_6, %dma_start3A_1015] : memref<2560x128xi32, #tpu.memory_space<hbm>> -> memref<160x128xi32, #tpu.memory_space<hbm>>
      tpu.enqueue_dma source(%dma_start3A_1016 : memref<160x128xi32, #tpu.memory_space<hbm>>) target(%arg7 : memref<160x128xi32, #tpu.memory_space<vmem>>) target_semaphore(%run_scoped3A : memref<!tpu.dma_semaphore, #tpu.memory_space<semaphore_mem>>)
      %dma_wait3A_1017 = arith.constant 0 : i32
      %dma_wait3A_1018 = tpu.memref_slice %arg4[%mul3A_6, %dma_wait3A_1017] : memref<2560x128xi32, #tpu.memory_space<hbm>> -> memref<160x128xi32, #tpu.memory_space<hbm>>
      %dma_wait3A_1019 = arith.constant 0 : i32
      %dma_wait3A_1020 = tpu.memref_slice %arg4[%mul3A_6, %dma_wait3A_1019] : memref<2560x128xi32, #tpu.memory_space<hbm>> -> memref<160x128xi32, #tpu.memory_space<hbm>>
      tpu.wait_dma2 semaphore(%run_scoped3A : memref<!tpu.dma_semaphore, #tpu.memory_space<semaphore_mem>>) src(%dma_wait3A_1020 : memref<160x128xi32, #tpu.memory_space<hbm>>) dst(%arg7 : memref<160x128xi32, #tpu.memory_space<vmem>>)
      tpu.yield
    }) : () -> ()
    %dma_start3A = arith.constant 0 : i32
    %dma_start3A_7 = arith.constant 0 : i32
    %dma_start3A_8 = arith.constant 0 : i32
    %dma_start3A_9 = arith.constant 0 : i32
    %dma_start3A_10 = arith.constant 0 : i32
    %dma_start3A_11 = tpu.memref_slice %arg8[%dma_start3A_7, %dma_start3A_9, %dma_start3A_10] : memref<5x128x64xf32, #tpu.memory_space<vmem>> -> memref<1x128x64xf32, #tpu.memory_space<vmem>>
    %dma_start3A_12 = tpu.memref_squeeze %dma_start3A_11 : memref<1x128x64xf32, #tpu.memory_space<vmem>> -> memref<128x64xf32, #tpu.memory_space<vmem>>
    %dma_start3A_13 = arith.constant 0 : i32
    %dma_start3A_14 = tpu.memref_slice %arg6[%dma_start3A, %dma_start3A_13] : memref<160x128xi32, #tpu.memory_space<vmem>> -> memref<1x128xi32, #tpu.memory_space<vmem>>
    %dma_start3A_15 = tpu.memref_squeeze %dma_start3A_14 : memref<1x128xi32, #tpu.memory_space<vmem>> -> memref<128xi32, #tpu.memory_space<vmem>>
    %dma_start3A_16 = arith.constant 0 : i32
    %dma_start3A_17 = arith.constant 0 : i32
    %dma_start3A_18 = tpu.memref_slice %arg2[%dma_start3A_16, %dma_start3A_17] : memref<20000x64xf32, #tpu.memory_space<hbm>> -> memref<20000x64xf32, #tpu.memory_space<hbm>>
    %dma_start3A_19 = tpu.memref_slice %arg11[%dma_start3A_8] : memref<5x!tpu.dma_semaphore, #tpu.memory_space<semaphore_mem>> -> memref<1x!tpu.dma_semaphore, #tpu.memory_space<semaphore_mem>>
    %dma_start3A_20 = tpu.memref_squeeze %dma_start3A_19 : memref<1x!tpu.dma_semaphore, #tpu.memory_space<semaphore_mem>> -> memref<!tpu.dma_semaphore, #tpu.memory_space<semaphore_mem>>
    tpu.enqueue_indirect_dma source(%dma_start3A_18 : memref<20000x64xf32, #tpu.memory_space<hbm>>) target(%dma_start3A_12 : memref<128x64xf32, #tpu.memory_space<vmem>>) offsets(%dma_start3A_15 : memref<128xi32, #tpu.memory_space<vmem>>) semaphore(%dma_start3A_20 : memref<!tpu.dma_semaphore, #tpu.memory_space<semaphore_mem>>)
    %dma_start3A_21 = arith.constant 1 : i32
    %dma_start3A_22 = arith.constant 1 : i32
    %dma_start3A_23 = arith.constant 1 : i32
    %dma_start3A_24 = arith.constant 0 : i32
    %dma_start3A_25 = arith.constant 0 : i32
    %dma_start3A_26 = tpu.memref_slice %arg8[%dma_start3A_22, %dma_start3A_24, %dma_start3A_25] : memref<5x128x64xf32, #tpu.memory_space<vmem>> -> memref<1x128x64xf32, #tpu.memory_space<vmem>>
    %dma_start3A_27 = tpu.memref_squeeze %dma_start3A_26 : memref<1x128x64xf32, #tpu.memory_space<vmem>> -> memref<128x64xf32, #tpu.memory_space<vmem>>
    %dma_start3A_28 = arith.constant 0 : i32
    %dma_start3A_29 = tpu.memref_slice %arg6[%dma_start3A_21, %dma_start3A_28] : memref<160x128xi32, #tpu.memory_space<vmem>> -> memref<1x128xi32, #tpu.memory_space<vmem>>
    %dma_start3A_30 = tpu.memref_squeeze %dma_start3A_29 : memref<1x128xi32, #tpu.memory_space<vmem>> -> memref<128xi32, #tpu.memory_space<vmem>>
    %dma_start3A_31 = arith.constant 0 : i32
    %dma_start3A_32 = arith.constant 0 : i32
    %dma_start3A_33 = tpu.memref_slice %arg2[%dma_start3A_31, %dma_start3A_32] : memref<20000x64xf32, #tpu.memory_space<hbm>> -> memref<20000x64xf32, #tpu.memory_space<hbm>>
    %dma_start3A_34 = tpu.memref_slice %arg11[%dma_start3A_23] : memref<5x!tpu.dma_semaphore, #tpu.memory_space<semaphore_mem>> -> memref<1x!tpu.dma_semaphore, #tpu.memory_space<semaphore_mem>>
    %dma_start3A_35 = tpu.memref_squeeze %dma_start3A_34 : memref<1x!tpu.dma_semaphore, #tpu.memory_space<semaphore_mem>> -> memref<!tpu.dma_semaphore, #tpu.memory_space<semaphore_mem>>
    tpu.enqueue_indirect_dma source(%dma_start3A_33 : memref<20000x64xf32, #tpu.memory_space<hbm>>) target(%dma_start3A_27 : memref<128x64xf32, #tpu.memory_space<vmem>>) offsets(%dma_start3A_30 : memref<128xi32, #tpu.memory_space<vmem>>) semaphore(%dma_start3A_35 : memref<!tpu.dma_semaphore, #tpu.memory_space<semaphore_mem>>)
    %dma_start3A_36 = arith.constant 2 : i32
    %dma_start3A_37 = arith.constant 2 : i32
    %dma_start3A_38 = arith.constant 2 : i32
    %dma_start3A_39 = arith.constant 0 : i32
    %dma_start3A_40 = arith.constant 0 : i32
    %dma_start3A_41 = tpu.memref_slice %arg8[%dma_start3A_37, %dma_start3A_39, %dma_start3A_40] : memref<5x128x64xf32, #tpu.memory_space<vmem>> -> memref<1x128x64xf32, #tpu.memory_space<vmem>>
    %dma_start3A_42 = tpu.memref_squeeze %dma_start3A_41 : memref<1x128x64xf32, #tpu.memory_space<vmem>> -> memref<128x64xf32, #tpu.memory_space<vmem>>
    %dma_start3A_43 = arith.constant 0 : i32
    %dma_start3A_44 = tpu.memref_slice %arg6[%dma_start3A_36, %dma_start3A_43] : memref<160x128xi32, #tpu.memory_space<vmem>> -> memref<1x128xi32, #tpu.memory_space<vmem>>
    %dma_start3A_45 = tpu.memref_squeeze %dma_start3A_44 : memref<1x128xi32, #tpu.memory_space<vmem>> -> memref<128xi32, #tpu.memory_space<vmem>>
    %dma_start3A_46 = arith.constant 0 : i32
    %dma_start3A_47 = arith.constant 0 : i32
    %dma_start3A_48 = tpu.memref_slice %arg2[%dma_start3A_46, %dma_start3A_47] : memref<20000x64xf32, #tpu.memory_space<hbm>> -> memref<20000x64xf32, #tpu.memory_space<hbm>>
    %dma_start3A_49 = tpu.memref_slice %arg11[%dma_start3A_38] : memref<5x!tpu.dma_semaphore, #tpu.memory_space<semaphore_mem>> -> memref<1x!tpu.dma_semaphore, #tpu.memory_space<semaphore_mem>>
    %dma_start3A_50 = tpu.memref_squeeze %dma_start3A_49 : memref<1x!tpu.dma_semaphore, #tpu.memory_space<semaphore_mem>> -> memref<!tpu.dma_semaphore, #tpu.memory_space<semaphore_mem>>
    tpu.enqueue_indirect_dma source(%dma_start3A_48 : memref<20000x64xf32, #tpu.memory_space<hbm>>) target(%dma_start3A_42 : memref<128x64xf32, #tpu.memory_space<vmem>>) offsets(%dma_start3A_45 : memref<128xi32, #tpu.memory_space<vmem>>) semaphore(%dma_start3A_50 : memref<!tpu.dma_semaphore, #tpu.memory_space<semaphore_mem>>)
    %broadcast_in_dim3A = arith.constant 0.000000e+00 : f32
    %broadcast_in_dim3A_51 = vector.broadcast %broadcast_in_dim3A : f32 to vector<16xf32>
    %swap3A = arith.constant 0 : i32
    %swap3A_52 = arith.index_cast %swap3A : i32 to index
    %swap3A_53 = arith.constant 0 : index
    %swap3A_54 = tpu.vector_load %arg9[%swap3A_52, %swap3A_53] {strides = array<i32>} : memref<16x64xf32, #tpu.memory_space<vmem>>, vector<1x16xf32>,
    %swap3A_55 = vector.shape_cast %swap3A_54 : vector<1x16xf32> to vector<16xf32>
    %swap3A_56 = vector.shape_cast %broadcast_in_dim3A_51 : vector<16xf32> to vector<1x16xf32>
    tpu.vector_store %arg9[%swap3A_52, %swap3A_53], %swap3A_56 {strides = array<i32>} : memref<16x64xf32, #tpu.memory_space<vmem>>, vector<1x16xf32>,
    %broadcast_in_dim3A_57 = arith.constant 0.000000e+00 : f32
    %broadcast_in_dim3A_58 = vector.broadcast %broadcast_in_dim3A_57 : f32 to vector<16xf32>
    %swap3A_59 = arith.constant 0 : i32
    %swap3A_60 = arith.index_cast %swap3A_59 : i32 to index
    %swap3A_61 = arith.constant 16 : index
    %swap3A_62 = tpu.vector_load %arg9[%swap3A_60, %swap3A_61] {strides = array<i32>} : memref<16x64xf32, #tpu.memory_space<vmem>>, vector<1x16xf32>,
    %swap3A_63 = vector.shape_cast %swap3A_62 : vector<1x16xf32> to vector<16xf32>
    %swap3A_64 = vector.shape_cast %broadcast_in_dim3A_58 : vector<16xf32> to vector<1x16xf32>
    tpu.vector_store %arg9[%swap3A_60, %swap3A_61], %swap3A_64 {strides = array<i32>} : memref<16x64xf32, #tpu.memory_space<vmem>>, vector<1x16xf32>,
    %broadcast_in_dim3A_65 = arith.constant 0.000000e+00 : f32
    %broadcast_in_dim3A_66 = vector.broadcast %broadcast_in_dim3A_65 : f32 to vector<16xf32>
    %swap3A_67 = arith.constant 0 : i32
    %swap3A_68 = arith.index_cast %swap3A_67 : i32 to index
    %swap3A_69 = arith.constant 32 : index
    %swap3A_70 = tpu.vector_load %arg9[%swap3A_68, %swap3A_69] {strides = array<i32>} : memref<16x64xf32, #tpu.memory_space<vmem>>, vector<1x16xf32>,
    %swap3A_71 = vector.shape_cast %swap3A_70 : vector<1x16xf32> to vector<16xf32>
    %swap3A_72 = vector.shape_cast %broadcast_in_dim3A_66 : vector<16xf32> to vector<1x16xf32>
    tpu.vector_store %arg9[%swap3A_68, %swap3A_69], %swap3A_72 {strides = array<i32>} : memref<16x64xf32, #tpu.memory_space<vmem>>, vector<1x16xf32>,
    %broadcast_in_dim3A_73 = arith.constant 0.000000e+00 : f32
    %broadcast_in_dim3A_74 = vector.broadcast %broadcast_in_dim3A_73 : f32 to vector<16xf32>
    %swap3A_75 = arith.constant 0 : i32
    %swap3A_76 = arith.index_cast %swap3A_75 : i32 to index
    %swap3A_77 = arith.constant 48 : index
    %swap3A_78 = tpu.vector_load %arg9[%swap3A_76, %swap3A_77] {strides = array<i32>} : memref<16x64xf32, #tpu.memory_space<vmem>>, vector<1x16xf32>,
    %swap3A_79 = vector.shape_cast %swap3A_78 : vector<1x16xf32> to vector<16xf32>
    %swap3A_80 = vector.shape_cast %broadcast_in_dim3A_74 : vector<16xf32> to vector<1x16xf32>
    tpu.vector_store %arg9[%swap3A_76, %swap3A_77], %swap3A_80 {strides = array<i32>} : memref<16x64xf32, #tpu.memory_space<vmem>>, vector<1x16xf32>,
    %broadcast_in_dim3A_81 = arith.constant 0.000000e+00 : f32
    %broadcast_in_dim3A_82 = vector.broadcast %broadcast_in_dim3A_81 : f32 to vector<16xf32>
    %swap3A_83 = arith.constant 1 : i32
    %swap3A_84 = arith.index_cast %swap3A_83 : i32 to index
    %swap3A_85 = arith.constant 0 : index
    %swap3A_86 = tpu.vector_load %arg9[%swap3A_84, %swap3A_85] {strides = array<i32>} : memref<16x64xf32, #tpu.memory_space<vmem>>, vector<1x16xf32>,
    %swap3A_87 = vector.shape_cast %swap3A_86 : vector<1x16xf32> to vector<16xf32>
    %swap3A_88 = vector.shape_cast %broadcast_in_dim3A_82 : vector<16xf32> to vector<1x16xf32>
    tpu.vector_store %arg9[%swap3A_84, %swap3A_85], %swap3A_88 {strides = array<i32>} : memref<16x64xf32, #tpu.memory_space<vmem>>, vector<1x16xf32>,
    %broadcast_in_dim3A_89 = arith.constant 0.000000e+00 : f32
    %broadcast_in_dim3A_90 = vector.broadcast %broadcast_in_dim3A_89 : f32 to vector<16xf32>
    %swap3A_91 = arith.constant 1 : i32
    %swap3A_92 = arith.index_cast %swap3A_91 : i32 to index
    %swap3A_93 = arith.constant 16 : index
    %swap3A_94 = tpu.vector_load %arg9[%swap3A_92, %swap3A_93] {strides = array<i32>} : memref<16x64xf32, #tpu.memory_space<vmem>>, vector<1x16xf32>,
    %swap3A_95 = vector.shape_cast %swap3A_94 : vector<1x16xf32> to vector<16xf32>
    %swap3A_96 = vector.shape_cast %broadcast_in_dim3A_90 : vector<16xf32> to vector<1x16xf32>
    tpu.vector_store %arg9[%swap3A_92, %swap3A_93], %swap3A_96 {strides = array<i32>} : memref<16x64xf32, #tpu.memory_space<vmem>>, vector<1x16xf32>,
    %broadcast_in_dim3A_97 = arith.constant 0.000000e+00 : f32
    %broadcast_in_dim3A_98 = vector.broadcast %broadcast_in_dim3A_97 : f32 to vector<16xf32>
    %swap3A_99 = arith.constant 1 : i32
    %swap3A_100 = arith.index_cast %swap3A_99 : i32 to index
    %swap3A_101 = arith.constant 32 : index
    %swap3A_102 = tpu.vector_load %arg9[%swap3A_100, %swap3A_101] {strides = array<i32>} : memref<16x64xf32, #tpu.memory_space<vmem>>, vector<1x16xf32>,
    %swap3A_103 = vector.shape_cast %swap3A_102 : vector<1x16xf32> to vector<16xf32>
    %swap3A_104 = vector.shape_cast %broadcast_in_dim3A_98 : vector<16xf32> to vector<1x16xf32>
    tpu.vector_store %arg9[%swap3A_100, %swap3A_101], %swap3A_104 {strides = array<i32>} : memref<16x64xf32, #tpu.memory_space<vmem>>, vector<1x16xf32>,
    %broadcast_in_dim3A_105 = arith.constant 0.000000e+00 : f32
    %broadcast_in_dim3A_106 = vector.broadcast %broadcast_in_dim3A_105 : f32 to vector<16xf32>
    %swap3A_107 = arith.constant 1 : i32
    %swap3A_108 = arith.index_cast %swap3A_107 : i32 to index
    %swap3A_109 = arith.constant 48 : index
    %swap3A_110 = tpu.vector_load %arg9[%swap3A_108, %swap3A_109] {strides = array<i32>} : memref<16x64xf32, #tpu.memory_space<vmem>>, vector<1x16xf32>,
    %swap3A_111 = vector.shape_cast %swap3A_110 : vector<1x16xf32> to vector<16xf32>
    %swap3A_112 = vector.shape_cast %broadcast_in_dim3A_106 : vector<16xf32> to vector<1x16xf32>
    tpu.vector_store %arg9[%swap3A_108, %swap3A_109], %swap3A_112 {strides = array<i32>} : memref<16x64xf32, #tpu.memory_space<vmem>>, vector<1x16xf32>,
    %broadcast_in_dim3A_113 = arith.constant 0.000000e+00 : f32
    %broadcast_in_dim3A_114 = vector.broadcast %broadcast_in_dim3A_113 : f32 to vector<16xf32>
    %swap3A_115 = arith.constant 2 : i32
    %swap3A_116 = arith.index_cast %swap3A_115 : i32 to index
    %swap3A_117 = arith.constant 0 : index
    %swap3A_118 = tpu.vector_load %arg9[%swap3A_116, %swap3A_117] {strides = array<i32>} : memref<16x64xf32, #tpu.memory_space<vmem>>, vector<1x16xf32>,
    %swap3A_119 = vector.shape_cast %swap3A_118 : vector<1x16xf32> to vector<16xf32>
    %swap3A_120 = vector.shape_cast %broadcast_in_dim3A_114 : vector<16xf32> to vector<1x16xf32>
    tpu.vector_store %arg9[%swap3A_116, %swap3A_117], %swap3A_120 {strides = array<i32>} : memref<16x64xf32, #tpu.memory_space<vmem>>, vector<1x16xf32>,
    %broadcast_in_dim3A_121 = arith.constant 0.000000e+00 : f32
    %broadcast_in_dim3A_122 = vector.broadcast %broadcast_in_dim3A_121 : f32 to vector<16xf32>
    %swap3A_123 = arith.constant 2 : i32
    %swap3A_124 = arith.index_cast %swap3A_123 : i32 to index
    %swap3A_125 = arith.constant 16 : index
    %swap3A_126 = tpu.vector_load %arg9[%swap3A_124, %swap3A_125] {strides = array<i32>} : memref<16x64xf32, #tpu.memory_space<vmem>>, vector<1x16xf32>,
    %swap3A_127 = vector.shape_cast %swap3A_126 : vector<1x16xf32> to vector<16xf32>
    %swap3A_128 = vector.shape_cast %broadcast_in_dim3A_122 : vector<16xf32> to vector<1x16xf32>
    tpu.vector_store %arg9[%swap3A_124, %swap3A_125], %swap3A_128 {strides = array<i32>} : memref<16x64xf32, #tpu.memory_space<vmem>>, vector<1x16xf32>,
    %broadcast_in_dim3A_129 = arith.constant 0.000000e+00 : f32
    %broadcast_in_dim3A_130 = vector.broadcast %broadcast_in_dim3A_129 : f32 to vector<16xf32>
    %swap3A_131 = arith.constant 2 : i32
    %swap3A_132 = arith.index_cast %swap3A_131 : i32 to index
    %swap3A_133 = arith.constant 32 : index
    %swap3A_134 = tpu.vector_load %arg9[%swap3A_132, %swap3A_133] {strides = array<i32>} : memref<16x64xf32, #tpu.memory_space<vmem>>, vector<1x16xf32>,
    %swap3A_135 = vector.shape_cast %swap3A_134 : vector<1x16xf32> to vector<16xf32>
    %swap3A_136 = vector.shape_cast %broadcast_in_dim3A_130 : vector<16xf32> to vector<1x16xf32>
    tpu.vector_store %arg9[%swap3A_132, %swap3A_133], %swap3A_136 {strides = array<i32>} : memref<16x64xf32, #tpu.memory_space<vmem>>, vector<1x16xf32>,
    %broadcast_in_dim3A_137 = arith.constant 0.000000e+00 : f32
    %broadcast_in_dim3A_138 = vector.broadcast %broadcast_in_dim3A_137 : f32 to vector<16xf32>
    %swap3A_139 = arith.constant 2 : i32
    %swap3A_140 = arith.index_cast %swap3A_139 : i32 to index
    %swap3A_141 = arith.constant 48 : index
    %swap3A_142 = tpu.vector_load %arg9[%swap3A_140, %swap3A_141] {strides = array<i32>} : memref<16x64xf32, #tpu.memory_space<vmem>>, vector<1x16xf32>,
    %swap3A_143 = vector.shape_cast %swap3A_142 : vector<1x16xf32> to vector<16xf32>
    %swap3A_144 = vector.shape_cast %broadcast_in_dim3A_138 : vector<16xf32> to vector<1x16xf32>
    tpu.vector_store %arg9[%swap3A_140, %swap3A_141], %swap3A_144 {strides = array<i32>} : memref<16x64xf32, #tpu.memory_space<vmem>>, vector<1x16xf32>,
    %broadcast_in_dim3A_145 = arith.constant 0.000000e+00 : f32
    %broadcast_in_dim3A_146 = vector.broadcast %broadcast_in_dim3A_145 : f32 to vector<16xf32>
    %swap3A_147 = arith.constant 3 : i32
    %swap3A_148 = arith.index_cast %swap3A_147 : i32 to index
    %swap3A_149 = arith.constant 0 : index
    %swap3A_150 = tpu.vector_load %arg9[%swap3A_148, %swap3A_149] {strides = array<i32>} : memref<16x64xf32, #tpu.memory_space<vmem>>, vector<1x16xf32>,
    %swap3A_151 = vector.shape_cast %swap3A_150 : vector<1x16xf32> to vector<16xf32>
    %swap3A_152 = vector.shape_cast %broadcast_in_dim3A_146 : vector<16xf32> to vector<1x16xf32>
    tpu.vector_store %arg9[%swap3A_148, %swap3A_149], %swap3A_152 {strides = array<i32>} : memref<16x64xf32, #tpu.memory_space<vmem>>, vector<1x16xf32>,
    %broadcast_in_dim3A_153 = arith.constant 0.000000e+00 : f32
    %broadcast_in_dim3A_154 = vector.broadcast %broadcast_in_dim3A_153 : f32 to vector<16xf32>
    %swap3A_155 = arith.constant 3 : i32
    %swap3A_156 = arith.index_cast %swap3A_155 : i32 to index
    %swap3A_157 = arith.constant 16 : index
    %swap3A_158 = tpu.vector_load %arg9[%swap3A_156, %swap3A_157] {strides = array<i32>} : memref<16x64xf32, #tpu.memory_space<vmem>>, vector<1x16xf32>,
    %swap3A_159 = vector.shape_cast %swap3A_158 : vector<1x16xf32> to vector<16xf32>
    %swap3A_160 = vector.shape_cast %broadcast_in_dim3A_154 : vector<16xf32> to vector<1x16xf32>
    tpu.vector_store %arg9[%swap3A_156, %swap3A_157], %swap3A_160 {strides = array<i32>} : memref<16x64xf32, #tpu.memory_space<vmem>>, vector<1x16xf32>,
    %broadcast_in_dim3A_161 = arith.constant 0.000000e+00 : f32
    %broadcast_in_dim3A_162 = vector.broadcast %broadcast_in_dim3A_161 : f32 to vector<16xf32>
    %swap3A_163 = arith.constant 3 : i32
    %swap3A_164 = arith.index_cast %swap3A_163 : i32 to index
    %swap3A_165 = arith.constant 32 : index
    %swap3A_166 = tpu.vector_load %arg9[%swap3A_164, %swap3A_165] {strides = array<i32>} : memref<16x64xf32, #tpu.memory_space<vmem>>, vector<1x16xf32>,
    %swap3A_167 = vector.shape_cast %swap3A_166 : vector<1x16xf32> to vector<16xf32>
    %swap3A_168 = vector.shape_cast %broadcast_in_dim3A_162 : vector<16xf32> to vector<1x16xf32>
    tpu.vector_store %arg9[%swap3A_164, %swap3A_165], %swap3A_168 {strides = array<i32>} : memref<16x64xf32, #tpu.memory_space<vmem>>, vector<1x16xf32>,
    %broadcast_in_dim3A_169 = arith.constant 0.000000e+00 : f32
    %broadcast_in_dim3A_170 = vector.broadcast %broadcast_in_dim3A_169 : f32 to vector<16xf32>
    %swap3A_171 = arith.constant 3 : i32
    %swap3A_172 = arith.index_cast %swap3A_171 : i32 to index
    %swap3A_173 = arith.constant 48 : index
    %swap3A_174 = tpu.vector_load %arg9[%swap3A_172, %swap3A_173] {strides = array<i32>} : memref<16x64xf32, #tpu.memory_space<vmem>>, vector<1x16xf32>,
    %swap3A_175 = vector.shape_cast %swap3A_174 : vector<1x16xf32> to vector<16xf32>
    %swap3A_176 = vector.shape_cast %broadcast_in_dim3A_170 : vector<16xf32> to vector<1x16xf32>
    tpu.vector_store %arg9[%swap3A_172, %swap3A_173], %swap3A_176 {strides = array<i32>} : memref<16x64xf32, #tpu.memory_space<vmem>>, vector<1x16xf32>,
    %broadcast_in_dim3A_177 = arith.constant 0.000000e+00 : f32
    %broadcast_in_dim3A_178 = vector.broadcast %broadcast_in_dim3A_177 : f32 to vector<16xf32>
    %swap3A_179 = arith.constant 4 : i32
    %swap3A_180 = arith.index_cast %swap3A_179 : i32 to index
    %swap3A_181 = arith.constant 0 : index
    %swap3A_182 = tpu.vector_load %arg9[%swap3A_180, %swap3A_181] {strides = array<i32>} : memref<16x64xf32, #tpu.memory_space<vmem>>, vector<1x16xf32>,
    %swap3A_183 = vector.shape_cast %swap3A_182 : vector<1x16xf32> to vector<16xf32>
    %swap3A_184 = vector.shape_cast %broadcast_in_dim3A_178 : vector<16xf32> to vector<1x16xf32>
    tpu.vector_store %arg9[%swap3A_180, %swap3A_181], %swap3A_184 {strides = array<i32>} : memref<16x64xf32, #tpu.memory_space<vmem>>, vector<1x16xf32>,
    %broadcast_in_dim3A_185 = arith.constant 0.000000e+00 : f32
    %broadcast_in_dim3A_186 = vector.broadcast %broadcast_in_dim3A_185 : f32 to vector<16xf32>
    %swap3A_187 = arith.constant 4 : i32
    %swap3A_188 = arith.index_cast %swap3A_187 : i32 to index
    %swap3A_189 = arith.constant 16 : index
    %swap3A_190 = tpu.vector_load %arg9[%swap3A_188, %swap3A_189] {strides = array<i32>} : memref<16x64xf32, #tpu.memory_space<vmem>>, vector<1x16xf32>,
    %swap3A_191 = vector.shape_cast %swap3A_190 : vector<1x16xf32> to vector<16xf32>
    %swap3A_192 = vector.shape_cast %broadcast_in_dim3A_186 : vector<16xf32> to vector<1x16xf32>
    tpu.vector_store %arg9[%swap3A_188, %swap3A_189], %swap3A_192 {strides = array<i32>} : memref<16x64xf32, #tpu.memory_space<vmem>>, vector<1x16xf32>,
    %broadcast_in_dim3A_193 = arith.constant 0.000000e+00 : f32
    %broadcast_in_dim3A_194 = vector.broadcast %broadcast_in_dim3A_193 : f32 to vector<16xf32>
    %swap3A_195 = arith.constant 4 : i32
    %swap3A_196 = arith.index_cast %swap3A_195 : i32 to index
    %swap3A_197 = arith.constant 32 : index
    %swap3A_198 = tpu.vector_load %arg9[%swap3A_196, %swap3A_197] {strides = array<i32>} : memref<16x64xf32, #tpu.memory_space<vmem>>, vector<1x16xf32>,
    %swap3A_199 = vector.shape_cast %swap3A_198 : vector<1x16xf32> to vector<16xf32>
    %swap3A_200 = vector.shape_cast %broadcast_in_dim3A_194 : vector<16xf32> to vector<1x16xf32>
    tpu.vector_store %arg9[%swap3A_196, %swap3A_197], %swap3A_200 {strides = array<i32>} : memref<16x64xf32, #tpu.memory_space<vmem>>, vector<1x16xf32>,
    %broadcast_in_dim3A_201 = arith.constant 0.000000e+00 : f32
    %broadcast_in_dim3A_202 = vector.broadcast %broadcast_in_dim3A_201 : f32 to vector<16xf32>
    %swap3A_203 = arith.constant 4 : i32
    %swap3A_204 = arith.index_cast %swap3A_203 : i32 to index
    %swap3A_205 = arith.constant 48 : index
    %swap3A_206 = tpu.vector_load %arg9[%swap3A_204, %swap3A_205] {strides = array<i32>} : memref<16x64xf32, #tpu.memory_space<vmem>>, vector<1x16xf32>,
    %swap3A_207 = vector.shape_cast %swap3A_206 : vector<1x16xf32> to vector<16xf32>
    %swap3A_208 = vector.shape_cast %broadcast_in_dim3A_202 : vector<16xf32> to vector<1x16xf32>
    tpu.vector_store %arg9[%swap3A_204, %swap3A_205], %swap3A_208 {strides = array<i32>} : memref<16x64xf32, #tpu.memory_space<vmem>>, vector<1x16xf32>,
    %broadcast_in_dim3A_209 = arith.constant 0.000000e+00 : f32
    %broadcast_in_dim3A_210 = vector.broadcast %broadcast_in_dim3A_209 : f32 to vector<16xf32>
    %swap3A_211 = arith.constant 5 : i32
    %swap3A_212 = arith.index_cast %swap3A_211 : i32 to index
    %swap3A_213 = arith.constant 0 : index
    %swap3A_214 = tpu.vector_load %arg9[%swap3A_212, %swap3A_213] {strides = array<i32>} : memref<16x64xf32, #tpu.memory_space<vmem>>, vector<1x16xf32>,
    %swap3A_215 = vector.shape_cast %swap3A_214 : vector<1x16xf32> to vector<16xf32>
    %swap3A_216 = vector.shape_cast %broadcast_in_dim3A_210 : vector<16xf32> to vector<1x16xf32>
    tpu.vector_store %arg9[%swap3A_212, %swap3A_213], %swap3A_216 {strides = array<i32>} : memref<16x64xf32, #tpu.memory_space<vmem>>, vector<1x16xf32>,
    %broadcast_in_dim3A_217 = arith.constant 0.000000e+00 : f32
    %broadcast_in_dim3A_218 = vector.broadcast %broadcast_in_dim3A_217 : f32 to vector<16xf32>
    %swap3A_219 = arith.constant 5 : i32
    %swap3A_220 = arith.index_cast %swap3A_219 : i32 to index
    %swap3A_221 = arith.constant 16 : index
    %swap3A_222 = tpu.vector_load %arg9[%swap3A_220, %swap3A_221] {strides = array<i32>} : memref<16x64xf32, #tpu.memory_space<vmem>>, vector<1x16xf32>,
    %swap3A_223 = vector.shape_cast %swap3A_222 : vector<1x16xf32> to vector<16xf32>
    %swap3A_224 = vector.shape_cast %broadcast_in_dim3A_218 : vector<16xf32> to vector<1x16xf32>
    tpu.vector_store %arg9[%swap3A_220, %swap3A_221], %swap3A_224 {strides = array<i32>} : memref<16x64xf32, #tpu.memory_space<vmem>>, vector<1x16xf32>,
    %broadcast_in_dim3A_225 = arith.constant 0.000000e+00 : f32
    %broadcast_in_dim3A_226 = vector.broadcast %broadcast_in_dim3A_225 : f32 to vector<16xf32>
    %swap3A_227 = arith.constant 5 : i32
    %swap3A_228 = arith.index_cast %swap3A_227 : i32 to index
    %swap3A_229 = arith.constant 32 : index
    %swap3A_230 = tpu.vector_load %arg9[%swap3A_228, %swap3A_229] {strides = array<i32>} : memref<16x64xf32, #tpu.memory_space<vmem>>, vector<1x16xf32>,
    %swap3A_231 = vector.shape_cast %swap3A_230 : vector<1x16xf32> to vector<16xf32>
    %swap3A_232 = vector.shape_cast %broadcast_in_dim3A_226 : vector<16xf32> to vector<1x16xf32>
    tpu.vector_store %arg9[%swap3A_228, %swap3A_229], %swap3A_232 {strides = array<i32>} : memref<16x64xf32, #tpu.memory_space<vmem>>, vector<1x16xf32>,
    %broadcast_in_dim3A_233 = arith.constant 0.000000e+00 : f32
    %broadcast_in_dim3A_234 = vector.broadcast %broadcast_in_dim3A_233 : f32 to vector<16xf32>
    %swap3A_235 = arith.constant 5 : i32
    %swap3A_236 = arith.index_cast %swap3A_235 : i32 to index
    %swap3A_237 = arith.constant 48 : index
    %swap3A_238 = tpu.vector_load %arg9[%swap3A_236, %swap3A_237] {strides = array<i32>} : memref<16x64xf32, #tpu.memory_space<vmem>>, vector<1x16xf32>,
    %swap3A_239 = vector.shape_cast %swap3A_238 : vector<1x16xf32> to vector<16xf32>
    %swap3A_240 = vector.shape_cast %broadcast_in_dim3A_234 : vector<16xf32> to vector<1x16xf32>
    tpu.vector_store %arg9[%swap3A_236, %swap3A_237], %swap3A_240 {strides = array<i32>} : memref<16x64xf32, #tpu.memory_space<vmem>>, vector<1x16xf32>,
    %broadcast_in_dim3A_241 = arith.constant 0.000000e+00 : f32
    %broadcast_in_dim3A_242 = vector.broadcast %broadcast_in_dim3A_241 : f32 to vector<16xf32>
    %swap3A_243 = arith.constant 6 : i32
    %swap3A_244 = arith.index_cast %swap3A_243 : i32 to index
    %swap3A_245 = arith.constant 0 : index
    %swap3A_246 = tpu.vector_load %arg9[%swap3A_244, %swap3A_245] {strides = array<i32>} : memref<16x64xf32, #tpu.memory_space<vmem>>, vector<1x16xf32>,
    %swap3A_247 = vector.shape_cast %swap3A_246 : vector<1x16xf32> to vector<16xf32>
    %swap3A_248 = vector.shape_cast %broadcast_in_dim3A_242 : vector<16xf32> to vector<1x16xf32>
    tpu.vector_store %arg9[%swap3A_244, %swap3A_245], %swap3A_248 {strides = array<i32>} : memref<16x64xf32, #tpu.memory_space<vmem>>, vector<1x16xf32>,
    %broadcast_in_dim3A_249 = arith.constant 0.000000e+00 : f32
    %broadcast_in_dim3A_250 = vector.broadcast %broadcast_in_dim3A_249 : f32 to vector<16xf32>
    %swap3A_251 = arith.constant 6 : i32
    %swap3A_252 = arith.index_cast %swap3A_251 : i32 to index
    %swap3A_253 = arith.constant 16 : index
    %swap3A_254 = tpu.vector_load %arg9[%swap3A_252, %swap3A_253] {strides = array<i32>} : memref<16x64xf32, #tpu.memory_space<vmem>>, vector<1x16xf32>,
    %swap3A_255 = vector.shape_cast %swap3A_254 : vector<1x16xf32> to vector<16xf32>
    %swap3A_256 = vector.shape_cast %broadcast_in_dim3A_250 : vector<16xf32> to vector<1x16xf32>
    tpu.vector_store %arg9[%swap3A_252, %swap3A_253], %swap3A_256 {strides = array<i32>} : memref<16x64xf32, #tpu.memory_space<vmem>>, vector<1x16xf32>,
    %broadcast_in_dim3A_257 = arith.constant 0.000000e+00 : f32
    %broadcast_in_dim3A_258 = vector.broadcast %broadcast_in_dim3A_257 : f32 to vector<16xf32>
    %swap3A_259 = arith.constant 6 : i32
    %swap3A_260 = arith.index_cast %swap3A_259 : i32 to index
    %swap3A_261 = arith.constant 32 : index
    %swap3A_262 = tpu.vector_load %arg9[%swap3A_260, %swap3A_261] {strides = array<i32>} : memref<16x64xf32, #tpu.memory_space<vmem>>, vector<1x16xf32>,
    %swap3A_263 = vector.shape_cast %swap3A_262 : vector<1x16xf32> to vector<16xf32>
    %swap3A_264 = vector.shape_cast %broadcast_in_dim3A_258 : vector<16xf32> to vector<1x16xf32>
    tpu.vector_store %arg9[%swap3A_260, %swap3A_261], %swap3A_264 {strides = array<i32>} : memref<16x64xf32, #tpu.memory_space<vmem>>, vector<1x16xf32>,
    %broadcast_in_dim3A_265 = arith.constant 0.000000e+00 : f32
    %broadcast_in_dim3A_266 = vector.broadcast %broadcast_in_dim3A_265 : f32 to vector<16xf32>
    %swap3A_267 = arith.constant 6 : i32
    %swap3A_268 = arith.index_cast %swap3A_267 : i32 to index
    %swap3A_269 = arith.constant 48 : index
    %swap3A_270 = tpu.vector_load %arg9[%swap3A_268, %swap3A_269] {strides = array<i32>} : memref<16x64xf32, #tpu.memory_space<vmem>>, vector<1x16xf32>,
    %swap3A_271 = vector.shape_cast %swap3A_270 : vector<1x16xf32> to vector<16xf32>
    %swap3A_272 = vector.shape_cast %broadcast_in_dim3A_266 : vector<16xf32> to vector<1x16xf32>
    tpu.vector_store %arg9[%swap3A_268, %swap3A_269], %swap3A_272 {strides = array<i32>} : memref<16x64xf32, #tpu.memory_space<vmem>>, vector<1x16xf32>,
    %broadcast_in_dim3A_273 = arith.constant 0.000000e+00 : f32
    %broadcast_in_dim3A_274 = vector.broadcast %broadcast_in_dim3A_273 : f32 to vector<16xf32>
    %swap3A_275 = arith.constant 7 : i32
    %swap3A_276 = arith.index_cast %swap3A_275 : i32 to index
    %swap3A_277 = arith.constant 0 : index
    %swap3A_278 = tpu.vector_load %arg9[%swap3A_276, %swap3A_277] {strides = array<i32>} : memref<16x64xf32, #tpu.memory_space<vmem>>, vector<1x16xf32>,
    %swap3A_279 = vector.shape_cast %swap3A_278 : vector<1x16xf32> to vector<16xf32>
    %swap3A_280 = vector.shape_cast %broadcast_in_dim3A_274 : vector<16xf32> to vector<1x16xf32>
    tpu.vector_store %arg9[%swap3A_276, %swap3A_277], %swap3A_280 {strides = array<i32>} : memref<16x64xf32, #tpu.memory_space<vmem>>, vector<1x16xf32>,
    %broadcast_in_dim3A_281 = arith.constant 0.000000e+00 : f32
    %broadcast_in_dim3A_282 = vector.broadcast %broadcast_in_dim3A_281 : f32 to vector<16xf32>
    %swap3A_283 = arith.constant 7 : i32
    %swap3A_284 = arith.index_cast %swap3A_283 : i32 to index
    %swap3A_285 = arith.constant 16 : index
    %swap3A_286 = tpu.vector_load %arg9[%swap3A_284, %swap3A_285] {strides = array<i32>} : memref<16x64xf32, #tpu.memory_space<vmem>>, vector<1x16xf32>,
    %swap3A_287 = vector.shape_cast %swap3A_286 : vector<1x16xf32> to vector<16xf32>
    %swap3A_288 = vector.shape_cast %broadcast_in_dim3A_282 : vector<16xf32> to vector<1x16xf32>
    tpu.vector_store %arg9[%swap3A_284, %swap3A_285], %swap3A_288 {strides = array<i32>} : memref<16x64xf32, #tpu.memory_space<vmem>>, vector<1x16xf32>,
    %broadcast_in_dim3A_289 = arith.constant 0.000000e+00 : f32
    %broadcast_in_dim3A_290 = vector.broadcast %broadcast_in_dim3A_289 : f32 to vector<16xf32>
    %swap3A_291 = arith.constant 7 : i32
    %swap3A_292 = arith.index_cast %swap3A_291 : i32 to index
    %swap3A_293 = arith.constant 32 : index
    %swap3A_294 = tpu.vector_load %arg9[%swap3A_292, %swap3A_293] {strides = array<i32>} : memref<16x64xf32, #tpu.memory_space<vmem>>, vector<1x16xf32>,
    %swap3A_295 = vector.shape_cast %swap3A_294 : vector<1x16xf32> to vector<16xf32>
    %swap3A_296 = vector.shape_cast %broadcast_in_dim3A_290 : vector<16xf32> to vector<1x16xf32>
    tpu.vector_store %arg9[%swap3A_292, %swap3A_293], %swap3A_296 {strides = array<i32>} : memref<16x64xf32, #tpu.memory_space<vmem>>, vector<1x16xf32>,
    %broadcast_in_dim3A_297 = arith.constant 0.000000e+00 : f32
    %broadcast_in_dim3A_298 = vector.broadcast %broadcast_in_dim3A_297 : f32 to vector<16xf32>
    %swap3A_299 = arith.constant 7 : i32
    %swap3A_300 = arith.index_cast %swap3A_299 : i32 to index
    %swap3A_301 = arith.constant 48 : index
    %swap3A_302 = tpu.vector_load %arg9[%swap3A_300, %swap3A_301] {strides = array<i32>} : memref<16x64xf32, #tpu.memory_space<vmem>>, vector<1x16xf32>,
    %swap3A_303 = vector.shape_cast %swap3A_302 : vector<1x16xf32> to vector<16xf32>
    %swap3A_304 = vector.shape_cast %broadcast_in_dim3A_298 : vector<16xf32> to vector<1x16xf32>
    tpu.vector_store %arg9[%swap3A_300, %swap3A_301], %swap3A_304 {strides = array<i32>} : memref<16x64xf32, #tpu.memory_space<vmem>>, vector<1x16xf32>,
    %broadcast_in_dim3A_305 = arith.constant 0.000000e+00 : f32
    %broadcast_in_dim3A_306 = vector.broadcast %broadcast_in_dim3A_305 : f32 to vector<16xf32>
    %swap3A_307 = arith.constant 8 : i32
    %swap3A_308 = arith.index_cast %swap3A_307 : i32 to index
    %swap3A_309 = arith.constant 0 : index
    %swap3A_310 = tpu.vector_load %arg9[%swap3A_308, %swap3A_309] {strides = array<i32>} : memref<16x64xf32, #tpu.memory_space<vmem>>, vector<1x16xf32>,
    %swap3A_311 = vector.shape_cast %swap3A_310 : vector<1x16xf32> to vector<16xf32>
    %swap3A_312 = vector.shape_cast %broadcast_in_dim3A_306 : vector<16xf32> to vector<1x16xf32>
    tpu.vector_store %arg9[%swap3A_308, %swap3A_309], %swap3A_312 {strides = array<i32>} : memref<16x64xf32, #tpu.memory_space<vmem>>, vector<1x16xf32>,
    %broadcast_in_dim3A_313 = arith.constant 0.000000e+00 : f32
    %broadcast_in_dim3A_314 = vector.broadcast %broadcast_in_dim3A_313 : f32 to vector<16xf32>
    %swap3A_315 = arith.constant 8 : i32
    %swap3A_316 = arith.index_cast %swap3A_315 : i32 to index
    %swap3A_317 = arith.constant 16 : index
    %swap3A_318 = tpu.vector_load %arg9[%swap3A_316, %swap3A_317] {strides = array<i32>} : memref<16x64xf32, #tpu.memory_space<vmem>>, vector<1x16xf32>,
    %swap3A_319 = vector.shape_cast %swap3A_318 : vector<1x16xf32> to vector<16xf32>
    %swap3A_320 = vector.shape_cast %broadcast_in_dim3A_314 : vector<16xf32> to vector<1x16xf32>
    tpu.vector_store %arg9[%swap3A_316, %swap3A_317], %swap3A_320 {strides = array<i32>} : memref<16x64xf32, #tpu.memory_space<vmem>>, vector<1x16xf32>,
    %broadcast_in_dim3A_321 = arith.constant 0.000000e+00 : f32
    %broadcast_in_dim3A_322 = vector.broadcast %broadcast_in_dim3A_321 : f32 to vector<16xf32>
    %swap3A_323 = arith.constant 8 : i32
    %swap3A_324 = arith.index_cast %swap3A_323 : i32 to index
    %swap3A_325 = arith.constant 32 : index
    %swap3A_326 = tpu.vector_load %arg9[%swap3A_324, %swap3A_325] {strides = array<i32>} : memref<16x64xf32, #tpu.memory_space<vmem>>, vector<1x16xf32>,
    %swap3A_327 = vector.shape_cast %swap3A_326 : vector<1x16xf32> to vector<16xf32>
    %swap3A_328 = vector.shape_cast %broadcast_in_dim3A_322 : vector<16xf32> to vector<1x16xf32>
    tpu.vector_store %arg9[%swap3A_324, %swap3A_325], %swap3A_328 {strides = array<i32>} : memref<16x64xf32, #tpu.memory_space<vmem>>, vector<1x16xf32>,
    %broadcast_in_dim3A_329 = arith.constant 0.000000e+00 : f32
    %broadcast_in_dim3A_330 = vector.broadcast %broadcast_in_dim3A_329 : f32 to vector<16xf32>
    %swap3A_331 = arith.constant 8 : i32
    %swap3A_332 = arith.index_cast %swap3A_331 : i32 to index
    %swap3A_333 = arith.constant 48 : index
    %swap3A_334 = tpu.vector_load %arg9[%swap3A_332, %swap3A_333] {strides = array<i32>} : memref<16x64xf32, #tpu.memory_space<vmem>>, vector<1x16xf32>,
    %swap3A_335 = vector.shape_cast %swap3A_334 : vector<1x16xf32> to vector<16xf32>
    %swap3A_336 = vector.shape_cast %broadcast_in_dim3A_330 : vector<16xf32> to vector<1x16xf32>
    tpu.vector_store %arg9[%swap3A_332, %swap3A_333], %swap3A_336 {strides = array<i32>} : memref<16x64xf32, #tpu.memory_space<vmem>>, vector<1x16xf32>,
    %broadcast_in_dim3A_337 = arith.constant 0.000000e+00 : f32
    %broadcast_in_dim3A_338 = vector.broadcast %broadcast_in_dim3A_337 : f32 to vector<16xf32>
    %swap3A_339 = arith.constant 9 : i32
    %swap3A_340 = arith.index_cast %swap3A_339 : i32 to index
    %swap3A_341 = arith.constant 0 : index
    %swap3A_342 = tpu.vector_load %arg9[%swap3A_340, %swap3A_341] {strides = array<i32>} : memref<16x64xf32, #tpu.memory_space<vmem>>, vector<1x16xf32>,
    %swap3A_343 = vector.shape_cast %swap3A_342 : vector<1x16xf32> to vector<16xf32>
    %swap3A_344 = vector.shape_cast %broadcast_in_dim3A_338 : vector<16xf32> to vector<1x16xf32>
    tpu.vector_store %arg9[%swap3A_340, %swap3A_341], %swap3A_344 {strides = array<i32>} : memref<16x64xf32, #tpu.memory_space<vmem>>, vector<1x16xf32>,
    %broadcast_in_dim3A_345 = arith.constant 0.000000e+00 : f32
    %broadcast_in_dim3A_346 = vector.broadcast %broadcast_in_dim3A_345 : f32 to vector<16xf32>
    %swap3A_347 = arith.constant 9 : i32
    %swap3A_348 = arith.index_cast %swap3A_347 : i32 to index
    %swap3A_349 = arith.constant 16 : index
    %swap3A_350 = tpu.vector_load %arg9[%swap3A_348, %swap3A_349] {strides = array<i32>} : memref<16x64xf32, #tpu.memory_space<vmem>>, vector<1x16xf32>,
    %swap3A_351 = vector.shape_cast %swap3A_350 : vector<1x16xf32> to vector<16xf32>
    %swap3A_352 = vector.shape_cast %broadcast_in_dim3A_346 : vector<16xf32> to vector<1x16xf32>
    tpu.vector_store %arg9[%swap3A_348, %swap3A_349], %swap3A_352 {strides = array<i32>} : memref<16x64xf32, #tpu.memory_space<vmem>>, vector<1x16xf32>,
    %broadcast_in_dim3A_353 = arith.constant 0.000000e+00 : f32
    %broadcast_in_dim3A_354 = vector.broadcast %broadcast_in_dim3A_353 : f32 to vector<16xf32>
    %swap3A_355 = arith.constant 9 : i32
    %swap3A_356 = arith.index_cast %swap3A_355 : i32 to index
    %swap3A_357 = arith.constant 32 : index
    %swap3A_358 = tpu.vector_load %arg9[%swap3A_356, %swap3A_357] {strides = array<i32>} : memref<16x64xf32, #tpu.memory_space<vmem>>, vector<1x16xf32>,
    %swap3A_359 = vector.shape_cast %swap3A_358 : vector<1x16xf32> to vector<16xf32>
    %swap3A_360 = vector.shape_cast %broadcast_in_dim3A_354 : vector<16xf32> to vector<1x16xf32>
    tpu.vector_store %arg9[%swap3A_356, %swap3A_357], %swap3A_360 {strides = array<i32>} : memref<16x64xf32, #tpu.memory_space<vmem>>, vector<1x16xf32>,
    %broadcast_in_dim3A_361 = arith.constant 0.000000e+00 : f32
    %broadcast_in_dim3A_362 = vector.broadcast %broadcast_in_dim3A_361 : f32 to vector<16xf32>
    %swap3A_363 = arith.constant 9 : i32
    %swap3A_364 = arith.index_cast %swap3A_363 : i32 to index
    %swap3A_365 = arith.constant 48 : index
    %swap3A_366 = tpu.vector_load %arg9[%swap3A_364, %swap3A_365] {strides = array<i32>} : memref<16x64xf32, #tpu.memory_space<vmem>>, vector<1x16xf32>,
    %swap3A_367 = vector.shape_cast %swap3A_366 : vector<1x16xf32> to vector<16xf32>
    %swap3A_368 = vector.shape_cast %broadcast_in_dim3A_362 : vector<16xf32> to vector<1x16xf32>
    tpu.vector_store %arg9[%swap3A_364, %swap3A_365], %swap3A_368 {strides = array<i32>} : memref<16x64xf32, #tpu.memory_space<vmem>>, vector<1x16xf32>,
    %broadcast_in_dim3A_369 = arith.constant 0.000000e+00 : f32
    %broadcast_in_dim3A_370 = vector.broadcast %broadcast_in_dim3A_369 : f32 to vector<16xf32>
    %swap3A_371 = arith.constant 10 : i32
    %swap3A_372 = arith.index_cast %swap3A_371 : i32 to index
    %swap3A_373 = arith.constant 0 : index
    %swap3A_374 = tpu.vector_load %arg9[%swap3A_372, %swap3A_373] {strides = array<i32>} : memref<16x64xf32, #tpu.memory_space<vmem>>, vector<1x16xf32>,
    %swap3A_375 = vector.shape_cast %swap3A_374 : vector<1x16xf32> to vector<16xf32>
    %swap3A_376 = vector.shape_cast %broadcast_in_dim3A_370 : vector<16xf32> to vector<1x16xf32>
    tpu.vector_store %arg9[%swap3A_372, %swap3A_373], %swap3A_376 {strides = array<i32>} : memref<16x64xf32, #tpu.memory_space<vmem>>, vector<1x16xf32>,
    %broadcast_in_dim3A_377 = arith.constant 0.000000e+00 : f32
    %broadcast_in_dim3A_378 = vector.broadcast %broadcast_in_dim3A_377 : f32 to vector<16xf32>
    %swap3A_379 = arith.constant 10 : i32
    %swap3A_380 = arith.index_cast %swap3A_379 : i32 to index
    %swap3A_381 = arith.constant 16 : index
    %swap3A_382 = tpu.vector_load %arg9[%swap3A_380, %swap3A_381] {strides = array<i32>} : memref<16x64xf32, #tpu.memory_space<vmem>>, vector<1x16xf32>,
    %swap3A_383 = vector.shape_cast %swap3A_382 : vector<1x16xf32> to vector<16xf32>
    %swap3A_384 = vector.shape_cast %broadcast_in_dim3A_378 : vector<16xf32> to vector<1x16xf32>
    tpu.vector_store %arg9[%swap3A_380, %swap3A_381], %swap3A_384 {strides = array<i32>} : memref<16x64xf32, #tpu.memory_space<vmem>>, vector<1x16xf32>,
    %broadcast_in_dim3A_385 = arith.constant 0.000000e+00 : f32
    %broadcast_in_dim3A_386 = vector.broadcast %broadcast_in_dim3A_385 : f32 to vector<16xf32>
    %swap3A_387 = arith.constant 10 : i32
    %swap3A_388 = arith.index_cast %swap3A_387 : i32 to index
    %swap3A_389 = arith.constant 32 : index
    %swap3A_390 = tpu.vector_load %arg9[%swap3A_388, %swap3A_389] {strides = array<i32>} : memref<16x64xf32, #tpu.memory_space<vmem>>, vector<1x16xf32>,
    %swap3A_391 = vector.shape_cast %swap3A_390 : vector<1x16xf32> to vector<16xf32>
    %swap3A_392 = vector.shape_cast %broadcast_in_dim3A_386 : vector<16xf32> to vector<1x16xf32>
    tpu.vector_store %arg9[%swap3A_388, %swap3A_389], %swap3A_392 {strides = array<i32>} : memref<16x64xf32, #tpu.memory_space<vmem>>, vector<1x16xf32>,
    %broadcast_in_dim3A_393 = arith.constant 0.000000e+00 : f32
    %broadcast_in_dim3A_394 = vector.broadcast %broadcast_in_dim3A_393 : f32 to vector<16xf32>
    %swap3A_395 = arith.constant 10 : i32
    %swap3A_396 = arith.index_cast %swap3A_395 : i32 to index
    %swap3A_397 = arith.constant 48 : index
    %swap3A_398 = tpu.vector_load %arg9[%swap3A_396, %swap3A_397] {strides = array<i32>} : memref<16x64xf32, #tpu.memory_space<vmem>>, vector<1x16xf32>,
    %swap3A_399 = vector.shape_cast %swap3A_398 : vector<1x16xf32> to vector<16xf32>
    %swap3A_400 = vector.shape_cast %broadcast_in_dim3A_394 : vector<16xf32> to vector<1x16xf32>
    tpu.vector_store %arg9[%swap3A_396, %swap3A_397], %swap3A_400 {strides = array<i32>} : memref<16x64xf32, #tpu.memory_space<vmem>>, vector<1x16xf32>,
    %broadcast_in_dim3A_401 = arith.constant 0.000000e+00 : f32
    %broadcast_in_dim3A_402 = vector.broadcast %broadcast_in_dim3A_401 : f32 to vector<16xf32>
    %swap3A_403 = arith.constant 11 : i32
    %swap3A_404 = arith.index_cast %swap3A_403 : i32 to index
    %swap3A_405 = arith.constant 0 : index
    %swap3A_406 = tpu.vector_load %arg9[%swap3A_404, %swap3A_405] {strides = array<i32>} : memref<16x64xf32, #tpu.memory_space<vmem>>, vector<1x16xf32>,
    %swap3A_407 = vector.shape_cast %swap3A_406 : vector<1x16xf32> to vector<16xf32>
    %swap3A_408 = vector.shape_cast %broadcast_in_dim3A_402 : vector<16xf32> to vector<1x16xf32>
    tpu.vector_store %arg9[%swap3A_404, %swap3A_405], %swap3A_408 {strides = array<i32>} : memref<16x64xf32, #tpu.memory_space<vmem>>, vector<1x16xf32>,
    %broadcast_in_dim3A_409 = arith.constant 0.000000e+00 : f32
    %broadcast_in_dim3A_410 = vector.broadcast %broadcast_in_dim3A_409 : f32 to vector<16xf32>
    %swap3A_411 = arith.constant 11 : i32
    %swap3A_412 = arith.index_cast %swap3A_411 : i32 to index
    %swap3A_413 = arith.constant 16 : index
    %swap3A_414 = tpu.vector_load %arg9[%swap3A_412, %swap3A_413] {strides = array<i32>} : memref<16x64xf32, #tpu.memory_space<vmem>>, vector<1x16xf32>,
    %swap3A_415 = vector.shape_cast %swap3A_414 : vector<1x16xf32> to vector<16xf32>
    %swap3A_416 = vector.shape_cast %broadcast_in_dim3A_410 : vector<16xf32> to vector<1x16xf32>
    tpu.vector_store %arg9[%swap3A_412, %swap3A_413], %swap3A_416 {strides = array<i32>} : memref<16x64xf32, #tpu.memory_space<vmem>>, vector<1x16xf32>,
    %broadcast_in_dim3A_417 = arith.constant 0.000000e+00 : f32
    %broadcast_in_dim3A_418 = vector.broadcast %broadcast_in_dim3A_417 : f32 to vector<16xf32>
    %swap3A_419 = arith.constant 11 : i32
    %swap3A_420 = arith.index_cast %swap3A_419 : i32 to index
    %swap3A_421 = arith.constant 32 : index
    %swap3A_422 = tpu.vector_load %arg9[%swap3A_420, %swap3A_421] {strides = array<i32>} : memref<16x64xf32, #tpu.memory_space<vmem>>, vector<1x16xf32>,
    %swap3A_423 = vector.shape_cast %swap3A_422 : vector<1x16xf32> to vector<16xf32>
    %swap3A_424 = vector.shape_cast %broadcast_in_dim3A_418 : vector<16xf32> to vector<1x16xf32>
    tpu.vector_store %arg9[%swap3A_420, %swap3A_421], %swap3A_424 {strides = array<i32>} : memref<16x64xf32, #tpu.memory_space<vmem>>, vector<1x16xf32>,
    %broadcast_in_dim3A_425 = arith.constant 0.000000e+00 : f32
    %broadcast_in_dim3A_426 = vector.broadcast %broadcast_in_dim3A_425 : f32 to vector<16xf32>
    %swap3A_427 = arith.constant 11 : i32
    %swap3A_428 = arith.index_cast %swap3A_427 : i32 to index
    %swap3A_429 = arith.constant 48 : index
    %swap3A_430 = tpu.vector_load %arg9[%swap3A_428, %swap3A_429] {strides = array<i32>} : memref<16x64xf32, #tpu.memory_space<vmem>>, vector<1x16xf32>,
    %swap3A_431 = vector.shape_cast %swap3A_430 : vector<1x16xf32> to vector<16xf32>
    %swap3A_432 = vector.shape_cast %broadcast_in_dim3A_426 : vector<16xf32> to vector<1x16xf32>
    tpu.vector_store %arg9[%swap3A_428, %swap3A_429], %swap3A_432 {strides = array<i32>} : memref<16x64xf32, #tpu.memory_space<vmem>>, vector<1x16xf32>,
    %broadcast_in_dim3A_433 = arith.constant 0.000000e+00 : f32
    %broadcast_in_dim3A_434 = vector.broadcast %broadcast_in_dim3A_433 : f32 to vector<16xf32>
    %swap3A_435 = arith.constant 12 : i32
    %swap3A_436 = arith.index_cast %swap3A_435 : i32 to index
    %swap3A_437 = arith.constant 0 : index
    %swap3A_438 = tpu.vector_load %arg9[%swap3A_436, %swap3A_437] {strides = array<i32>} : memref<16x64xf32, #tpu.memory_space<vmem>>, vector<1x16xf32>,
    %swap3A_439 = vector.shape_cast %swap3A_438 : vector<1x16xf32> to vector<16xf32>
    %swap3A_440 = vector.shape_cast %broadcast_in_dim3A_434 : vector<16xf32> to vector<1x16xf32>
    tpu.vector_store %arg9[%swap3A_436, %swap3A_437], %swap3A_440 {strides = array<i32>} : memref<16x64xf32, #tpu.memory_space<vmem>>, vector<1x16xf32>,
    %broadcast_in_dim3A_441 = arith.constant 0.000000e+00 : f32
    %broadcast_in_dim3A_442 = vector.broadcast %broadcast_in_dim3A_441 : f32 to vector<16xf32>
    %swap3A_443 = arith.constant 12 : i32
    %swap3A_444 = arith.index_cast %swap3A_443 : i32 to index
    %swap3A_445 = arith.constant 16 : index
    %swap3A_446 = tpu.vector_load %arg9[%swap3A_444, %swap3A_445] {strides = array<i32>} : memref<16x64xf32, #tpu.memory_space<vmem>>, vector<1x16xf32>,
    %swap3A_447 = vector.shape_cast %swap3A_446 : vector<1x16xf32> to vector<16xf32>
    %swap3A_448 = vector.shape_cast %broadcast_in_dim3A_442 : vector<16xf32> to vector<1x16xf32>
    tpu.vector_store %arg9[%swap3A_444, %swap3A_445], %swap3A_448 {strides = array<i32>} : memref<16x64xf32, #tpu.memory_space<vmem>>, vector<1x16xf32>,
    %broadcast_in_dim3A_449 = arith.constant 0.000000e+00 : f32
    %broadcast_in_dim3A_450 = vector.broadcast %broadcast_in_dim3A_449 : f32 to vector<16xf32>
    %swap3A_451 = arith.constant 12 : i32
    %swap3A_452 = arith.index_cast %swap3A_451 : i32 to index
    %swap3A_453 = arith.constant 32 : index
    %swap3A_454 = tpu.vector_load %arg9[%swap3A_452, %swap3A_453] {strides = array<i32>} : memref<16x64xf32, #tpu.memory_space<vmem>>, vector<1x16xf32>,
    %swap3A_455 = vector.shape_cast %swap3A_454 : vector<1x16xf32> to vector<16xf32>
    %swap3A_456 = vector.shape_cast %broadcast_in_dim3A_450 : vector<16xf32> to vector<1x16xf32>
    tpu.vector_store %arg9[%swap3A_452, %swap3A_453], %swap3A_456 {strides = array<i32>} : memref<16x64xf32, #tpu.memory_space<vmem>>, vector<1x16xf32>,
    %broadcast_in_dim3A_457 = arith.constant 0.000000e+00 : f32
    %broadcast_in_dim3A_458 = vector.broadcast %broadcast_in_dim3A_457 : f32 to vector<16xf32>
    %swap3A_459 = arith.constant 12 : i32
    %swap3A_460 = arith.index_cast %swap3A_459 : i32 to index
    %swap3A_461 = arith.constant 48 : index
    %swap3A_462 = tpu.vector_load %arg9[%swap3A_460, %swap3A_461] {strides = array<i32>} : memref<16x64xf32, #tpu.memory_space<vmem>>, vector<1x16xf32>,
    %swap3A_463 = vector.shape_cast %swap3A_462 : vector<1x16xf32> to vector<16xf32>
    %swap3A_464 = vector.shape_cast %broadcast_in_dim3A_458 : vector<16xf32> to vector<1x16xf32>
    tpu.vector_store %arg9[%swap3A_460, %swap3A_461], %swap3A_464 {strides = array<i32>} : memref<16x64xf32, #tpu.memory_space<vmem>>, vector<1x16xf32>,
    %broadcast_in_dim3A_465 = arith.constant 0.000000e+00 : f32
    %broadcast_in_dim3A_466 = vector.broadcast %broadcast_in_dim3A_465 : f32 to vector<16xf32>
    %swap3A_467 = arith.constant 13 : i32
    %swap3A_468 = arith.index_cast %swap3A_467 : i32 to index
    %swap3A_469 = arith.constant 0 : index
    %swap3A_470 = tpu.vector_load %arg9[%swap3A_468, %swap3A_469] {strides = array<i32>} : memref<16x64xf32, #tpu.memory_space<vmem>>, vector<1x16xf32>,
    %swap3A_471 = vector.shape_cast %swap3A_470 : vector<1x16xf32> to vector<16xf32>
    %swap3A_472 = vector.shape_cast %broadcast_in_dim3A_466 : vector<16xf32> to vector<1x16xf32>
    tpu.vector_store %arg9[%swap3A_468, %swap3A_469], %swap3A_472 {strides = array<i32>} : memref<16x64xf32, #tpu.memory_space<vmem>>, vector<1x16xf32>,
    %broadcast_in_dim3A_473 = arith.constant 0.000000e+00 : f32
    %broadcast_in_dim3A_474 = vector.broadcast %broadcast_in_dim3A_473 : f32 to vector<16xf32>
    %swap3A_475 = arith.constant 13 : i32
    %swap3A_476 = arith.index_cast %swap3A_475 : i32 to index
    %swap3A_477 = arith.constant 16 : index
    %swap3A_478 = tpu.vector_load %arg9[%swap3A_476, %swap3A_477] {strides = array<i32>} : memref<16x64xf32, #tpu.memory_space<vmem>>, vector<1x16xf32>,
    %swap3A_479 = vector.shape_cast %swap3A_478 : vector<1x16xf32> to vector<16xf32>
    %swap3A_480 = vector.shape_cast %broadcast_in_dim3A_474 : vector<16xf32> to vector<1x16xf32>
    tpu.vector_store %arg9[%swap3A_476, %swap3A_477], %swap3A_480 {strides = array<i32>} : memref<16x64xf32, #tpu.memory_space<vmem>>, vector<1x16xf32>,
    %broadcast_in_dim3A_481 = arith.constant 0.000000e+00 : f32
    %broadcast_in_dim3A_482 = vector.broadcast %broadcast_in_dim3A_481 : f32 to vector<16xf32>
    %swap3A_483 = arith.constant 13 : i32
    %swap3A_484 = arith.index_cast %swap3A_483 : i32 to index
    %swap3A_485 = arith.constant 32 : index
    %swap3A_486 = tpu.vector_load %arg9[%swap3A_484, %swap3A_485] {strides = array<i32>} : memref<16x64xf32, #tpu.memory_space<vmem>>, vector<1x16xf32>,
    %swap3A_487 = vector.shape_cast %swap3A_486 : vector<1x16xf32> to vector<16xf32>
    %swap3A_488 = vector.shape_cast %broadcast_in_dim3A_482 : vector<16xf32> to vector<1x16xf32>
    tpu.vector_store %arg9[%swap3A_484, %swap3A_485], %swap3A_488 {strides = array<i32>} : memref<16x64xf32, #tpu.memory_space<vmem>>, vector<1x16xf32>,
    %broadcast_in_dim3A_489 = arith.constant 0.000000e+00 : f32
    %broadcast_in_dim3A_490 = vector.broadcast %broadcast_in_dim3A_489 : f32 to vector<16xf32>
    %swap3A_491 = arith.constant 13 : i32
    %swap3A_492 = arith.index_cast %swap3A_491 : i32 to index
    %swap3A_493 = arith.constant 48 : index
    %swap3A_494 = tpu.vector_load %arg9[%swap3A_492, %swap3A_493] {strides = array<i32>} : memref<16x64xf32, #tpu.memory_space<vmem>>, vector<1x16xf32>,
    %swap3A_495 = vector.shape_cast %swap3A_494 : vector<1x16xf32> to vector<16xf32>
    %swap3A_496 = vector.shape_cast %broadcast_in_dim3A_490 : vector<16xf32> to vector<1x16xf32>
    tpu.vector_store %arg9[%swap3A_492, %swap3A_493], %swap3A_496 {strides = array<i32>} : memref<16x64xf32, #tpu.memory_space<vmem>>, vector<1x16xf32>,
    %broadcast_in_dim3A_497 = arith.constant 0.000000e+00 : f32
    %broadcast_in_dim3A_498 = vector.broadcast %broadcast_in_dim3A_497 : f32 to vector<16xf32>
    %swap3A_499 = arith.constant 14 : i32
    %swap3A_500 = arith.index_cast %swap3A_499 : i32 to index
    %swap3A_501 = arith.constant 0 : index
    %swap3A_502 = tpu.vector_load %arg9[%swap3A_500, %swap3A_501] {strides = array<i32>} : memref<16x64xf32, #tpu.memory_space<vmem>>, vector<1x16xf32>,
    %swap3A_503 = vector.shape_cast %swap3A_502 : vector<1x16xf32> to vector<16xf32>
    %swap3A_504 = vector.shape_cast %broadcast_in_dim3A_498 : vector<16xf32> to vector<1x16xf32>
    tpu.vector_store %arg9[%swap3A_500, %swap3A_501], %swap3A_504 {strides = array<i32>} : memref<16x64xf32, #tpu.memory_space<vmem>>, vector<1x16xf32>,
    %broadcast_in_dim3A_505 = arith.constant 0.000000e+00 : f32
    %broadcast_in_dim3A_506 = vector.broadcast %broadcast_in_dim3A_505 : f32 to vector<16xf32>
    %swap3A_507 = arith.constant 14 : i32
    %swap3A_508 = arith.index_cast %swap3A_507 : i32 to index
    %swap3A_509 = arith.constant 16 : index
    %swap3A_510 = tpu.vector_load %arg9[%swap3A_508, %swap3A_509] {strides = array<i32>} : memref<16x64xf32, #tpu.memory_space<vmem>>, vector<1x16xf32>,
    %swap3A_511 = vector.shape_cast %swap3A_510 : vector<1x16xf32> to vector<16xf32>
    %swap3A_512 = vector.shape_cast %broadcast_in_dim3A_506 : vector<16xf32> to vector<1x16xf32>
    tpu.vector_store %arg9[%swap3A_508, %swap3A_509], %swap3A_512 {strides = array<i32>} : memref<16x64xf32, #tpu.memory_space<vmem>>, vector<1x16xf32>,
    %broadcast_in_dim3A_513 = arith.constant 0.000000e+00 : f32
    %broadcast_in_dim3A_514 = vector.broadcast %broadcast_in_dim3A_513 : f32 to vector<16xf32>
    %swap3A_515 = arith.constant 14 : i32
    %swap3A_516 = arith.index_cast %swap3A_515 : i32 to index
    %swap3A_517 = arith.constant 32 : index
    %swap3A_518 = tpu.vector_load %arg9[%swap3A_516, %swap3A_517] {strides = array<i32>} : memref<16x64xf32, #tpu.memory_space<vmem>>, vector<1x16xf32>,
    %swap3A_519 = vector.shape_cast %swap3A_518 : vector<1x16xf32> to vector<16xf32>
    %swap3A_520 = vector.shape_cast %broadcast_in_dim3A_514 : vector<16xf32> to vector<1x16xf32>
    tpu.vector_store %arg9[%swap3A_516, %swap3A_517], %swap3A_520 {strides = array<i32>} : memref<16x64xf32, #tpu.memory_space<vmem>>, vector<1x16xf32>,
    %broadcast_in_dim3A_521 = arith.constant 0.000000e+00 : f32
    %broadcast_in_dim3A_522 = vector.broadcast %broadcast_in_dim3A_521 : f32 to vector<16xf32>
    %swap3A_523 = arith.constant 14 : i32
    %swap3A_524 = arith.index_cast %swap3A_523 : i32 to index
    %swap3A_525 = arith.constant 48 : index
    %swap3A_526 = tpu.vector_load %arg9[%swap3A_524, %swap3A_525] {strides = array<i32>} : memref<16x64xf32, #tpu.memory_space<vmem>>, vector<1x16xf32>,
    %swap3A_527 = vector.shape_cast %swap3A_526 : vector<1x16xf32> to vector<16xf32>
    %swap3A_528 = vector.shape_cast %broadcast_in_dim3A_522 : vector<16xf32> to vector<1x16xf32>
    tpu.vector_store %arg9[%swap3A_524, %swap3A_525], %swap3A_528 {strides = array<i32>} : memref<16x64xf32, #tpu.memory_space<vmem>>, vector<1x16xf32>,
    %broadcast_in_dim3A_529 = arith.constant 0.000000e+00 : f32
    %broadcast_in_dim3A_530 = vector.broadcast %broadcast_in_dim3A_529 : f32 to vector<16xf32>
    %swap3A_531 = arith.constant 15 : i32
    %swap3A_532 = arith.index_cast %swap3A_531 : i32 to index
    %swap3A_533 = arith.constant 0 : index
    %swap3A_534 = tpu.vector_load %arg9[%swap3A_532, %swap3A_533] {strides = array<i32>} : memref<16x64xf32, #tpu.memory_space<vmem>>, vector<1x16xf32>,
    %swap3A_535 = vector.shape_cast %swap3A_534 : vector<1x16xf32> to vector<16xf32>
    %swap3A_536 = vector.shape_cast %broadcast_in_dim3A_530 : vector<16xf32> to vector<1x16xf32>
    tpu.vector_store %arg9[%swap3A_532, %swap3A_533], %swap3A_536 {strides = array<i32>} : memref<16x64xf32, #tpu.memory_space<vmem>>, vector<1x16xf32>,
    %broadcast_in_dim3A_537 = arith.constant 0.000000e+00 : f32
    %broadcast_in_dim3A_538 = vector.broadcast %broadcast_in_dim3A_537 : f32 to vector<16xf32>
    %swap3A_539 = arith.constant 15 : i32
    %swap3A_540 = arith.index_cast %swap3A_539 : i32 to index
    %swap3A_541 = arith.constant 16 : index
    %swap3A_542 = tpu.vector_load %arg9[%swap3A_540, %swap3A_541] {strides = array<i32>} : memref<16x64xf32, #tpu.memory_space<vmem>>, vector<1x16xf32>,
    %swap3A_543 = vector.shape_cast %swap3A_542 : vector<1x16xf32> to vector<16xf32>
    %swap3A_544 = vector.shape_cast %broadcast_in_dim3A_538 : vector<16xf32> to vector<1x16xf32>
    tpu.vector_store %arg9[%swap3A_540, %swap3A_541], %swap3A_544 {strides = array<i32>} : memref<16x64xf32, #tpu.memory_space<vmem>>, vector<1x16xf32>,
    %broadcast_in_dim3A_545 = arith.constant 0.000000e+00 : f32
    %broadcast_in_dim3A_546 = vector.broadcast %broadcast_in_dim3A_545 : f32 to vector<16xf32>
    %swap3A_547 = arith.constant 15 : i32
    %swap3A_548 = arith.index_cast %swap3A_547 : i32 to index
    %swap3A_549 = arith.constant 32 : index
    %swap3A_550 = tpu.vector_load %arg9[%swap3A_548, %swap3A_549] {strides = array<i32>} : memref<16x64xf32, #tpu.memory_space<vmem>>, vector<1x16xf32>,
    %swap3A_551 = vector.shape_cast %swap3A_550 : vector<1x16xf32> to vector<16xf32>
    %swap3A_552 = vector.shape_cast %broadcast_in_dim3A_546 : vector<16xf32> to vector<1x16xf32>
    tpu.vector_store %arg9[%swap3A_548, %swap3A_549], %swap3A_552 {strides = array<i32>} : memref<16x64xf32, #tpu.memory_space<vmem>>, vector<1x16xf32>,
    %broadcast_in_dim3A_553 = arith.constant 0.000000e+00 : f32
    %broadcast_in_dim3A_554 = vector.broadcast %broadcast_in_dim3A_553 : f32 to vector<16xf32>
    %swap3A_555 = arith.constant 15 : i32
    %swap3A_556 = arith.index_cast %swap3A_555 : i32 to index
    %swap3A_557 = arith.constant 48 : index
    %swap3A_558 = tpu.vector_load %arg9[%swap3A_556, %swap3A_557] {strides = array<i32>} : memref<16x64xf32, #tpu.memory_space<vmem>>, vector<1x16xf32>,
    %swap3A_559 = vector.shape_cast %swap3A_558 : vector<1x16xf32> to vector<16xf32>
    %swap3A_560 = vector.shape_cast %broadcast_in_dim3A_554 : vector<16xf32> to vector<1x16xf32>
    tpu.vector_store %arg9[%swap3A_556, %swap3A_557], %swap3A_560 {strides = array<i32>} : memref<16x64xf32, #tpu.memory_space<vmem>>, vector<1x16xf32>,
    %scan3A = arith.constant 0 : i32
    %scan3A_561 = arith.constant 0 : i32
    %scan3A_562 = arith.constant 40 : i32
    %scan3A_563 = arith.addi %scan3A_561, %scan3A_562 : i32
    %scan3A_564 = arith.constant 1 : i32
    scf.for %scan3A_1013 = %scan3A_561 to %scan3A_563 step %scan3A_564  : i32 {
      %mul3A_1014 = arith.constant 16 : i32
      %mul3A_1015 = arith.muli %scan3A_1013, %mul3A_1014 : i32
      %add3A_1016 = arith.addi %mul3A_0, %mul3A_1015 : i32
      %dma_start3A_1017 = arith.constant 0 : i32
      %dma_start3A_1018 = tpu.memref_slice %arg10[%add3A_1016, %dma_start3A_1017] : memref<10240x64xf32, #tpu.memory_space<vmem_shared>> -> memref<16x64xf32, #tpu.memory_space<vmem_shared>>
      %dma_start3A_1019 = arith.constant 0 : i32
      %dma_start3A_1020 = tpu.memref_slice %arg10[%add3A_1016, %dma_start3A_1019] : memref<10240x64xf32, #tpu.memory_space<vmem_shared>> -> memref<16x64xf32, #tpu.memory_space<vmem_shared>>
      tpu.enqueue_dma source(%arg9 : memref<16x64xf32, #tpu.memory_space<vmem>>) target(%dma_start3A_1020 : memref<16x64xf32, #tpu.memory_space<vmem_shared>>) target_semaphore(%arg13 : memref<!tpu.dma_semaphore, #tpu.memory_space<semaphore_mem>>)
    }
    %scan3A_565 = arith.constant 40 : i32
    %scan3A_566 = arith.constant 0 : i32
    %scan3A_567 = arith.constant 0 : i32
    %scan3A_568 = arith.constant 40 : i32
    %scan3A_569 = arith.addi %scan3A_567, %scan3A_568 : i32
    %scan3A_570 = arith.constant 1 : i32
    scf.for %scan3A_1013 = %scan3A_567 to %scan3A_569 step %scan3A_570  : i32 {
      %dma_wait3A_1014 = arith.constant 0 : i32
      %dma_wait3A_1015 = tpu.memref_slice %arg10[%mul3A_0, %dma_wait3A_1014] : memref<10240x64xf32, #tpu.memory_space<vmem_shared>> -> memref<16x64xf32, #tpu.memory_space<vmem_shared>>
      %dma_wait3A_1016 = arith.constant 0 : i32
      %dma_wait3A_1017 = tpu.memref_slice %arg10[%mul3A_0, %dma_wait3A_1016] : memref<10240x64xf32, #tpu.memory_space<vmem_shared>> -> memref<16x64xf32, #tpu.memory_space<vmem_shared>>
      tpu.wait_dma2 semaphore(%arg13 : memref<!tpu.dma_semaphore, #tpu.memory_space<semaphore_mem>>) src(%arg9 : memref<16x64xf32, #tpu.memory_space<vmem>>) dst(%dma_wait3A_1017 : memref<16x64xf32, #tpu.memory_space<vmem_shared>>)
    }
    %scan3A_571 = arith.constant 40 : i32
    %barrier3A = arith.constant 0 : index
    tpu.barrier barrier_id(%barrier3A)
    %scan3A_572 = arith.constant 0 : i32
    %scan3A_573 = arith.constant 0 : i32
    %scan3A_574 = arith.constant 32 : i32
    %scan3A_575 = arith.addi %scan3A_573, %scan3A_574 : i32
    %scan3A_576 = arith.constant 1 : i32
    scf.for %scan3A_1013 = %scan3A_573 to %scan3A_575 step %scan3A_576  : i32 {
      %mul3A_1014 = arith.constant 5 : i32
      %mul3A_1015 = arith.muli %scan3A_1013, %mul3A_1014 : i32
      %add3A_1016 = arith.constant 0 : i32
      %add3A_1017 = arith.addi %mul3A_1015, %add3A_1016 : i32
      %dma_wait3A_1018 = arith.constant 0 : i32
      %dma_wait3A_1019 = arith.constant 0 : i32
      %dma_wait3A_1020 = arith.constant 0 : i32
      %dma_wait3A_1021 = arith.constant 0 : i32
      %dma_wait3A_1022 = tpu.memref_slice %arg8[%dma_wait3A_1018, %dma_wait3A_1020, %dma_wait3A_1021] : memref<5x128x64xf32, #tpu.memory_space<vmem>> -> memref<1x128x64xf32, #tpu.memory_space<vmem>>
      %dma_wait3A_1023 = tpu.memref_squeeze %dma_wait3A_1022 : memref<1x128x64xf32, #tpu.memory_space<vmem>> -> memref<128x64xf32, #tpu.memory_space<vmem>>
      %dma_wait3A_1024 = arith.constant 0 : i32
      %dma_wait3A_1025 = tpu.memref_slice %arg6[%add3A_1017, %dma_wait3A_1024] : memref<160x128xi32, #tpu.memory_space<vmem>> -> memref<1x128xi32, #tpu.memory_space<vmem>>
      %dma_wait3A_1026 = tpu.memref_squeeze %dma_wait3A_1025 : memref<1x128xi32, #tpu.memory_space<vmem>> -> memref<128xi32, #tpu.memory_space<vmem>>
      %dma_wait3A_1027 = arith.constant 0 : i32
      %dma_wait3A_1028 = arith.constant 0 : i32
      %dma_wait3A_1029 = tpu.memref_slice %arg2[%dma_wait3A_1027, %dma_wait3A_1028] : memref<20000x64xf32, #tpu.memory_space<hbm>> -> memref<20000x64xf32, #tpu.memory_space<hbm>>
      %dma_wait3A_1030 = tpu.memref_slice %arg11[%dma_wait3A_1019] : memref<5x!tpu.dma_semaphore, #tpu.memory_space<semaphore_mem>> -> memref<1x!tpu.dma_semaphore, #tpu.memory_space<semaphore_mem>>
      %dma_wait3A_1031 = tpu.memref_squeeze %dma_wait3A_1030 : memref<1x!tpu.dma_semaphore, #tpu.memory_space<semaphore_mem>> -> memref<!tpu.dma_semaphore, #tpu.memory_space<semaphore_mem>>
      tpu.wait_indirect_dma semaphore(%dma_wait3A_1031 : memref<!tpu.dma_semaphore, #tpu.memory_space<semaphore_mem>>) src(%dma_wait3A_1029 : memref<20000x64xf32, #tpu.memory_space<hbm>>) dst(%dma_wait3A_1023 : memref<128x64xf32, #tpu.memory_space<vmem>>)
      %dma_start3A_1032 = arith.constant 0 : i32
      %dma_start3A_1033 = arith.constant 0 : i32
      %dma_start3A_1034 = arith.constant 0 : i32
      %dma_start3A_1035 = arith.constant 0 : i32
      %dma_start3A_1036 = tpu.memref_slice %arg8[%dma_start3A_1032, %dma_start3A_1034, %dma_start3A_1035] : memref<5x128x64xf32, #tpu.memory_space<vmem>> -> memref<1x128x64xf32, #tpu.memory_space<vmem>>
      %dma_start3A_1037 = tpu.memref_squeeze %dma_start3A_1036 : memref<1x128x64xf32, #tpu.memory_space<vmem>> -> memref<128x64xf32, #tpu.memory_space<vmem>>
      %dma_start3A_1038 = arith.constant 0 : i32
      %dma_start3A_1039 = tpu.memref_slice %arg7[%add3A_1017, %dma_start3A_1038] : memref<160x128xi32, #tpu.memory_space<vmem>> -> memref<1x128xi32, #tpu.memory_space<vmem>>
      %dma_start3A_1040 = tpu.memref_squeeze %dma_start3A_1039 : memref<1x128xi32, #tpu.memory_space<vmem>> -> memref<128xi32, #tpu.memory_space<vmem>>
      %dma_start3A_1041 = arith.constant 0 : i32
      %dma_start3A_1042 = arith.constant 0 : i32
      %dma_start3A_1043 = tpu.memref_slice %arg10[%dma_start3A_1041, %dma_start3A_1042] : memref<10240x64xf32, #tpu.memory_space<vmem_shared>> -> memref<10240x64xf32, #tpu.memory_space<vmem_shared>>
      %dma_start3A_1044 = tpu.memref_slice %arg12[%dma_start3A_1033] : memref<5x!tpu.dma_semaphore, #tpu.memory_space<semaphore_mem>> -> memref<1x!tpu.dma_semaphore, #tpu.memory_space<semaphore_mem>>
      %dma_start3A_1045 = tpu.memref_squeeze %dma_start3A_1044 : memref<1x!tpu.dma_semaphore, #tpu.memory_space<semaphore_mem>> -> memref<!tpu.dma_semaphore, #tpu.memory_space<semaphore_mem>>
      tpu.enqueue_indirect_dma source(%dma_start3A_1037 : memref<128x64xf32, #tpu.memory_space<vmem>>) target(%dma_start3A_1043 : memref<10240x64xf32, #tpu.memory_space<vmem_shared>>) offsets(%dma_start3A_1040 : memref<128xi32, #tpu.memory_space<vmem>>) semaphore(%dma_start3A_1045 : memref<!tpu.dma_semaphore, #tpu.memory_space<semaphore_mem>>) {add = true}
      %add3A_1046 = arith.constant 3 : i32
      %add3A_1047 = arith.addi %add3A_1017, %add3A_1046 : i32
      %lt3A = arith.constant 160 : i32
      %lt3A_1048 = arith.cmpi slt, %add3A_1047, %lt3A : i32
      %convert_element_type3A = arith.extui %lt3A_1048 : i1 to i32
      %cond3A = arith.constant 0 : i32
      %cond3A_1049 = arith.cmpi ne, %convert_element_type3A, %cond3A : i32
      scf.if %cond3A_1049 {
        %ge3A = arith.constant 2 : i32
        %ge3A_1206 = arith.cmpi sge, %add3A_1017, %ge3A : i32
        %convert_element_type3A_1207 = arith.extui %ge3A_1206 : i1 to i32
        %cond3A_1208 = arith.constant 0 : i32
        %cond3A_1209 = arith.cmpi ne, %convert_element_type3A_1207, %cond3A_1208 : i32
        scf.if %cond3A_1209 {
          %dma_wait3A_1224 = arith.constant 3 : i32
          %dma_wait3A_1225 = arith.constant 3 : i32
          %dma_wait3A_1226 = arith.constant 0 : i32
          %dma_wait3A_1227 = arith.constant 0 : i32
          %dma_wait3A_1228 = tpu.memref_slice %arg8[%dma_wait3A_1224, %dma_wait3A_1226, %dma_wait3A_1227] : memref<5x128x64xf32, #tpu.memory_space<vmem>> -> memref<1x128x64xf32, #tpu.memory_space<vmem>>
          %dma_wait3A_1229 = tpu.memref_squeeze %dma_wait3A_1228 : memref<1x128x64xf32, #tpu.memory_space<vmem>> -> memref<128x64xf32, #tpu.memory_space<vmem>>
          %dma_wait3A_1230 = arith.constant 0 : i32
          %dma_wait3A_1231 = tpu.memref_slice %arg7[%add3A_1017, %dma_wait3A_1230] : memref<160x128xi32, #tpu.memory_space<vmem>> -> memref<1x128xi32, #tpu.memory_space<vmem>>
          %dma_wait3A_1232 = tpu.memref_squeeze %dma_wait3A_1231 : memref<1x128xi32, #tpu.memory_space<vmem>> -> memref<128xi32, #tpu.memory_space<vmem>>
          %dma_wait3A_1233 = arith.constant 0 : i32
          %dma_wait3A_1234 = arith.constant 0 : i32
          %dma_wait3A_1235 = tpu.memref_slice %arg10[%dma_wait3A_1233, %dma_wait3A_1234] : memref<10240x64xf32, #tpu.memory_space<vmem_shared>> -> memref<10240x64xf32, #tpu.memory_space<vmem_shared>>
          %dma_wait3A_1236 = tpu.memref_slice %arg12[%dma_wait3A_1225] : memref<5x!tpu.dma_semaphore, #tpu.memory_space<semaphore_mem>> -> memref<1x!tpu.dma_semaphore, #tpu.memory_space<semaphore_mem>>
          %dma_wait3A_1237 = tpu.memref_squeeze %dma_wait3A_1236 : memref<1x!tpu.dma_semaphore, #tpu.memory_space<semaphore_mem>> -> memref<!tpu.dma_semaphore, #tpu.memory_space<semaphore_mem>>
          tpu.wait_indirect_dma semaphore(%dma_wait3A_1237 : memref<!tpu.dma_semaphore, #tpu.memory_space<semaphore_mem>>) src(%dma_wait3A_1229 : memref<128x64xf32, #tpu.memory_space<vmem>>) dst(%dma_wait3A_1235 : memref<10240x64xf32, #tpu.memory_space<vmem_shared>>)
        } else {
        }
        %dma_start3A_1210 = arith.constant 3 : i32
        %dma_start3A_1211 = arith.constant 3 : i32
        %dma_start3A_1212 = arith.constant 0 : i32
        %dma_start3A_1213 = arith.constant 0 : i32
        %dma_start3A_1214 = tpu.memref_slice %arg8[%dma_start3A_1210, %dma_start3A_1212, %dma_start3A_1213] : memref<5x128x64xf32, #tpu.memory_space<vmem>> -> memref<1x128x64xf32, #tpu.memory_space<vmem>>
        %dma_start3A_1215 = tpu.memref_squeeze %dma_start3A_1214 : memref<1x128x64xf32, #tpu.memory_space<vmem>> -> memref<128x64xf32, #tpu.memory_space<vmem>>
        %dma_start3A_1216 = arith.constant 0 : i32
        %dma_start3A_1217 = tpu.memref_slice %arg6[%add3A_1047, %dma_start3A_1216] : memref<160x128xi32, #tpu.memory_space<vmem>> -> memref<1x128xi32, #tpu.memory_space<vmem>>
        %dma_start3A_1218 = tpu.memref_squeeze %dma_start3A_1217 : memref<1x128xi32, #tpu.memory_space<vmem>> -> memref<128xi32, #tpu.memory_space<vmem>>
        %dma_start3A_1219 = arith.constant 0 : i32
        %dma_start3A_1220 = arith.constant 0 : i32
        %dma_start3A_1221 = tpu.memref_slice %arg2[%dma_start3A_1219, %dma_start3A_1220] : memref<20000x64xf32, #tpu.memory_space<hbm>> -> memref<20000x64xf32, #tpu.memory_space<hbm>>
        %dma_start3A_1222 = tpu.memref_slice %arg11[%dma_start3A_1211] : memref<5x!tpu.dma_semaphore, #tpu.memory_space<semaphore_mem>> -> memref<1x!tpu.dma_semaphore, #tpu.memory_space<semaphore_mem>>
        %dma_start3A_1223 = tpu.memref_squeeze %dma_start3A_1222 : memref<1x!tpu.dma_semaphore, #tpu.memory_space<semaphore_mem>> -> memref<!tpu.dma_semaphore, #tpu.memory_space<semaphore_mem>>
        tpu.enqueue_indirect_dma source(%dma_start3A_1221 : memref<20000x64xf32, #tpu.memory_space<hbm>>) target(%dma_start3A_1215 : memref<128x64xf32, #tpu.memory_space<vmem>>) offsets(%dma_start3A_1218 : memref<128xi32, #tpu.memory_space<vmem>>) semaphore(%dma_start3A_1223 : memref<!tpu.dma_semaphore, #tpu.memory_space<semaphore_mem>>)
      } else {
      }
      %mul3A_1050 = arith.constant 5 : i32
      %mul3A_1051 = arith.muli %scan3A_1013, %mul3A_1050 : i32
      %add3A_1052 = arith.constant 1 : i32
      %add3A_1053 = arith.addi %mul3A_1051, %add3A_1052 : i32
      %dma_wait3A_1054 = arith.constant 1 : i32
      %dma_wait3A_1055 = arith.constant 1 : i32
      %dma_wait3A_1056 = arith.constant 0 : i32
      %dma_wait3A_1057 = arith.constant 0 : i32
      %dma_wait3A_1058 = tpu.memref_slice %arg8[%dma_wait3A_1054, %dma_wait3A_1056, %dma_wait3A_1057] : memref<5x128x64xf32, #tpu.memory_space<vmem>> -> memref<1x128x64xf32, #tpu.memory_space<vmem>>
      %dma_wait3A_1059 = tpu.memref_squeeze %dma_wait3A_1058 : memref<1x128x64xf32, #tpu.memory_space<vmem>> -> memref<128x64xf32, #tpu.memory_space<vmem>>
      %dma_wait3A_1060 = arith.constant 0 : i32
      %dma_wait3A_1061 = tpu.memref_slice %arg6[%add3A_1053, %dma_wait3A_1060] : memref<160x128xi32, #tpu.memory_space<vmem>> -> memref<1x128xi32, #tpu.memory_space<vmem>>
      %dma_wait3A_1062 = tpu.memref_squeeze %dma_wait3A_1061 : memref<1x128xi32, #tpu.memory_space<vmem>> -> memref<128xi32, #tpu.memory_space<vmem>>
      %dma_wait3A_1063 = arith.constant 0 : i32
      %dma_wait3A_1064 = arith.constant 0 : i32
      %dma_wait3A_1065 = tpu.memref_slice %arg2[%dma_wait3A_1063, %dma_wait3A_1064] : memref<20000x64xf32, #tpu.memory_space<hbm>> -> memref<20000x64xf32, #tpu.memory_space<hbm>>
      %dma_wait3A_1066 = tpu.memref_slice %arg11[%dma_wait3A_1055] : memref<5x!tpu.dma_semaphore, #tpu.memory_space<semaphore_mem>> -> memref<1x!tpu.dma_semaphore, #tpu.memory_space<semaphore_mem>>
      %dma_wait3A_1067 = tpu.memref_squeeze %dma_wait3A_1066 : memref<1x!tpu.dma_semaphore, #tpu.memory_space<semaphore_mem>> -> memref<!tpu.dma_semaphore, #tpu.memory_space<semaphore_mem>>
      tpu.wait_indirect_dma semaphore(%dma_wait3A_1067 : memref<!tpu.dma_semaphore, #tpu.memory_space<semaphore_mem>>) src(%dma_wait3A_1065 : memref<20000x64xf32, #tpu.memory_space<hbm>>) dst(%dma_wait3A_1059 : memref<128x64xf32, #tpu.memory_space<vmem>>)
      %dma_start3A_1068 = arith.constant 1 : i32
      %dma_start3A_1069 = arith.constant 1 : i32
      %dma_start3A_1070 = arith.constant 0 : i32
      %dma_start3A_1071 = arith.constant 0 : i32
      %dma_start3A_1072 = tpu.memref_slice %arg8[%dma_start3A_1068, %dma_start3A_1070, %dma_start3A_1071] : memref<5x128x64xf32, #tpu.memory_space<vmem>> -> memref<1x128x64xf32, #tpu.memory_space<vmem>>
      %dma_start3A_1073 = tpu.memref_squeeze %dma_start3A_1072 : memref<1x128x64xf32, #tpu.memory_space<vmem>> -> memref<128x64xf32, #tpu.memory_space<vmem>>
      %dma_start3A_1074 = arith.constant 0 : i32
      %dma_start3A_1075 = tpu.memref_slice %arg7[%add3A_1053, %dma_start3A_1074] : memref<160x128xi32, #tpu.memory_space<vmem>> -> memref<1x128xi32, #tpu.memory_space<vmem>>
      %dma_start3A_1076 = tpu.memref_squeeze %dma_start3A_1075 : memref<1x128xi32, #tpu.memory_space<vmem>> -> memref<128xi32, #tpu.memory_space<vmem>>
      %dma_start3A_1077 = arith.constant 0 : i32
      %dma_start3A_1078 = arith.constant 0 : i32
      %dma_start3A_1079 = tpu.memref_slice %arg10[%dma_start3A_1077, %dma_start3A_1078] : memref<10240x64xf32, #tpu.memory_space<vmem_shared>> -> memref<10240x64xf32, #tpu.memory_space<vmem_shared>>
      %dma_start3A_1080 = tpu.memref_slice %arg12[%dma_start3A_1069] : memref<5x!tpu.dma_semaphore, #tpu.memory_space<semaphore_mem>> -> memref<1x!tpu.dma_semaphore, #tpu.memory_space<semaphore_mem>>
      %dma_start3A_1081 = tpu.memref_squeeze %dma_start3A_1080 : memref<1x!tpu.dma_semaphore, #tpu.memory_space<semaphore_mem>> -> memref<!tpu.dma_semaphore, #tpu.memory_space<semaphore_mem>>
      tpu.enqueue_indirect_dma source(%dma_start3A_1073 : memref<128x64xf32, #tpu.memory_space<vmem>>) target(%dma_start3A_1079 : memref<10240x64xf32, #tpu.memory_space<vmem_shared>>) offsets(%dma_start3A_1076 : memref<128xi32, #tpu.memory_space<vmem>>) semaphore(%dma_start3A_1081 : memref<!tpu.dma_semaphore, #tpu.memory_space<semaphore_mem>>) {add = true}
      %add3A_1082 = arith.constant 3 : i32
      %add3A_1083 = arith.addi %add3A_1053, %add3A_1082 : i32
      %lt3A_1084 = arith.constant 160 : i32
      %lt3A_1085 = arith.cmpi slt, %add3A_1083, %lt3A_1084 : i32
      %convert_element_type3A_1086 = arith.extui %lt3A_1085 : i1 to i32
      %cond3A_1087 = arith.constant 0 : i32
      %cond3A_1088 = arith.cmpi ne, %convert_element_type3A_1086, %cond3A_1087 : i32
      scf.if %cond3A_1088 {
        %ge3A = arith.constant 2 : i32
        %ge3A_1206 = arith.cmpi sge, %add3A_1053, %ge3A : i32
        %convert_element_type3A_1207 = arith.extui %ge3A_1206 : i1 to i32
        %cond3A_1208 = arith.constant 0 : i32
        %cond3A_1209 = arith.cmpi ne, %convert_element_type3A_1207, %cond3A_1208 : i32
        scf.if %cond3A_1209 {
          %dma_wait3A_1224 = arith.constant 4 : i32
          %dma_wait3A_1225 = arith.constant 4 : i32
          %dma_wait3A_1226 = arith.constant 0 : i32
          %dma_wait3A_1227 = arith.constant 0 : i32
          %dma_wait3A_1228 = tpu.memref_slice %arg8[%dma_wait3A_1224, %dma_wait3A_1226, %dma_wait3A_1227] : memref<5x128x64xf32, #tpu.memory_space<vmem>> -> memref<1x128x64xf32, #tpu.memory_space<vmem>>
          %dma_wait3A_1229 = tpu.memref_squeeze %dma_wait3A_1228 : memref<1x128x64xf32, #tpu.memory_space<vmem>> -> memref<128x64xf32, #tpu.memory_space<vmem>>
          %dma_wait3A_1230 = arith.constant 0 : i32
          %dma_wait3A_1231 = tpu.memref_slice %arg7[%add3A_1053, %dma_wait3A_1230] : memref<160x128xi32, #tpu.memory_space<vmem>> -> memref<1x128xi32, #tpu.memory_space<vmem>>
          %dma_wait3A_1232 = tpu.memref_squeeze %dma_wait3A_1231 : memref<1x128xi32, #tpu.memory_space<vmem>> -> memref<128xi32, #tpu.memory_space<vmem>>
          %dma_wait3A_1233 = arith.constant 0 : i32
          %dma_wait3A_1234 = arith.constant 0 : i32
          %dma_wait3A_1235 = tpu.memref_slice %arg10[%dma_wait3A_1233, %dma_wait3A_1234] : memref<10240x64xf32, #tpu.memory_space<vmem_shared>> -> memref<10240x64xf32, #tpu.memory_space<vmem_shared>>
          %dma_wait3A_1236 = tpu.memref_slice %arg12[%dma_wait3A_1225] : memref<5x!tpu.dma_semaphore, #tpu.memory_space<semaphore_mem>> -> memref<1x!tpu.dma_semaphore, #tpu.memory_space<semaphore_mem>>
          %dma_wait3A_1237 = tpu.memref_squeeze %dma_wait3A_1236 : memref<1x!tpu.dma_semaphore, #tpu.memory_space<semaphore_mem>> -> memref<!tpu.dma_semaphore, #tpu.memory_space<semaphore_mem>>
          tpu.wait_indirect_dma semaphore(%dma_wait3A_1237 : memref<!tpu.dma_semaphore, #tpu.memory_space<semaphore_mem>>) src(%dma_wait3A_1229 : memref<128x64xf32, #tpu.memory_space<vmem>>) dst(%dma_wait3A_1235 : memref<10240x64xf32, #tpu.memory_space<vmem_shared>>)
        } else {
        }
        %dma_start3A_1210 = arith.constant 4 : i32
        %dma_start3A_1211 = arith.constant 4 : i32
        %dma_start3A_1212 = arith.constant 0 : i32
        %dma_start3A_1213 = arith.constant 0 : i32
        %dma_start3A_1214 = tpu.memref_slice %arg8[%dma_start3A_1210, %dma_start3A_1212, %dma_start3A_1213] : memref<5x128x64xf32, #tpu.memory_space<vmem>> -> memref<1x128x64xf32, #tpu.memory_space<vmem>>
        %dma_start3A_1215 = tpu.memref_squeeze %dma_start3A_1214 : memref<1x128x64xf32, #tpu.memory_space<vmem>> -> memref<128x64xf32, #tpu.memory_space<vmem>>
        %dma_start3A_1216 = arith.constant 0 : i32
        %dma_start3A_1217 = tpu.memref_slice %arg6[%add3A_1083, %dma_start3A_1216] : memref<160x128xi32, #tpu.memory_space<vmem>> -> memref<1x128xi32, #tpu.memory_space<vmem>>
        %dma_start3A_1218 = tpu.memref_squeeze %dma_start3A_1217 : memref<1x128xi32, #tpu.memory_space<vmem>> -> memref<128xi32, #tpu.memory_space<vmem>>
        %dma_start3A_1219 = arith.constant 0 : i32
        %dma_start3A_1220 = arith.constant 0 : i32
        %dma_start3A_1221 = tpu.memref_slice %arg2[%dma_start3A_1219, %dma_start3A_1220] : memref<20000x64xf32, #tpu.memory_space<hbm>> -> memref<20000x64xf32, #tpu.memory_space<hbm>>
        %dma_start3A_1222 = tpu.memref_slice %arg11[%dma_start3A_1211] : memref<5x!tpu.dma_semaphore, #tpu.memory_space<semaphore_mem>> -> memref<1x!tpu.dma_semaphore, #tpu.memory_space<semaphore_mem>>
        %dma_start3A_1223 = tpu.memref_squeeze %dma_start3A_1222 : memref<1x!tpu.dma_semaphore, #tpu.memory_space<semaphore_mem>> -> memref<!tpu.dma_semaphore, #tpu.memory_space<semaphore_mem>>
        tpu.enqueue_indirect_dma source(%dma_start3A_1221 : memref<20000x64xf32, #tpu.memory_space<hbm>>) target(%dma_start3A_1215 : memref<128x64xf32, #tpu.memory_space<vmem>>) offsets(%dma_start3A_1218 : memref<128xi32, #tpu.memory_space<vmem>>) semaphore(%dma_start3A_1223 : memref<!tpu.dma_semaphore, #tpu.memory_space<semaphore_mem>>)
      } else {
      }
      %mul3A_1089 = arith.constant 5 : i32
      %mul3A_1090 = arith.muli %scan3A_1013, %mul3A_1089 : i32
      %add3A_1091 = arith.constant 2 : i32
      %add3A_1092 = arith.addi %mul3A_1090, %add3A_1091 : i32
      %dma_wait3A_1093 = arith.constant 2 : i32
      %dma_wait3A_1094 = arith.constant 2 : i32
      %dma_wait3A_1095 = arith.constant 0 : i32
      %dma_wait3A_1096 = arith.constant 0 : i32
      %dma_wait3A_1097 = tpu.memref_slice %arg8[%dma_wait3A_1093, %dma_wait3A_1095, %dma_wait3A_1096] : memref<5x128x64xf32, #tpu.memory_space<vmem>> -> memref<1x128x64xf32, #tpu.memory_space<vmem>>
      %dma_wait3A_1098 = tpu.memref_squeeze %dma_wait3A_1097 : memref<1x128x64xf32, #tpu.memory_space<vmem>> -> memref<128x64xf32, #tpu.memory_space<vmem>>
      %dma_wait3A_1099 = arith.constant 0 : i32
      %dma_wait3A_1100 = tpu.memref_slice %arg6[%add3A_1092, %dma_wait3A_1099] : memref<160x128xi32, #tpu.memory_space<vmem>> -> memref<1x128xi32, #tpu.memory_space<vmem>>
      %dma_wait3A_1101 = tpu.memref_squeeze %dma_wait3A_1100 : memref<1x128xi32, #tpu.memory_space<vmem>> -> memref<128xi32, #tpu.memory_space<vmem>>
      %dma_wait3A_1102 = arith.constant 0 : i32
      %dma_wait3A_1103 = arith.constant 0 : i32
      %dma_wait3A_1104 = tpu.memref_slice %arg2[%dma_wait3A_1102, %dma_wait3A_1103] : memref<20000x64xf32, #tpu.memory_space<hbm>> -> memref<20000x64xf32, #tpu.memory_space<hbm>>
      %dma_wait3A_1105 = tpu.memref_slice %arg11[%dma_wait3A_1094] : memref<5x!tpu.dma_semaphore, #tpu.memory_space<semaphore_mem>> -> memref<1x!tpu.dma_semaphore, #tpu.memory_space<semaphore_mem>>
      %dma_wait3A_1106 = tpu.memref_squeeze %dma_wait3A_1105 : memref<1x!tpu.dma_semaphore, #tpu.memory_space<semaphore_mem>> -> memref<!tpu.dma_semaphore, #tpu.memory_space<semaphore_mem>>
      tpu.wait_indirect_dma semaphore(%dma_wait3A_1106 : memref<!tpu.dma_semaphore, #tpu.memory_space<semaphore_mem>>) src(%dma_wait3A_1104 : memref<20000x64xf32, #tpu.memory_space<hbm>>) dst(%dma_wait3A_1098 : memref<128x64xf32, #tpu.memory_space<vmem>>)
      %dma_start3A_1107 = arith.constant 2 : i32
      %dma_start3A_1108 = arith.constant 2 : i32
      %dma_start3A_1109 = arith.constant 0 : i32
      %dma_start3A_1110 = arith.constant 0 : i32
      %dma_start3A_1111 = tpu.memref_slice %arg8[%dma_start3A_1107, %dma_start3A_1109, %dma_start3A_1110] : memref<5x128x64xf32, #tpu.memory_space<vmem>> -> memref<1x128x64xf32, #tpu.memory_space<vmem>>
      %dma_start3A_1112 = tpu.memref_squeeze %dma_start3A_1111 : memref<1x128x64xf32, #tpu.memory_space<vmem>> -> memref<128x64xf32, #tpu.memory_space<vmem>>
      %dma_start3A_1113 = arith.constant 0 : i32
      %dma_start3A_1114 = tpu.memref_slice %arg7[%add3A_1092, %dma_start3A_1113] : memref<160x128xi32, #tpu.memory_space<vmem>> -> memref<1x128xi32, #tpu.memory_space<vmem>>
      %dma_start3A_1115 = tpu.memref_squeeze %dma_start3A_1114 : memref<1x128xi32, #tpu.memory_space<vmem>> -> memref<128xi32, #tpu.memory_space<vmem>>
      %dma_start3A_1116 = arith.constant 0 : i32
      %dma_start3A_1117 = arith.constant 0 : i32
      %dma_start3A_1118 = tpu.memref_slice %arg10[%dma_start3A_1116, %dma_start3A_1117] : memref<10240x64xf32, #tpu.memory_space<vmem_shared>> -> memref<10240x64xf32, #tpu.memory_space<vmem_shared>>
      %dma_start3A_1119 = tpu.memref_slice %arg12[%dma_start3A_1108] : memref<5x!tpu.dma_semaphore, #tpu.memory_space<semaphore_mem>> -> memref<1x!tpu.dma_semaphore, #tpu.memory_space<semaphore_mem>>
      %dma_start3A_1120 = tpu.memref_squeeze %dma_start3A_1119 : memref<1x!tpu.dma_semaphore, #tpu.memory_space<semaphore_mem>> -> memref<!tpu.dma_semaphore, #tpu.memory_space<semaphore_mem>>
      tpu.enqueue_indirect_dma source(%dma_start3A_1112 : memref<128x64xf32, #tpu.memory_space<vmem>>) target(%dma_start3A_1118 : memref<10240x64xf32, #tpu.memory_space<vmem_shared>>) offsets(%dma_start3A_1115 : memref<128xi32, #tpu.memory_space<vmem>>) semaphore(%dma_start3A_1120 : memref<!tpu.dma_semaphore, #tpu.memory_space<semaphore_mem>>) {add = true}
      %add3A_1121 = arith.constant 3 : i32
      %add3A_1122 = arith.addi %add3A_1092, %add3A_1121 : i32
      %lt3A_1123 = arith.constant 160 : i32
      %lt3A_1124 = arith.cmpi slt, %add3A_1122, %lt3A_1123 : i32
      %convert_element_type3A_1125 = arith.extui %lt3A_1124 : i1 to i32
      %cond3A_1126 = arith.constant 0 : i32
      %cond3A_1127 = arith.cmpi ne, %convert_element_type3A_1125, %cond3A_1126 : i32
      scf.if %cond3A_1127 {
        %ge3A = arith.constant 2 : i32
        %ge3A_1206 = arith.cmpi sge, %add3A_1092, %ge3A : i32
        %convert_element_type3A_1207 = arith.extui %ge3A_1206 : i1 to i32
        %cond3A_1208 = arith.constant 0 : i32
        %cond3A_1209 = arith.cmpi ne, %convert_element_type3A_1207, %cond3A_1208 : i32
        scf.if %cond3A_1209 {
          %dma_wait3A_1224 = arith.constant 0 : i32
          %dma_wait3A_1225 = arith.constant 0 : i32
          %dma_wait3A_1226 = arith.constant 0 : i32
          %dma_wait3A_1227 = arith.constant 0 : i32
          %dma_wait3A_1228 = tpu.memref_slice %arg8[%dma_wait3A_1224, %dma_wait3A_1226, %dma_wait3A_1227] : memref<5x128x64xf32, #tpu.memory_space<vmem>> -> memref<1x128x64xf32, #tpu.memory_space<vmem>>
          %dma_wait3A_1229 = tpu.memref_squeeze %dma_wait3A_1228 : memref<1x128x64xf32, #tpu.memory_space<vmem>> -> memref<128x64xf32, #tpu.memory_space<vmem>>
          %dma_wait3A_1230 = arith.constant 0 : i32
          %dma_wait3A_1231 = tpu.memref_slice %arg7[%add3A_1092, %dma_wait3A_1230] : memref<160x128xi32, #tpu.memory_space<vmem>> -> memref<1x128xi32, #tpu.memory_space<vmem>>
          %dma_wait3A_1232 = tpu.memref_squeeze %dma_wait3A_1231 : memref<1x128xi32, #tpu.memory_space<vmem>> -> memref<128xi32, #tpu.memory_space<vmem>>
          %dma_wait3A_1233 = arith.constant 0 : i32
          %dma_wait3A_1234 = arith.constant 0 : i32
          %dma_wait3A_1235 = tpu.memref_slice %arg10[%dma_wait3A_1233, %dma_wait3A_1234] : memref<10240x64xf32, #tpu.memory_space<vmem_shared>> -> memref<10240x64xf32, #tpu.memory_space<vmem_shared>>
          %dma_wait3A_1236 = tpu.memref_slice %arg12[%dma_wait3A_1225] : memref<5x!tpu.dma_semaphore, #tpu.memory_space<semaphore_mem>> -> memref<1x!tpu.dma_semaphore, #tpu.memory_space<semaphore_mem>>
          %dma_wait3A_1237 = tpu.memref_squeeze %dma_wait3A_1236 : memref<1x!tpu.dma_semaphore, #tpu.memory_space<semaphore_mem>> -> memref<!tpu.dma_semaphore, #tpu.memory_space<semaphore_mem>>
          tpu.wait_indirect_dma semaphore(%dma_wait3A_1237 : memref<!tpu.dma_semaphore, #tpu.memory_space<semaphore_mem>>) src(%dma_wait3A_1229 : memref<128x64xf32, #tpu.memory_space<vmem>>) dst(%dma_wait3A_1235 : memref<10240x64xf32, #tpu.memory_space<vmem_shared>>)
        } else {
        }
        %dma_start3A_1210 = arith.constant 0 : i32
        %dma_start3A_1211 = arith.constant 0 : i32
        %dma_start3A_1212 = arith.constant 0 : i32
        %dma_start3A_1213 = arith.constant 0 : i32
        %dma_start3A_1214 = tpu.memref_slice %arg8[%dma_start3A_1210, %dma_start3A_1212, %dma_start3A_1213] : memref<5x128x64xf32, #tpu.memory_space<vmem>> -> memref<1x128x64xf32, #tpu.memory_space<vmem>>
        %dma_start3A_1215 = tpu.memref_squeeze %dma_start3A_1214 : memref<1x128x64xf32, #tpu.memory_space<vmem>> -> memref<128x64xf32, #tpu.memory_space<vmem>>
        %dma_start3A_1216 = arith.constant 0 : i32
        %dma_start3A_1217 = tpu.memref_slice %arg6[%add3A_1122, %dma_start3A_1216] : memref<160x128xi32, #tpu.memory_space<vmem>> -> memref<1x128xi32, #tpu.memory_space<vmem>>
        %dma_start3A_1218 = tpu.memref_squeeze %dma_start3A_1217 : memref<1x128xi32, #tpu.memory_space<vmem>> -> memref<128xi32, #tpu.memory_space<vmem>>
        %dma_start3A_1219 = arith.constant 0 : i32
        %dma_start3A_1220 = arith.constant 0 : i32
        %dma_start3A_1221 = tpu.memref_slice %arg2[%dma_start3A_1219, %dma_start3A_1220] : memref<20000x64xf32, #tpu.memory_space<hbm>> -> memref<20000x64xf32, #tpu.memory_space<hbm>>
        %dma_start3A_1222 = tpu.memref_slice %arg11[%dma_start3A_1211] : memref<5x!tpu.dma_semaphore, #tpu.memory_space<semaphore_mem>> -> memref<1x!tpu.dma_semaphore, #tpu.memory_space<semaphore_mem>>
        %dma_start3A_1223 = tpu.memref_squeeze %dma_start3A_1222 : memref<1x!tpu.dma_semaphore, #tpu.memory_space<semaphore_mem>> -> memref<!tpu.dma_semaphore, #tpu.memory_space<semaphore_mem>>
        tpu.enqueue_indirect_dma source(%dma_start3A_1221 : memref<20000x64xf32, #tpu.memory_space<hbm>>) target(%dma_start3A_1215 : memref<128x64xf32, #tpu.memory_space<vmem>>) offsets(%dma_start3A_1218 : memref<128xi32, #tpu.memory_space<vmem>>) semaphore(%dma_start3A_1223 : memref<!tpu.dma_semaphore, #tpu.memory_space<semaphore_mem>>)
      } else {
      }
      %mul3A_1128 = arith.constant 5 : i32
      %mul3A_1129 = arith.muli %scan3A_1013, %mul3A_1128 : i32
      %add3A_1130 = arith.constant 3 : i32
      %add3A_1131 = arith.addi %mul3A_1129, %add3A_1130 : i32
      %dma_wait3A_1132 = arith.constant 3 : i32
      %dma_wait3A_1133 = arith.constant 3 : i32
      %dma_wait3A_1134 = arith.constant 0 : i32
      %dma_wait3A_1135 = arith.constant 0 : i32
      %dma_wait3A_1136 = tpu.memref_slice %arg8[%dma_wait3A_1132, %dma_wait3A_1134, %dma_wait3A_1135] : memref<5x128x64xf32, #tpu.memory_space<vmem>> -> memref<1x128x64xf32, #tpu.memory_space<vmem>>
      %dma_wait3A_1137 = tpu.memref_squeeze %dma_wait3A_1136 : memref<1x128x64xf32, #tpu.memory_space<vmem>> -> memref<128x64xf32, #tpu.memory_space<vmem>>
      %dma_wait3A_1138 = arith.constant 0 : i32
      %dma_wait3A_1139 = tpu.memref_slice %arg6[%add3A_1131, %dma_wait3A_1138] : memref<160x128xi32, #tpu.memory_space<vmem>> -> memref<1x128xi32, #tpu.memory_space<vmem>>
      %dma_wait3A_1140 = tpu.memref_squeeze %dma_wait3A_1139 : memref<1x128xi32, #tpu.memory_space<vmem>> -> memref<128xi32, #tpu.memory_space<vmem>>
      %dma_wait3A_1141 = arith.constant 0 : i32
      %dma_wait3A_1142 = arith.constant 0 : i32
      %dma_wait3A_1143 = tpu.memref_slice %arg2[%dma_wait3A_1141, %dma_wait3A_1142] : memref<20000x64xf32, #tpu.memory_space<hbm>> -> memref<20000x64xf32, #tpu.memory_space<hbm>>
      %dma_wait3A_1144 = tpu.memref_slice %arg11[%dma_wait3A_1133] : memref<5x!tpu.dma_semaphore, #tpu.memory_space<semaphore_mem>> -> memref<1x!tpu.dma_semaphore, #tpu.memory_space<semaphore_mem>>
      %dma_wait3A_1145 = tpu.memref_squeeze %dma_wait3A_1144 : memref<1x!tpu.dma_semaphore, #tpu.memory_space<semaphore_mem>> -> memref<!tpu.dma_semaphore, #tpu.memory_space<semaphore_mem>>
      tpu.wait_indirect_dma semaphore(%dma_wait3A_1145 : memref<!tpu.dma_semaphore, #tpu.memory_space<semaphore_mem>>) src(%dma_wait3A_1143 : memref<20000x64xf32, #tpu.memory_space<hbm>>) dst(%dma_wait3A_1137 : memref<128x64xf32, #tpu.memory_space<vmem>>)
      %dma_start3A_1146 = arith.constant 3 : i32
      %dma_start3A_1147 = arith.constant 3 : i32
      %dma_start3A_1148 = arith.constant 0 : i32
      %dma_start3A_1149 = arith.constant 0 : i32
      %dma_start3A_1150 = tpu.memref_slice %arg8[%dma_start3A_1146, %dma_start3A_1148, %dma_start3A_1149] : memref<5x128x64xf32, #tpu.memory_space<vmem>> -> memref<1x128x64xf32, #tpu.memory_space<vmem>>
      %dma_start3A_1151 = tpu.memref_squeeze %dma_start3A_1150 : memref<1x128x64xf32, #tpu.memory_space<vmem>> -> memref<128x64xf32, #tpu.memory_space<vmem>>
      %dma_start3A_1152 = arith.constant 0 : i32
      %dma_start3A_1153 = tpu.memref_slice %arg7[%add3A_1131, %dma_start3A_1152] : memref<160x128xi32, #tpu.memory_space<vmem>> -> memref<1x128xi32, #tpu.memory_space<vmem>>
      %dma_start3A_1154 = tpu.memref_squeeze %dma_start3A_1153 : memref<1x128xi32, #tpu.memory_space<vmem>> -> memref<128xi32, #tpu.memory_space<vmem>>
      %dma_start3A_1155 = arith.constant 0 : i32
      %dma_start3A_1156 = arith.constant 0 : i32
      %dma_start3A_1157 = tpu.memref_slice %arg10[%dma_start3A_1155, %dma_start3A_1156] : memref<10240x64xf32, #tpu.memory_space<vmem_shared>> -> memref<10240x64xf32, #tpu.memory_space<vmem_shared>>
      %dma_start3A_1158 = tpu.memref_slice %arg12[%dma_start3A_1147] : memref<5x!tpu.dma_semaphore, #tpu.memory_space<semaphore_mem>> -> memref<1x!tpu.dma_semaphore, #tpu.memory_space<semaphore_mem>>
      %dma_start3A_1159 = tpu.memref_squeeze %dma_start3A_1158 : memref<1x!tpu.dma_semaphore, #tpu.memory_space<semaphore_mem>> -> memref<!tpu.dma_semaphore, #tpu.memory_space<semaphore_mem>>
      tpu.enqueue_indirect_dma source(%dma_start3A_1151 : memref<128x64xf32, #tpu.memory_space<vmem>>) target(%dma_start3A_1157 : memref<10240x64xf32, #tpu.memory_space<vmem_shared>>) offsets(%dma_start3A_1154 : memref<128xi32, #tpu.memory_space<vmem>>) semaphore(%dma_start3A_1159 : memref<!tpu.dma_semaphore, #tpu.memory_space<semaphore_mem>>) {add = true}
      %add3A_1160 = arith.constant 3 : i32
      %add3A_1161 = arith.addi %add3A_1131, %add3A_1160 : i32
      %lt3A_1162 = arith.constant 160 : i32
      %lt3A_1163 = arith.cmpi slt, %add3A_1161, %lt3A_1162 : i32
      %convert_element_type3A_1164 = arith.extui %lt3A_1163 : i1 to i32
      %cond3A_1165 = arith.constant 0 : i32
      %cond3A_1166 = arith.cmpi ne, %convert_element_type3A_1164, %cond3A_1165 : i32
      scf.if %cond3A_1166 {
        %ge3A = arith.constant 2 : i32
        %ge3A_1206 = arith.cmpi sge, %add3A_1131, %ge3A : i32
        %convert_element_type3A_1207 = arith.extui %ge3A_1206 : i1 to i32
        %cond3A_1208 = arith.constant 0 : i32
        %cond3A_1209 = arith.cmpi ne, %convert_element_type3A_1207, %cond3A_1208 : i32
        scf.if %cond3A_1209 {
          %dma_wait3A_1224 = arith.constant 1 : i32
          %dma_wait3A_1225 = arith.constant 1 : i32
          %dma_wait3A_1226 = arith.constant 0 : i32
          %dma_wait3A_1227 = arith.constant 0 : i32
          %dma_wait3A_1228 = tpu.memref_slice %arg8[%dma_wait3A_1224, %dma_wait3A_1226, %dma_wait3A_1227] : memref<5x128x64xf32, #tpu.memory_space<vmem>> -> memref<1x128x64xf32, #tpu.memory_space<vmem>>
          %dma_wait3A_1229 = tpu.memref_squeeze %dma_wait3A_1228 : memref<1x128x64xf32, #tpu.memory_space<vmem>> -> memref<128x64xf32, #tpu.memory_space<vmem>>
          %dma_wait3A_1230 = arith.constant 0 : i32
          %dma_wait3A_1231 = tpu.memref_slice %arg7[%add3A_1131, %dma_wait3A_1230] : memref<160x128xi32, #tpu.memory_space<vmem>> -> memref<1x128xi32, #tpu.memory_space<vmem>>
          %dma_wait3A_1232 = tpu.memref_squeeze %dma_wait3A_1231 : memref<1x128xi32, #tpu.memory_space<vmem>> -> memref<128xi32, #tpu.memory_space<vmem>>
          %dma_wait3A_1233 = arith.constant 0 : i32
          %dma_wait3A_1234 = arith.constant 0 : i32
          %dma_wait3A_1235 = tpu.memref_slice %arg10[%dma_wait3A_1233, %dma_wait3A_1234] : memref<10240x64xf32, #tpu.memory_space<vmem_shared>> -> memref<10240x64xf32, #tpu.memory_space<vmem_shared>>
          %dma_wait3A_1236 = tpu.memref_slice %arg12[%dma_wait3A_1225] : memref<5x!tpu.dma_semaphore, #tpu.memory_space<semaphore_mem>> -> memref<1x!tpu.dma_semaphore, #tpu.memory_space<semaphore_mem>>
          %dma_wait3A_1237 = tpu.memref_squeeze %dma_wait3A_1236 : memref<1x!tpu.dma_semaphore, #tpu.memory_space<semaphore_mem>> -> memref<!tpu.dma_semaphore, #tpu.memory_space<semaphore_mem>>
          tpu.wait_indirect_dma semaphore(%dma_wait3A_1237 : memref<!tpu.dma_semaphore, #tpu.memory_space<semaphore_mem>>) src(%dma_wait3A_1229 : memref<128x64xf32, #tpu.memory_space<vmem>>) dst(%dma_wait3A_1235 : memref<10240x64xf32, #tpu.memory_space<vmem_shared>>)
        } else {
        }
        %dma_start3A_1210 = arith.constant 1 : i32
        %dma_start3A_1211 = arith.constant 1 : i32
        %dma_start3A_1212 = arith.constant 0 : i32
        %dma_start3A_1213 = arith.constant 0 : i32
        %dma_start3A_1214 = tpu.memref_slice %arg8[%dma_start3A_1210, %dma_start3A_1212, %dma_start3A_1213] : memref<5x128x64xf32, #tpu.memory_space<vmem>> -> memref<1x128x64xf32, #tpu.memory_space<vmem>>
        %dma_start3A_1215 = tpu.memref_squeeze %dma_start3A_1214 : memref<1x128x64xf32, #tpu.memory_space<vmem>> -> memref<128x64xf32, #tpu.memory_space<vmem>>
        %dma_start3A_1216 = arith.constant 0 : i32
        %dma_start3A_1217 = tpu.memref_slice %arg6[%add3A_1161, %dma_start3A_1216] : memref<160x128xi32, #tpu.memory_space<vmem>> -> memref<1x128xi32, #tpu.memory_space<vmem>>
        %dma_start3A_1218 = tpu.memref_squeeze %dma_start3A_1217 : memref<1x128xi32, #tpu.memory_space<vmem>> -> memref<128xi32, #tpu.memory_space<vmem>>
        %dma_start3A_1219 = arith.constant 0 : i32
        %dma_start3A_1220 = arith.constant 0 : i32
        %dma_start3A_1221 = tpu.memref_slice %arg2[%dma_start3A_1219, %dma_start3A_1220] : memref<20000x64xf32, #tpu.memory_space<hbm>> -> memref<20000x64xf32, #tpu.memory_space<hbm>>
        %dma_start3A_1222 = tpu.memref_slice %arg11[%dma_start3A_1211] : memref<5x!tpu.dma_semaphore, #tpu.memory_space<semaphore_mem>> -> memref<1x!tpu.dma_semaphore, #tpu.memory_space<semaphore_mem>>
        %dma_start3A_1223 = tpu.memref_squeeze %dma_start3A_1222 : memref<1x!tpu.dma_semaphore, #tpu.memory_space<semaphore_mem>> -> memref<!tpu.dma_semaphore, #tpu.memory_space<semaphore_mem>>
        tpu.enqueue_indirect_dma source(%dma_start3A_1221 : memref<20000x64xf32, #tpu.memory_space<hbm>>) target(%dma_start3A_1215 : memref<128x64xf32, #tpu.memory_space<vmem>>) offsets(%dma_start3A_1218 : memref<128xi32, #tpu.memory_space<vmem>>) semaphore(%dma_start3A_1223 : memref<!tpu.dma_semaphore, #tpu.memory_space<semaphore_mem>>)
      } else {
      }
      %mul3A_1167 = arith.constant 5 : i32
      %mul3A_1168 = arith.muli %scan3A_1013, %mul3A_1167 : i32
      %add3A_1169 = arith.constant 4 : i32
      %add3A_1170 = arith.addi %mul3A_1168, %add3A_1169 : i32
      %dma_wait3A_1171 = arith.constant 4 : i32
      %dma_wait3A_1172 = arith.constant 4 : i32
      %dma_wait3A_1173 = arith.constant 0 : i32
      %dma_wait3A_1174 = arith.constant 0 : i32
      %dma_wait3A_1175 = tpu.memref_slice %arg8[%dma_wait3A_1171, %dma_wait3A_1173, %dma_wait3A_1174] : memref<5x128x64xf32, #tpu.memory_space<vmem>> -> memref<1x128x64xf32, #tpu.memory_space<vmem>>
      %dma_wait3A_1176 = tpu.memref_squeeze %dma_wait3A_1175 : memref<1x128x64xf32, #tpu.memory_space<vmem>> -> memref<128x64xf32, #tpu.memory_space<vmem>>
      %dma_wait3A_1177 = arith.constant 0 : i32
      %dma_wait3A_1178 = tpu.memref_slice %arg6[%add3A_1170, %dma_wait3A_1177] : memref<160x128xi32, #tpu.memory_space<vmem>> -> memref<1x128xi32, #tpu.memory_space<vmem>>
      %dma_wait3A_1179 = tpu.memref_squeeze %dma_wait3A_1178 : memref<1x128xi32, #tpu.memory_space<vmem>> -> memref<128xi32, #tpu.memory_space<vmem>>
      %dma_wait3A_1180 = arith.constant 0 : i32
      %dma_wait3A_1181 = arith.constant 0 : i32
      %dma_wait3A_1182 = tpu.memref_slice %arg2[%dma_wait3A_1180, %dma_wait3A_1181] : memref<20000x64xf32, #tpu.memory_space<hbm>> -> memref<20000x64xf32, #tpu.memory_space<hbm>>
      %dma_wait3A_1183 = tpu.memref_slice %arg11[%dma_wait3A_1172] : memref<5x!tpu.dma_semaphore, #tpu.memory_space<semaphore_mem>> -> memref<1x!tpu.dma_semaphore, #tpu.memory_space<semaphore_mem>>
      %dma_wait3A_1184 = tpu.memref_squeeze %dma_wait3A_1183 : memref<1x!tpu.dma_semaphore, #tpu.memory_space<semaphore_mem>> -> memref<!tpu.dma_semaphore, #tpu.memory_space<semaphore_mem>>
      tpu.wait_indirect_dma semaphore(%dma_wait3A_1184 : memref<!tpu.dma_semaphore, #tpu.memory_space<semaphore_mem>>) src(%dma_wait3A_1182 : memref<20000x64xf32, #tpu.memory_space<hbm>>) dst(%dma_wait3A_1176 : memref<128x64xf32, #tpu.memory_space<vmem>>)
      %dma_start3A_1185 = arith.constant 4 : i32
      %dma_start3A_1186 = arith.constant 4 : i32
      %dma_start3A_1187 = arith.constant 0 : i32
      %dma_start3A_1188 = arith.constant 0 : i32
      %dma_start3A_1189 = tpu.memref_slice %arg8[%dma_start3A_1185, %dma_start3A_1187, %dma_start3A_1188] : memref<5x128x64xf32, #tpu.memory_space<vmem>> -> memref<1x128x64xf32, #tpu.memory_space<vmem>>
      %dma_start3A_1190 = tpu.memref_squeeze %dma_start3A_1189 : memref<1x128x64xf32, #tpu.memory_space<vmem>> -> memref<128x64xf32, #tpu.memory_space<vmem>>
      %dma_start3A_1191 = arith.constant 0 : i32
      %dma_start3A_1192 = tpu.memref_slice %arg7[%add3A_1170, %dma_start3A_1191] : memref<160x128xi32, #tpu.memory_space<vmem>> -> memref<1x128xi32, #tpu.memory_space<vmem>>
      %dma_start3A_1193 = tpu.memref_squeeze %dma_start3A_1192 : memref<1x128xi32, #tpu.memory_space<vmem>> -> memref<128xi32, #tpu.memory_space<vmem>>
      %dma_start3A_1194 = arith.constant 0 : i32
      %dma_start3A_1195 = arith.constant 0 : i32
      %dma_start3A_1196 = tpu.memref_slice %arg10[%dma_start3A_1194, %dma_start3A_1195] : memref<10240x64xf32, #tpu.memory_space<vmem_shared>> -> memref<10240x64xf32, #tpu.memory_space<vmem_shared>>
      %dma_start3A_1197 = tpu.memref_slice %arg12[%dma_start3A_1186] : memref<5x!tpu.dma_semaphore, #tpu.memory_space<semaphore_mem>> -> memref<1x!tpu.dma_semaphore, #tpu.memory_space<semaphore_mem>>
      %dma_start3A_1198 = tpu.memref_squeeze %dma_start3A_1197 : memref<1x!tpu.dma_semaphore, #tpu.memory_space<semaphore_mem>> -> memref<!tpu.dma_semaphore, #tpu.memory_space<semaphore_mem>>
      tpu.enqueue_indirect_dma source(%dma_start3A_1190 : memref<128x64xf32, #tpu.memory_space<vmem>>) target(%dma_start3A_1196 : memref<10240x64xf32, #tpu.memory_space<vmem_shared>>) offsets(%dma_start3A_1193 : memref<128xi32, #tpu.memory_space<vmem>>) semaphore(%dma_start3A_1198 : memref<!tpu.dma_semaphore, #tpu.memory_space<semaphore_mem>>) {add = true}
      %add3A_1199 = arith.constant 3 : i32
      %add3A_1200 = arith.addi %add3A_1170, %add3A_1199 : i32
      %lt3A_1201 = arith.constant 160 : i32
      %lt3A_1202 = arith.cmpi slt, %add3A_1200, %lt3A_1201 : i32
      %convert_element_type3A_1203 = arith.extui %lt3A_1202 : i1 to i32
      %cond3A_1204 = arith.constant 0 : i32
      %cond3A_1205 = arith.cmpi ne, %convert_element_type3A_1203, %cond3A_1204 : i32
      scf.if %cond3A_1205 {
        %ge3A = arith.constant 2 : i32
        %ge3A_1206 = arith.cmpi sge, %add3A_1170, %ge3A : i32
        %convert_element_type3A_1207 = arith.extui %ge3A_1206 : i1 to i32
        %cond3A_1208 = arith.constant 0 : i32
        %cond3A_1209 = arith.cmpi ne, %convert_element_type3A_1207, %cond3A_1208 : i32
        scf.if %cond3A_1209 {
          %dma_wait3A_1224 = arith.constant 2 : i32
          %dma_wait3A_1225 = arith.constant 2 : i32
          %dma_wait3A_1226 = arith.constant 0 : i32
          %dma_wait3A_1227 = arith.constant 0 : i32
          %dma_wait3A_1228 = tpu.memref_slice %arg8[%dma_wait3A_1224, %dma_wait3A_1226, %dma_wait3A_1227] : memref<5x128x64xf32, #tpu.memory_space<vmem>> -> memref<1x128x64xf32, #tpu.memory_space<vmem>>
          %dma_wait3A_1229 = tpu.memref_squeeze %dma_wait3A_1228 : memref<1x128x64xf32, #tpu.memory_space<vmem>> -> memref<128x64xf32, #tpu.memory_space<vmem>>
          %dma_wait3A_1230 = arith.constant 0 : i32
          %dma_wait3A_1231 = tpu.memref_slice %arg7[%add3A_1170, %dma_wait3A_1230] : memref<160x128xi32, #tpu.memory_space<vmem>> -> memref<1x128xi32, #tpu.memory_space<vmem>>
          %dma_wait3A_1232 = tpu.memref_squeeze %dma_wait3A_1231 : memref<1x128xi32, #tpu.memory_space<vmem>> -> memref<128xi32, #tpu.memory_space<vmem>>
          %dma_wait3A_1233 = arith.constant 0 : i32
          %dma_wait3A_1234 = arith.constant 0 : i32
          %dma_wait3A_1235 = tpu.memref_slice %arg10[%dma_wait3A_1233, %dma_wait3A_1234] : memref<10240x64xf32, #tpu.memory_space<vmem_shared>> -> memref<10240x64xf32, #tpu.memory_space<vmem_shared>>
          %dma_wait3A_1236 = tpu.memref_slice %arg12[%dma_wait3A_1225] : memref<5x!tpu.dma_semaphore, #tpu.memory_space<semaphore_mem>> -> memref<1x!tpu.dma_semaphore, #tpu.memory_space<semaphore_mem>>
          %dma_wait3A_1237 = tpu.memref_squeeze %dma_wait3A_1236 : memref<1x!tpu.dma_semaphore, #tpu.memory_space<semaphore_mem>> -> memref<!tpu.dma_semaphore, #tpu.memory_space<semaphore_mem>>
          tpu.wait_indirect_dma semaphore(%dma_wait3A_1237 : memref<!tpu.dma_semaphore, #tpu.memory_space<semaphore_mem>>) src(%dma_wait3A_1229 : memref<128x64xf32, #tpu.memory_space<vmem>>) dst(%dma_wait3A_1235 : memref<10240x64xf32, #tpu.memory_space<vmem_shared>>)
        } else {
        }
        %dma_start3A_1210 = arith.constant 2 : i32
        %dma_start3A_1211 = arith.constant 2 : i32
        %dma_start3A_1212 = arith.constant 0 : i32
        %dma_start3A_1213 = arith.constant 0 : i32
        %dma_start3A_1214 = tpu.memref_slice %arg8[%dma_start3A_1210, %dma_start3A_1212, %dma_start3A_1213] : memref<5x128x64xf32, #tpu.memory_space<vmem>> -> memref<1x128x64xf32, #tpu.memory_space<vmem>>
        %dma_start3A_1215 = tpu.memref_squeeze %dma_start3A_1214 : memref<1x128x64xf32, #tpu.memory_space<vmem>> -> memref<128x64xf32, #tpu.memory_space<vmem>>
        %dma_start3A_1216 = arith.constant 0 : i32
        %dma_start3A_1217 = tpu.memref_slice %arg6[%add3A_1200, %dma_start3A_1216] : memref<160x128xi32, #tpu.memory_space<vmem>> -> memref<1x128xi32, #tpu.memory_space<vmem>>
        %dma_start3A_1218 = tpu.memref_squeeze %dma_start3A_1217 : memref<1x128xi32, #tpu.memory_space<vmem>> -> memref<128xi32, #tpu.memory_space<vmem>>
        %dma_start3A_1219 = arith.constant 0 : i32
        %dma_start3A_1220 = arith.constant 0 : i32
        %dma_start3A_1221 = tpu.memref_slice %arg2[%dma_start3A_1219, %dma_start3A_1220] : memref<20000x64xf32, #tpu.memory_space<hbm>> -> memref<20000x64xf32, #tpu.memory_space<hbm>>
        %dma_start3A_1222 = tpu.memref_slice %arg11[%dma_start3A_1211] : memref<5x!tpu.dma_semaphore, #tpu.memory_space<semaphore_mem>> -> memref<1x!tpu.dma_semaphore, #tpu.memory_space<semaphore_mem>>
        %dma_start3A_1223 = tpu.memref_squeeze %dma_start3A_1222 : memref<1x!tpu.dma_semaphore, #tpu.memory_space<semaphore_mem>> -> memref<!tpu.dma_semaphore, #tpu.memory_space<semaphore_mem>>
        tpu.enqueue_indirect_dma source(%dma_start3A_1221 : memref<20000x64xf32, #tpu.memory_space<hbm>>) target(%dma_start3A_1215 : memref<128x64xf32, #tpu.memory_space<vmem>>) offsets(%dma_start3A_1218 : memref<128xi32, #tpu.memory_space<vmem>>) semaphore(%dma_start3A_1223 : memref<!tpu.dma_semaphore, #tpu.memory_space<semaphore_mem>>)
      } else {
      }
    }
    %scan3A_577 = arith.constant 32 : i32
    %dma_wait3A = arith.constant 0 : i32
    %dma_wait3A_578 = arith.constant 0 : i32
    %dma_wait3A_579 = arith.constant 0 : i32
    %dma_wait3A_580 = arith.constant 0 : i32
    %dma_wait3A_581 = arith.constant 0 : i32
    %dma_wait3A_582 = tpu.memref_slice %arg8[%dma_wait3A, %dma_wait3A_580, %dma_wait3A_581] : memref<5x128x64xf32, #tpu.memory_space<vmem>> -> memref<1x128x64xf32, #tpu.memory_space<vmem>>
    %dma_wait3A_583 = tpu.memref_squeeze %dma_wait3A_582 : memref<1x128x64xf32, #tpu.memory_space<vmem>> -> memref<128x64xf32, #tpu.memory_space<vmem>>
    %dma_wait3A_584 = arith.constant 0 : i32
    %dma_wait3A_585 = tpu.memref_slice %arg7[%dma_wait3A_578, %dma_wait3A_584] : memref<160x128xi32, #tpu.memory_space<vmem>> -> memref<1x128xi32, #tpu.memory_space<vmem>>
    %dma_wait3A_586 = tpu.memref_squeeze %dma_wait3A_585 : memref<1x128xi32, #tpu.memory_space<vmem>> -> memref<128xi32, #tpu.memory_space<vmem>>
    %dma_wait3A_587 = arith.constant 0 : i32
    %dma_wait3A_588 = arith.constant 0 : i32
    %dma_wait3A_589 = tpu.memref_slice %arg10[%dma_wait3A_587, %dma_wait3A_588] : memref<10240x64xf32, #tpu.memory_space<vmem_shared>> -> memref<10240x64xf32, #tpu.memory_space<vmem_shared>>
    %dma_wait3A_590 = tpu.memref_slice %arg12[%dma_wait3A_579] : memref<5x!tpu.dma_semaphore, #tpu.memory_space<semaphore_mem>> -> memref<1x!tpu.dma_semaphore, #tpu.memory_space<semaphore_mem>>
    %dma_wait3A_591 = tpu.memref_squeeze %dma_wait3A_590 : memref<1x!tpu.dma_semaphore, #tpu.memory_space<semaphore_mem>> -> memref<!tpu.dma_semaphore, #tpu.memory_space<semaphore_mem>>
    tpu.wait_indirect_dma semaphore(%dma_wait3A_591 : memref<!tpu.dma_semaphore, #tpu.memory_space<semaphore_mem>>) src(%dma_wait3A_583 : memref<128x64xf32, #tpu.memory_space<vmem>>) dst(%dma_wait3A_589 : memref<10240x64xf32, #tpu.memory_space<vmem_shared>>)
    %dma_wait3A_592 = arith.constant 1 : i32
    %dma_wait3A_593 = arith.constant 0 : i32
    %dma_wait3A_594 = arith.constant 1 : i32
    %dma_wait3A_595 = arith.constant 0 : i32
    %dma_wait3A_596 = arith.constant 0 : i32
    %dma_wait3A_597 = tpu.memref_slice %arg8[%dma_wait3A_592, %dma_wait3A_595, %dma_wait3A_596] : memref<5x128x64xf32, #tpu.memory_space<vmem>> -> memref<1x128x64xf32, #tpu.memory_space<vmem>>
    %dma_wait3A_598 = tpu.memref_squeeze %dma_wait3A_597 : memref<1x128x64xf32, #tpu.memory_space<vmem>> -> memref<128x64xf32, #tpu.memory_space<vmem>>
    %dma_wait3A_599 = arith.constant 0 : i32
    %dma_wait3A_600 = tpu.memref_slice %arg7[%dma_wait3A_593, %dma_wait3A_599] : memref<160x128xi32, #tpu.memory_space<vmem>> -> memref<1x128xi32, #tpu.memory_space<vmem>>
    %dma_wait3A_601 = tpu.memref_squeeze %dma_wait3A_600 : memref<1x128xi32, #tpu.memory_space<vmem>> -> memref<128xi32, #tpu.memory_space<vmem>>
    %dma_wait3A_602 = arith.constant 0 : i32
    %dma_wait3A_603 = arith.constant 0 : i32
    %dma_wait3A_604 = tpu.memref_slice %arg10[%dma_wait3A_602, %dma_wait3A_603] : memref<10240x64xf32, #tpu.memory_space<vmem_shared>> -> memref<10240x64xf32, #tpu.memory_space<vmem_shared>>
    %dma_wait3A_605 = tpu.memref_slice %arg12[%dma_wait3A_594] : memref<5x!tpu.dma_semaphore, #tpu.memory_space<semaphore_mem>> -> memref<1x!tpu.dma_semaphore, #tpu.memory_space<semaphore_mem>>
    %dma_wait3A_606 = tpu.memref_squeeze %dma_wait3A_605 : memref<1x!tpu.dma_semaphore, #tpu.memory_space<semaphore_mem>> -> memref<!tpu.dma_semaphore, #tpu.memory_space<semaphore_mem>>
    tpu.wait_indirect_dma semaphore(%dma_wait3A_606 : memref<!tpu.dma_semaphore, #tpu.memory_space<semaphore_mem>>) src(%dma_wait3A_598 : memref<128x64xf32, #tpu.memory_space<vmem>>) dst(%dma_wait3A_604 : memref<10240x64xf32, #tpu.memory_space<vmem_shared>>)
    %dma_wait3A_607 = arith.constant 2 : i32
    %dma_wait3A_608 = arith.constant 0 : i32
    %dma_wait3A_609 = arith.constant 2 : i32
    %dma_wait3A_610 = arith.constant 0 : i32
    %dma_wait3A_611 = arith.constant 0 : i32
    %dma_wait3A_612 = tpu.memref_slice %arg8[%dma_wait3A_607, %dma_wait3A_610, %dma_wait3A_611] : memref<5x128x64xf32, #tpu.memory_space<vmem>> -> memref<1x128x64xf32, #tpu.memory_space<vmem>>
    %dma_wait3A_613 = tpu.memref_squeeze %dma_wait3A_612 : memref<1x128x64xf32, #tpu.memory_space<vmem>> -> memref<128x64xf32, #tpu.memory_space<vmem>>
    %dma_wait3A_614 = arith.constant 0 : i32
    %dma_wait3A_615 = tpu.memref_slice %arg7[%dma_wait3A_608, %dma_wait3A_614] : memref<160x128xi32, #tpu.memory_space<vmem>> -> memref<1x128xi32, #tpu.memory_space<vmem>>
    %dma_wait3A_616 = tpu.memref_squeeze %dma_wait3A_615 : memref<1x128xi32, #tpu.memory_space<vmem>> -> memref<128xi32, #tpu.memory_space<vmem>>
    %dma_wait3A_617 = arith.constant 0 : i32
    %dma_wait3A_618 = arith.constant 0 : i32
    %dma_wait3A_619 = tpu.memref_slice %arg10[%dma_wait3A_617, %dma_wait3A_618] : memref<10240x64xf32, #tpu.memory_space<vmem_shared>> -> memref<10240x64xf32, #tpu.memory_space<vmem_shared>>
    %dma_wait3A_620 = tpu.memref_slice %arg12[%dma_wait3A_609] : memref<5x!tpu.dma_semaphore, #tpu.memory_space<semaphore_mem>> -> memref<1x!tpu.dma_semaphore, #tpu.memory_space<semaphore_mem>>
    %dma_wait3A_621 = tpu.memref_squeeze %dma_wait3A_620 : memref<1x!tpu.dma_semaphore, #tpu.memory_space<semaphore_mem>> -> memref<!tpu.dma_semaphore, #tpu.memory_space<semaphore_mem>>
    tpu.wait_indirect_dma semaphore(%dma_wait3A_621 : memref<!tpu.dma_semaphore, #tpu.memory_space<semaphore_mem>>) src(%dma_wait3A_613 : memref<128x64xf32, #tpu.memory_space<vmem>>) dst(%dma_wait3A_619 : memref<10240x64xf32, #tpu.memory_space<vmem_shared>>)
    %dma_wait3A_622 = arith.constant 3 : i32
    %dma_wait3A_623 = arith.constant 0 : i32
    %dma_wait3A_624 = arith.constant 3 : i32
    %dma_wait3A_625 = arith.constant 0 : i32
    %dma_wait3A_626 = arith.constant 0 : i32
    %dma_wait3A_627 = tpu.memref_slice %arg8[%dma_wait3A_622, %dma_wait3A_625, %dma_wait3A_626] : memref<5x128x64xf32, #tpu.memory_space<vmem>> -> memref<1x128x64xf32, #tpu.memory_space<vmem>>
    %dma_wait3A_628 = tpu.memref_squeeze %dma_wait3A_627 : memref<1x128x64xf32, #tpu.memory_space<vmem>> -> memref<128x64xf32, #tpu.memory_space<vmem>>
    %dma_wait3A_629 = arith.constant 0 : i32
    %dma_wait3A_630 = tpu.memref_slice %arg7[%dma_wait3A_623, %dma_wait3A_629] : memref<160x128xi32, #tpu.memory_space<vmem>> -> memref<1x128xi32, #tpu.memory_space<vmem>>
    %dma_wait3A_631 = tpu.memref_squeeze %dma_wait3A_630 : memref<1x128xi32, #tpu.memory_space<vmem>> -> memref<128xi32, #tpu.memory_space<vmem>>
    %dma_wait3A_632 = arith.constant 0 : i32
    %dma_wait3A_633 = arith.constant 0 : i32
    %dma_wait3A_634 = tpu.memref_slice %arg10[%dma_wait3A_632, %dma_wait3A_633] : memref<10240x64xf32, #tpu.memory_space<vmem_shared>> -> memref<10240x64xf32, #tpu.memory_space<vmem_shared>>
    %dma_wait3A_635 = tpu.memref_slice %arg12[%dma_wait3A_624] : memref<5x!tpu.dma_semaphore, #tpu.memory_space<semaphore_mem>> -> memref<1x!tpu.dma_semaphore, #tpu.memory_space<semaphore_mem>>
    %dma_wait3A_636 = tpu.memref_squeeze %dma_wait3A_635 : memref<1x!tpu.dma_semaphore, #tpu.memory_space<semaphore_mem>> -> memref<!tpu.dma_semaphore, #tpu.memory_space<semaphore_mem>>
    tpu.wait_indirect_dma semaphore(%dma_wait3A_636 : memref<!tpu.dma_semaphore, #tpu.memory_space<semaphore_mem>>) src(%dma_wait3A_628 : memref<128x64xf32, #tpu.memory_space<vmem>>) dst(%dma_wait3A_634 : memref<10240x64xf32, #tpu.memory_space<vmem_shared>>)
    %dma_wait3A_637 = arith.constant 4 : i32
    %dma_wait3A_638 = arith.constant 0 : i32
    %dma_wait3A_639 = arith.constant 4 : i32
    %dma_wait3A_640 = arith.constant 0 : i32
    %dma_wait3A_641 = arith.constant 0 : i32
    %dma_wait3A_642 = tpu.memref_slice %arg8[%dma_wait3A_637, %dma_wait3A_640, %dma_wait3A_641] : memref<5x128x64xf32, #tpu.memory_space<vmem>> -> memref<1x128x64xf32, #tpu.memory_space<vmem>>
    %dma_wait3A_643 = tpu.memref_squeeze %dma_wait3A_642 : memref<1x128x64xf32, #tpu.memory_space<vmem>> -> memref<128x64xf32, #tpu.memory_space<vmem>>
    %dma_wait3A_644 = arith.constant 0 : i32
    %dma_wait3A_645 = tpu.memref_slice %arg7[%dma_wait3A_638, %dma_wait3A_644] : memref<160x128xi32, #tpu.memory_space<vmem>> -> memref<1x128xi32, #tpu.memory_space<vmem>>
    %dma_wait3A_646 = tpu.memref_squeeze %dma_wait3A_645 : memref<1x128xi32, #tpu.memory_space<vmem>> -> memref<128xi32, #tpu.memory_space<vmem>>
    %dma_wait3A_647 = arith.constant 0 : i32
    %dma_wait3A_648 = arith.constant 0 : i32
    %dma_wait3A_649 = tpu.memref_slice %arg10[%dma_wait3A_647, %dma_wait3A_648] : memref<10240x64xf32, #tpu.memory_space<vmem_shared>> -> memref<10240x64xf32, #tpu.memory_space<vmem_shared>>
    %dma_wait3A_650 = tpu.memref_slice %arg12[%dma_wait3A_639] : memref<5x!tpu.dma_semaphore, #tpu.memory_space<semaphore_mem>> -> memref<1x!tpu.dma_semaphore, #tpu.memory_space<semaphore_mem>>
    %dma_wait3A_651 = tpu.memref_squeeze %dma_wait3A_650 : memref<1x!tpu.dma_semaphore, #tpu.memory_space<semaphore_mem>> -> memref<!tpu.dma_semaphore, #tpu.memory_space<semaphore_mem>>
    tpu.wait_indirect_dma semaphore(%dma_wait3A_651 : memref<!tpu.dma_semaphore, #tpu.memory_space<semaphore_mem>>) src(%dma_wait3A_643 : memref<128x64xf32, #tpu.memory_space<vmem>>) dst(%dma_wait3A_649 : memref<10240x64xf32, #tpu.memory_space<vmem_shared>>)
    %barrier3A_652 = arith.constant 0 : index
    tpu.barrier barrier_id(%barrier3A_652)
    %add3A_653 = arith.constant 0 : i32
    %add3A_654 = arith.addi %mul3A_0, %add3A_653 : i32
    %dma_start3A_655 = arith.constant 0 : i32
    %dma_start3A_656 = arith.constant 0 : i32
    %dma_start3A_657 = arith.constant 0 : i32
    %dma_start3A_658 = arith.constant 0 : i32
    %dma_start3A_659 = tpu.memref_slice %arg8[%dma_start3A_655, %dma_start3A_657, %dma_start3A_658] : memref<5x128x64xf32, #tpu.memory_space<vmem>> -> memref<1x128x64xf32, #tpu.memory_space<vmem>>
    %dma_start3A_660 = tpu.memref_squeeze %dma_start3A_659 : memref<1x128x64xf32, #tpu.memory_space<vmem>> -> memref<128x64xf32, #tpu.memory_space<vmem>>
    %dma_start3A_661 = arith.constant 0 : i32
    %dma_start3A_662 = tpu.memref_slice %arg10[%add3A_654, %dma_start3A_661] : memref<10240x64xf32, #tpu.memory_space<vmem_shared>> -> memref<128x64xf32, #tpu.memory_space<vmem_shared>>
    %dma_start3A_663 = tpu.memref_slice %arg11[%dma_start3A_656] : memref<5x!tpu.dma_semaphore, #tpu.memory_space<semaphore_mem>> -> memref<1x!tpu.dma_semaphore, #tpu.memory_space<semaphore_mem>>
    %dma_start3A_664 = tpu.memref_squeeze %dma_start3A_663 : memref<1x!tpu.dma_semaphore, #tpu.memory_space<semaphore_mem>> -> memref<!tpu.dma_semaphore, #tpu.memory_space<semaphore_mem>>
    %dma_start3A_665 = arith.constant 0 : i32
    %dma_start3A_666 = arith.constant 0 : i32
    %dma_start3A_667 = tpu.memref_slice %arg8[%dma_start3A_655, %dma_start3A_665, %dma_start3A_666] : memref<5x128x64xf32, #tpu.memory_space<vmem>> -> memref<1x128x64xf32, #tpu.memory_space<vmem>>
    %dma_start3A_668 = tpu.memref_squeeze %dma_start3A_667 : memref<1x128x64xf32, #tpu.memory_space<vmem>> -> memref<128x64xf32, #tpu.memory_space<vmem>>
    %dma_start3A_669 = arith.constant 0 : i32
    %dma_start3A_670 = tpu.memref_slice %arg10[%add3A_654, %dma_start3A_669] : memref<10240x64xf32, #tpu.memory_space<vmem_shared>> -> memref<128x64xf32, #tpu.memory_space<vmem_shared>>
    tpu.enqueue_dma source(%dma_start3A_670 : memref<128x64xf32, #tpu.memory_space<vmem_shared>>) target(%dma_start3A_668 : memref<128x64xf32, #tpu.memory_space<vmem>>) target_semaphore(%dma_start3A_664 : memref<!tpu.dma_semaphore, #tpu.memory_space<semaphore_mem>>)
    %dma_wait3A_671 = arith.constant 0 : i32
    %dma_wait3A_672 = arith.constant 0 : i32
    %dma_wait3A_673 = arith.constant 0 : i32
    %dma_wait3A_674 = arith.constant 0 : i32
    %dma_wait3A_675 = tpu.memref_slice %arg8[%dma_wait3A_671, %dma_wait3A_673, %dma_wait3A_674] : memref<5x128x64xf32, #tpu.memory_space<vmem>> -> memref<1x128x64xf32, #tpu.memory_space<vmem>>
    %dma_wait3A_676 = tpu.memref_squeeze %dma_wait3A_675 : memref<1x128x64xf32, #tpu.memory_space<vmem>> -> memref<128x64xf32, #tpu.memory_space<vmem>>
    %dma_wait3A_677 = arith.constant 0 : i32
    %dma_wait3A_678 = tpu.memref_slice %arg10[%mul3A_0, %dma_wait3A_677] : memref<10240x64xf32, #tpu.memory_space<vmem_shared>> -> memref<128x64xf32, #tpu.memory_space<vmem_shared>>
    %dma_wait3A_679 = tpu.memref_slice %arg11[%dma_wait3A_672] : memref<5x!tpu.dma_semaphore, #tpu.memory_space<semaphore_mem>> -> memref<1x!tpu.dma_semaphore, #tpu.memory_space<semaphore_mem>>
    %dma_wait3A_680 = tpu.memref_squeeze %dma_wait3A_679 : memref<1x!tpu.dma_semaphore, #tpu.memory_space<semaphore_mem>> -> memref<!tpu.dma_semaphore, #tpu.memory_space<semaphore_mem>>
    %dma_wait3A_681 = arith.constant 0 : i32
    %dma_wait3A_682 = arith.constant 0 : i32
    %dma_wait3A_683 = tpu.memref_slice %arg8[%dma_wait3A_671, %dma_wait3A_681, %dma_wait3A_682] : memref<5x128x64xf32, #tpu.memory_space<vmem>> -> memref<1x128x64xf32, #tpu.memory_space<vmem>>
    %dma_wait3A_684 = tpu.memref_squeeze %dma_wait3A_683 : memref<1x128x64xf32, #tpu.memory_space<vmem>> -> memref<128x64xf32, #tpu.memory_space<vmem>>
    %dma_wait3A_685 = arith.constant 0 : i32
    %dma_wait3A_686 = tpu.memref_slice %arg10[%mul3A_0, %dma_wait3A_685] : memref<10240x64xf32, #tpu.memory_space<vmem_shared>> -> memref<128x64xf32, #tpu.memory_space<vmem_shared>>
    tpu.wait_dma2 semaphore(%dma_wait3A_680 : memref<!tpu.dma_semaphore, #tpu.memory_space<semaphore_mem>>) src(%dma_wait3A_686 : memref<128x64xf32, #tpu.memory_space<vmem_shared>>) dst(%dma_wait3A_684 : memref<128x64xf32, #tpu.memory_space<vmem>>)
    %add3A_687 = arith.constant 0 : i32
    %add3A_688 = arith.addi %mul3A_0, %add3A_687 : i32
    %dma_start3A_689 = arith.constant 0 : i32
    %dma_start3A_690 = arith.constant 0 : i32
    %dma_start3A_691 = arith.constant 0 : i32
    %dma_start3A_692 = arith.constant 0 : i32
    %dma_start3A_693 = tpu.memref_slice %arg8[%dma_start3A_689, %dma_start3A_691, %dma_start3A_692] : memref<5x128x64xf32, #tpu.memory_space<vmem>> -> memref<1x128x64xf32, #tpu.memory_space<vmem>>
    %dma_start3A_694 = tpu.memref_squeeze %dma_start3A_693 : memref<1x128x64xf32, #tpu.memory_space<vmem>> -> memref<128x64xf32, #tpu.memory_space<vmem>>
    %dma_start3A_695 = arith.constant 0 : i32
    %dma_start3A_696 = tpu.memref_slice %arg5[%arg0, %add3A_688, %dma_start3A_695] : memref<2x10240x64xf32, #tpu.memory_space<hbm>> -> memref<1x128x64xf32, #tpu.memory_space<hbm>>
    %dma_start3A_697 = tpu.memref_squeeze %dma_start3A_696 : memref<1x128x64xf32, #tpu.memory_space<hbm>> -> memref<128x64xf32, #tpu.memory_space<hbm>>
    %dma_start3A_698 = tpu.memref_slice %arg12[%dma_start3A_690] : memref<5x!tpu.dma_semaphore, #tpu.memory_space<semaphore_mem>> -> memref<1x!tpu.dma_semaphore, #tpu.memory_space<semaphore_mem>>
    %dma_start3A_699 = tpu.memref_squeeze %dma_start3A_698 : memref<1x!tpu.dma_semaphore, #tpu.memory_space<semaphore_mem>> -> memref<!tpu.dma_semaphore, #tpu.memory_space<semaphore_mem>>
    %dma_start3A_700 = arith.constant 0 : i32
    %dma_start3A_701 = tpu.memref_slice %arg5[%arg0, %add3A_688, %dma_start3A_700] : memref<2x10240x64xf32, #tpu.memory_space<hbm>> -> memref<1x128x64xf32, #tpu.memory_space<hbm>>
    %dma_start3A_702 = tpu.memref_squeeze %dma_start3A_701 : memref<1x128x64xf32, #tpu.memory_space<hbm>> -> memref<128x64xf32, #tpu.memory_space<hbm>>
    %dma_start3A_703 = arith.constant 0 : i32
    %dma_start3A_704 = arith.constant 0 : i32
    %dma_start3A_705 = tpu.memref_slice %arg8[%dma_start3A_689, %dma_start3A_703, %dma_start3A_704] : memref<5x128x64xf32, #tpu.memory_space<vmem>> -> memref<1x128x64xf32, #tpu.memory_space<vmem>>
    %dma_start3A_706 = tpu.memref_squeeze %dma_start3A_705 : memref<1x128x64xf32, #tpu.memory_space<vmem>> -> memref<128x64xf32, #tpu.memory_space<vmem>>
    tpu.enqueue_dma source(%dma_start3A_706 : memref<128x64xf32, #tpu.memory_space<vmem>>) target(%dma_start3A_702 : memref<128x64xf32, #tpu.memory_space<hbm>>) target_semaphore(%dma_start3A_699 : memref<!tpu.dma_semaphore, #tpu.memory_space<semaphore_mem>>)
    %add3A_707 = arith.constant 128 : i32
    %add3A_708 = arith.addi %mul3A_0, %add3A_707 : i32
    %dma_start3A_709 = arith.constant 1 : i32
    %dma_start3A_710 = arith.constant 1 : i32
    %dma_start3A_711 = arith.constant 0 : i32
    %dma_start3A_712 = arith.constant 0 : i32
    %dma_start3A_713 = tpu.memref_slice %arg8[%dma_start3A_709, %dma_start3A_711, %dma_start3A_712] : memref<5x128x64xf32, #tpu.memory_space<vmem>> -> memref<1x128x64xf32, #tpu.memory_space<vmem>>
    %dma_start3A_714 = tpu.memref_squeeze %dma_start3A_713 : memref<1x128x64xf32, #tpu.memory_space<vmem>> -> memref<128x64xf32, #tpu.memory_space<vmem>>
    %dma_start3A_715 = arith.constant 0 : i32
    %dma_start3A_716 = tpu.memref_slice %arg10[%add3A_708, %dma_start3A_715] : memref<10240x64xf32, #tpu.memory_space<vmem_shared>> -> memref<128x64xf32, #tpu.memory_space<vmem_shared>>
    %dma_start3A_717 = tpu.memref_slice %arg11[%dma_start3A_710] : memref<5x!tpu.dma_semaphore, #tpu.memory_space<semaphore_mem>> -> memref<1x!tpu.dma_semaphore, #tpu.memory_space<semaphore_mem>>
    %dma_start3A_718 = tpu.memref_squeeze %dma_start3A_717 : memref<1x!tpu.dma_semaphore, #tpu.memory_space<semaphore_mem>> -> memref<!tpu.dma_semaphore, #tpu.memory_space<semaphore_mem>>
    %dma_start3A_719 = arith.constant 0 : i32
    %dma_start3A_720 = arith.constant 0 : i32
    %dma_start3A_721 = tpu.memref_slice %arg8[%dma_start3A_709, %dma_start3A_719, %dma_start3A_720] : memref<5x128x64xf32, #tpu.memory_space<vmem>> -> memref<1x128x64xf32, #tpu.memory_space<vmem>>
    %dma_start3A_722 = tpu.memref_squeeze %dma_start3A_721 : memref<1x128x64xf32, #tpu.memory_space<vmem>> -> memref<128x64xf32, #tpu.memory_space<vmem>>
    %dma_start3A_723 = arith.constant 0 : i32
    %dma_start3A_724 = tpu.memref_slice %arg10[%add3A_708, %dma_start3A_723] : memref<10240x64xf32, #tpu.memory_space<vmem_shared>> -> memref<128x64xf32, #tpu.memory_space<vmem_shared>>
    tpu.enqueue_dma source(%dma_start3A_724 : memref<128x64xf32, #tpu.memory_space<vmem_shared>>) target(%dma_start3A_722 : memref<128x64xf32, #tpu.memory_space<vmem>>) target_semaphore(%dma_start3A_718 : memref<!tpu.dma_semaphore, #tpu.memory_space<semaphore_mem>>)
    %dma_wait3A_725 = arith.constant 1 : i32
    %dma_wait3A_726 = arith.constant 1 : i32
    %dma_wait3A_727 = arith.constant 0 : i32
    %dma_wait3A_728 = arith.constant 0 : i32
    %dma_wait3A_729 = tpu.memref_slice %arg8[%dma_wait3A_725, %dma_wait3A_727, %dma_wait3A_728] : memref<5x128x64xf32, #tpu.memory_space<vmem>> -> memref<1x128x64xf32, #tpu.memory_space<vmem>>
    %dma_wait3A_730 = tpu.memref_squeeze %dma_wait3A_729 : memref<1x128x64xf32, #tpu.memory_space<vmem>> -> memref<128x64xf32, #tpu.memory_space<vmem>>
    %dma_wait3A_731 = arith.constant 0 : i32
    %dma_wait3A_732 = tpu.memref_slice %arg10[%mul3A_0, %dma_wait3A_731] : memref<10240x64xf32, #tpu.memory_space<vmem_shared>> -> memref<128x64xf32, #tpu.memory_space<vmem_shared>>
    %dma_wait3A_733 = tpu.memref_slice %arg11[%dma_wait3A_726] : memref<5x!tpu.dma_semaphore, #tpu.memory_space<semaphore_mem>> -> memref<1x!tpu.dma_semaphore, #tpu.memory_space<semaphore_mem>>
    %dma_wait3A_734 = tpu.memref_squeeze %dma_wait3A_733 : memref<1x!tpu.dma_semaphore, #tpu.memory_space<semaphore_mem>> -> memref<!tpu.dma_semaphore, #tpu.memory_space<semaphore_mem>>
    %dma_wait3A_735 = arith.constant 0 : i32
    %dma_wait3A_736 = arith.constant 0 : i32
    %dma_wait3A_737 = tpu.memref_slice %arg8[%dma_wait3A_725, %dma_wait3A_735, %dma_wait3A_736] : memref<5x128x64xf32, #tpu.memory_space<vmem>> -> memref<1x128x64xf32, #tpu.memory_space<vmem>>
    %dma_wait3A_738 = tpu.memref_squeeze %dma_wait3A_737 : memref<1x128x64xf32, #tpu.memory_space<vmem>> -> memref<128x64xf32, #tpu.memory_space<vmem>>
    %dma_wait3A_739 = arith.constant 0 : i32
    %dma_wait3A_740 = tpu.memref_slice %arg10[%mul3A_0, %dma_wait3A_739] : memref<10240x64xf32, #tpu.memory_space<vmem_shared>> -> memref<128x64xf32, #tpu.memory_space<vmem_shared>>
    tpu.wait_dma2 semaphore(%dma_wait3A_734 : memref<!tpu.dma_semaphore, #tpu.memory_space<semaphore_mem>>) src(%dma_wait3A_740 : memref<128x64xf32, #tpu.memory_space<vmem_shared>>) dst(%dma_wait3A_738 : memref<128x64xf32, #tpu.memory_space<vmem>>)
    %add3A_741 = arith.constant 128 : i32
    %add3A_742 = arith.addi %mul3A_0, %add3A_741 : i32
    %dma_start3A_743 = arith.constant 1 : i32
    %dma_start3A_744 = arith.constant 1 : i32
    %dma_start3A_745 = arith.constant 0 : i32
    %dma_start3A_746 = arith.constant 0 : i32
    %dma_start3A_747 = tpu.memref_slice %arg8[%dma_start3A_743, %dma_start3A_745, %dma_start3A_746] : memref<5x128x64xf32, #tpu.memory_space<vmem>> -> memref<1x128x64xf32, #tpu.memory_space<vmem>>
    %dma_start3A_748 = tpu.memref_squeeze %dma_start3A_747 : memref<1x128x64xf32, #tpu.memory_space<vmem>> -> memref<128x64xf32, #tpu.memory_space<vmem>>
    %dma_start3A_749 = arith.constant 0 : i32
    %dma_start3A_750 = tpu.memref_slice %arg5[%arg0, %add3A_742, %dma_start3A_749] : memref<2x10240x64xf32, #tpu.memory_space<hbm>> -> memref<1x128x64xf32, #tpu.memory_space<hbm>>
    %dma_start3A_751 = tpu.memref_squeeze %dma_start3A_750 : memref<1x128x64xf32, #tpu.memory_space<hbm>> -> memref<128x64xf32, #tpu.memory_space<hbm>>
    %dma_start3A_752 = tpu.memref_slice %arg12[%dma_start3A_744] : memref<5x!tpu.dma_semaphore, #tpu.memory_space<semaphore_mem>> -> memref<1x!tpu.dma_semaphore, #tpu.memory_space<semaphore_mem>>
    %dma_start3A_753 = tpu.memref_squeeze %dma_start3A_752 : memref<1x!tpu.dma_semaphore, #tpu.memory_space<semaphore_mem>> -> memref<!tpu.dma_semaphore, #tpu.memory_space<semaphore_mem>>
    %dma_start3A_754 = arith.constant 0 : i32
    %dma_start3A_755 = tpu.memref_slice %arg5[%arg0, %add3A_742, %dma_start3A_754] : memref<2x10240x64xf32, #tpu.memory_space<hbm>> -> memref<1x128x64xf32, #tpu.memory_space<hbm>>
    %dma_start3A_756 = tpu.memref_squeeze %dma_start3A_755 : memref<1x128x64xf32, #tpu.memory_space<hbm>> -> memref<128x64xf32, #tpu.memory_space<hbm>>
    %dma_start3A_757 = arith.constant 0 : i32
    %dma_start3A_758 = arith.constant 0 : i32
    %dma_start3A_759 = tpu.memref_slice %arg8[%dma_start3A_743, %dma_start3A_757, %dma_start3A_758] : memref<5x128x64xf32, #tpu.memory_space<vmem>> -> memref<1x128x64xf32, #tpu.memory_space<vmem>>
    %dma_start3A_760 = tpu.memref_squeeze %dma_start3A_759 : memref<1x128x64xf32, #tpu.memory_space<vmem>> -> memref<128x64xf32, #tpu.memory_space<vmem>>
    tpu.enqueue_dma source(%dma_start3A_760 : memref<128x64xf32, #tpu.memory_space<vmem>>) target(%dma_start3A_756 : memref<128x64xf32, #tpu.memory_space<hbm>>) target_semaphore(%dma_start3A_753 : memref<!tpu.dma_semaphore, #tpu.memory_space<semaphore_mem>>)
    %add3A_761 = arith.constant 256 : i32
    %add3A_762 = arith.addi %mul3A_0, %add3A_761 : i32
    %dma_start3A_763 = arith.constant 2 : i32
    %dma_start3A_764 = arith.constant 2 : i32
    %dma_start3A_765 = arith.constant 0 : i32
    %dma_start3A_766 = arith.constant 0 : i32
    %dma_start3A_767 = tpu.memref_slice %arg8[%dma_start3A_763, %dma_start3A_765, %dma_start3A_766] : memref<5x128x64xf32, #tpu.memory_space<vmem>> -> memref<1x128x64xf32, #tpu.memory_space<vmem>>
    %dma_start3A_768 = tpu.memref_squeeze %dma_start3A_767 : memref<1x128x64xf32, #tpu.memory_space<vmem>> -> memref<128x64xf32, #tpu.memory_space<vmem>>
    %dma_start3A_769 = arith.constant 0 : i32
    %dma_start3A_770 = tpu.memref_slice %arg10[%add3A_762, %dma_start3A_769] : memref<10240x64xf32, #tpu.memory_space<vmem_shared>> -> memref<128x64xf32, #tpu.memory_space<vmem_shared>>
    %dma_start3A_771 = tpu.memref_slice %arg11[%dma_start3A_764] : memref<5x!tpu.dma_semaphore, #tpu.memory_space<semaphore_mem>> -> memref<1x!tpu.dma_semaphore, #tpu.memory_space<semaphore_mem>>
    %dma_start3A_772 = tpu.memref_squeeze %dma_start3A_771 : memref<1x!tpu.dma_semaphore, #tpu.memory_space<semaphore_mem>> -> memref<!tpu.dma_semaphore, #tpu.memory_space<semaphore_mem>>
    %dma_start3A_773 = arith.constant 0 : i32
    %dma_start3A_774 = arith.constant 0 : i32
    %dma_start3A_775 = tpu.memref_slice %arg8[%dma_start3A_763, %dma_start3A_773, %dma_start3A_774] : memref<5x128x64xf32, #tpu.memory_space<vmem>> -> memref<1x128x64xf32, #tpu.memory_space<vmem>>
    %dma_start3A_776 = tpu.memref_squeeze %dma_start3A_775 : memref<1x128x64xf32, #tpu.memory_space<vmem>> -> memref<128x64xf32, #tpu.memory_space<vmem>>
    %dma_start3A_777 = arith.constant 0 : i32
    %dma_start3A_778 = tpu.memref_slice %arg10[%add3A_762, %dma_start3A_777] : memref<10240x64xf32, #tpu.memory_space<vmem_shared>> -> memref<128x64xf32, #tpu.memory_space<vmem_shared>>
    tpu.enqueue_dma source(%dma_start3A_778 : memref<128x64xf32, #tpu.memory_space<vmem_shared>>) target(%dma_start3A_776 : memref<128x64xf32, #tpu.memory_space<vmem>>) target_semaphore(%dma_start3A_772 : memref<!tpu.dma_semaphore, #tpu.memory_space<semaphore_mem>>)
    %dma_wait3A_779 = arith.constant 2 : i32
    %dma_wait3A_780 = arith.constant 2 : i32
    %dma_wait3A_781 = arith.constant 0 : i32
    %dma_wait3A_782 = arith.constant 0 : i32
    %dma_wait3A_783 = tpu.memref_slice %arg8[%dma_wait3A_779, %dma_wait3A_781, %dma_wait3A_782] : memref<5x128x64xf32, #tpu.memory_space<vmem>> -> memref<1x128x64xf32, #tpu.memory_space<vmem>>
    %dma_wait3A_784 = tpu.memref_squeeze %dma_wait3A_783 : memref<1x128x64xf32, #tpu.memory_space<vmem>> -> memref<128x64xf32, #tpu.memory_space<vmem>>
    %dma_wait3A_785 = arith.constant 0 : i32
    %dma_wait3A_786 = tpu.memref_slice %arg10[%mul3A_0, %dma_wait3A_785] : memref<10240x64xf32, #tpu.memory_space<vmem_shared>> -> memref<128x64xf32, #tpu.memory_space<vmem_shared>>
    %dma_wait3A_787 = tpu.memref_slice %arg11[%dma_wait3A_780] : memref<5x!tpu.dma_semaphore, #tpu.memory_space<semaphore_mem>> -> memref<1x!tpu.dma_semaphore, #tpu.memory_space<semaphore_mem>>
    %dma_wait3A_788 = tpu.memref_squeeze %dma_wait3A_787 : memref<1x!tpu.dma_semaphore, #tpu.memory_space<semaphore_mem>> -> memref<!tpu.dma_semaphore, #tpu.memory_space<semaphore_mem>>
    %dma_wait3A_789 = arith.constant 0 : i32
    %dma_wait3A_790 = arith.constant 0 : i32
    %dma_wait3A_791 = tpu.memref_slice %arg8[%dma_wait3A_779, %dma_wait3A_789, %dma_wait3A_790] : memref<5x128x64xf32, #tpu.memory_space<vmem>> -> memref<1x128x64xf32, #tpu.memory_space<vmem>>
    %dma_wait3A_792 = tpu.memref_squeeze %dma_wait3A_791 : memref<1x128x64xf32, #tpu.memory_space<vmem>> -> memref<128x64xf32, #tpu.memory_space<vmem>>
    %dma_wait3A_793 = arith.constant 0 : i32
    %dma_wait3A_794 = tpu.memref_slice %arg10[%mul3A_0, %dma_wait3A_793] : memref<10240x64xf32, #tpu.memory_space<vmem_shared>> -> memref<128x64xf32, #tpu.memory_space<vmem_shared>>
    tpu.wait_dma2 semaphore(%dma_wait3A_788 : memref<!tpu.dma_semaphore, #tpu.memory_space<semaphore_mem>>) src(%dma_wait3A_794 : memref<128x64xf32, #tpu.memory_space<vmem_shared>>) dst(%dma_wait3A_792 : memref<128x64xf32, #tpu.memory_space<vmem>>)
    %add3A_795 = arith.constant 256 : i32
    %add3A_796 = arith.addi %mul3A_0, %add3A_795 : i32
    %dma_start3A_797 = arith.constant 2 : i32
    %dma_start3A_798 = arith.constant 2 : i32
    %dma_start3A_799 = arith.constant 0 : i32
    %dma_start3A_800 = arith.constant 0 : i32
    %dma_start3A_801 = tpu.memref_slice %arg8[%dma_start3A_797, %dma_start3A_799, %dma_start3A_800] : memref<5x128x64xf32, #tpu.memory_space<vmem>> -> memref<1x128x64xf32, #tpu.memory_space<vmem>>
    %dma_start3A_802 = tpu.memref_squeeze %dma_start3A_801 : memref<1x128x64xf32, #tpu.memory_space<vmem>> -> memref<128x64xf32, #tpu.memory_space<vmem>>
    %dma_start3A_803 = arith.constant 0 : i32
    %dma_start3A_804 = tpu.memref_slice %arg5[%arg0, %add3A_796, %dma_start3A_803] : memref<2x10240x64xf32, #tpu.memory_space<hbm>> -> memref<1x128x64xf32, #tpu.memory_space<hbm>>
    %dma_start3A_805 = tpu.memref_squeeze %dma_start3A_804 : memref<1x128x64xf32, #tpu.memory_space<hbm>> -> memref<128x64xf32, #tpu.memory_space<hbm>>
    %dma_start3A_806 = tpu.memref_slice %arg12[%dma_start3A_798] : memref<5x!tpu.dma_semaphore, #tpu.memory_space<semaphore_mem>> -> memref<1x!tpu.dma_semaphore, #tpu.memory_space<semaphore_mem>>
    %dma_start3A_807 = tpu.memref_squeeze %dma_start3A_806 : memref<1x!tpu.dma_semaphore, #tpu.memory_space<semaphore_mem>> -> memref<!tpu.dma_semaphore, #tpu.memory_space<semaphore_mem>>
    %dma_start3A_808 = arith.constant 0 : i32
    %dma_start3A_809 = tpu.memref_slice %arg5[%arg0, %add3A_796, %dma_start3A_808] : memref<2x10240x64xf32, #tpu.memory_space<hbm>> -> memref<1x128x64xf32, #tpu.memory_space<hbm>>
    %dma_start3A_810 = tpu.memref_squeeze %dma_start3A_809 : memref<1x128x64xf32, #tpu.memory_space<hbm>> -> memref<128x64xf32, #tpu.memory_space<hbm>>
    %dma_start3A_811 = arith.constant 0 : i32
    %dma_start3A_812 = arith.constant 0 : i32
    %dma_start3A_813 = tpu.memref_slice %arg8[%dma_start3A_797, %dma_start3A_811, %dma_start3A_812] : memref<5x128x64xf32, #tpu.memory_space<vmem>> -> memref<1x128x64xf32, #tpu.memory_space<vmem>>
    %dma_start3A_814 = tpu.memref_squeeze %dma_start3A_813 : memref<1x128x64xf32, #tpu.memory_space<vmem>> -> memref<128x64xf32, #tpu.memory_space<vmem>>
    tpu.enqueue_dma source(%dma_start3A_814 : memref<128x64xf32, #tpu.memory_space<vmem>>) target(%dma_start3A_810 : memref<128x64xf32, #tpu.memory_space<hbm>>) target_semaphore(%dma_start3A_807 : memref<!tpu.dma_semaphore, #tpu.memory_space<semaphore_mem>>)
    %add3A_815 = arith.constant 384 : i32
    %add3A_816 = arith.addi %mul3A_0, %add3A_815 : i32
    %dma_start3A_817 = arith.constant 3 : i32
    %dma_start3A_818 = arith.constant 3 : i32
    %dma_start3A_819 = arith.constant 0 : i32
    %dma_start3A_820 = arith.constant 0 : i32
    %dma_start3A_821 = tpu.memref_slice %arg8[%dma_start3A_817, %dma_start3A_819, %dma_start3A_820] : memref<5x128x64xf32, #tpu.memory_space<vmem>> -> memref<1x128x64xf32, #tpu.memory_space<vmem>>
    %dma_start3A_822 = tpu.memref_squeeze %dma_start3A_821 : memref<1x128x64xf32, #tpu.memory_space<vmem>> -> memref<128x64xf32, #tpu.memory_space<vmem>>
    %dma_start3A_823 = arith.constant 0 : i32
    %dma_start3A_824 = tpu.memref_slice %arg10[%add3A_816, %dma_start3A_823] : memref<10240x64xf32, #tpu.memory_space<vmem_shared>> -> memref<128x64xf32, #tpu.memory_space<vmem_shared>>
    %dma_start3A_825 = tpu.memref_slice %arg11[%dma_start3A_818] : memref<5x!tpu.dma_semaphore, #tpu.memory_space<semaphore_mem>> -> memref<1x!tpu.dma_semaphore, #tpu.memory_space<semaphore_mem>>
    %dma_start3A_826 = tpu.memref_squeeze %dma_start3A_825 : memref<1x!tpu.dma_semaphore, #tpu.memory_space<semaphore_mem>> -> memref<!tpu.dma_semaphore, #tpu.memory_space<semaphore_mem>>
    %dma_start3A_827 = arith.constant 0 : i32
    %dma_start3A_828 = arith.constant 0 : i32
    %dma_start3A_829 = tpu.memref_slice %arg8[%dma_start3A_817, %dma_start3A_827, %dma_start3A_828] : memref<5x128x64xf32, #tpu.memory_space<vmem>> -> memref<1x128x64xf32, #tpu.memory_space<vmem>>
    %dma_start3A_830 = tpu.memref_squeeze %dma_start3A_829 : memref<1x128x64xf32, #tpu.memory_space<vmem>> -> memref<128x64xf32, #tpu.memory_space<vmem>>
    %dma_start3A_831 = arith.constant 0 : i32
    %dma_start3A_832 = tpu.memref_slice %arg10[%add3A_816, %dma_start3A_831] : memref<10240x64xf32, #tpu.memory_space<vmem_shared>> -> memref<128x64xf32, #tpu.memory_space<vmem_shared>>
    tpu.enqueue_dma source(%dma_start3A_832 : memref<128x64xf32, #tpu.memory_space<vmem_shared>>) target(%dma_start3A_830 : memref<128x64xf32, #tpu.memory_space<vmem>>) target_semaphore(%dma_start3A_826 : memref<!tpu.dma_semaphore, #tpu.memory_space<semaphore_mem>>)
    %dma_wait3A_833 = arith.constant 3 : i32
    %dma_wait3A_834 = arith.constant 3 : i32
    %dma_wait3A_835 = arith.constant 0 : i32
    %dma_wait3A_836 = arith.constant 0 : i32
    %dma_wait3A_837 = tpu.memref_slice %arg8[%dma_wait3A_833, %dma_wait3A_835, %dma_wait3A_836] : memref<5x128x64xf32, #tpu.memory_space<vmem>> -> memref<1x128x64xf32, #tpu.memory_space<vmem>>
    %dma_wait3A_838 = tpu.memref_squeeze %dma_wait3A_837 : memref<1x128x64xf32, #tpu.memory_space<vmem>> -> memref<128x64xf32, #tpu.memory_space<vmem>>
    %dma_wait3A_839 = arith.constant 0 : i32
    %dma_wait3A_840 = tpu.memref_slice %arg10[%mul3A_0, %dma_wait3A_839] : memref<10240x64xf32, #tpu.memory_space<vmem_shared>> -> memref<128x64xf32, #tpu.memory_space<vmem_shared>>
    %dma_wait3A_841 = tpu.memref_slice %arg11[%dma_wait3A_834] : memref<5x!tpu.dma_semaphore, #tpu.memory_space<semaphore_mem>> -> memref<1x!tpu.dma_semaphore, #tpu.memory_space<semaphore_mem>>
    %dma_wait3A_842 = tpu.memref_squeeze %dma_wait3A_841 : memref<1x!tpu.dma_semaphore, #tpu.memory_space<semaphore_mem>> -> memref<!tpu.dma_semaphore, #tpu.memory_space<semaphore_mem>>
    %dma_wait3A_843 = arith.constant 0 : i32
    %dma_wait3A_844 = arith.constant 0 : i32
    %dma_wait3A_845 = tpu.memref_slice %arg8[%dma_wait3A_833, %dma_wait3A_843, %dma_wait3A_844] : memref<5x128x64xf32, #tpu.memory_space<vmem>> -> memref<1x128x64xf32, #tpu.memory_space<vmem>>
    %dma_wait3A_846 = tpu.memref_squeeze %dma_wait3A_845 : memref<1x128x64xf32, #tpu.memory_space<vmem>> -> memref<128x64xf32, #tpu.memory_space<vmem>>
    %dma_wait3A_847 = arith.constant 0 : i32
    %dma_wait3A_848 = tpu.memref_slice %arg10[%mul3A_0, %dma_wait3A_847] : memref<10240x64xf32, #tpu.memory_space<vmem_shared>> -> memref<128x64xf32, #tpu.memory_space<vmem_shared>>
    tpu.wait_dma2 semaphore(%dma_wait3A_842 : memref<!tpu.dma_semaphore, #tpu.memory_space<semaphore_mem>>) src(%dma_wait3A_848 : memref<128x64xf32, #tpu.memory_space<vmem_shared>>) dst(%dma_wait3A_846 : memref<128x64xf32, #tpu.memory_space<vmem>>)
    %add3A_849 = arith.constant 384 : i32
    %add3A_850 = arith.addi %mul3A_0, %add3A_849 : i32
    %dma_start3A_851 = arith.constant 3 : i32
    %dma_start3A_852 = arith.constant 3 : i32
    %dma_start3A_853 = arith.constant 0 : i32
    %dma_start3A_854 = arith.constant 0 : i32
    %dma_start3A_855 = tpu.memref_slice %arg8[%dma_start3A_851, %dma_start3A_853, %dma_start3A_854] : memref<5x128x64xf32, #tpu.memory_space<vmem>> -> memref<1x128x64xf32, #tpu.memory_space<vmem>>
    %dma_start3A_856 = tpu.memref_squeeze %dma_start3A_855 : memref<1x128x64xf32, #tpu.memory_space<vmem>> -> memref<128x64xf32, #tpu.memory_space<vmem>>
    %dma_start3A_857 = arith.constant 0 : i32
    %dma_start3A_858 = tpu.memref_slice %arg5[%arg0, %add3A_850, %dma_start3A_857] : memref<2x10240x64xf32, #tpu.memory_space<hbm>> -> memref<1x128x64xf32, #tpu.memory_space<hbm>>
    %dma_start3A_859 = tpu.memref_squeeze %dma_start3A_858 : memref<1x128x64xf32, #tpu.memory_space<hbm>> -> memref<128x64xf32, #tpu.memory_space<hbm>>
    %dma_start3A_860 = tpu.memref_slice %arg12[%dma_start3A_852] : memref<5x!tpu.dma_semaphore, #tpu.memory_space<semaphore_mem>> -> memref<1x!tpu.dma_semaphore, #tpu.memory_space<semaphore_mem>>
    %dma_start3A_861 = tpu.memref_squeeze %dma_start3A_860 : memref<1x!tpu.dma_semaphore, #tpu.memory_space<semaphore_mem>> -> memref<!tpu.dma_semaphore, #tpu.memory_space<semaphore_mem>>
    %dma_start3A_862 = arith.constant 0 : i32
    %dma_start3A_863 = tpu.memref_slice %arg5[%arg0, %add3A_850, %dma_start3A_862] : memref<2x10240x64xf32, #tpu.memory_space<hbm>> -> memref<1x128x64xf32, #tpu.memory_space<hbm>>
    %dma_start3A_864 = tpu.memref_squeeze %dma_start3A_863 : memref<1x128x64xf32, #tpu.memory_space<hbm>> -> memref<128x64xf32, #tpu.memory_space<hbm>>
    %dma_start3A_865 = arith.constant 0 : i32
    %dma_start3A_866 = arith.constant 0 : i32
    %dma_start3A_867 = tpu.memref_slice %arg8[%dma_start3A_851, %dma_start3A_865, %dma_start3A_866] : memref<5x128x64xf32, #tpu.memory_space<vmem>> -> memref<1x128x64xf32, #tpu.memory_space<vmem>>
    %dma_start3A_868 = tpu.memref_squeeze %dma_start3A_867 : memref<1x128x64xf32, #tpu.memory_space<vmem>> -> memref<128x64xf32, #tpu.memory_space<vmem>>
    tpu.enqueue_dma source(%dma_start3A_868 : memref<128x64xf32, #tpu.memory_space<vmem>>) target(%dma_start3A_864 : memref<128x64xf32, #tpu.memory_space<hbm>>) target_semaphore(%dma_start3A_861 : memref<!tpu.dma_semaphore, #tpu.memory_space<semaphore_mem>>)
    %add3A_869 = arith.constant 512 : i32
    %add3A_870 = arith.addi %mul3A_0, %add3A_869 : i32
    %dma_start3A_871 = arith.constant 4 : i32
    %dma_start3A_872 = arith.constant 4 : i32
    %dma_start3A_873 = arith.constant 0 : i32
    %dma_start3A_874 = arith.constant 0 : i32
    %dma_start3A_875 = tpu.memref_slice %arg8[%dma_start3A_871, %dma_start3A_873, %dma_start3A_874] : memref<5x128x64xf32, #tpu.memory_space<vmem>> -> memref<1x128x64xf32, #tpu.memory_space<vmem>>
    %dma_start3A_876 = tpu.memref_squeeze %dma_start3A_875 : memref<1x128x64xf32, #tpu.memory_space<vmem>> -> memref<128x64xf32, #tpu.memory_space<vmem>>
    %dma_start3A_877 = arith.constant 0 : i32
    %dma_start3A_878 = tpu.memref_slice %arg10[%add3A_870, %dma_start3A_877] : memref<10240x64xf32, #tpu.memory_space<vmem_shared>> -> memref<128x64xf32, #tpu.memory_space<vmem_shared>>
    %dma_start3A_879 = tpu.memref_slice %arg11[%dma_start3A_872] : memref<5x!tpu.dma_semaphore, #tpu.memory_space<semaphore_mem>> -> memref<1x!tpu.dma_semaphore, #tpu.memory_space<semaphore_mem>>
    %dma_start3A_880 = tpu.memref_squeeze %dma_start3A_879 : memref<1x!tpu.dma_semaphore, #tpu.memory_space<semaphore_mem>> -> memref<!tpu.dma_semaphore, #tpu.memory_space<semaphore_mem>>
    %dma_start3A_881 = arith.constant 0 : i32
    %dma_start3A_882 = arith.constant 0 : i32
    %dma_start3A_883 = tpu.memref_slice %arg8[%dma_start3A_871, %dma_start3A_881, %dma_start3A_882] : memref<5x128x64xf32, #tpu.memory_space<vmem>> -> memref<1x128x64xf32, #tpu.memory_space<vmem>>
    %dma_start3A_884 = tpu.memref_squeeze %dma_start3A_883 : memref<1x128x64xf32, #tpu.memory_space<vmem>> -> memref<128x64xf32, #tpu.memory_space<vmem>>
    %dma_start3A_885 = arith.constant 0 : i32
    %dma_start3A_886 = tpu.memref_slice %arg10[%add3A_870, %dma_start3A_885] : memref<10240x64xf32, #tpu.memory_space<vmem_shared>> -> memref<128x64xf32, #tpu.memory_space<vmem_shared>>
    tpu.enqueue_dma source(%dma_start3A_886 : memref<128x64xf32, #tpu.memory_space<vmem_shared>>) target(%dma_start3A_884 : memref<128x64xf32, #tpu.memory_space<vmem>>) target_semaphore(%dma_start3A_880 : memref<!tpu.dma_semaphore, #tpu.memory_space<semaphore_mem>>)
    %dma_wait3A_887 = arith.constant 4 : i32
    %dma_wait3A_888 = arith.constant 4 : i32
    %dma_wait3A_889 = arith.constant 0 : i32
    %dma_wait3A_890 = arith.constant 0 : i32
    %dma_wait3A_891 = tpu.memref_slice %arg8[%dma_wait3A_887, %dma_wait3A_889, %dma_wait3A_890] : memref<5x128x64xf32, #tpu.memory_space<vmem>> -> memref<1x128x64xf32, #tpu.memory_space<vmem>>
    %dma_wait3A_892 = tpu.memref_squeeze %dma_wait3A_891 : memref<1x128x64xf32, #tpu.memory_space<vmem>> -> memref<128x64xf32, #tpu.memory_space<vmem>>
    %dma_wait3A_893 = arith.constant 0 : i32
    %dma_wait3A_894 = tpu.memref_slice %arg10[%mul3A_0, %dma_wait3A_893] : memref<10240x64xf32, #tpu.memory_space<vmem_shared>> -> memref<128x64xf32, #tpu.memory_space<vmem_shared>>
    %dma_wait3A_895 = tpu.memref_slice %arg11[%dma_wait3A_888] : memref<5x!tpu.dma_semaphore, #tpu.memory_space<semaphore_mem>> -> memref<1x!tpu.dma_semaphore, #tpu.memory_space<semaphore_mem>>
    %dma_wait3A_896 = tpu.memref_squeeze %dma_wait3A_895 : memref<1x!tpu.dma_semaphore, #tpu.memory_space<semaphore_mem>> -> memref<!tpu.dma_semaphore, #tpu.memory_space<semaphore_mem>>
    %dma_wait3A_897 = arith.constant 0 : i32
    %dma_wait3A_898 = arith.constant 0 : i32
    %dma_wait3A_899 = tpu.memref_slice %arg8[%dma_wait3A_887, %dma_wait3A_897, %dma_wait3A_898] : memref<5x128x64xf32, #tpu.memory_space<vmem>> -> memref<1x128x64xf32, #tpu.memory_space<vmem>>
    %dma_wait3A_900 = tpu.memref_squeeze %dma_wait3A_899 : memref<1x128x64xf32, #tpu.memory_space<vmem>> -> memref<128x64xf32, #tpu.memory_space<vmem>>
    %dma_wait3A_901 = arith.constant 0 : i32
    %dma_wait3A_902 = tpu.memref_slice %arg10[%mul3A_0, %dma_wait3A_901] : memref<10240x64xf32, #tpu.memory_space<vmem_shared>> -> memref<128x64xf32, #tpu.memory_space<vmem_shared>>
    tpu.wait_dma2 semaphore(%dma_wait3A_896 : memref<!tpu.dma_semaphore, #tpu.memory_space<semaphore_mem>>) src(%dma_wait3A_902 : memref<128x64xf32, #tpu.memory_space<vmem_shared>>) dst(%dma_wait3A_900 : memref<128x64xf32, #tpu.memory_space<vmem>>)
    %add3A_903 = arith.constant 512 : i32
    %add3A_904 = arith.addi %mul3A_0, %add3A_903 : i32
    %dma_start3A_905 = arith.constant 4 : i32
    %dma_start3A_906 = arith.constant 4 : i32
    %dma_start3A_907 = arith.constant 0 : i32
    %dma_start3A_908 = arith.constant 0 : i32
    %dma_start3A_909 = tpu.memref_slice %arg8[%dma_start3A_905, %dma_start3A_907, %dma_start3A_908] : memref<5x128x64xf32, #tpu.memory_space<vmem>> -> memref<1x128x64xf32, #tpu.memory_space<vmem>>
    %dma_start3A_910 = tpu.memref_squeeze %dma_start3A_909 : memref<1x128x64xf32, #tpu.memory_space<vmem>> -> memref<128x64xf32, #tpu.memory_space<vmem>>
    %dma_start3A_911 = arith.constant 0 : i32
    %dma_start3A_912 = tpu.memref_slice %arg5[%arg0, %add3A_904, %dma_start3A_911] : memref<2x10240x64xf32, #tpu.memory_space<hbm>> -> memref<1x128x64xf32, #tpu.memory_space<hbm>>
    %dma_start3A_913 = tpu.memref_squeeze %dma_start3A_912 : memref<1x128x64xf32, #tpu.memory_space<hbm>> -> memref<128x64xf32, #tpu.memory_space<hbm>>
    %dma_start3A_914 = tpu.memref_slice %arg12[%dma_start3A_906] : memref<5x!tpu.dma_semaphore, #tpu.memory_space<semaphore_mem>> -> memref<1x!tpu.dma_semaphore, #tpu.memory_space<semaphore_mem>>
    %dma_start3A_915 = tpu.memref_squeeze %dma_start3A_914 : memref<1x!tpu.dma_semaphore, #tpu.memory_space<semaphore_mem>> -> memref<!tpu.dma_semaphore, #tpu.memory_space<semaphore_mem>>
    %dma_start3A_916 = arith.constant 0 : i32
    %dma_start3A_917 = tpu.memref_slice %arg5[%arg0, %add3A_904, %dma_start3A_916] : memref<2x10240x64xf32, #tpu.memory_space<hbm>> -> memref<1x128x64xf32, #tpu.memory_space<hbm>>
    %dma_start3A_918 = tpu.memref_squeeze %dma_start3A_917 : memref<1x128x64xf32, #tpu.memory_space<hbm>> -> memref<128x64xf32, #tpu.memory_space<hbm>>
    %dma_start3A_919 = arith.constant 0 : i32
    %dma_start3A_920 = arith.constant 0 : i32
    %dma_start3A_921 = tpu.memref_slice %arg8[%dma_start3A_905, %dma_start3A_919, %dma_start3A_920] : memref<5x128x64xf32, #tpu.memory_space<vmem>> -> memref<1x128x64xf32, #tpu.memory_space<vmem>>
    %dma_start3A_922 = tpu.memref_squeeze %dma_start3A_921 : memref<1x128x64xf32, #tpu.memory_space<vmem>> -> memref<128x64xf32, #tpu.memory_space<vmem>>
    tpu.enqueue_dma source(%dma_start3A_922 : memref<128x64xf32, #tpu.memory_space<vmem>>) target(%dma_start3A_918 : memref<128x64xf32, #tpu.memory_space<hbm>>) target_semaphore(%dma_start3A_915 : memref<!tpu.dma_semaphore, #tpu.memory_space<semaphore_mem>>)
    %dma_wait3A_923 = arith.constant 0 : i32
    %dma_wait3A_924 = arith.constant 0 : i32
    %dma_wait3A_925 = arith.constant 0 : i32
    %dma_wait3A_926 = arith.constant 0 : i32
    %dma_wait3A_927 = tpu.memref_slice %arg8[%dma_wait3A_923, %dma_wait3A_925, %dma_wait3A_926] : memref<5x128x64xf32, #tpu.memory_space<vmem>> -> memref<1x128x64xf32, #tpu.memory_space<vmem>>
    %dma_wait3A_928 = tpu.memref_squeeze %dma_wait3A_927 : memref<1x128x64xf32, #tpu.memory_space<vmem>> -> memref<128x64xf32, #tpu.memory_space<vmem>>
    %dma_wait3A_929 = arith.constant 0 : i32
    %dma_wait3A_930 = tpu.memref_slice %arg5[%arg0, %mul3A_0, %dma_wait3A_929] : memref<2x10240x64xf32, #tpu.memory_space<hbm>> -> memref<1x128x64xf32, #tpu.memory_space<hbm>>
    %dma_wait3A_931 = tpu.memref_squeeze %dma_wait3A_930 : memref<1x128x64xf32, #tpu.memory_space<hbm>> -> memref<128x64xf32, #tpu.memory_space<hbm>>
    %dma_wait3A_932 = tpu.memref_slice %arg12[%dma_wait3A_924] : memref<5x!tpu.dma_semaphore, #tpu.memory_space<semaphore_mem>> -> memref<1x!tpu.dma_semaphore, #tpu.memory_space<semaphore_mem>>
    %dma_wait3A_933 = tpu.memref_squeeze %dma_wait3A_932 : memref<1x!tpu.dma_semaphore, #tpu.memory_space<semaphore_mem>> -> memref<!tpu.dma_semaphore, #tpu.memory_space<semaphore_mem>>
    %dma_wait3A_934 = arith.constant 0 : i32
    %dma_wait3A_935 = tpu.memref_slice %arg5[%arg0, %mul3A_0, %dma_wait3A_934] : memref<2x10240x64xf32, #tpu.memory_space<hbm>> -> memref<1x128x64xf32, #tpu.memory_space<hbm>>
    %dma_wait3A_936 = tpu.memref_squeeze %dma_wait3A_935 : memref<1x128x64xf32, #tpu.memory_space<hbm>> -> memref<128x64xf32, #tpu.memory_space<hbm>>
    %dma_wait3A_937 = arith.constant 0 : i32
    %dma_wait3A_938 = arith.constant 0 : i32
    %dma_wait3A_939 = tpu.memref_slice %arg8[%dma_wait3A_923, %dma_wait3A_937, %dma_wait3A_938] : memref<5x128x64xf32, #tpu.memory_space<vmem>> -> memref<1x128x64xf32, #tpu.memory_space<vmem>>
    %dma_wait3A_940 = tpu.memref_squeeze %dma_wait3A_939 : memref<1x128x64xf32, #tpu.memory_space<vmem>> -> memref<128x64xf32, #tpu.memory_space<vmem>>
    tpu.wait_dma2 semaphore(%dma_wait3A_933 : memref<!tpu.dma_semaphore, #tpu.memory_space<semaphore_mem>>) src(%dma_wait3A_940 : memref<128x64xf32, #tpu.memory_space<vmem>>) dst(%dma_wait3A_936 : memref<128x64xf32, #tpu.memory_space<hbm>>)
    %dma_wait3A_941 = arith.constant 1 : i32
    %dma_wait3A_942 = arith.constant 1 : i32
    %dma_wait3A_943 = arith.constant 0 : i32
    %dma_wait3A_944 = arith.constant 0 : i32
    %dma_wait3A_945 = tpu.memref_slice %arg8[%dma_wait3A_941, %dma_wait3A_943, %dma_wait3A_944] : memref<5x128x64xf32, #tpu.memory_space<vmem>> -> memref<1x128x64xf32, #tpu.memory_space<vmem>>
    %dma_wait3A_946 = tpu.memref_squeeze %dma_wait3A_945 : memref<1x128x64xf32, #tpu.memory_space<vmem>> -> memref<128x64xf32, #tpu.memory_space<vmem>>
    %dma_wait3A_947 = arith.constant 0 : i32
    %dma_wait3A_948 = tpu.memref_slice %arg5[%arg0, %mul3A_0, %dma_wait3A_947] : memref<2x10240x64xf32, #tpu.memory_space<hbm>> -> memref<1x128x64xf32, #tpu.memory_space<hbm>>
    %dma_wait3A_949 = tpu.memref_squeeze %dma_wait3A_948 : memref<1x128x64xf32, #tpu.memory_space<hbm>> -> memref<128x64xf32, #tpu.memory_space<hbm>>
    %dma_wait3A_950 = tpu.memref_slice %arg12[%dma_wait3A_942] : memref<5x!tpu.dma_semaphore, #tpu.memory_space<semaphore_mem>> -> memref<1x!tpu.dma_semaphore, #tpu.memory_space<semaphore_mem>>
    %dma_wait3A_951 = tpu.memref_squeeze %dma_wait3A_950 : memref<1x!tpu.dma_semaphore, #tpu.memory_space<semaphore_mem>> -> memref<!tpu.dma_semaphore, #tpu.memory_space<semaphore_mem>>
    %dma_wait3A_952 = arith.constant 0 : i32
    %dma_wait3A_953 = tpu.memref_slice %arg5[%arg0, %mul3A_0, %dma_wait3A_952] : memref<2x10240x64xf32, #tpu.memory_space<hbm>> -> memref<1x128x64xf32, #tpu.memory_space<hbm>>
    %dma_wait3A_954 = tpu.memref_squeeze %dma_wait3A_953 : memref<1x128x64xf32, #tpu.memory_space<hbm>> -> memref<128x64xf32, #tpu.memory_space<hbm>>
    %dma_wait3A_955 = arith.constant 0 : i32
    %dma_wait3A_956 = arith.constant 0 : i32
    %dma_wait3A_957 = tpu.memref_slice %arg8[%dma_wait3A_941, %dma_wait3A_955, %dma_wait3A_956] : memref<5x128x64xf32, #tpu.memory_space<vmem>> -> memref<1x128x64xf32, #tpu.memory_space<vmem>>
    %dma_wait3A_958 = tpu.memref_squeeze %dma_wait3A_957 : memref<1x128x64xf32, #tpu.memory_space<vmem>> -> memref<128x64xf32, #tpu.memory_space<vmem>>
    tpu.wait_dma2 semaphore(%dma_wait3A_951 : memref<!tpu.dma_semaphore, #tpu.memory_space<semaphore_mem>>) src(%dma_wait3A_958 : memref<128x64xf32, #tpu.memory_space<vmem>>) dst(%dma_wait3A_954 : memref<128x64xf32, #tpu.memory_space<hbm>>)
    %dma_wait3A_959 = arith.constant 2 : i32
    %dma_wait3A_960 = arith.constant 2 : i32
    %dma_wait3A_961 = arith.constant 0 : i32
    %dma_wait3A_962 = arith.constant 0 : i32
    %dma_wait3A_963 = tpu.memref_slice %arg8[%dma_wait3A_959, %dma_wait3A_961, %dma_wait3A_962] : memref<5x128x64xf32, #tpu.memory_space<vmem>> -> memref<1x128x64xf32, #tpu.memory_space<vmem>>
    %dma_wait3A_964 = tpu.memref_squeeze %dma_wait3A_963 : memref<1x128x64xf32, #tpu.memory_space<vmem>> -> memref<128x64xf32, #tpu.memory_space<vmem>>
    %dma_wait3A_965 = arith.constant 0 : i32
    %dma_wait3A_966 = tpu.memref_slice %arg5[%arg0, %mul3A_0, %dma_wait3A_965] : memref<2x10240x64xf32, #tpu.memory_space<hbm>> -> memref<1x128x64xf32, #tpu.memory_space<hbm>>
    %dma_wait3A_967 = tpu.memref_squeeze %dma_wait3A_966 : memref<1x128x64xf32, #tpu.memory_space<hbm>> -> memref<128x64xf32, #tpu.memory_space<hbm>>
    %dma_wait3A_968 = tpu.memref_slice %arg12[%dma_wait3A_960] : memref<5x!tpu.dma_semaphore, #tpu.memory_space<semaphore_mem>> -> memref<1x!tpu.dma_semaphore, #tpu.memory_space<semaphore_mem>>
    %dma_wait3A_969 = tpu.memref_squeeze %dma_wait3A_968 : memref<1x!tpu.dma_semaphore, #tpu.memory_space<semaphore_mem>> -> memref<!tpu.dma_semaphore, #tpu.memory_space<semaphore_mem>>
    %dma_wait3A_970 = arith.constant 0 : i32
    %dma_wait3A_971 = tpu.memref_slice %arg5[%arg0, %mul3A_0, %dma_wait3A_970] : memref<2x10240x64xf32, #tpu.memory_space<hbm>> -> memref<1x128x64xf32, #tpu.memory_space<hbm>>
    %dma_wait3A_972 = tpu.memref_squeeze %dma_wait3A_971 : memref<1x128x64xf32, #tpu.memory_space<hbm>> -> memref<128x64xf32, #tpu.memory_space<hbm>>
    %dma_wait3A_973 = arith.constant 0 : i32
    %dma_wait3A_974 = arith.constant 0 : i32
    %dma_wait3A_975 = tpu.memref_slice %arg8[%dma_wait3A_959, %dma_wait3A_973, %dma_wait3A_974] : memref<5x128x64xf32, #tpu.memory_space<vmem>> -> memref<1x128x64xf32, #tpu.memory_space<vmem>>
    %dma_wait3A_976 = tpu.memref_squeeze %dma_wait3A_975 : memref<1x128x64xf32, #tpu.memory_space<vmem>> -> memref<128x64xf32, #tpu.memory_space<vmem>>
    tpu.wait_dma2 semaphore(%dma_wait3A_969 : memref<!tpu.dma_semaphore, #tpu.memory_space<semaphore_mem>>) src(%dma_wait3A_976 : memref<128x64xf32, #tpu.memory_space<vmem>>) dst(%dma_wait3A_972 : memref<128x64xf32, #tpu.memory_space<hbm>>)
    %dma_wait3A_977 = arith.constant 3 : i32
    %dma_wait3A_978 = arith.constant 3 : i32
    %dma_wait3A_979 = arith.constant 0 : i32
    %dma_wait3A_980 = arith.constant 0 : i32
    %dma_wait3A_981 = tpu.memref_slice %arg8[%dma_wait3A_977, %dma_wait3A_979, %dma_wait3A_980] : memref<5x128x64xf32, #tpu.memory_space<vmem>> -> memref<1x128x64xf32, #tpu.memory_space<vmem>>
    %dma_wait3A_982 = tpu.memref_squeeze %dma_wait3A_981 : memref<1x128x64xf32, #tpu.memory_space<vmem>> -> memref<128x64xf32, #tpu.memory_space<vmem>>
    %dma_wait3A_983 = arith.constant 0 : i32
    %dma_wait3A_984 = tpu.memref_slice %arg5[%arg0, %mul3A_0, %dma_wait3A_983] : memref<2x10240x64xf32, #tpu.memory_space<hbm>> -> memref<1x128x64xf32, #tpu.memory_space<hbm>>
    %dma_wait3A_985 = tpu.memref_squeeze %dma_wait3A_984 : memref<1x128x64xf32, #tpu.memory_space<hbm>> -> memref<128x64xf32, #tpu.memory_space<hbm>>
    %dma_wait3A_986 = tpu.memref_slice %arg12[%dma_wait3A_978] : memref<5x!tpu.dma_semaphore, #tpu.memory_space<semaphore_mem>> -> memref<1x!tpu.dma_semaphore, #tpu.memory_space<semaphore_mem>>
    %dma_wait3A_987 = tpu.memref_squeeze %dma_wait3A_986 : memref<1x!tpu.dma_semaphore, #tpu.memory_space<semaphore_mem>> -> memref<!tpu.dma_semaphore, #tpu.memory_space<semaphore_mem>>
    %dma_wait3A_988 = arith.constant 0 : i32
    %dma_wait3A_989 = tpu.memref_slice %arg5[%arg0, %mul3A_0, %dma_wait3A_988] : memref<2x10240x64xf32, #tpu.memory_space<hbm>> -> memref<1x128x64xf32, #tpu.memory_space<hbm>>
    %dma_wait3A_990 = tpu.memref_squeeze %dma_wait3A_989 : memref<1x128x64xf32, #tpu.memory_space<hbm>> -> memref<128x64xf32, #tpu.memory_space<hbm>>
    %dma_wait3A_991 = arith.constant 0 : i32
    %dma_wait3A_992 = arith.constant 0 : i32
    %dma_wait3A_993 = tpu.memref_slice %arg8[%dma_wait3A_977, %dma_wait3A_991, %dma_wait3A_992] : memref<5x128x64xf32, #tpu.memory_space<vmem>> -> memref<1x128x64xf32, #tpu.memory_space<vmem>>
    %dma_wait3A_994 = tpu.memref_squeeze %dma_wait3A_993 : memref<1x128x64xf32, #tpu.memory_space<vmem>> -> memref<128x64xf32, #tpu.memory_space<vmem>>
    tpu.wait_dma2 semaphore(%dma_wait3A_987 : memref<!tpu.dma_semaphore, #tpu.memory_space<semaphore_mem>>) src(%dma_wait3A_994 : memref<128x64xf32, #tpu.memory_space<vmem>>) dst(%dma_wait3A_990 : memref<128x64xf32, #tpu.memory_space<hbm>>)
    %dma_wait3A_995 = arith.constant 4 : i32
    %dma_wait3A_996 = arith.constant 4 : i32
    %dma_wait3A_997 = arith.constant 0 : i32
    %dma_wait3A_998 = arith.constant 0 : i32
    %dma_wait3A_999 = tpu.memref_slice %arg8[%dma_wait3A_995, %dma_wait3A_997, %dma_wait3A_998] : memref<5x128x64xf32, #tpu.memory_space<vmem>> -> memref<1x128x64xf32, #tpu.memory_space<vmem>>
    %dma_wait3A_1000 = tpu.memref_squeeze %dma_wait3A_999 : memref<1x128x64xf32, #tpu.memory_space<vmem>> -> memref<128x64xf32, #tpu.memory_space<vmem>>
    %dma_wait3A_1001 = arith.constant 0 : i32
    %dma_wait3A_1002 = tpu.memref_slice %arg5[%arg0, %mul3A_0, %dma_wait3A_1001] : memref<2x10240x64xf32, #tpu.memory_space<hbm>> -> memref<1x128x64xf32, #tpu.memory_space<hbm>>
    %dma_wait3A_1003 = tpu.memref_squeeze %dma_wait3A_1002 : memref<1x128x64xf32, #tpu.memory_space<hbm>> -> memref<128x64xf32, #tpu.memory_space<hbm>>
    %dma_wait3A_1004 = tpu.memref_slice %arg12[%dma_wait3A_996] : memref<5x!tpu.dma_semaphore, #tpu.memory_space<semaphore_mem>> -> memref<1x!tpu.dma_semaphore, #tpu.memory_space<semaphore_mem>>
    %dma_wait3A_1005 = tpu.memref_squeeze %dma_wait3A_1004 : memref<1x!tpu.dma_semaphore, #tpu.memory_space<semaphore_mem>> -> memref<!tpu.dma_semaphore, #tpu.memory_space<semaphore_mem>>
    %dma_wait3A_1006 = arith.constant 0 : i32
    %dma_wait3A_1007 = tpu.memref_slice %arg5[%arg0, %mul3A_0, %dma_wait3A_1006] : memref<2x10240x64xf32, #tpu.memory_space<hbm>> -> memref<1x128x64xf32, #tpu.memory_space<hbm>>
    %dma_wait3A_1008 = tpu.memref_squeeze %dma_wait3A_1007 : memref<1x128x64xf32, #tpu.memory_space<hbm>> -> memref<128x64xf32, #tpu.memory_space<hbm>>
    %dma_wait3A_1009 = arith.constant 0 : i32
    %dma_wait3A_1010 = arith.constant 0 : i32
    %dma_wait3A_1011 = tpu.memref_slice %arg8[%dma_wait3A_995, %dma_wait3A_1009, %dma_wait3A_1010] : memref<5x128x64xf32, #tpu.memory_space<vmem>> -> memref<1x128x64xf32, #tpu.memory_space<vmem>>
    %dma_wait3A_1012 = tpu.memref_squeeze %dma_wait3A_1011 : memref<1x128x64xf32, #tpu.memory_space<vmem>> -> memref<128x64xf32, #tpu.memory_space<vmem>>
    tpu.wait_dma2 semaphore(%dma_wait3A_1005 : memref<!tpu.dma_semaphore, #tpu.memory_space<semaphore_mem>>) src(%dma_wait3A_1012 : memref<128x64xf32, #tpu.memory_space<vmem>>) dst(%dma_wait3A_1008 : memref<128x64xf32, #tpu.memory_space<hbm>>)
    return
  }
}

module attributes {stable_mosaic.version = 14 : i64} {
  func.func @_tc1_body(%arg0: i32, %arg1: memref<2000x2xf32, #tpu.memory_space<vmem>>, %arg2: memref<2000x128xf32, #tpu.memory_space<vmem>>, %arg3: memref<128x512xf32, #tpu.memory_space<vmem>>, %arg4: memref<1x512xf32, #tpu.memory_space<vmem>>, %arg5: memref<512x128xf32, #tpu.memory_space<vmem>>, %arg6: memref<2000x128xf32, #tpu.memory_space<vmem>>, %arg7: memref<2x2000x64xf32, #tpu.memory_space<vmem>>) attributes {dimension_semantics = [#tpu.dimension_semantics<arbitrary>], iteration_bounds = array<i64: 5>, scalar_prefetch = 0 : i64, scratch_operands = 0 : i64, tpu.core_type = #tpu.core_type<tc>, window_params = [{transform_indices = @transform_0, window_bounds = array<i64: 2000, 2>}, {transform_indices = @transform_1, window_bounds = array<i64: 2000, 128>}, {pipeline_mode = #tpu.pipeline_mode<synchronous>, transform_indices = @transform_2, window_bounds = array<i64: 128, 512>}, {pipeline_mode = #tpu.pipeline_mode<synchronous>, transform_indices = @transform_3, window_bounds = array<i64: 1, 512>}, {pipeline_mode = #tpu.pipeline_mode<synchronous>, transform_indices = @transform_4, window_bounds = array<i64: 512, 128>}, {transform_indices = @transform_5, window_bounds = array<i64: 2000, 128>}, {transform_indices = @transform_6, window_bounds = array<i64: 2, 2000, 64>}]} {
    %get3A = arith.constant 0 : index
    %get3A_0 = arith.constant 0 : index
    %get3A_1 = vector.load %arg1[%get3A, %get3A_0] : memref<2000x2xf32, #tpu.memory_space<vmem>>, vector<2000x2xf32>
    %slice3A = vector.extract_strided_slice %get3A_1 {offsets = [0, 0], sizes = [2000, 1], strides = [1, 1]} : vector<2000x2xf32> to vector<2000x1xf32>
    %slice3A_2 = vector.extract_strided_slice %get3A_1 {offsets = [0, 1], sizes = [2000, 1], strides = [1, 1]} : vector<2000x2xf32> to vector<2000x1xf32>
    %add3A = arith.addf %slice3A, %slice3A_2 : vector<2000x1xf32>
    %add3A_3 = arith.constant 1.000000e+00 : f32
    %add3A_4 = vector.broadcast %add3A_3 : f32 to vector<2000x1xf32>
    %add3A_5 = arith.addf %add3A, %add3A_4 : vector<2000x1xf32>
    %rsqrt3A = math.rsqrt %add3A_5 : vector<2000x1xf32>
    %broadcast_in_dim3A = vector.shape_cast %rsqrt3A : vector<2000x1xf32> to vector<2000x1xf32>
    %broadcast_in_dim3A_6 = vector.broadcast %broadcast_in_dim3A : vector<2000x1xf32> to vector<2000x128xf32>
    %get3A_7 = arith.constant 0 : index
    %get3A_8 = arith.constant 0 : index
    %get3A_9 = vector.load %arg2[%get3A_7, %get3A_8] : memref<2000x128xf32, #tpu.memory_space<vmem>>, vector<2000x128xf32>
    %get3A_10 = arith.constant 0 : index
    %get3A_11 = arith.constant 0 : index
    %get3A_12 = vector.load %arg3[%get3A_10, %get3A_11] : memref<128x512xf32, #tpu.memory_space<vmem>>, vector<128x512xf32>
    %dot_general3A = arith.constant dense<0.000000e+00> : vector<2000x512xf32>
    %dot_general3A_13 = tpu.matmul %get3A_9, %get3A_12, %dot_general3A {dimension_numbers = #tpu.dot_dimension_numbers<[1], [0], [0], [1], [0, 0, 1, 1], [], []>, transpose_lhs_hint = false} : vector<2000x128xf32>, vector<128x512xf32>, vector<2000x512xf32> -> vector<2000x512xf32>
    %get3A_14 = arith.constant 0 : index
    %get3A_15 = arith.constant 0 : index
    %get3A_16 = vector.load %arg4[%get3A_14, %get3A_15] : memref<1x512xf32, #tpu.memory_space<vmem>>, vector<1x512xf32>
    %add3A_17 = vector.broadcast %get3A_16 : vector<1x512xf32> to vector<2000x512xf32>
    %add3A_18 = arith.addf %dot_general3A_13, %add3A_17 : vector<2000x512xf32>
    %get3A_19 = arith.constant 0 : index
    %get3A_20 = arith.constant 0 : index
    %get3A_21 = vector.load %arg5[%get3A_19, %get3A_20] : memref<512x128xf32, #tpu.memory_space<vmem>>, vector<512x128xf32>
    %dot_general3A_22 = arith.constant dense<0.000000e+00> : vector<2000x128xf32>
    %dot_general3A_23 = tpu.matmul %add3A_18, %get3A_21, %dot_general3A_22 {dimension_numbers = #tpu.dot_dimension_numbers<[1], [0], [0], [1], [0, 0, 1, 1], [], []>, transpose_lhs_hint = false} : vector<2000x512xf32>, vector<512x128xf32>, vector<2000x128xf32> -> vector<2000x128xf32>
    %mul3A = arith.mulf %dot_general3A_23, %broadcast_in_dim3A_6 : vector<2000x128xf32>
    %swap3A = arith.constant 0 : index
    %swap3A_24 = arith.constant 0 : index
    %swap3A_25 = vector.load %arg6[%swap3A, %swap3A_24] : memref<2000x128xf32, #tpu.memory_space<vmem>>, vector<2000x128xf32>
    tpu.vector_store %arg6[%swap3A, %swap3A_24], %mul3A {strides = array<i32>} : memref<2000x128xf32, #tpu.memory_space<vmem>>, vector<2000x128xf32>,
    %slice3A_26 = vector.extract_strided_slice %mul3A {offsets = [0, 0], sizes = [2000, 64], strides = [1, 1]} : vector<2000x128xf32> to vector<2000x64xf32>
    %swap3A_27 = arith.constant 0 : index
    %swap3A_28 = arith.constant 0 : index
    %swap3A_29 = arith.constant 0 : index
    %swap3A_30 = vector.load %arg7[%swap3A_27, %swap3A_28, %swap3A_29] : memref<2x2000x64xf32, #tpu.memory_space<vmem>>, vector<1x2000x64xf32>
    %swap3A_31 = vector.shape_cast %swap3A_30 : vector<1x2000x64xf32> to vector<2000x64xf32>
    %swap3A_32 = vector.shape_cast %slice3A_26 : vector<2000x64xf32> to vector<1x2000x64xf32>
    tpu.vector_store %arg7[%swap3A_27, %swap3A_28, %swap3A_29], %swap3A_32 {strides = array<i32>} : memref<2x2000x64xf32, #tpu.memory_space<vmem>>, vector<1x2000x64xf32>,
    %slice3A_33 = vector.extract_strided_slice %mul3A {offsets = [0, 64], sizes = [2000, 64], strides = [1, 1]} : vector<2000x128xf32> to vector<2000x64xf32>
    %swap3A_34 = arith.constant 1 : index
    %swap3A_35 = arith.constant 0 : index
    %swap3A_36 = arith.constant 0 : index
    %swap3A_37 = vector.load %arg7[%swap3A_34, %swap3A_35, %swap3A_36] : memref<2x2000x64xf32, #tpu.memory_space<vmem>>, vector<1x2000x64xf32>
    %swap3A_38 = vector.shape_cast %swap3A_37 : vector<1x2000x64xf32> to vector<2000x64xf32>
    %swap3A_39 = vector.shape_cast %slice3A_33 : vector<2000x64xf32> to vector<1x2000x64xf32>
    tpu.vector_store %arg7[%swap3A_34, %swap3A_35, %swap3A_36], %swap3A_39 {strides = array<i32>} : memref<2x2000x64xf32, #tpu.memory_space<vmem>>, vector<1x2000x64xf32>,
    return
  }
  func.func @transform_0(%arg0: i32) -> (i32, i32) {
    %c0_i32 = arith.constant 0 : i32
    %c0_i32_0 = arith.constant 0 : i32
    return %arg0, %c0_i32 : i32, i32
  }
  func.func @transform_1(%arg0: i32) -> (i32, i32) {
    %c0_i32 = arith.constant 0 : i32
    %c0_i32_0 = arith.constant 0 : i32
    return %arg0, %c0_i32 : i32, i32
  }
  func.func @transform_2(%arg0: i32) -> (i32, i32) {
    %c0_i32 = arith.constant 0 : i32
    %c0_i32_0 = arith.constant 0 : i32
    %c0_i32_1 = arith.constant 0 : i32
    return %c0_i32, %c0_i32_0 : i32, i32
  }
  func.func @transform_3(%arg0: i32) -> (i32, i32) {
    %c0_i32 = arith.constant 0 : i32
    %c0_i32_0 = arith.constant 0 : i32
    %c0_i32_1 = arith.constant 0 : i32
    return %c0_i32, %c0_i32_0 : i32, i32
  }
  func.func @transform_4(%arg0: i32) -> (i32, i32) {
    %c0_i32 = arith.constant 0 : i32
    %c0_i32_0 = arith.constant 0 : i32
    %c0_i32_1 = arith.constant 0 : i32
    return %c0_i32, %c0_i32_0 : i32, i32
  }
  func.func @transform_5(%arg0: i32) -> (i32, i32) {
    %c0_i32 = arith.constant 0 : i32
    %c0_i32_0 = arith.constant 0 : i32
    return %arg0, %c0_i32 : i32, i32
  }
  func.func @transform_6(%arg0: i32) -> (i32, i32, i32) {
    %c0_i32 = arith.constant 0 : i32
    %c0_i32_0 = arith.constant 0 : i32
    %c0_i32_1 = arith.constant 0 : i32
    return %c0_i32, %arg0, %c0_i32_0 : i32, i32, i32
  }
}

module attributes {stable_mosaic.version = 14 : i64} {
  func.func @_agg_body(%arg0: i32, %arg1: memref<2x2000x64xf32, #tpu.memory_space<vmem>>, %arg2: memref<2000x128xf32, #tpu.memory_space<vmem>>, %arg3: memref<2000x2xf32, #tpu.memory_space<vmem>>, %arg4: memref<1x128xf32, #tpu.memory_space<vmem>>, %arg5: memref<2000x128xf32, #tpu.memory_space<vmem>>, %arg6: memref<2x128xf32, #tpu.memory_space<vmem>>) attributes {dimension_semantics = [#tpu.dimension_semantics<arbitrary>], iteration_bounds = array<i64: 5>, scalar_prefetch = 0 : i64, scratch_operands = 0 : i64, tpu.core_type = #tpu.core_type<tc>, window_params = [{transform_indices = @transform_0, window_bounds = array<i64: 2, 2000, 64>}, {transform_indices = @transform_1, window_bounds = array<i64: 2000, 128>}, {transform_indices = @transform_2, window_bounds = array<i64: 2000, 2>}, {pipeline_mode = #tpu.pipeline_mode<synchronous>, transform_indices = @transform_3, window_bounds = array<i64: 1, 128>}, {transform_indices = @transform_4, window_bounds = array<i64: 2000, 128>}, {pipeline_mode = #tpu.pipeline_mode<synchronous>, transform_indices = @transform_5, window_bounds = array<i64: 2, 128>}]} {
    %get3A = arith.constant 0 : index
    %get3A_0 = arith.constant 0 : index
    %get3A_1 = vector.load %arg3[%get3A, %get3A_0] : memref<2000x2xf32, #tpu.memory_space<vmem>>, vector<2000x2xf32>
    %slice3A = vector.extract_strided_slice %get3A_1 {offsets = [0, 0], sizes = [2000, 1], strides = [1, 1]} : vector<2000x2xf32> to vector<2000x1xf32>
    %slice3A_2 = vector.extract_strided_slice %get3A_1 {offsets = [0, 1], sizes = [2000, 1], strides = [1, 1]} : vector<2000x2xf32> to vector<2000x1xf32>
    %add3A = arith.addf %slice3A, %slice3A_2 : vector<2000x1xf32>
    %add3A_3 = arith.constant 1.000000e+00 : f32
    %add3A_4 = vector.broadcast %add3A_3 : f32 to vector<2000x1xf32>
    %add3A_5 = arith.addf %add3A, %add3A_4 : vector<2000x1xf32>
    %rsqrt3A = math.rsqrt %add3A_5 : vector<2000x1xf32>
    %broadcast_in_dim3A = vector.shape_cast %rsqrt3A : vector<2000x1xf32> to vector<2000x1xf32>
    %broadcast_in_dim3A_6 = vector.broadcast %broadcast_in_dim3A : vector<2000x1xf32> to vector<2000x128xf32>
    %get3A_7 = arith.constant 0 : index
    %get3A_8 = arith.constant 0 : index
    %get3A_9 = arith.constant 0 : index
    %get3A_10 = vector.load %arg1[%get3A_7, %get3A_8, %get3A_9] : memref<2x2000x64xf32, #tpu.memory_space<vmem>>, vector<1x2000x64xf32>
    %get3A_11 = vector.shape_cast %get3A_10 : vector<1x2000x64xf32> to vector<2000x64xf32>
    %get3A_12 = arith.constant 1 : index
    %get3A_13 = arith.constant 0 : index
    %get3A_14 = arith.constant 0 : index
    %get3A_15 = vector.load %arg1[%get3A_12, %get3A_13, %get3A_14] : memref<2x2000x64xf32, #tpu.memory_space<vmem>>, vector<1x2000x64xf32>
    %get3A_16 = vector.shape_cast %get3A_15 : vector<1x2000x64xf32> to vector<2000x64xf32>
    %concatenate3A = tpu.concatenate %get3A_11, %get3A_16 in 1 : vector<2000x64xf32>, vector<2000x64xf32> -> vector<2000x128xf32>
    %get3A_17 = arith.constant 0 : index
    %get3A_18 = arith.constant 0 : index
    %get3A_19 = vector.load %arg2[%get3A_17, %get3A_18] : memref<2000x128xf32, #tpu.memory_space<vmem>>, vector<2000x128xf32>
    %add3A_20 = arith.addf %concatenate3A, %get3A_19 : vector<2000x128xf32>
    %mul3A = arith.mulf %broadcast_in_dim3A_6, %add3A_20 : vector<2000x128xf32>
    %get3A_21 = arith.constant 0 : index
    %get3A_22 = arith.constant 0 : index
    %get3A_23 = vector.load %arg4[%get3A_21, %get3A_22] : memref<1x128xf32, #tpu.memory_space<vmem>>, vector<1x128xf32>
    %add3A_24 = vector.broadcast %get3A_23 : vector<1x128xf32> to vector<2000x128xf32>
    %add3A_25 = arith.addf %mul3A, %add3A_24 : vector<2000x128xf32>
    %swap3A = arith.constant 0 : index
    %swap3A_26 = arith.constant 0 : index
    %swap3A_27 = vector.load %arg5[%swap3A, %swap3A_26] : memref<2000x128xf32, #tpu.memory_space<vmem>>, vector<2000x128xf32>
    tpu.vector_store %arg5[%swap3A, %swap3A_26], %add3A_25 {strides = array<i32>} : memref<2000x128xf32, #tpu.memory_space<vmem>>, vector<2000x128xf32>,
    %eq3A = arith.constant 0 : i32
    %eq3A_28 = arith.cmpi eq, %arg0, %eq3A : i32
    %convert_element_type3A = arith.extui %eq3A_28 : i1 to i32
    %cond3A = arith.constant 0 : i32
    %cond3A_29 = arith.cmpi ne, %convert_element_type3A, %cond3A : i32
    scf.if %cond3A_29 {
      %broadcast_in_dim3A_50 = arith.constant 0.000000e+00 : f32
      %broadcast_in_dim3A_51 = vector.broadcast %broadcast_in_dim3A_50 : f32 to vector<2x128xf32>
      %swap3A_52 = arith.constant 0 : index
      %swap3A_53 = arith.constant 0 : index
      %swap3A_54 = vector.load %arg6[%swap3A_52, %swap3A_53] : memref<2x128xf32, #tpu.memory_space<vmem>>, vector<2x128xf32>
      tpu.vector_store %arg6[%swap3A_52, %swap3A_53], %broadcast_in_dim3A_51 {strides = array<i32>} : memref<2x128xf32, #tpu.memory_space<vmem>>, vector<2x128xf32>,
    } else {
    }
    %get3A_30 = arith.constant 0 : index
    %get3A_31 = arith.constant 0 : index
    %get3A_32 = vector.load %arg6[%get3A_30, %get3A_31] : memref<2x128xf32, #tpu.memory_space<vmem>>, vector<1x128xf32>
    %reduce_sum3A = arith.constant dense<0.000000e+00> : vector<128xf32>
    %reduce_sum3A_33 = vector.multi_reduction <add>, %add3A_25, %reduce_sum3A [0] : vector<2000x128xf32> to vector<128xf32>
    %broadcast_in_dim3A_34 = vector.shape_cast %reduce_sum3A_33 : vector<128xf32> to vector<1x128xf32>
    %add3A_35 = arith.addf %get3A_32, %broadcast_in_dim3A_34 : vector<1x128xf32>
    %swap3A_36 = arith.constant 0 : index
    %swap3A_37 = arith.constant 0 : index
    %swap3A_38 = vector.load %arg6[%swap3A_36, %swap3A_37] : memref<2x128xf32, #tpu.memory_space<vmem>>, vector<1x128xf32>
    tpu.vector_store %arg6[%swap3A_36, %swap3A_37], %add3A_35 {strides = array<i32>} : memref<2x128xf32, #tpu.memory_space<vmem>>, vector<1x128xf32>,
    %get3A_39 = arith.constant 1 : index
    %get3A_40 = arith.constant 0 : index
    %get3A_41 = vector.load %arg6[%get3A_39, %get3A_40] : memref<2x128xf32, #tpu.memory_space<vmem>>, vector<1x128xf32>
    %mul3A_42 = arith.mulf %add3A_25, %add3A_25 : vector<2000x128xf32>
    %reduce_sum3A_43 = arith.constant dense<0.000000e+00> : vector<128xf32>
    %reduce_sum3A_44 = vector.multi_reduction <add>, %mul3A_42, %reduce_sum3A_43 [0] : vector<2000x128xf32> to vector<128xf32>
    %broadcast_in_dim3A_45 = vector.shape_cast %reduce_sum3A_44 : vector<128xf32> to vector<1x128xf32>
    %add3A_46 = arith.addf %get3A_41, %broadcast_in_dim3A_45 : vector<1x128xf32>
    %swap3A_47 = arith.constant 1 : index
    %swap3A_48 = arith.constant 0 : index
    %swap3A_49 = vector.load %arg6[%swap3A_47, %swap3A_48] : memref<2x128xf32, #tpu.memory_space<vmem>>, vector<1x128xf32>
    tpu.vector_store %arg6[%swap3A_47, %swap3A_48], %add3A_46 {strides = array<i32>} : memref<2x128xf32, #tpu.memory_space<vmem>>, vector<1x128xf32>,
    return
  }
  func.func @transform_0(%arg0: i32) -> (i32, i32, i32) {
    %c0_i32 = arith.constant 0 : i32
    %c0_i32_0 = arith.constant 0 : i32
    %c0_i32_1 = arith.constant 0 : i32
    return %c0_i32, %arg0, %c0_i32_0 : i32, i32, i32
  }
  func.func @transform_1(%arg0: i32) -> (i32, i32) {
    %c0_i32 = arith.constant 0 : i32
    %c0_i32_0 = arith.constant 0 : i32
    return %arg0, %c0_i32 : i32, i32
  }
  func.func @transform_2(%arg0: i32) -> (i32, i32) {
    %c0_i32 = arith.constant 0 : i32
    %c0_i32_0 = arith.constant 0 : i32
    return %arg0, %c0_i32 : i32, i32
  }
  func.func @transform_3(%arg0: i32) -> (i32, i32) {
    %c0_i32 = arith.constant 0 : i32
    %c0_i32_0 = arith.constant 0 : i32
    %c0_i32_1 = arith.constant 0 : i32
    return %c0_i32, %c0_i32_0 : i32, i32
  }
  func.func @transform_4(%arg0: i32) -> (i32, i32) {
    %c0_i32 = arith.constant 0 : i32
    %c0_i32_0 = arith.constant 0 : i32
    return %arg0, %c0_i32 : i32, i32
  }
  func.func @transform_5(%arg0: i32) -> (i32, i32) {
    %c0_i32 = arith.constant 0 : i32
    %c0_i32_0 = arith.constant 0 : i32
    %c0_i32_1 = arith.constant 0 : i32
    return %c0_i32, %c0_i32_0 : i32, i32
  }
}

module attributes {stable_mosaic.version = 14 : i64} {
  func.func @_bn_mm_body(%arg0: i32, %arg1: memref<2000x128xf32, #tpu.memory_space<vmem>>, %arg2: memref<2x128xf32, #tpu.memory_space<vmem>>, %arg3: memref<2000x2xf32, #tpu.memory_space<vmem>>, %arg4: memref<1x128xf32, #tpu.memory_space<vmem>>, %arg5: memref<1x128xf32, #tpu.memory_space<vmem>>, %arg6: memref<128x128xf32, #tpu.memory_space<vmem>>, %arg7: memref<2000x128xf32, #tpu.memory_space<vmem>>, %arg8: memref<2x2000x64xf32, #tpu.memory_space<vmem>>) attributes {dimension_semantics = [#tpu.dimension_semantics<arbitrary>], iteration_bounds = array<i64: 5>, scalar_prefetch = 0 : i64, scratch_operands = 0 : i64, tpu.core_type = #tpu.core_type<tc>, window_params = [{transform_indices = @transform_0, window_bounds = array<i64: 2000, 128>}, {pipeline_mode = #tpu.pipeline_mode<synchronous>, transform_indices = @transform_1, window_bounds = array<i64: 2, 128>}, {transform_indices = @transform_2, window_bounds = array<i64: 2000, 2>}, {pipeline_mode = #tpu.pipeline_mode<synchronous>, transform_indices = @transform_3, window_bounds = array<i64: 1, 128>}, {pipeline_mode = #tpu.pipeline_mode<synchronous>, transform_indices = @transform_4, window_bounds = array<i64: 1, 128>}, {pipeline_mode = #tpu.pipeline_mode<synchronous>, transform_indices = @transform_5, window_bounds = array<i64: 128, 128>}, {transform_indices = @transform_6, window_bounds = array<i64: 2000, 128>}, {transform_indices = @transform_7, window_bounds = array<i64: 2, 2000, 64>}]} {
    %get3A = arith.constant 0 : index
    %get3A_0 = arith.constant 0 : index
    %get3A_1 = vector.load %arg3[%get3A, %get3A_0] : memref<2000x2xf32, #tpu.memory_space<vmem>>, vector<2000x2xf32>
    %slice3A = vector.extract_strided_slice %get3A_1 {offsets = [0, 0], sizes = [2000, 1], strides = [1, 1]} : vector<2000x2xf32> to vector<2000x1xf32>
    %slice3A_2 = vector.extract_strided_slice %get3A_1 {offsets = [0, 1], sizes = [2000, 1], strides = [1, 1]} : vector<2000x2xf32> to vector<2000x1xf32>
    %add3A = arith.addf %slice3A, %slice3A_2 : vector<2000x1xf32>
    %add3A_3 = arith.constant 1.000000e+00 : f32
    %add3A_4 = vector.broadcast %add3A_3 : f32 to vector<2000x1xf32>
    %add3A_5 = arith.addf %add3A, %add3A_4 : vector<2000x1xf32>
    %rsqrt3A = math.rsqrt %add3A_5 : vector<2000x1xf32>
    %broadcast_in_dim3A = vector.shape_cast %rsqrt3A : vector<2000x1xf32> to vector<2000x1xf32>
    %broadcast_in_dim3A_6 = vector.broadcast %broadcast_in_dim3A : vector<2000x1xf32> to vector<2000x128xf32>
    %get3A_7 = arith.constant 0 : index
    %get3A_8 = arith.constant 0 : index
    %get3A_9 = vector.load %arg2[%get3A_7, %get3A_8] : memref<2x128xf32, #tpu.memory_space<vmem>>, vector<1x128xf32>
    %mul3A = arith.constant 9.99999974E-5 : f32
    %mul3A_10 = vector.broadcast %mul3A : f32 to vector<1x128xf32>
    %mul3A_11 = arith.mulf %get3A_9, %mul3A_10 : vector<1x128xf32>
    %get3A_12 = arith.constant 1 : index
    %get3A_13 = arith.constant 0 : index
    %get3A_14 = vector.load %arg2[%get3A_12, %get3A_13] : memref<2x128xf32, #tpu.memory_space<vmem>>, vector<1x128xf32>
    %mul3A_15 = arith.constant 9.99999974E-5 : f32
    %mul3A_16 = vector.broadcast %mul3A_15 : f32 to vector<1x128xf32>
    %mul3A_17 = arith.mulf %get3A_14, %mul3A_16 : vector<1x128xf32>
    %mul3A_18 = arith.mulf %mul3A_11, %mul3A_11 : vector<1x128xf32>
    %sub3A = arith.subf %mul3A_17, %mul3A_18 : vector<1x128xf32>
    %get3A_19 = arith.constant 0 : index
    %get3A_20 = arith.constant 0 : index
    %get3A_21 = vector.load %arg4[%get3A_19, %get3A_20] : memref<1x128xf32, #tpu.memory_space<vmem>>, vector<1x128xf32>
    %add3A_22 = arith.constant 9.99999974E-6 : f32
    %add3A_23 = vector.broadcast %add3A_22 : f32 to vector<1x128xf32>
    %add3A_24 = arith.addf %sub3A, %add3A_23 : vector<1x128xf32>
    %rsqrt3A_25 = math.rsqrt %add3A_24 : vector<1x128xf32>
    %mul3A_26 = arith.mulf %get3A_21, %rsqrt3A_25 : vector<1x128xf32>
    %get3A_27 = arith.constant 0 : index
    %get3A_28 = arith.constant 0 : index
    %get3A_29 = vector.load %arg1[%get3A_27, %get3A_28] : memref<2000x128xf32, #tpu.memory_space<vmem>>, vector<2000x128xf32>
    %sub3A_30 = vector.broadcast %mul3A_11 : vector<1x128xf32> to vector<2000x128xf32>
    %sub3A_31 = arith.subf %get3A_29, %sub3A_30 : vector<2000x128xf32>
    %mul3A_32 = vector.broadcast %mul3A_26 : vector<1x128xf32> to vector<2000x128xf32>
    %mul3A_33 = arith.mulf %sub3A_31, %mul3A_32 : vector<2000x128xf32>
    %get3A_34 = arith.constant 0 : index
    %get3A_35 = arith.constant 0 : index
    %get3A_36 = vector.load %arg5[%get3A_34, %get3A_35] : memref<1x128xf32, #tpu.memory_space<vmem>>, vector<1x128xf32>
    %add3A_37 = vector.broadcast %get3A_36 : vector<1x128xf32> to vector<2000x128xf32>
    %add3A_38 = arith.addf %mul3A_33, %add3A_37 : vector<2000x128xf32>
    %max3A = arith.constant 0.000000e+00 : f32
    %max3A_39 = vector.broadcast %max3A : f32 to vector<2000x128xf32>
    %max3A_40 = arith.maximumf %add3A_38, %max3A_39 : vector<2000x128xf32>
    %get3A_41 = arith.constant 0 : index
    %get3A_42 = arith.constant 0 : index
    %get3A_43 = vector.load %arg6[%get3A_41, %get3A_42] : memref<128x128xf32, #tpu.memory_space<vmem>>, vector<128x128xf32>
    %dot_general3A = arith.constant dense<0.000000e+00> : vector<2000x128xf32>
    %dot_general3A_44 = tpu.matmul %max3A_40, %get3A_43, %dot_general3A {dimension_numbers = #tpu.dot_dimension_numbers<[1], [0], [0], [1], [0, 0, 1, 1], [], []>, transpose_lhs_hint = false} : vector<2000x128xf32>, vector<128x128xf32>, vector<2000x128xf32> -> vector<2000x128xf32>
    %mul3A_45 = arith.mulf %dot_general3A_44, %broadcast_in_dim3A_6 : vector<2000x128xf32>
    %swap3A = arith.constant 0 : index
    %swap3A_46 = arith.constant 0 : index
    %swap3A_47 = vector.load %arg7[%swap3A, %swap3A_46] : memref<2000x128xf32, #tpu.memory_space<vmem>>, vector<2000x128xf32>
    tpu.vector_store %arg7[%swap3A, %swap3A_46], %mul3A_45 {strides = array<i32>} : memref<2000x128xf32, #tpu.memory_space<vmem>>, vector<2000x128xf32>,
    %slice3A_48 = vector.extract_strided_slice %mul3A_45 {offsets = [0, 0], sizes = [2000, 64], strides = [1, 1]} : vector<2000x128xf32> to vector<2000x64xf32>
    %swap3A_49 = arith.constant 0 : index
    %swap3A_50 = arith.constant 0 : index
    %swap3A_51 = arith.constant 0 : index
    %swap3A_52 = vector.load %arg8[%swap3A_49, %swap3A_50, %swap3A_51] : memref<2x2000x64xf32, #tpu.memory_space<vmem>>, vector<1x2000x64xf32>
    %swap3A_53 = vector.shape_cast %swap3A_52 : vector<1x2000x64xf32> to vector<2000x64xf32>
    %swap3A_54 = vector.shape_cast %slice3A_48 : vector<2000x64xf32> to vector<1x2000x64xf32>
    tpu.vector_store %arg8[%swap3A_49, %swap3A_50, %swap3A_51], %swap3A_54 {strides = array<i32>} : memref<2x2000x64xf32, #tpu.memory_space<vmem>>, vector<1x2000x64xf32>,
    %slice3A_55 = vector.extract_strided_slice %mul3A_45 {offsets = [0, 64], sizes = [2000, 64], strides = [1, 1]} : vector<2000x128xf32> to vector<2000x64xf32>
    %swap3A_56 = arith.constant 1 : index
    %swap3A_57 = arith.constant 0 : index
    %swap3A_58 = arith.constant 0 : index
    %swap3A_59 = vector.load %arg8[%swap3A_56, %swap3A_57, %swap3A_58] : memref<2x2000x64xf32, #tpu.memory_space<vmem>>, vector<1x2000x64xf32>
    %swap3A_60 = vector.shape_cast %swap3A_59 : vector<1x2000x64xf32> to vector<2000x64xf32>
    %swap3A_61 = vector.shape_cast %slice3A_55 : vector<2000x64xf32> to vector<1x2000x64xf32>
    tpu.vector_store %arg8[%swap3A_56, %swap3A_57, %swap3A_58], %swap3A_61 {strides = array<i32>} : memref<2x2000x64xf32, #tpu.memory_space<vmem>>, vector<1x2000x64xf32>,
    return
  }
  func.func @transform_0(%arg0: i32) -> (i32, i32) {
    %c0_i32 = arith.constant 0 : i32
    %c0_i32_0 = arith.constant 0 : i32
    return %arg0, %c0_i32 : i32, i32
  }
  func.func @transform_1(%arg0: i32) -> (i32, i32) {
    %c0_i32 = arith.constant 0 : i32
    %c0_i32_0 = arith.constant 0 : i32
    %c0_i32_1 = arith.constant 0 : i32
    return %c0_i32, %c0_i32_0 : i32, i32
  }
  func.func @transform_2(%arg0: i32) -> (i32, i32) {
    %c0_i32 = arith.constant 0 : i32
    %c0_i32_0 = arith.constant 0 : i32
    return %arg0, %c0_i32 : i32, i32
  }
  func.func @transform_3(%arg0: i32) -> (i32, i32) {
    %c0_i32 = arith.constant 0 : i32
    %c0_i32_0 = arith.constant 0 : i32
    %c0_i32_1 = arith.constant 0 : i32
    return %c0_i32, %c0_i32_0 : i32, i32
  }
  func.func @transform_4(%arg0: i32) -> (i32, i32) {
    %c0_i32 = arith.constant 0 : i32
    %c0_i32_0 = arith.constant 0 : i32
    %c0_i32_1 = arith.constant 0 : i32
    return %c0_i32, %c0_i32_0 : i32, i32
  }
  func.func @transform_5(%arg0: i32) -> (i32, i32) {
    %c0_i32 = arith.constant 0 : i32
    %c0_i32_0 = arith.constant 0 : i32
    %c0_i32_1 = arith.constant 0 : i32
    return %c0_i32, %c0_i32_0 : i32, i32
  }
  func.func @transform_6(%arg0: i32) -> (i32, i32) {
    %c0_i32 = arith.constant 0 : i32
    %c0_i32_0 = arith.constant 0 : i32
    return %arg0, %c0_i32 : i32, i32
  }
  func.func @transform_7(%arg0: i32) -> (i32, i32, i32) {
    %c0_i32 = arith.constant 0 : i32
    %c0_i32_0 = arith.constant 0 : i32
    %c0_i32_1 = arith.constant 0 : i32
    return %c0_i32, %arg0, %c0_i32_0 : i32, i32, i32
  }
}

module attributes {stable_mosaic.version = 14 : i64} {
  func.func @_head_body(%arg0: i32, %arg1: memref<2000x128xf32, #tpu.memory_space<vmem>>, %arg2: memref<2x128xf32, #tpu.memory_space<vmem>>, %arg3: memref<1x128xf32, #tpu.memory_space<vmem>>, %arg4: memref<1x128xf32, #tpu.memory_space<vmem>>, %arg5: memref<128x16xf32, #tpu.memory_space<vmem>>, %arg6: memref<1x16xf32, #tpu.memory_space<vmem>>, %arg7: memref<2000x16xf32, #tpu.memory_space<vmem>>) attributes {dimension_semantics = [#tpu.dimension_semantics<arbitrary>], iteration_bounds = array<i64: 5>, scalar_prefetch = 0 : i64, scratch_operands = 0 : i64, tpu.core_type = #tpu.core_type<tc>, window_params = [{transform_indices = @transform_0, window_bounds = array<i64: 2000, 128>}, {pipeline_mode = #tpu.pipeline_mode<synchronous>, transform_indices = @transform_1, window_bounds = array<i64: 2, 128>}, {pipeline_mode = #tpu.pipeline_mode<synchronous>, transform_indices = @transform_2, window_bounds = array<i64: 1, 128>}, {pipeline_mode = #tpu.pipeline_mode<synchronous>, transform_indices = @transform_3, window_bounds = array<i64: 1, 128>}, {pipeline_mode = #tpu.pipeline_mode<synchronous>, transform_indices = @transform_4, window_bounds = array<i64: 128, 16>}, {pipeline_mode = #tpu.pipeline_mode<synchronous>, transform_indices = @transform_5, window_bounds = array<i64: 1, 16>}, {transform_indices = @transform_6, window_bounds = array<i64: 2000, 16>}]} {
    %get3A = arith.constant 0 : index
    %get3A_0 = arith.constant 0 : index
    %get3A_1 = vector.load %arg2[%get3A, %get3A_0] : memref<2x128xf32, #tpu.memory_space<vmem>>, vector<1x128xf32>
    %mul3A = arith.constant 9.99999974E-5 : f32
    %mul3A_2 = vector.broadcast %mul3A : f32 to vector<1x128xf32>
    %mul3A_3 = arith.mulf %get3A_1, %mul3A_2 : vector<1x128xf32>
    %get3A_4 = arith.constant 1 : index
    %get3A_5 = arith.constant 0 : index
    %get3A_6 = vector.load %arg2[%get3A_4, %get3A_5] : memref<2x128xf32, #tpu.memory_space<vmem>>, vector<1x128xf32>
    %mul3A_7 = arith.constant 9.99999974E-5 : f32
    %mul3A_8 = vector.broadcast %mul3A_7 : f32 to vector<1x128xf32>
    %mul3A_9 = arith.mulf %get3A_6, %mul3A_8 : vector<1x128xf32>
    %mul3A_10 = arith.mulf %mul3A_3, %mul3A_3 : vector<1x128xf32>
    %sub3A = arith.subf %mul3A_9, %mul3A_10 : vector<1x128xf32>
    %get3A_11 = arith.constant 0 : index
    %get3A_12 = arith.constant 0 : index
    %get3A_13 = vector.load %arg3[%get3A_11, %get3A_12] : memref<1x128xf32, #tpu.memory_space<vmem>>, vector<1x128xf32>
    %add3A = arith.constant 9.99999974E-6 : f32
    %add3A_14 = vector.broadcast %add3A : f32 to vector<1x128xf32>
    %add3A_15 = arith.addf %sub3A, %add3A_14 : vector<1x128xf32>
    %rsqrt3A = math.rsqrt %add3A_15 : vector<1x128xf32>
    %mul3A_16 = arith.mulf %get3A_13, %rsqrt3A : vector<1x128xf32>
    %get3A_17 = arith.constant 0 : index
    %get3A_18 = arith.constant 0 : index
    %get3A_19 = vector.load %arg1[%get3A_17, %get3A_18] : memref<2000x128xf32, #tpu.memory_space<vmem>>, vector<2000x128xf32>
    %sub3A_20 = vector.broadcast %mul3A_3 : vector<1x128xf32> to vector<2000x128xf32>
    %sub3A_21 = arith.subf %get3A_19, %sub3A_20 : vector<2000x128xf32>
    %mul3A_22 = vector.broadcast %mul3A_16 : vector<1x128xf32> to vector<2000x128xf32>
    %mul3A_23 = arith.mulf %sub3A_21, %mul3A_22 : vector<2000x128xf32>
    %get3A_24 = arith.constant 0 : index
    %get3A_25 = arith.constant 0 : index
    %get3A_26 = vector.load %arg4[%get3A_24, %get3A_25] : memref<1x128xf32, #tpu.memory_space<vmem>>, vector<1x128xf32>
    %add3A_27 = vector.broadcast %get3A_26 : vector<1x128xf32> to vector<2000x128xf32>
    %add3A_28 = arith.addf %mul3A_23, %add3A_27 : vector<2000x128xf32>
    %max3A = arith.constant 0.000000e+00 : f32
    %max3A_29 = vector.broadcast %max3A : f32 to vector<2000x128xf32>
    %max3A_30 = arith.maximumf %add3A_28, %max3A_29 : vector<2000x128xf32>
    %get3A_31 = arith.constant 0 : index
    %get3A_32 = arith.constant 0 : index
    %get3A_33 = vector.load %arg5[%get3A_31, %get3A_32] : memref<128x16xf32, #tpu.memory_space<vmem>>, vector<128x16xf32>
    %dot_general3A = arith.constant dense<0.000000e+00> : vector<2000x16xf32>
    %dot_general3A_34 = tpu.matmul %max3A_30, %get3A_33, %dot_general3A {dimension_numbers = #tpu.dot_dimension_numbers<[1], [0], [0], [1], [0, 0, 1, 1], [], []>, transpose_lhs_hint = false} : vector<2000x128xf32>, vector<128x16xf32>, vector<2000x16xf32> -> vector<2000x16xf32>
    %get3A_35 = arith.constant 0 : index
    %get3A_36 = arith.constant 0 : index
    %get3A_37 = vector.load %arg6[%get3A_35, %get3A_36] : memref<1x16xf32, #tpu.memory_space<vmem>>, vector<1x16xf32>
    %add3A_38 = vector.broadcast %get3A_37 : vector<1x16xf32> to vector<2000x16xf32>
    %add3A_39 = arith.addf %dot_general3A_34, %add3A_38 : vector<2000x16xf32>
    %reduce_max3A = arith.constant dense<0xFF800000> : vector<2000xf32>
    %reduce_max3A_40 = vector.multi_reduction <maximumf>, %add3A_39, %reduce_max3A [1] : vector<2000x16xf32> to vector<2000xf32>
    %broadcast_in_dim3A = vector.shape_cast %reduce_max3A_40 : vector<2000xf32> to vector<2000x1xf32>
    %sub3A_41 = vector.broadcast %broadcast_in_dim3A : vector<2000x1xf32> to vector<2000x16xf32>
    %sub3A_42 = arith.subf %add3A_39, %sub3A_41 : vector<2000x16xf32>
    %exp3A = math.exp %sub3A_42 : vector<2000x16xf32>
    %reduce_sum3A = arith.constant dense<0.000000e+00> : vector<2000xf32>
    %reduce_sum3A_43 = vector.multi_reduction <add>, %exp3A, %reduce_sum3A [1] : vector<2000x16xf32> to vector<2000xf32>
    %broadcast_in_dim3A_44 = vector.shape_cast %reduce_sum3A_43 : vector<2000xf32> to vector<2000x1xf32>
    %log3A = math.log %broadcast_in_dim3A_44 : vector<2000x1xf32>
    %sub3A_45 = vector.broadcast %broadcast_in_dim3A : vector<2000x1xf32> to vector<2000x16xf32>
    %sub3A_46 = arith.subf %add3A_39, %sub3A_45 : vector<2000x16xf32>
    %sub3A_47 = vector.broadcast %log3A : vector<2000x1xf32> to vector<2000x16xf32>
    %sub3A_48 = arith.subf %sub3A_46, %sub3A_47 : vector<2000x16xf32>
    %swap3A = arith.constant 0 : index
    %swap3A_49 = arith.constant 0 : index
    %swap3A_50 = vector.load %arg7[%swap3A, %swap3A_49] : memref<2000x16xf32, #tpu.memory_space<vmem>>, vector<2000x16xf32>
    tpu.vector_store %arg7[%swap3A, %swap3A_49], %sub3A_48 {strides = array<i32>} : memref<2000x16xf32, #tpu.memory_space<vmem>>, vector<2000x16xf32>,
    return
  }
  func.func @transform_0(%arg0: i32) -> (i32, i32) {
    %c0_i32 = arith.constant 0 : i32
    %c0_i32_0 = arith.constant 0 : i32
    return %arg0, %c0_i32 : i32, i32
  }
  func.func @transform_1(%arg0: i32) -> (i32, i32) {
    %c0_i32 = arith.constant 0 : i32
    %c0_i32_0 = arith.constant 0 : i32
    %c0_i32_1 = arith.constant 0 : i32
    return %c0_i32, %c0_i32_0 : i32, i32
  }
  func.func @transform_2(%arg0: i32) -> (i32, i32) {
    %c0_i32 = arith.constant 0 : i32
    %c0_i32_0 = arith.constant 0 : i32
    %c0_i32_1 = arith.constant 0 : i32
    return %c0_i32, %c0_i32_0 : i32, i32
  }
  func.func @transform_3(%arg0: i32) -> (i32, i32) {
    %c0_i32 = arith.constant 0 : i32
    %c0_i32_0 = arith.constant 0 : i32
    %c0_i32_1 = arith.constant 0 : i32
    return %c0_i32, %c0_i32_0 : i32, i32
  }
  func.func @transform_4(%arg0: i32) -> (i32, i32) {
    %c0_i32 = arith.constant 0 : i32
    %c0_i32_0 = arith.constant 0 : i32
    %c0_i32_1 = arith.constant 0 : i32
    return %c0_i32, %c0_i32_0 : i32, i32
  }
  func.func @transform_5(%arg0: i32) -> (i32, i32) {
    %c0_i32 = arith.constant 0 : i32
    %c0_i32_0 = arith.constant 0 : i32
    %c0_i32_1 = arith.constant 0 : i32
    return %c0_i32, %c0_i32_0 : i32, i32
  }
  func.func @transform_6(%arg0: i32) -> (i32, i32) {
    %c0_i32 = arith.constant 0 : i32
    %c0_i32_0 = arith.constant 0 : i32
    return %arg0, %c0_i32 : i32, i32
  }
}

</mosaic_0001>

<sc_bundles>
// kernel: kernel.10.cloned.1.call-start
scs
__scs_entry_jumppad:
0x0: {  	(pc) =	sbr.rel $0x88, $3  }
0x1: {  	(tag) =	ssettag $0x0;
	lr =	simm.s32 $0x1  }
0x2: {  	[smem:$0x3F93] =	sst lr;
	_ =	strace $0xD0000000  }
0x3: {  	_ = 	snop  }
0x4: {  	_ = 	snop  }
0x5: {  	_ = 	snop  }
0x6: {  	_ = 	snop  }
0x7: {  	_ = 	snop  }
__scs_overlays_trampoline_lowered:
0x8: {  	[smem:$0x3FA2] =	sst s0  }
0x9: {  	[smem:$0x3FA3] =	sst s1  }
0xa: {  	[smem:$0x3FA4] =	sst s2  }
0xb: {  	[smem:$0x3FA5] =	sst s3  }
0xc: {  	[smem:$0x3FA6] =	sst s4  }
0xd: {  	[smem:$0x3FA7] =	sst s5  }
0xe: {  	[smem:$0x3FA8] =	sst s6  }
0xf: {  	[smem:$0x3FA9] =	sst s7  }
0x10: {  	[smem:$0x3FAA] =	sst s8  }
0x11: {  	[smem:$0x3FAB] =	sst s9;
	s0 =	simm.s32 @!p0 $0x0  }
0x12: {  	s1 =	sld [smem:$0x3F91];
	s0 =	simm.s32 @p0 $0x1  }
0x13: {  	[smem:$0x3FAC] =	sst s0;
	s0 =	simm.s32 @!p1 $0x0  }
0x14: {  	s2 =	sld [smem:$0x3F90];
	s0 =	simm.s32 @p1 $0x1  }
0x15: {  	[smem:$0x3FAD] =	sst s0;
	s0 =	simm.s32 @!p2 $0x0  }
0x16: {  	s3 =	sld [smem:$0x3FDB];
	s0 =	simm.s32 @p2 $0x1  }
0x17: {  	s4 =	simm.s32 $0x1BF5;
	[smem:$0x3FAF] =	sst s0  }
0x18: {  	s0 =	sld [smem:$0x3F92];
	_ =	swait.ge [sflag:s4], $0x0  }
0x19: {  	s7 =	sld [smem:$0x3F93]  }
0x1a: {  	s8 =	sadd.s32 $0xFFFFE003, lr  }
0x1b: {  	s9 =	sadd.s32 $0xFFFFFEF7, lr;
	s5 =	simm.s32 $0xFFFFFFFF;
	p2 =	slt.u32 s8, $0xFFFFF086  }
0x1c: {  	p1 =	slt.u32 s9, $0xF7A;
	s5 =	simm.s32 @!p2 $0x0  }
0x1d: {  	s5 =	simm.s32 @p1 $0x1;
	p0 =	seq.s32 s7, s2  }
0x1e: {  	s7 =	smul.u32 @!p0 $0xF7A, s2;
	p2 =	seq.s32 @!p0 s5, $0x0  }
0x1f: {  	s9 =	smul.u32 $0xF7A, s1;
	s8 =	simm.s32 @!p0 $0x1BF5;
	p2 =	por !p2, p0  }
0x20: {  	[sflag:s8] =	ssyncset.s32 @!p0 $0xFFFFF086;
	s6 =	sadd.s32 @!p0 s3, s7;
	s7 =	simm.s32 @!p0 $0x108  }
0x21: {  	s3 =	sadd.s32 s3, s9;
	s6 =	sadd.s32 @!p0 $0x88, s6;
	s7 =	simm.s32 @p2 $0x1082  }
0x22: {  	[simem:s7], [sflag:s8] =	dma.local @!p0 [hbm:s6], $0xF7A  }
0x23: {  	s9 =	sor.u32 $0xD0000000, s2;
	s6 =	simm.s32 $0x108;
	_ =	swait.ge @!p0 [sflag:s8], $0x0  }
0x24: {  	s3 =	sadd.s32 $0x88, s3;
	s6 =	simm.s32 @!p1 $0x1082;
	[sflag:s4] =	ssyncset.s32 $0xFFFFF086  }
0x25: {  	[simem:s6], [sflag:s4] =	dma.local [hbm:s3], $0xF7A  }
0x26: {  	[smem:$0x3F93] =	sst s1;
	(tag) =	ssettag s2;
	_ =	strace s9  }
0x27: {  	s1 =	sld [smem:$0x3FA3]  }
0x28: {  	s2 =	sld [smem:$0x3FA4]  }
0x29: {  	s4 =	sld [smem:$0x3FA6]  }
0x2a: {  	p0 =	seq.s32 s5, $0x0;
	s5 =	sld [smem:$0x3FA7]  }
0x2b: {  	s6 =	sld [smem:$0x3FA8]  }
0x2c: {  	s7 =	sld [smem:$0x3FA9]  }
0x2d: {  	s3 =	simm.s32 $0x108;
	s8 =	sld [smem:$0x3FAA]  }
0x2e: {  	s3 =	simm.s32 @!p0 $0x1082;
	s9 =	sld [smem:$0x3FAB]  }
0x2f: {  	lr =	sadd.s32 s0, s3;
	s0 =	sld [smem:$0x3FA2]  }
0x30: {  	s3 =	sld [smem:$0x3FA5]  }
0x31: {  	[smem:$0x3FAE] =	sst s10  }
0x32: {  	s10 =	sld [smem:$0x3FAC];
	_ =	sdelay $0x3  }
0x33: {  	p0 =	seq.s32 s10, $0x1;
	s10 =	sld [smem:$0x3FAE];
	_ =	sdelay $0x3  }
0x34: {  	[smem:$0x3FAE] =	sst s10  }
0x35: {  	s10 =	sld [smem:$0x3FAD];
	_ =	sdelay $0x3  }
0x36: {  	p1 =	seq.s32 s10, $0x1;
	s10 =	sld [smem:$0x3FAE];
	_ =	sdelay $0x3  }
0x37: {  	[smem:$0x3FAE] =	sst s10  }
0x38: {  	s10 =	sld [smem:$0x3FAF]  }
0x39: {  	_ = 	snop;
	(pc) =	sbr.ind lr, $3  }
0x3a: {  	_ = 	snop  }
0x3b: {  	_ = 	snop  }
0x3c: {  	p2 =	seq.s32 s10, $0x1;
	s10 =	sld [smem:$0x3FAE]  }
0x3d: {  	_ =	shalt  }
0x3e: {  	_ =	shalt  }
0x3f: {  	_ =	shalt  }
0x40: {  	_ =	shalt  }
0x41: {  	_ =	shalt  }
0x42: {  	_ =	shalt  }
0x43: {  	_ =	shalt  }
0x44: {  	_ =	shalt  }
0x45: {  	_ =	shalt  }
0x46: {  	_ =	shalt  }
0x47: {  	_ =	shalt  }
0x48: {  	_ =	shalt  }
0x49: {  	_ =	shalt  }
0x4a: {  	_ =	shalt  }
0x4b: {  	_ =	shalt  }
0x4c: {  	_ =	shalt  }
0x4d: {  	_ =	shalt  }
0x4e: {  	_ =	shalt  }
0x4f: {  	_ =	shalt  }
0x50: {  	_ =	shalt  }
0x51: {  	_ =	shalt  }
0x52: {  	_ =	shalt  }
0x53: {  	_ =	shalt  }
0x54: {  	_ =	shalt  }
0x55: {  	_ =	shalt  }
0x56: {  	_ =	shalt  }
0x57: {  	_ =	shalt  }
0x58: {  	_ =	shalt  }
0x59: {  	_ =	shalt  }
0x5a: {  	_ =	shalt  }
0x5b: {  	_ =	shalt  }
0x5c: {  	_ =	shalt  }
0x5d: {  	_ =	shalt  }
0x5e: {  	_ =	shalt  }
0x5f: {  	_ =	shalt  }
0x60: {  	_ =	shalt  }
0x61: {  	_ =	shalt  }
0x62: {  	_ =	shalt  }
0x63: {  	_ =	shalt  }
0x64: {  	_ =	shalt  }
0x65: {  	_ =	shalt  }
0x66: {  	_ =	shalt  }
0x67: {  	_ =	shalt  }
0x68: {  	_ =	shalt  }
0x69: {  	_ =	shalt  }
0x6a: {  	_ =	shalt  }
0x6b: {  	_ =	shalt  }
0x6c: {  	_ =	shalt  }
0x6d: {  	_ =	shalt  }
0x6e: {  	_ =	shalt  }
0x6f: {  	_ =	shalt  }
0x70: {  	_ =	shalt  }
0x71: {  	_ =	shalt  }
0x72: {  	_ =	shalt  }
0x73: {  	_ =	shalt  }
0x74: {  	_ =	shalt  }
0x75: {  	_ =	shalt  }
0x76: {  	_ =	shalt  }
0x77: {  	_ =	shalt  }
0x78: {  	_ =	shalt  }
0x79: {  	_ =	shalt  }
0x7a: {  	_ =	shalt  }
0x7b: {  	_ =	shalt  }
0x7c: {  	_ =	shalt  }
0x7d: {  	_ =	shalt  }
0x7e: {  	_ =	shalt  }
0x7f: {  	_ =	shalt  }
0x80: {  	_ =	shalt  }
0x81: {  	_ =	shalt  }
0x82: {  	_ =	shalt  }
0x83: {  	_ =	shalt  }
0x84: {  	_ =	shalt  }
0x85: {  	_ =	shalt  }
0x86: {  	_ =	shalt  }
0x87: {  	_ =	shalt  }
.Lfunc_end0:
.L_simem_size_0:
called_computation_lowered:
.L_overlay_start_0:
0x88: {  	s2 =	sld [smem:$0x3FD9]  }
0x89: {  	s3 =	sld [smem:$0x3FFE];
	_ =	sdelay $0x1  }
0x8a: {  	s1 =	srdreg.scid  }
0x8b: {  	s0 =	sand.u32 $0x1, s1  }
0x8c: {  	s17 =	sshll.u32 s0, $0xA;
	s2 =	sadd.s32 s3, s2  }
0x8d: {  	s2 =	sadd.s32 s2, s17  }
0x8e: {  	[smem:$0x3FBA] =	sst s2  }
0x8f: {  	_ = 	snop  }
0x90: {  	s2 =	sld [smem:$0x3FD0];
	(tm) =	ssettm $0x1  }
0x91: {  	s18 =	sld [smem:$0x3FFB];
	_ =	sdelay $0x3  }
0x92: {  	_ =	strace s18  }
0x93: {  	s3 =	sld [smem:$0x3FFC];
	_ =	sdelay $0x3  }
0x94: {  	_ =	strace s3  }
0x95: {  	s3 =	sld [smem:$0x3FFD];
	_ =	sdelay $0x3  }
0x96: {  	_ =	strace s3  }
0x97: {  	_ =	strace $0x8FFFFFFF  }
0x98: {  	s19 =	sld [smem:$0x3FDB];
	_ =	sdelay $0x1  }
0x99: {  	s4 =	simm.s32 $_scs_section_size  }
0x9a: {  	s5 =	simm.s32 $_size__tile_overlayer_lowered;
	s6 =	simm.s32 $_tile_overlayer_lowered  }
0x9b: {  	s22 =	simm.s32 $0x1BFF;
	s21 =	sshll.u32 s6, $0x1;
	s3 =	sadd.s32 s4, s19  }
0x9c: {  	s7 =	simm.s32 $0x0;
	s20 =	sshll.u32 s5, $0x1;
	s5 =	sadd.s32 s21, s3  }
0x9d: {  	[timem:s7], [sflag:s22] =	dma.local [hbm:s5], s20  }
0x9e: {  	_ =	swait.ge [sflag:s22], s20  }
0x9f: {  	s4 =	ssub.s32 $0x0, s20;
	[sflag:s22] =	ssyncset.done $0x0  }
0xa0: {  	[sflag:s22] =	ssyncadd.s32 s4;
	_ =	sdelay $0x1  }
0xa1: {  	s23 =	simm.s32 $0x1B8B  }
0xa2: {  	_ =	swait.ge [sflag:s23], $0x1  }
0xa3: {  	[sflag:s23] =	ssyncset.done $0x0  }
0xa4: {  	s25 =	simm.s32 $0x1B8E;
	s24 =	sld [smem:$0x3FFE];
	[sflag:s23] =	ssyncadd.s32 $0xFFFFFFFF  }
0xa5: {  	s26 =	simm.s32 $execute0_lowered;
	[smem:$0x3FD2] =	sst s25  }
0xa6: {  	s5 =	sshll.u32 s26, $0x1;
	_ =	strace $0x80000046;
	[dreg:$0x1] =	wrdreg $0xFFFFFFFF  }
0xa7: {  	s28 =	simm.s32 $_size_execute0_lowered;
	s3 =	sadd.s32 s3, s5;
	[dreg:$0x0] =	wrdreg $0x0  }
0xa8: {  	s5 =	sshll.u32 s28, $0x1;
	[dreg:$0x2] =	wrdreg s3  }
0xa9: {  	[dreg:$0x3] =	wrdreg s5  }
0xaa: {  	[dreg:$0x4] =	wrdreg $0xC0  }
0xab: {  	_ =	task [dreg:s7], $0x5FFFF  }
0xac: {  	[dreg:$0x1] =	wrdreg $0xFFFFFFFF  }
0xad: {  	[dreg:$0x0] =	wrdreg $0x60  }
0xae: {  	[dreg:$0x2] =	wrdreg s24  }
0xaf: {  	[dreg:$0x3] =	wrdreg s2  }
0xb0: {  	[dreg:$0x4] =	wrdreg $0x2B000  }
0xb1: {  	[dreg:$0x5] =	wrdreg $0x9  }
0xb2: {  	_ =	task.clear_ibuf [dreg:s7], $0x6FFFF;
	_ =	strace $0x90000046  }
0xb3: {  	s29 =	simm.s32 $0x9;
	_ =	strace $0x80000048  }
0xb4: {  	_ =	swait.ge [sflag:s29], $0x1  }
0xb5: {  	[sflag:s29] =	ssyncadd.s32 $0xFFFFFFFF  }
0xb6: {  	_ =	strace $0x90000048  }
0xb7: {  	_ =	sfence  }
0xb8: {  	s30 =	sld [smem:$0x0];
	_ =	sdelay $0x2  }
0xb9: {  	s31 =	sshll.u32 s1, $0xD;
	s1 =	sshrl.u32 s1, $0x2  }
0xba: {  	s3 =	sand.u32 $0x4000, s31;
	s1 =	sadd.s32 s1, s30  }
0xbb: {  	s0 =	sor.u32 s3, s0;
	s1 =	sshll.u32 s1, $0x11  }
0xbc: {  	s0 =	sor.u32 s1, s0  }
0xbd: {  	s0 =	sadd.s32 $0x8F2B, s0  }
0xbe: {  	[sflag:s0] =	ssyncadd.remote.s32 $0x1  }
0xbf: {  	_ =	sfence.sel $0xFFFF  }
0xc0: {  	[dreg:$0x0] =	wrdreg $0xFFFFFFFF;
	(pc) =	sbr.abs _section_cstart, $3  }
0xc1: {  	[dreg:$0x1] =	wrdreg $0xFFFFFFFF  }
0xc2: {  	_ =	task.clear_ibuf [dreg:s7], $0x2FFFF;
	_ =	strace $0x9FFFFFFF  }
0xc3: {  	(tm) =	ssettm $0x7FFFFFFF  }
tec
execute0_lowered:
.L_overlay_start_1:
0x0: {  	(tag) =	ssettag $0x1  }
0x1: {  	s4 =	rddreg [dreg:$0x0]  }
0x2: {  	s6 =	rddreg [dreg:$0x1]  }
0x3: {  	s2 =	rddreg [dreg:$0x2]  }
0x4: {  	s0 =	rddreg [dreg:$0x3]  }
0x5: {  	s3 =	srdreg.scid;
	s1 =	stileid.u32  }
0x6: {  	s11 =	simm.s32 $0x2800;
	s12 =	simm.s32 $0x0;
	s5 =	sand.u32 $0x1, s3  }
0x7: {  	s7 =	sshll.u32 s1, $0x1;
	s8 =	smul.u32 $0x280, s1;
	s3 =	simm.s32 $0x0  }
0x8: {  	s7 =	sor.u32 s5, s7;
	s9 =	smul.u32 $0x2800, s5;
	s5 =	ssub.s32 $0x2, s5  }
0x9: {  	[smem:$0x7FF] =	sst s3;
	s7 =	smul.u32 $0x500, s7;
	s10 =	sshrl.u32 s5, $0x1  }
0xa: {  	_ =	strace $0x80000047;
	s9 =	sadd.s32 s8, s9;
	s10 =	ssub.s32 s5, s10  }
0xb: {  	s7 =	sadd.s32 s7, s4;
	s9 =	sshrl.u32 s9, $0x3;
	s4 =	sadd.s32 s8, s2  }
0xc: {  	s8 =	simm.s32 $0x2880;
	s5 =	sadd.s32 $0x2C00, s7;
	s6 =	sadd.s32 s6, s9  }
0xd: {  	v0 =	vimm.f32 $1.000000000e+00;
	v1 =	vimm.f32 $0.0e+00;
	s7 =	smax.u32 s10, $0x1;
	s9 =	simm.s32 $0x1;
	s10 =	simm.s32 $0x80  }
.LBB2_1:
0xe: {  	[tilespmem:$0x2800] =	vst v0  }
0xf: {  	[tilespmem:$0x2810] =	vst v0  }
0x10: {  	[tilespmem:$0x2820] =	vst v0  }
0x11: {  	[tilespmem:$0x2830] =	vst v0  }
0x12: {  	[tilespmem:$0x2840] =	vst v0  }
0x13: {  	[tilespmem:$0x2850] =	vst v0  }
0x14: {  	[tilespmem:$0x2860] =	vst v0  }
0x15: {  	[tilespmem:$0x2870] =	vst v0  }
0x16: {  	[tilespmem:$0x2880] =	vst v1  }
0x17: {  	[tilespmem:$0x2890] =	vst v1  }
0x18: {  	[tilespmem:$0x28A0] =	vst v1  }
0x19: {  	[tilespmem:$0x28B0] =	vst v1  }
0x1a: {  	[tilespmem:$0x28C0] =	vst v1  }
0x1b: {  	[tilespmem:$0x28D0] =	vst v1  }
0x1c: {  	[tilespmem:$0x28E0] =	vst v1  }
0x1d: {  	[tilespmem:$0x28F0] =	vst v1  }
0x1e: {  	[tilespmem:$0x2900] =	vst v1  }
0x1f: {  	[tilespmem:$0x2910] =	vst v1  }
0x20: {  	[tilespmem:$0x2920] =	vst v1  }
0x21: {  	[tilespmem:$0x2930] =	vst v1  }
0x22: {  	[tilespmem:$0x2940] =	vst v1  }
0x23: {  	[tilespmem:$0x2950] =	vst v1  }
0x24: {  	[tilespmem:$0x2960] =	vst v1  }
0x25: {  	[tilespmem:$0x2970] =	vst v1  }
0x26: {  	[tilespmem:$0x2980] =	vst v1  }
0x27: {  	[tilespmem:$0x2990] =	vst v1  }
0x28: {  	[tilespmem:$0x29A0] =	vst v1  }
0x29: {  	[tilespmem:$0x29B0] =	vst v1  }
0x2a: {  	[tilespmem:$0x29C0] =	vst v1  }
0x2b: {  	[tilespmem:$0x29D0] =	vst v1  }
0x2c: {  	[tilespmem:$0x29E0] =	vst v1  }
0x2d: {  	[tilespmem:$0x29F0] =	vst v1  }
0x2e: {  	[tilespmem:$0x2A00] =	vst v1  }
0x2f: {  	[tilespmem:$0x2A10] =	vst v1  }
0x30: {  	[tilespmem:$0x2A20] =	vst v1  }
0x31: {  	[tilespmem:$0x2A30] =	vst v1  }
0x32: {  	[tilespmem:$0x2A40] =	vst v1  }
0x33: {  	[tilespmem:$0x2A50] =	vst v1  }
0x34: {  	[tilespmem:$0x2A60] =	vst v1  }
0x35: {  	[tilespmem:$0x2A70] =	vst v1  }
0x36: {  	[tilespmem:$0x2A80] =	vst v1  }
0x37: {  	[tilespmem:$0x2A90] =	vst v1  }
0x38: {  	[tilespmem:$0x2AA0] =	vst v1  }
0x39: {  	[tilespmem:$0x2AB0] =	vst v1  }
0x3a: {  	[tilespmem:$0x2AC0] =	vst v1  }
0x3b: {  	[tilespmem:$0x2AD0] =	vst v1  }
0x3c: {  	[tilespmem:$0x2AE0] =	vst v1  }
0x3d: {  	[tilespmem:$0x2AF0] =	vst v1  }
0x3e: {  	[spmem:s4] =	stream.linear.scatter [tilespmem:s8], [sflag:$0x1], $0x280, $0x38;
	[tilespmem:$0x2D80] =	vst v63  }
0x3f: {  	_ =	swait.ge [sflag:s9], $0x280  }
0x40: {  	[sflag:s9] =	ssyncset.done $0x0  }
0x41: {  	[sflag:s9] =	ssyncadd.s32 $0xFFFFFD80  }
0x42: {  	[tilespmem:s3], [sflag:$0x1] =	stream.linear.gather [hbm4b:s5+s3], $0x2800, $0x38;
	[tilespmem:$0x2D80] =	vst v63  }
0x43: {  	_ =	swait.ge [sflag:s9], $0x2800  }
0x44: {  	[sflag:s9] =	ssyncset.done $0x0  }
0x45: {  	[sflag:s9] =	ssyncadd.s32 $0xFFFFD800  }
0x46: {  	s13 =	simm.s32 $0x0;
	[bflag:$0x0] =	sbarrier.arrive $0xFFFF  }
0x47: {  	[spmem:s2] =	stream.indirect.scatter.add.f32 [tilespmem:s11], [sflag:$0x1], $0x1, s13, s10, $0xb8;
	[tilespmem:$0x2D80] =	vst v63  }
0x48: {  	_ =	swait.ge [sflag:s9], $0x80  }
0x49: {  	s13 =	simm.s32 $0x200;
	[sflag:s9] =	ssyncset.done $0x0  }
.LBB2_2:
0x4a: {  	s14 =	sshra.s32 s13, $0x2;
	[sflag:s9] =	ssyncadd.s32 $0xFFFFFF80;
	p0 =	sne.s32 s13, $0x9E00  }
0x4b: {  	[spmem:s2] =	stream.indirect.scatter.add.f32 [tilespmem:s11], [sflag:$0x1], $0x1, s14, s10, $0xb8;
	[tilespmem:$0x2D80] =	vst v63  }
.Ltmp0:
0x4c: {  	_ = 	snop;
	(pc) =	sbr.rel @p0 .LBB2_2-.Ltmp0, $4  }
0x4d: {  	_ = 	snop  }
0x4e: {  	s13 =	sadd.s32 $0x200, s13  }
0x4f: {  	_ =	swait.ge [sflag:s9], $0x80  }
0x50: {  	[sflag:s9] =	ssyncset.done $0x0  }
0x51: {  	[sflag:s9] =	ssyncadd.s32 $0xFFFFFF80  }
0x52: {  	[bflag:$0x0] =	sbarrier.arrive $0xFFFF  }
0x53: {  	[tilespmem:s8], [sflag:$0x1] =	stream.linear.gather [spmem:s4], $0x280, $0x38;
	[tilespmem:$0x2D80] =	vst v63  }
0x54: {  	s12 =	sadd.s32 $0x1, s12;
	_ =	swait.ge [sflag:s9], $0x280  }
0x55: {  	p0 =	sne.s32 s12, s7;
	[sflag:s9] =	ssyncset.done $0x0  }
.Ltmp1:
0x56: {  	[sflag:s9] =	ssyncadd.s32 $0xFFFFFD80;
	(pc) =	sbr.rel @p0 .LBB2_1-.Ltmp1, $4  }
0x57: {  	[hbm4b:s6+s3] =	stream.linear.scatter [tilespmem:s8], [sflag:$0x1], $0x280, $0x38;
	[tilespmem:$0x2D80] =	vst v63  }
0x58: {  	_ =	swait.ge [sflag:s9], $0x280  }
0x59: {  	[sflag:s9] =	ssyncset.done $0x0  }
0x5a: {  	[sflag:s9] =	ssyncadd.s32 $0xFFFFFD80  }
0x5b: {  	_ =	sfence.sel $0x180000  }
0x5c: {  	[bflag:$0x0] =	sbarrier.arrive $0xFFFF  }
0x5d: {  	p0 =	sne.s32 s1, $0x0;
	_ =	strace $0x90000047  }
0x5e: {  	s0 =	sadd.s32 @!p0 $0x100000, s0;
	[bflag:$0x2] =	sbarrier.arrive $0xFFFF  }
0x5f: {  	[sflag:s0] =	ssyncadd.tile.s32 @!p0 $0x1;
	_ =	shalt  }
.Lfunc_end2:
_tile_overlayer_lowered:
.L_overlay_start_2:
0x60: {  	(tag) =	ssettag $0x2  }
0x61: {  	s0 =	rddreg [dreg:$0x0];
	s2 =	stileid.u32  }
0x62: {  	s1 =	rddreg [dreg:$0x1];
	p0 =	sne.s32 s2, $0x0  }
0x63: {  	s3 =	rddreg [dreg:$0x2];
	[bflag:$0x3] =	sbarrier.arrive $0xFFFF;
	s2 =	simm.s32 @!p0 $0x1C01  }
0x64: {  	[timem:s3], [sflag:s2] =	dma.local @!p0 [hbm:s0], s1  }
0x65: {  	s0 =	simm.s32 @!p0 $0x1  }
0x66: {  	_ =	swait.ge @!p0 [sflag:s0], s1  }
0x67: {  	s1 =	ssub.s32 @!p0 $0x0, s1;
	[sflag:s0] =	ssyncset.done @!p0 $0x0  }
0x68: {  	[sflag:s0] =	ssyncadd.s32 @!p0 s1  }
0x69: {  	[bflag:$0x3] =	sbarrier.arrive $0xFFFF  }
0x6a: {  	_ =	shalt  }

// kernel: kernel.13.cloned.1.call-start
scs
__scs_entry_jumppad:
0x0: {  	(pc) =	sbr.rel $0x88, $3  }
0x1: {  	(tag) =	ssettag $0x0;
	lr =	simm.s32 $0x1  }
0x2: {  	[smem:$0x3F93] =	sst lr;
	_ =	strace $0xD0000000  }
0x3: {  	_ = 	snop  }
0x4: {  	_ = 	snop  }
0x5: {  	_ = 	snop  }
0x6: {  	_ = 	snop  }
0x7: {  	_ = 	snop  }
__scs_overlays_trampoline_lowered:
0x8: {  	[smem:$0x3FA2] =	sst s0  }
0x9: {  	[smem:$0x3FA3] =	sst s1  }
0xa: {  	[smem:$0x3FA4] =	sst s2  }
0xb: {  	[smem:$0x3FA5] =	sst s3  }
0xc: {  	[smem:$0x3FA6] =	sst s4  }
0xd: {  	[smem:$0x3FA7] =	sst s5  }
0xe: {  	[smem:$0x3FA8] =	sst s6  }
0xf: {  	[smem:$0x3FA9] =	sst s7  }
0x10: {  	[smem:$0x3FAA] =	sst s8  }
0x11: {  	[smem:$0x3FAB] =	sst s9;
	s0 =	simm.s32 @!p0 $0x0  }
0x12: {  	s1 =	sld [smem:$0x3F91];
	s0 =	simm.s32 @p0 $0x1  }
0x13: {  	[smem:$0x3FAC] =	sst s0;
	s0 =	simm.s32 @!p1 $0x0  }
0x14: {  	s2 =	sld [smem:$0x3F90];
	s0 =	simm.s32 @p1 $0x1  }
0x15: {  	[smem:$0x3FAD] =	sst s0;
	s0 =	simm.s32 @!p2 $0x0  }
0x16: {  	s3 =	sld [smem:$0x3FDB];
	s0 =	simm.s32 @p2 $0x1  }
0x17: {  	s4 =	simm.s32 $0x1BF5;
	[smem:$0x3FAF] =	sst s0  }
0x18: {  	s0 =	sld [smem:$0x3F92];
	_ =	swait.ge [sflag:s4], $0x0  }
0x19: {  	s7 =	sld [smem:$0x3F93]  }
0x1a: {  	s8 =	sadd.s32 $0xFFFFE003, lr  }
0x1b: {  	s9 =	sadd.s32 $0xFFFFFEF7, lr;
	s5 =	simm.s32 $0xFFFFFFFF;
	p2 =	slt.u32 s8, $0xFFFFF086  }
0x1c: {  	p1 =	slt.u32 s9, $0xF7A;
	s5 =	simm.s32 @!p2 $0x0  }
0x1d: {  	s5 =	simm.s32 @p1 $0x1;
	p0 =	seq.s32 s7, s2  }
0x1e: {  	s7 =	smul.u32 @!p0 $0xF7A, s2;
	p2 =	seq.s32 @!p0 s5, $0x0  }
0x1f: {  	s9 =	smul.u32 $0xF7A, s1;
	s8 =	simm.s32 @!p0 $0x1BF5;
	p2 =	por !p2, p0  }
0x20: {  	[sflag:s8] =	ssyncset.s32 @!p0 $0xFFFFF086;
	s6 =	sadd.s32 @!p0 s3, s7;
	s7 =	simm.s32 @!p0 $0x108  }
0x21: {  	s3 =	sadd.s32 s3, s9;
	s6 =	sadd.s32 @!p0 $0x88, s6;
	s7 =	simm.s32 @p2 $0x1082  }
0x22: {  	[simem:s7], [sflag:s8] =	dma.local @!p0 [hbm:s6], $0xF7A  }
0x23: {  	s9 =	sor.u32 $0xD0000000, s2;
	s6 =	simm.s32 $0x108;
	_ =	swait.ge @!p0 [sflag:s8], $0x0  }
0x24: {  	s3 =	sadd.s32 $0x88, s3;
	s6 =	simm.s32 @!p1 $0x1082;
	[sflag:s4] =	ssyncset.s32 $0xFFFFF086  }
0x25: {  	[simem:s6], [sflag:s4] =	dma.local [hbm:s3], $0xF7A  }
0x26: {  	[smem:$0x3F93] =	sst s1;
	(tag) =	ssettag s2;
	_ =	strace s9  }
0x27: {  	s1 =	sld [smem:$0x3FA3]  }
0x28: {  	s2 =	sld [smem:$0x3FA4]  }
0x29: {  	s4 =	sld [smem:$0x3FA6]  }
0x2a: {  	p0 =	seq.s32 s5, $0x0;
	s5 =	sld [smem:$0x3FA7]  }
0x2b: {  	s6 =	sld [smem:$0x3FA8]  }
0x2c: {  	s7 =	sld [smem:$0x3FA9]  }
0x2d: {  	s3 =	simm.s32 $0x108;
	s8 =	sld [smem:$0x3FAA]  }
0x2e: {  	s3 =	simm.s32 @!p0 $0x1082;
	s9 =	sld [smem:$0x3FAB]  }
0x2f: {  	lr =	sadd.s32 s0, s3;
	s0 =	sld [smem:$0x3FA2]  }
0x30: {  	s3 =	sld [smem:$0x3FA5]  }
0x31: {  	[smem:$0x3FAE] =	sst s10  }
0x32: {  	s10 =	sld [smem:$0x3FAC];
	_ =	sdelay $0x3  }
0x33: {  	p0 =	seq.s32 s10, $0x1;
	s10 =	sld [smem:$0x3FAE];
	_ =	sdelay $0x3  }
0x34: {  	[smem:$0x3FAE] =	sst s10  }
0x35: {  	s10 =	sld [smem:$0x3FAD];
	_ =	sdelay $0x3  }
0x36: {  	p1 =	seq.s32 s10, $0x1;
	s10 =	sld [smem:$0x3FAE];
	_ =	sdelay $0x3  }
0x37: {  	[smem:$0x3FAE] =	sst s10  }
0x38: {  	s10 =	sld [smem:$0x3FAF]  }
0x39: {  	_ = 	snop;
	(pc) =	sbr.ind lr, $3  }
0x3a: {  	_ = 	snop  }
0x3b: {  	_ = 	snop  }
0x3c: {  	p2 =	seq.s32 s10, $0x1;
	s10 =	sld [smem:$0x3FAE]  }
0x3d: {  	_ =	shalt  }
0x3e: {  	_ =	shalt  }
0x3f: {  	_ =	shalt  }
0x40: {  	_ =	shalt  }
0x41: {  	_ =	shalt  }
0x42: {  	_ =	shalt  }
0x43: {  	_ =	shalt  }
0x44: {  	_ =	shalt  }
0x45: {  	_ =	shalt  }
0x46: {  	_ =	shalt  }
0x47: {  	_ =	shalt  }
0x48: {  	_ =	shalt  }
0x49: {  	_ =	shalt  }
0x4a: {  	_ =	shalt  }
0x4b: {  	_ =	shalt  }
0x4c: {  	_ =	shalt  }
0x4d: {  	_ =	shalt  }
0x4e: {  	_ =	shalt  }
0x4f: {  	_ =	shalt  }
0x50: {  	_ =	shalt  }
0x51: {  	_ =	shalt  }
0x52: {  	_ =	shalt  }
0x53: {  	_ =	shalt  }
0x54: {  	_ =	shalt  }
0x55: {  	_ =	shalt  }
0x56: {  	_ =	shalt  }
0x57: {  	_ =	shalt  }
0x58: {  	_ =	shalt  }
0x59: {  	_ =	shalt  }
0x5a: {  	_ =	shalt  }
0x5b: {  	_ =	shalt  }
0x5c: {  	_ =	shalt  }
0x5d: {  	_ =	shalt  }
0x5e: {  	_ =	shalt  }
0x5f: {  	_ =	shalt  }
0x60: {  	_ =	shalt  }
0x61: {  	_ =	shalt  }
0x62: {  	_ =	shalt  }
0x63: {  	_ =	shalt  }
0x64: {  	_ =	shalt  }
0x65: {  	_ =	shalt  }
0x66: {  	_ =	shalt  }
0x67: {  	_ =	shalt  }
0x68: {  	_ =	shalt  }
0x69: {  	_ =	shalt  }
0x6a: {  	_ =	shalt  }
0x6b: {  	_ =	shalt  }
0x6c: {  	_ =	shalt  }
0x6d: {  	_ =	shalt  }
0x6e: {  	_ =	shalt  }
0x6f: {  	_ =	shalt  }
0x70: {  	_ =	shalt  }
0x71: {  	_ =	shalt  }
0x72: {  	_ =	shalt  }
0x73: {  	_ =	shalt  }
0x74: {  	_ =	shalt  }
0x75: {  	_ =	shalt  }
0x76: {  	_ =	shalt  }
0x77: {  	_ =	shalt  }
0x78: {  	_ =	shalt  }
0x79: {  	_ =	shalt  }
0x7a: {  	_ =	shalt  }
0x7b: {  	_ =	shalt  }
0x7c: {  	_ =	shalt  }
0x7d: {  	_ =	shalt  }
0x7e: {  	_ =	shalt  }
0x7f: {  	_ =	shalt  }
0x80: {  	_ =	shalt  }
0x81: {  	_ =	shalt  }
0x82: {  	_ =	shalt  }
0x83: {  	_ =	shalt  }
0x84: {  	_ =	shalt  }
0x85: {  	_ =	shalt  }
0x86: {  	_ =	shalt  }
0x87: {  	_ =	shalt  }
.Lfunc_end0:
.L_simem_size_0:
called_computation.1_lowered:
.L_overlay_start_0:
0x88: {  	s2 =	sld [smem:$0x3FD9]  }
0x89: {  	s3 =	sld [smem:$0x3FFE];
	_ =	sdelay $0x1  }
0x8a: {  	s1 =	srdreg.scid  }
0x8b: {  	s0 =	sand.u32 $0x1, s1  }
0x8c: {  	s16 =	sshll.u32 s0, $0xA;
	s2 =	sadd.s32 s3, s2  }
0x8d: {  	s2 =	sadd.s32 s2, s16  }
0x8e: {  	[smem:$0x3FBA] =	sst s2  }
0x8f: {  	_ = 	snop  }
0x90: {  	(tm) =	ssettm $0x1  }
0x91: {  	s17 =	sld [smem:$0x3FFB];
	_ =	sdelay $0x3  }
0x92: {  	_ =	strace s17  }
0x93: {  	s2 =	sld [smem:$0x3FFC];
	_ =	sdelay $0x3  }
0x94: {  	_ =	strace s2  }
0x95: {  	s2 =	sld [smem:$0x3FFD];
	_ =	sdelay $0x3  }
0x96: {  	_ =	strace s2  }
0x97: {  	_ =	strace $0x8FFFFFFF  }
0x98: {  	s18 =	sld [smem:$0x3FDB];
	_ =	sdelay $0x1  }
0x99: {  	s19 =	simm.s32 $_scs_section_size  }
0x9a: {  	s4 =	simm.s32 $_size__tile_overlayer_lowered;
	s5 =	simm.s32 $_tile_overlayer_lowered  }
0x9b: {  	s22 =	simm.s32 $0x1BFF;
	s21 =	sshll.u32 s5, $0x1;
	s2 =	sadd.s32 s19, s18  }
0x9c: {  	s6 =	simm.s32 $0x0;
	s20 =	sshll.u32 s4, $0x1;
	s4 =	sadd.s32 s21, s2  }
0x9d: {  	[timem:s6], [sflag:s22] =	dma.local [hbm:s4], s20  }
0x9e: {  	_ =	swait.ge [sflag:s22], s20  }
0x9f: {  	s3 =	ssub.s32 $0x0, s20;
	[sflag:s22] =	ssyncset.done $0x0  }
0xa0: {  	[sflag:s22] =	ssyncadd.s32 s3;
	_ =	sdelay $0x1  }
0xa1: {  	s23 =	simm.s32 $0x1B8B  }
0xa2: {  	_ =	swait.ge [sflag:s23], $0x1  }
0xa3: {  	[sflag:s23] =	ssyncset.done $0x0  }
0xa4: {  	s25 =	simm.s32 $0x1B8E;
	s24 =	sld [smem:$0x3FFE];
	[sflag:s23] =	ssyncadd.s32 $0xFFFFFFFF  }
0xa5: {  	s26 =	simm.s32 $execute0_lowered;
	[smem:$0x3FD2] =	sst s25  }
0xa6: {  	s4 =	sshll.u32 s26, $0x1;
	_ =	strace $0x80000049;
	[dreg:$0x1] =	wrdreg $0xFFFFFFFF  }
0xa7: {  	s28 =	simm.s32 $_size_execute0_lowered;
	s2 =	sadd.s32 s2, s4;
	[dreg:$0x0] =	wrdreg $0x0  }
0xa8: {  	s4 =	sshll.u32 s28, $0x1;
	[dreg:$0x2] =	wrdreg s2  }
0xa9: {  	[dreg:$0x3] =	wrdreg s4  }
0xaa: {  	[dreg:$0x4] =	wrdreg $0xC0  }
0xab: {  	_ =	task [dreg:s6], $0x5FFFF  }
0xac: {  	[dreg:$0x1] =	wrdreg $0xFFFFFFFF  }
0xad: {  	[dreg:$0x0] =	wrdreg $0x60  }
0xae: {  	[dreg:$0x2] =	wrdreg s24  }
0xaf: {  	[dreg:$0x3] =	wrdreg $0x144000  }
0xb0: {  	[dreg:$0x4] =	wrdreg $0x9  }
0xb1: {  	_ =	task.clear_ibuf [dreg:s6], $0x5FFFF;
	_ =	strace $0x90000049  }
0xb2: {  	s29 =	simm.s32 $0x9;
	_ =	strace $0x8000004B  }
0xb3: {  	_ =	swait.ge [sflag:s29], $0x1  }
0xb4: {  	[sflag:s29] =	ssyncadd.s32 $0xFFFFFFFF  }
0xb5: {  	_ =	strace $0x9000004B  }
0xb6: {  	_ =	sfence  }
0xb7: {  	s30 =	sld [smem:$0x0];
	_ =	sdelay $0x2  }
0xb8: {  	s31 =	sshll.u32 s1, $0xD;
	s1 =	sshrl.u32 s1, $0x2  }
0xb9: {  	s3 =	sand.u32 $0x4000, s31;
	s1 =	sadd.s32 s1, s30  }
0xba: {  	s0 =	sor.u32 s3, s0;
	s1 =	sshll.u32 s1, $0x11  }
0xbb: {  	s0 =	sor.u32 s1, s0  }
0xbc: {  	s0 =	sadd.s32 $0x8F2B, s0  }
0xbd: {  	[sflag:s0] =	ssyncadd.remote.s32 $0x1  }
0xbe: {  	_ =	sfence.sel $0xFFFF  }
0xbf: {  	[dreg:$0x0] =	wrdreg $0xFFFFFFFF;
	(pc) =	sbr.abs _section_cstart, $3  }
0xc0: {  	[dreg:$0x1] =	wrdreg $0xFFFFFFFF  }
0xc1: {  	_ =	task.clear_ibuf [dreg:s6], $0x2FFFF;
	_ =	strace $0x9FFFFFFF  }
0xc2: {  	(tm) =	ssettm $0x7FFFFFFF  }
0xc3: {  	_ =	shalt  }
tec
execute0_lowered:
.L_overlay_start_1:
0x0: {  	(tag) =	ssettag $0x1  }
0x1: {  	s0 =	rddreg [dreg:$0x0];
	s10 =	stileid.u32  }
0x2: {  	s1 =	srdreg.scid;
	s6 =	smul.u32 $0xA00, s10  }
0x3: {  	s2 =	rddreg [dreg:$0x1];
	s8 =	smul.u32 $0x28000, s10  }
0x4: {  	s3 =	simm.s32 $0x0;
	s1 =	sand.u32 $0x1, s1;
	s10 =	smul.u32 $0xA000, s10  }
0x5: {  	[smem:$0x7FF] =	sst s3;
	s5 =	smul.u32 $0xA000, s1;
	s7 =	ssub.s32 $0x2, s1  }
0x6: {  	_ =	strace $0x8000004A;
	s9 =	sshrl.u32 s7, $0x1;
	s22 =	sshrl.u32 s8, $0x2  }
0x7: {  	s25 =	sadd.s32 s10, s2;
	s29 =	sadd.s32 $0x4000, s10;
	s14 =	sadd.s32 $0x8000, s10  }
0x8: {  	s5 =	sadd.s32 s6, s5;
	[dreg:$0x5] =	wrdreg s25;
	s11 =	sadd.s32 s29, s2  }
0x9: {  	s6 =	sadd.s32 s6, s0;
	s15 =	sadd.s32 s14, s2;
	[dreg:$0x9] =	wrdreg s11  }
0xa: {  	s24 =	sadd.s32 $0x2000, s10;
	s21 =	sadd.s32 $0x20C00, s6;
	[dreg:$0xd] =	wrdreg s15  }
0xb: {  	s9 =	ssub.s32 s7, s9;
	s6 =	sadd.s32 s24, s2;
	[dreg:$0x4] =	wrdreg s21  }
0xc: {  	s7 =	sadd.s32 s22, s2;
	s16 =	smax.u32 s9, $0x1;
	[dreg:$0x7] =	wrdreg s6  }
0xd: {  	s17 =	sadd.s32 $0x400, s7;
	[dreg:$0xf] =	wrdreg s16  }
0xe: {  	s18 =	sadd.s32 $0x800, s7;
	[dreg:$0x10] =	wrdreg s17  }
0xf: {  	s19 =	sadd.s32 $0xC00, s7;
	[dreg:$0x11] =	wrdreg s18  }
0x10: {  	s1 =	smul.u32 $0xA0000, s1;
	s20 =	sadd.s32 $0x1000, s7;
	[dreg:$0x12] =	wrdreg s19  }
0x11: {  	s22 =	sadd.s32 $0x1800, s7;
	[dreg:$0x13] =	wrdreg s20  }
0x12: {  	s26 =	sadd.s32 s1, s24;
	s24 =	sadd.s32 $0x2000, s7;
	[dreg:$0x15] =	wrdreg s22  }
0x13: {  	s25 =	sadd.s32 $0x2400, s7;
	[dreg:$0x17] =	wrdreg s24  }
0x14: {  	s28 =	sshrl.u32 s26, $0x3;
	s26 =	sadd.s32 $0x2800, s7;
	[dreg:$0x18] =	wrdreg s25  }
0x15: {  	s30 =	sadd.s32 s1, s29;
	s29 =	sadd.s32 $0x3000, s7;
	[dreg:$0x19] =	wrdreg s26  }
0x16: {  	s8 =	sadd.s32 $0x4400, s7;
	[dreg:$0x1b] =	wrdreg s29  }
0x17: {  	s12 =	sadd.s32 $0x6000, s10;
	s9 =	sadd.s32 $0x4800, s7;
	[smem:$0x7E8] =	sst s8  }
0x18: {  	s23 =	sadd.s32 s10, s1;
	s10 =	sadd.s32 $0x4C00, s7;
	[smem:$0x7E9] =	sst s9  }
0x19: {  	s13 =	sadd.s32 s1, s12;
	s11 =	sadd.s32 $0x5000, s7;
	[smem:$0x7EA] =	sst s10  }
0x1a: {  	s1 =	sadd.s32 s1, s14;
	s14 =	sadd.s32 $0x5C00, s7;
	[smem:$0x7EB] =	sst s11  }
0x1b: {  	s5 =	sadd.s32 s5, s0;
	s15 =	sadd.s32 $0x6000, s7;
	[smem:$0x7EE] =	sst s14  }
0x1c: {  	s5 =	sadd.s32 $0xCC00, s5;
	[smem:$0x7EF] =	sst s15  }
0x1d: {  	s6 =	sadd.s32 s12, s2;
	[dreg:$0x3] =	wrdreg s5  }
0x1e: {  	s21 =	sadd.s32 $0x1400, s7;
	[dreg:$0xb] =	wrdreg s6  }
0x1f: {  	s4 =	sadd.s32 $0x78E00, s0;
	s12 =	sadd.s32 $0x5400, s7;
	[dreg:$0x14] =	wrdreg s21  }
0x20: {  	s0 =	sadd.s32 $0x2AC00, s0;
	s16 =	sadd.s32 $0x6400, s7;
	[smem:$0x7EC] =	sst s12  }
0x21: {  	s1 =	sshrl.u32 s1, $0x3;
	s17 =	sadd.s32 $0x6800, s7;
	[smem:$0x7F0] =	sst s16  }
0x22: {  	s31 =	sadd.s32 $0x9C00, s7;
	s18 =	sadd.s32 $0x6C00, s7;
	[smem:$0x7F1] =	sst s17  }
0x23: {  	s19 =	sadd.s32 $0x7000, s7;
	s20 =	sadd.s32 $0x7400, s7;
	[smem:$0x7F2] =	sst s18  }
0x24: {  	s22 =	sadd.s32 $0x7C00, s7;
	s24 =	sadd.s32 $0x8400, s7;
	[smem:$0x7F3] =	sst s19  }
0x25: {  	s25 =	sadd.s32 $0x8800, s7;
	s26 =	sadd.s32 $0x8C00, s7;
	[smem:$0x7F4] =	sst s20  }
0x26: {  	s29 =	sadd.s32 $0x9400, s7;
	s8 =	simm.s32 $0xC000;
	[smem:$0x7F6] =	sst s22  }
0x27: {  	s9 =	simm.s32 $0xE000;
	s10 =	simm.s32 $0x14000;
	[smem:$0x7F8] =	sst s24  }
0x28: {  	s11 =	simm.s32 $0xB;
	s14 =	simm.s32 $0x2;
	[smem:$0x7F9] =	sst s25  }
0x29: {  	s15 =	simm.s32 $0x12000;
	s5 =	sshrl.u32 s23, $0x3;
	[smem:$0x7FA] =	sst s26  }
0x2a: {  	s23 =	sadd.s32 $0x1C00, s7;
	s6 =	sadd.s32 $0x4000, s7;
	[smem:$0x7FC] =	sst s29  }
0x2b: {  	s21 =	sadd.s32 $0x7800, s7;
	s26 =	simm.s32 $0x5000;
	[dreg:$0x16] =	wrdreg s23  }
0x2c: {  	s12 =	simm.s32 $0x1;
	s16 =	simm.s32 $0x3;
	[dreg:$0x1f] =	wrdreg s6  }
0x2d: {  	s17 =	simm.s32 $0x6;
	s5 =	sadd.s32 s0, s5;
	[smem:$0x7F5] =	sst s21  }
0x2e: {  	s18 =	simm.s32 $0x4;
	s23 =	sadd.s32 $0x8000, s7;
	[dreg:$0x6] =	wrdreg s5  }
0x2f: {  	s19 =	simm.s32 $0x7;
	s5 =	sadd.s32 s0, s28;
	[smem:$0x7F7] =	sst s23  }
0x30: {  	s20 =	simm.s32 $0x5;
	s28 =	sadd.s32 $0x2C00, s7;
	[dreg:$0x8] =	wrdreg s5  }
0x31: {  	s5 =	sshrl.u32 s30, $0x3;
	[dreg:$0x1a] =	wrdreg s28;
	s30 =	sadd.s32 $0x3400, s7  }
0x32: {  	s22 =	simm.s32 $0x9;
	s28 =	sadd.s32 $0x9000, s7;
	[dreg:$0x1c] =	wrdreg s30  }
0x33: {  	s24 =	simm.s32 $0x0;
	s5 =	sadd.s32 s0, s5;
	[smem:$0x7FB] =	sst s28  }
0x34: {  	s6 =	simm.s32 $0xA000;
	s30 =	sadd.s32 $0x9800, s7;
	[dreg:$0xa] =	wrdreg s5  }
0x35: {  	s5 =	sshrl.u32 s13, $0x3;
	s13 =	sadd.s32 $0x5800, s7;
	[smem:$0x7FD] =	sst s30  }
.Ltmp0:
0x36: {  	s5 =	sadd.s32 s0, s5;
	[smem:$0x7ED] =	sst s13;
	(pc) =	sbr.rel .LBB2_1-.Ltmp0, $4  }
0x37: {  	s21 =	simm.s32 $0x8;
	s0 =	sadd.s32 s0, s1;
	[dreg:$0xc] =	wrdreg s5  }
0x38: {  	s23 =	simm.s32 $0xA;
	s1 =	sadd.s32 $0x3800, s7;
	[dreg:$0xe] =	wrdreg s0  }
0x39: {  	s13 =	simm.s32 $0x10000;
	[dreg:$0x1d] =	wrdreg s1;
	s5 =	sadd.s32 $0x3C00, s7  }
0x3a: {  	v0 =	vimm.f32 $0.0e+00;
	s0 =	simm.s32 $0xC;
	[dreg:$0x1e] =	wrdreg s5;
	s5 =	simm.s32 $0x80  }
.LBB2_6:
0x3b: {  	_ =	swait.ge [sflag:s17], $0x2000  }
0x3c: {  	[sflag:s17] =	ssyncset.done $0x0  }
0x3d: {  	[sflag:s17] =	ssyncadd.s32 $0xFFFFE000  }
0x3e: {  	_ =	swait.ge [sflag:s19], $0x2000  }
0x3f: {  	[sflag:s19] =	ssyncset.done $0x0  }
0x40: {  	[sflag:s19] =	ssyncadd.s32 $0xFFFFE000  }
0x41: {  	_ =	swait.ge [sflag:s21], $0x2000  }
0x42: {  	[sflag:s21] =	ssyncset.done $0x0  }
0x43: {  	[sflag:s21] =	ssyncadd.s32 $0xFFFFE000  }
0x44: {  	_ =	swait.ge [sflag:s22], $0x2000  }
0x45: {  	[sflag:s22] =	ssyncset.done $0x0  }
0x46: {  	[sflag:s22] =	ssyncadd.s32 $0xFFFFE000  }
0x47: {  	_ =	swait.ge [sflag:s23], $0x2000  }
0x48: {  	[sflag:s23] =	ssyncset.done $0x0  }
0x49: {  	[sflag:s23] =	ssyncadd.s32 $0xFFFFE000  }
0x4a: {  	[bflag:$0x0] =	sbarrier.arrive $0xFFFF  }
0x4b: {  	s1 =	rddreg [dreg:$0x5]  }
0x4c: {  	[tilespmem:s6], [sflag:$0x1] =	stream.linear.gather [spmem:s1], $0x2000, $0x38;
	[tilespmem:$0x1E400] =	vst v63  }
0x4d: {  	_ =	swait.ge [sflag:s12], $0x2000  }
0x4e: {  	[sflag:s12] =	ssyncset.done $0x0  }
0x4f: {  	s25 =	rddreg [dreg:$0x6];
	[sflag:s12] =	ssyncadd.s32 $0xFFFFE000  }
0x50: {  	[hbm4b:s25+s3] =	stream.linear.scatter [tilespmem:s6], [sflag:$0x6], $0x2000, $0x38;
	[tilespmem:$0x1E400] =	vst v63  }
0x51: {  	s26 =	rddreg [dreg:$0x7]  }
0x52: {  	[tilespmem:s8], [sflag:$0x2] =	stream.linear.gather [spmem:s26], $0x2000, $0x38;
	[tilespmem:$0x1E400] =	vst v63  }
0x53: {  	_ =	swait.ge [sflag:s14], $0x2000  }
0x54: {  	[sflag:s14] =	ssyncset.done $0x0  }
0x55: {  	s28 =	rddreg [dreg:$0x8];
	[sflag:s14] =	ssyncadd.s32 $0xFFFFE000  }
0x56: {  	[hbm4b:s28+s3] =	stream.linear.scatter [tilespmem:s8], [sflag:$0x7], $0x2000, $0x38;
	[tilespmem:$0x1E400] =	vst v63  }
0x57: {  	s29 =	rddreg [dreg:$0x9]  }
0x58: {  	[tilespmem:s9], [sflag:$0x3] =	stream.linear.gather [spmem:s29], $0x2000, $0x38;
	[tilespmem:$0x1E400] =	vst v63  }
0x59: {  	_ =	swait.ge [sflag:s16], $0x2000  }
0x5a: {  	[sflag:s16] =	ssyncset.done $0x0  }
0x5b: {  	s30 =	rddreg [dreg:$0xa];
	[sflag:s16] =	ssyncadd.s32 $0xFFFFE000  }
0x5c: {  	[hbm4b:s30+s3] =	stream.linear.scatter [tilespmem:s9], [sflag:$0x8], $0x2000, $0x38;
	[tilespmem:$0x1E400] =	vst v63  }
0x5d: {  	s25 =	rddreg [dreg:$0xb]  }
0x5e: {  	[tilespmem:s13], [sflag:$0x4] =	stream.linear.gather [spmem:s25], $0x2000, $0x38;
	[tilespmem:$0x1E400] =	vst v63  }
0x5f: {  	_ =	swait.ge [sflag:s18], $0x2000  }
0x60: {  	[sflag:s18] =	ssyncset.done $0x0  }
0x61: {  	s26 =	rddreg [dreg:$0xc];
	[sflag:s18] =	ssyncadd.s32 $0xFFFFE000  }
0x62: {  	[hbm4b:s26+s3] =	stream.linear.scatter [tilespmem:s13], [sflag:$0x9], $0x2000, $0x38;
	[tilespmem:$0x1E400] =	vst v63  }
0x63: {  	s28 =	rddreg [dreg:$0xd]  }
0x64: {  	[tilespmem:s15], [sflag:$0x5] =	stream.linear.gather [spmem:s28], $0x2000, $0x38;
	[tilespmem:$0x1E400] =	vst v63  }
0x65: {  	_ =	swait.ge [sflag:s20], $0x2000  }
0x66: {  	[sflag:s20] =	ssyncset.done $0x0  }
0x67: {  	s29 =	rddreg [dreg:$0xe];
	[sflag:s20] =	ssyncadd.s32 $0xFFFFE000  }
0x68: {  	[hbm4b:s29+s3] =	stream.linear.scatter [tilespmem:s15], [sflag:$0xA], $0x2000, $0x38;
	[tilespmem:$0x1E400] =	vst v63  }
0x69: {  	_ =	swait.ge [sflag:s17], $0x2000  }
0x6a: {  	[sflag:s17] =	ssyncset.done $0x0  }
0x6b: {  	[sflag:s17] =	ssyncadd.s32 $0xFFFFE000  }
0x6c: {  	_ =	swait.ge [sflag:s19], $0x2000  }
0x6d: {  	[sflag:s19] =	ssyncset.done $0x0  }
0x6e: {  	[sflag:s19] =	ssyncadd.s32 $0xFFFFE000  }
0x6f: {  	_ =	swait.ge [sflag:s21], $0x2000  }
0x70: {  	[sflag:s21] =	ssyncset.done $0x0  }
0x71: {  	[sflag:s21] =	ssyncadd.s32 $0xFFFFE000  }
0x72: {  	_ =	swait.ge [sflag:s22], $0x2000  }
0x73: {  	[sflag:s22] =	ssyncset.done $0x0  }
0x74: {  	[sflag:s22] =	ssyncadd.s32 $0xFFFFE000  }
0x75: {  	_ =	swait.ge [sflag:s23], $0x2000  }
0x76: {  	s24 =	sadd.s32 $0x1, s24;
	s30 =	rddreg [dreg:$0xf]  }
0x77: {  	p0 =	sne.s32 s24, s30  }
.Ltmp1:
0x78: {  	_ = 	snop;
	(pc) =	sbr.rel @!p0 .LBB2_7-.Ltmp1, $3  }
0x79: {  	_ =	sdelay $0x1  }
0x7a: {  	[sflag:s23] =	ssyncset.done $0x0  }
0x7b: {  	s26 =	simm.s32 $0x5000;
	[sflag:s23] =	ssyncadd.s32 $0xFFFFE000  }
.LBB2_1:
0x7c: {  	s1 =	rddreg [dreg:$0x3]  }
0x7d: {  	[tilespmem:s3], [sflag:$0xC] =	stream.linear.gather [hbm4b:s1+s3], $0x5000, $0x38;
	[tilespmem:$0x1E400] =	vst v63  }
0x7e: {  	_ =	swait.ge [sflag:s0], $0x5000  }
0x7f: {  	[sflag:s0] =	ssyncset.done $0x0  }
0x80: {  	s25 =	rddreg [dreg:$0x4];
	[sflag:s0] =	ssyncadd.s32 $0xFFFFB000  }
0x81: {  	[tilespmem:s26], [sflag:$0xC] =	stream.linear.gather [hbm4b:s25+s3], $0x5000, $0x38;
	[tilespmem:$0x1E400] =	vst v63  }
0x82: {  	_ =	swait.ge [sflag:s0], $0x5000  }
0x83: {  	[sflag:s0] =	ssyncset.done $0x0  }
0x84: {  	[sflag:s0] =	ssyncadd.s32 $0xFFFFB000  }
0x85: {  	[tilespmem:s6], [sflag:$0x1] =	stream.indirect.gather [hbm4b:s4+s5], $0x40, s3, s5, $0xb8;
	[tilespmem:$0x1E400] =	vst v63  }
0x86: {  	_ = 	snop  }
0x87: {  	[tilespmem:s8], [sflag:$0x2] =	stream.indirect.gather [hbm4b:s4+s5], $0x40, s5, s5, $0xb8;
	[tilespmem:$0x1E400] =	vst v63  }
0x88: {  	s28 =	simm.s32 $0x100  }
0x89: {  	[tilespmem:s9], [sflag:$0x3] =	stream.indirect.gather [hbm4b:s4+s5], $0x40, s28, s5, $0xb8;
	[tilespmem:$0x1E400] =	vst v63  }
0x8a: {  	[tilespmem:$0x14000] =	vst v0  }
0x8b: {  	[tilespmem:$0x14010] =	vst v0  }
0x8c: {  	[tilespmem:$0x14020] =	vst v0  }
0x8d: {  	[tilespmem:$0x14030] =	vst v0  }
0x8e: {  	[tilespmem:$0x14040] =	vst v0  }
0x8f: {  	[tilespmem:$0x14050] =	vst v0  }
0x90: {  	[tilespmem:$0x14060] =	vst v0  }
0x91: {  	[tilespmem:$0x14070] =	vst v0  }
0x92: {  	[tilespmem:$0x14080] =	vst v0  }
0x93: {  	[tilespmem:$0x14090] =	vst v0  }
0x94: {  	[tilespmem:$0x140A0] =	vst v0  }
0x95: {  	[tilespmem:$0x140B0] =	vst v0  }
0x96: {  	[tilespmem:$0x140C0] =	vst v0  }
0x97: {  	[tilespmem:$0x140D0] =	vst v0  }
0x98: {  	[tilespmem:$0x140E0] =	vst v0  }
0x99: {  	[tilespmem:$0x140F0] =	vst v0  }
0x9a: {  	[tilespmem:$0x14100] =	vst v0  }
0x9b: {  	[tilespmem:$0x14110] =	vst v0  }
0x9c: {  	[tilespmem:$0x14120] =	vst v0  }
0x9d: {  	[tilespmem:$0x14130] =	vst v0  }
0x9e: {  	[tilespmem:$0x14140] =	vst v0  }
0x9f: {  	[tilespmem:$0x14150] =	vst v0  }
0xa0: {  	[tilespmem:$0x14160] =	vst v0  }
0xa1: {  	[tilespmem:$0x14170] =	vst v0  }
0xa2: {  	[tilespmem:$0x14180] =	vst v0  }
0xa3: {  	[tilespmem:$0x14190] =	vst v0  }
0xa4: {  	[tilespmem:$0x141A0] =	vst v0  }
0xa5: {  	[tilespmem:$0x141B0] =	vst v0  }
0xa6: {  	[tilespmem:$0x141C0] =	vst v0  }
0xa7: {  	[tilespmem:$0x141D0] =	vst v0  }
0xa8: {  	[tilespmem:$0x141E0] =	vst v0  }
0xa9: {  	[tilespmem:$0x141F0] =	vst v0  }
0xaa: {  	[tilespmem:$0x14200] =	vst v0  }
0xab: {  	[tilespmem:$0x14210] =	vst v0  }
0xac: {  	[tilespmem:$0x14220] =	vst v0  }
0xad: {  	[tilespmem:$0x14230] =	vst v0  }
0xae: {  	[tilespmem:$0x14240] =	vst v0  }
0xaf: {  	[tilespmem:$0x14250] =	vst v0  }
0xb0: {  	[tilespmem:$0x14260] =	vst v0  }
0xb1: {  	[tilespmem:$0x14270] =	vst v0  }
0xb2: {  	[tilespmem:$0x14280] =	vst v0  }
0xb3: {  	[tilespmem:$0x14290] =	vst v0  }
0xb4: {  	[tilespmem:$0x142A0] =	vst v0  }
0xb5: {  	[tilespmem:$0x142B0] =	vst v0  }
0xb6: {  	[tilespmem:$0x142C0] =	vst v0  }
0xb7: {  	[tilespmem:$0x142D0] =	vst v0  }
0xb8: {  	[tilespmem:$0x142E0] =	vst v0  }
0xb9: {  	[tilespmem:$0x142F0] =	vst v0  }
0xba: {  	[tilespmem:$0x14300] =	vst v0  }
0xbb: {  	[tilespmem:$0x14310] =	vst v0  }
0xbc: {  	[tilespmem:$0x14320] =	vst v0  }
0xbd: {  	[tilespmem:$0x14330] =	vst v0  }
0xbe: {  	[tilespmem:$0x14340] =	vst v0  }
0xbf: {  	[tilespmem:$0x14350] =	vst v0  }
0xc0: {  	[tilespmem:$0x14360] =	vst v0  }
0xc1: {  	[tilespmem:$0x14370] =	vst v0  }
0xc2: {  	[tilespmem:$0x14380] =	vst v0  }
0xc3: {  	[tilespmem:$0x14390] =	vst v0  }
0xc4: {  	[tilespmem:$0x143A0] =	vst v0  }
0xc5: {  	[tilespmem:$0x143B0] =	vst v0  }
0xc6: {  	[tilespmem:$0x143C0] =	vst v0  }
0xc7: {  	[tilespmem:$0x143D0] =	vst v0  }
0xc8: {  	[tilespmem:$0x143E0] =	vst v0  }
0xc9: {  	s29 =	rddreg [dreg:$0x10];
	[tilespmem:$0x143F0] =	vst v0  }
0xca: {  	[spmem:s7] =	stream.linear.scatter [tilespmem:s10], [sflag:$0xB], $0x400, $0x38;
	[tilespmem:$0x1E400] =	vst v63  }
0xcb: {  	s30 =	rddreg [dreg:$0x11]  }
0xcc: {  	[spmem:s29] =	stream.linear.scatter [tilespmem:s10], [sflag:$0xB], $0x400, $0x38;
	[tilespmem:$0x1E400] =	vst v63  }
0xcd: {  	s25 =	rddreg [dreg:$0x12]  }
0xce: {  	[spmem:s30] =	stream.linear.scatter [tilespmem:s10], [sflag:$0xB], $0x400, $0x38;
	[tilespmem:$0x1E400] =	vst v63  }
0xcf: {  	s28 =	rddreg [dreg:$0x13]  }
0xd0: {  	[spmem:s25] =	stream.linear.scatter [tilespmem:s10], [sflag:$0xB], $0x400, $0x38;
	[tilespmem:$0x1E400] =	vst v63  }
0xd1: {  	s29 =	rddreg [dreg:$0x14]  }
0xd2: {  	[spmem:s28] =	stream.linear.scatter [tilespmem:s10], [sflag:$0xB], $0x400, $0x38;
	[tilespmem:$0x1E400] =	vst v63  }
0xd3: {  	s30 =	rddreg [dreg:$0x15]  }
0xd4: {  	[spmem:s29] =	stream.linear.scatter [tilespmem:s10], [sflag:$0xB], $0x400, $0x38;
	[tilespmem:$0x1E400] =	vst v63  }
0xd5: {  	s25 =	rddreg [dreg:$0x16]  }
0xd6: {  	[spmem:s30] =	stream.linear.scatter [tilespmem:s10], [sflag:$0xB], $0x400, $0x38;
	[tilespmem:$0x1E400] =	vst v63  }
0xd7: {  	s28 =	rddreg [dreg:$0x17]  }
0xd8: {  	[spmem:s25] =	stream.linear.scatter [tilespmem:s10], [sflag:$0xB], $0x400, $0x38;
	[tilespmem:$0x1E400] =	vst v63  }
0xd9: {  	s29 =	rddreg [dreg:$0x18]  }
0xda: {  	[spmem:s28] =	stream.linear.scatter [tilespmem:s10], [sflag:$0xB], $0x400, $0x38;
	[tilespmem:$0x1E400] =	vst v63  }
0xdb: {  	s30 =	rddreg [dreg:$0x19]  }
0xdc: {  	[spmem:s29] =	stream.linear.scatter [tilespmem:s10], [sflag:$0xB], $0x400, $0x38;
	[tilespmem:$0x1E400] =	vst v63  }
0xdd: {  	s25 =	rddreg [dreg:$0x1a]  }
0xde: {  	[spmem:s30] =	stream.linear.scatter [tilespmem:s10], [sflag:$0xB], $0x400, $0x38;
	[tilespmem:$0x1E400] =	vst v63  }
0xdf: {  	s28 =	rddreg [dreg:$0x1b]  }
0xe0: {  	[spmem:s25] =	stream.linear.scatter [tilespmem:s10], [sflag:$0xB], $0x400, $0x38;
	[tilespmem:$0x1E400] =	vst v63  }
0xe1: {  	s29 =	rddreg [dreg:$0x1c]  }
0xe2: {  	[spmem:s28] =	stream.linear.scatter [tilespmem:s10], [sflag:$0xB], $0x400, $0x38;
	[tilespmem:$0x1E400] =	vst v63  }
0xe3: {  	s30 =	rddreg [dreg:$0x1d]  }
0xe4: {  	[spmem:s29] =	stream.linear.scatter [tilespmem:s10], [sflag:$0xB], $0x400, $0x38;
	[tilespmem:$0x1E400] =	vst v63  }
0xe5: {  	s25 =	rddreg [dreg:$0x1e]  }
0xe6: {  	[spmem:s30] =	stream.linear.scatter [tilespmem:s10], [sflag:$0xB], $0x400, $0x38;
	[tilespmem:$0x1E400] =	vst v63  }
0xe7: {  	s28 =	rddreg [dreg:$0x1f]  }
0xe8: {  	[spmem:s25] =	stream.linear.scatter [tilespmem:s10], [sflag:$0xB], $0x400, $0x38;
	[tilespmem:$0x1E400] =	vst v63  }
0xe9: {  	s29 =	sld [smem:$0x7E8]  }
0xea: {  	[spmem:s28] =	stream.linear.scatter [tilespmem:s10], [sflag:$0xB], $0x400, $0x38;
	[tilespmem:$0x1E400] =	vst v63  }
0xeb: {  	s30 =	sld [smem:$0x7E9]  }
0xec: {  	[spmem:s29] =	stream.linear.scatter [tilespmem:s10], [sflag:$0xB], $0x400, $0x38;
	[tilespmem:$0x1E400] =	vst v63  }
0xed: {  	s25 =	sld [smem:$0x7EA]  }
0xee: {  	[spmem:s30] =	stream.linear.scatter [tilespmem:s10], [sflag:$0xB], $0x400, $0x38;
	[tilespmem:$0x1E400] =	vst v63  }
0xef: {  	s28 =	sld [smem:$0x7EB]  }
0xf0: {  	[spmem:s25] =	stream.linear.scatter [tilespmem:s10], [sflag:$0xB], $0x400, $0x38;
	[tilespmem:$0x1E400] =	vst v63  }
0xf1: {  	s29 =	sld [smem:$0x7EC]  }
0xf2: {  	[spmem:s28] =	stream.linear.scatter [tilespmem:s10], [sflag:$0xB], $0x400, $0x38;
	[tilespmem:$0x1E400] =	vst v63  }
0xf3: {  	s30 =	sld [smem:$0x7ED]  }
0xf4: {  	[spmem:s29] =	stream.linear.scatter [tilespmem:s10], [sflag:$0xB], $0x400, $0x38;
	[tilespmem:$0x1E400] =	vst v63  }
0xf5: {  	s25 =	sld [smem:$0x7EE]  }
0xf6: {  	[spmem:s30] =	stream.linear.scatter [tilespmem:s10], [sflag:$0xB], $0x400, $0x38;
	[tilespmem:$0x1E400] =	vst v63  }
0xf7: {  	s28 =	sld [smem:$0x7EF]  }
0xf8: {  	[spmem:s25] =	stream.linear.scatter [tilespmem:s10], [sflag:$0xB], $0x400, $0x38;
	[tilespmem:$0x1E400] =	vst v63  }
0xf9: {  	s29 =	sld [smem:$0x7F0]  }
0xfa: {  	[spmem:s28] =	stream.linear.scatter [tilespmem:s10], [sflag:$0xB], $0x400, $0x38;
	[tilespmem:$0x1E400] =	vst v63  }
0xfb: {  	s30 =	sld [smem:$0x7F1]  }
0xfc: {  	[spmem:s29] =	stream.linear.scatter [tilespmem:s10], [sflag:$0xB], $0x400, $0x38;
	[tilespmem:$0x1E400] =	vst v63  }
0xfd: {  	s25 =	sld [smem:$0x7F2]  }
0xfe: {  	[spmem:s30] =	stream.linear.scatter [tilespmem:s10], [sflag:$0xB], $0x400, $0x38;
	[tilespmem:$0x1E400] =	vst v63  }
0xff: {  	s28 =	sld [smem:$0x7F3]  }
0x100: {  	[spmem:s25] =	stream.linear.scatter [tilespmem:s10], [sflag:$0xB], $0x400, $0x38;
	[tilespmem:$0x1E400] =	vst v63  }
0x101: {  	s29 =	sld [smem:$0x7F4]  }
0x102: {  	[spmem:s28] =	stream.linear.scatter [tilespmem:s10], [sflag:$0xB], $0x400, $0x38;
	[tilespmem:$0x1E400] =	vst v63  }
0x103: {  	s30 =	sld [smem:$0x7F5]  }
0x104: {  	[spmem:s29] =	stream.linear.scatter [tilespmem:s10], [sflag:$0xB], $0x400, $0x38;
	[tilespmem:$0x1E400] =	vst v63  }
0x105: {  	s25 =	sld [smem:$0x7F6]  }
0x106: {  	[spmem:s30] =	stream.linear.scatter [tilespmem:s10], [sflag:$0xB], $0x400, $0x38;
	[tilespmem:$0x1E400] =	vst v63  }
0x107: {  	s28 =	sld [smem:$0x7F7]  }
0x108: {  	[spmem:s25] =	stream.linear.scatter [tilespmem:s10], [sflag:$0xB], $0x400, $0x38;
	[tilespmem:$0x1E400] =	vst v63  }
0x109: {  	s29 =	sld [smem:$0x7F8]  }
0x10a: {  	[spmem:s28] =	stream.linear.scatter [tilespmem:s10], [sflag:$0xB], $0x400, $0x38;
	[tilespmem:$0x1E400] =	vst v63  }
0x10b: {  	s30 =	sld [smem:$0x7F9]  }
0x10c: {  	[spmem:s29] =	stream.linear.scatter [tilespmem:s10], [sflag:$0xB], $0x400, $0x38;
	[tilespmem:$0x1E400] =	vst v63  }
0x10d: {  	s25 =	sld [smem:$0x7FA]  }
0x10e: {  	[spmem:s30] =	stream.linear.scatter [tilespmem:s10], [sflag:$0xB], $0x400, $0x38;
	[tilespmem:$0x1E400] =	vst v63  }
0x10f: {  	s28 =	sld [smem:$0x7FB]  }
0x110: {  	[spmem:s25] =	stream.linear.scatter [tilespmem:s10], [sflag:$0xB], $0x400, $0x38;
	[tilespmem:$0x1E400] =	vst v63  }
0x111: {  	s29 =	sld [smem:$0x7FC]  }
0x112: {  	[spmem:s28] =	stream.linear.scatter [tilespmem:s10], [sflag:$0xB], $0x400, $0x38;
	[tilespmem:$0x1E400] =	vst v63  }
0x113: {  	s30 =	sld [smem:$0x7FD]  }
0x114: {  	[spmem:s29] =	stream.linear.scatter [tilespmem:s10], [sflag:$0xB], $0x400, $0x38;
	[tilespmem:$0x1E400] =	vst v63  }
0x115: {  	_ = 	snop  }
0x116: {  	[spmem:s30] =	stream.linear.scatter [tilespmem:s10], [sflag:$0xB], $0x400, $0x38;
	[tilespmem:$0x1E400] =	vst v63  }
0x117: {  	_ = 	snop  }
0x118: {  	[spmem:s31] =	stream.linear.scatter [tilespmem:s10], [sflag:$0xB], $0x400, $0x38;
	[tilespmem:$0x1E400] =	vst v63  }
0x119: {  	_ =	swait.ge [sflag:s11], $0x400  }
0x11a: {  	s25 =	simm.s32 $0x27;
	[sflag:s11] =	ssyncset.done $0x0  }
.LBB2_2:
0x11b: {  	p0 =	sne.s32 s25, $0x1;
	s25 =	sadd.s32 $0xFFFFFFFF, s25;
	[sflag:s11] =	ssyncadd.s32 $0xFFFFFC00  }
.Ltmp2:
0x11c: {  	(pc) =	sbr.rel @p0 .LBB2_2-.Ltmp2, $3  }
0x11d: {  	_ =	sdelay $0x1  }
0x11e: {  	_ =	swait.ge [sflag:s11], $0x400  }
0x11f: {  	[sflag:s11] =	ssyncset.done $0x0  }
0x120: {  	[sflag:s11] =	ssyncadd.s32 $0xFFFFFC00  }
0x121: {  	[bflag:$0x0] =	sbarrier.arrive $0xFFFF  }
0x122: {  	_ =	swait.ge [sflag:s12], $0x2000  }
0x123: {  	[sflag:s12] =	ssyncset.done $0x0  }
0x124: {  	[sflag:s12] =	ssyncadd.s32 $0xFFFFE000  }
0x125: {  	[spmem:s2] =	stream.indirect.scatter.add.f32 [tilespmem:s6], [sflag:$0x6], $0x40, s26, s5, $0xb8;
	[tilespmem:$0x1E400] =	vst v63  }
0x126: {  	s1 =	simm.s32 $0x180  }
0x127: {  	[tilespmem:s13], [sflag:$0x4] =	stream.indirect.gather [hbm4b:s4+s5], $0x40, s1, s5, $0xb8;
	[tilespmem:$0x1E400] =	vst v63  }
0x128: {  	_ =	swait.ge [sflag:s14], $0x2000  }
0x129: {  	[sflag:s14] =	ssyncset.done $0x0  }
0x12a: {  	s28 =	simm.s32 $0x5080;
	[sflag:s14] =	ssyncadd.s32 $0xFFFFE000  }
0x12b: {  	[spmem:s2] =	stream.indirect.scatter.add.f32 [tilespmem:s8], [sflag:$0x7], $0x40, s28, s5, $0xb8;
	[tilespmem:$0x1E400] =	vst v63  }
0x12c: {  	s29 =	simm.s32 $0x200  }
0x12d: {  	[tilespmem:s15], [sflag:$0x5] =	stream.indirect.gather [hbm4b:s4+s5], $0x40, s29, s5, $0xb8;
	[tilespmem:$0x1E400] =	vst v63  }
0x12e: {  	_ =	swait.ge [sflag:s16], $0x2000  }
0x12f: {  	[sflag:s16] =	ssyncset.done $0x0  }
0x130: {  	s30 =	simm.s32 $0x5100;
	[sflag:s16] =	ssyncadd.s32 $0xFFFFE000  }
0x131: {  	[spmem:s2] =	stream.indirect.scatter.add.f32 [tilespmem:s9], [sflag:$0x8], $0x40, s30, s5, $0xb8;
	[tilespmem:$0x1E400] =	vst v63  }
0x132: {  	_ =	swait.ge [sflag:s17], $0x2000  }
0x133: {  	[sflag:s17] =	ssyncset.done $0x0  }
0x134: {  	s25 =	simm.s32 $0x280;
	[sflag:s17] =	ssyncadd.s32 $0xFFFFE000  }
0x135: {  	[tilespmem:s6], [sflag:$0x1] =	stream.indirect.gather [hbm4b:s4+s5], $0x40, s25, s5, $0xb8;
	[tilespmem:$0x1E400] =	vst v63  }
0x136: {  	_ =	swait.ge [sflag:s18], $0x2000  }
0x137: {  	[sflag:s18] =	ssyncset.done $0x0  }
0x138: {  	s26 =	simm.s32 $0x5180;
	[sflag:s18] =	ssyncadd.s32 $0xFFFFE000  }
0x139: {  	[spmem:s2] =	stream.indirect.scatter.add.f32 [tilespmem:s13], [sflag:$0x9], $0x40, s26, s5, $0xb8;
	[tilespmem:$0x1E400] =	vst v63  }
0x13a: {  	_ =	swait.ge [sflag:s19], $0x2000  }
0x13b: {  	[sflag:s19] =	ssyncset.done $0x0  }
0x13c: {  	s28 =	simm.s32 $0x300;
	[sflag:s19] =	ssyncadd.s32 $0xFFFFE000  }
0x13d: {  	[tilespmem:s8], [sflag:$0x2] =	stream.indirect.gather [hbm4b:s4+s5], $0x40, s28, s5, $0xb8;
	[tilespmem:$0x1E400] =	vst v63  }
0x13e: {  	_ =	swait.ge [sflag:s20], $0x2000  }
0x13f: {  	[sflag:s20] =	ssyncset.done $0x0  }
0x140: {  	s29 =	simm.s32 $0x5200;
	[sflag:s20] =	ssyncadd.s32 $0xFFFFE000  }
0x141: {  	[spmem:s2] =	stream.indirect.scatter.add.f32 [tilespmem:s15], [sflag:$0xA], $0x40, s29, s5, $0xb8;
	[tilespmem:$0x1E400] =	vst v63  }
0x142: {  	_ =	swait.ge [sflag:s21], $0x2000  }
0x143: {  	[sflag:s21] =	ssyncset.done $0x0  }
0x144: {  	s30 =	simm.s32 $0x380;
	s25 =	simm.s32 $0x0;
	[sflag:s21] =	ssyncadd.s32 $0xFFFFE000  }
0x145: {  	[tilespmem:s9], [sflag:$0x3] =	stream.indirect.gather [hbm4b:s4+s5], $0x40, s30, s5, $0xb8;
	[tilespmem:$0x1E400] =	vst v63  }
.LBB2_4:
0x146: {  	_ =	swait.ge [sflag:s12], $0x2000  }
0x147: {  	s26 =	sshra.s32 s25, $0x2;
	[sflag:s12] =	ssyncset.done $0x0  }
0x148: {  	s1 =	sadd.s32 $0x5280, s26;
	[sflag:s12] =	ssyncadd.s32 $0xFFFFE000  }
0x149: {  	[spmem:s2] =	stream.indirect.scatter.add.f32 [tilespmem:s6], [sflag:$0x6], $0x40, s1, s5, $0xb8;
	[tilespmem:$0x1E400] =	vst v63  }
0x14a: {  	_ =	swait.ge [sflag:s22], $0x2000  }
0x14b: {  	[sflag:s22] =	ssyncset.done $0x0  }
0x14c: {  	s29 =	sadd.s32 $0x400, s26;
	[sflag:s22] =	ssyncadd.s32 $0xFFFFE000  }
0x14d: {  	[tilespmem:s13], [sflag:$0x4] =	stream.indirect.gather [hbm4b:s4+s5], $0x40, s29, s5, $0xb8;
	[tilespmem:$0x1E400] =	vst v63  }
0x14e: {  	_ =	swait.ge [sflag:s14], $0x2000  }
0x14f: {  	[sflag:s14] =	ssyncset.done $0x0  }
0x150: {  	s30 =	sadd.s32 $0x5300, s26;
	[sflag:s14] =	ssyncadd.s32 $0xFFFFE000  }
0x151: {  	[spmem:s2] =	stream.indirect.scatter.add.f32 [tilespmem:s8], [sflag:$0x7], $0x40, s30, s5, $0xb8;
	[tilespmem:$0x1E400] =	vst v63  }
0x152: {  	_ =	swait.ge [sflag:s23], $0x2000  }
0x153: {  	[sflag:s23] =	ssyncset.done $0x0  }
0x154: {  	s28 =	sadd.s32 $0x480, s26;
	[sflag:s23] =	ssyncadd.s32 $0xFFFFE000  }
0x155: {  	[tilespmem:s15], [sflag:$0x5] =	stream.indirect.gather [hbm4b:s4+s5], $0x40, s28, s5, $0xb8;
	[tilespmem:$0x1E400] =	vst v63  }
0x156: {  	_ =	swait.ge [sflag:s16], $0x2000  }
0x157: {  	p0 =	seq.s32 s25, $0x12C00;
	[sflag:s16] =	ssyncset.done $0x0  }
0x158: {  	s1 =	simm.s32 @p0 $0x4;
	s29 =	sadd.s32 $0x5380, s26;
	[sflag:s16] =	ssyncadd.s32 $0xFFFFE000  }
0x159: {  	[spmem:s2] =	stream.indirect.scatter.add.f32 [tilespmem:s9], [sflag:$0x8], $0x40, s29, s5, $0xb8;
	[tilespmem:$0x1E400] =	vst v63  }
0x15a: {  	_ =	swait.ge @p0 [sflag:s1], $0x2000  }
0x15b: {  	[sflag:s1] =	ssyncset.done @p0 $0x0  }
0x15c: {  	[sflag:s1] =	ssyncadd.s32 @p0 $0xFFFFE000;
	s1 =	sshra.s32 @p0 s25, $0x2  }
0x15d: {  	s28 =	simm.s32 @p0 $0x80;
	s29 =	simm.s32 @p0 $0x10000;
	s1 =	sadd.s32 @p0 $0x5400, s1  }
0x15e: {  	[spmem:s2] =	stream.indirect.scatter.add.f32 @p0 [tilespmem:s29], [sflag:$0x9], $0x40, s1, s28, $0xb8;
	[tilespmem:$0x1E400] =	vst v63  }
0x15f: {  	s1 =	simm.s32 @!p0 $0x6  }
0x160: {  	_ =	swait.ge @!p0 [sflag:s1], $0x2000  }
0x161: {  	[sflag:s1] =	ssyncset.done @!p0 $0x0  }
0x162: {  	[sflag:s1] =	ssyncadd.s32 @!p0 $0xFFFFE000;
	s1 =	sshra.s32 @!p0 s25, $0x2  }
0x163: {  	s30 =	simm.s32 @!p0 $0xA000;
	s29 =	simm.s32 @!p0 $0x80;
	s28 =	sadd.s32 @!p0 $0x500, s1  }
0x164: {  	[tilespmem:s30], [sflag:$0x1] =	stream.indirect.gather @!p0 [hbm4b:s4+s29], $0x40, s28, s29, $0xb8;
	[tilespmem:$0x1E400] =	vst v63  }
0x165: {  	s28 =	simm.s32 @!p0 $0x4  }
0x166: {  	_ =	swait.ge @!p0 [sflag:s28], $0x2000  }
0x167: {  	[sflag:s28] =	ssyncset.done @!p0 $0x0  }
0x168: {  	s30 =	simm.s32 @!p0 $0x10000;
	[sflag:s28] =	ssyncadd.s32 @!p0 $0xFFFFE000;
	s28 =	sadd.s32 @!p0 $0x5400, s1  }
0x169: {  	[spmem:s2] =	stream.indirect.scatter.add.f32 @!p0 [tilespmem:s30], [sflag:$0x9], $0x40, s28, s29, $0xb8;
	[tilespmem:$0x1E400] =	vst v63  }
0x16a: {  	s28 =	simm.s32 @!p0 $0x7  }
0x16b: {  	_ =	swait.ge @!p0 [sflag:s28], $0x2000  }
0x16c: {  	[sflag:s28] =	ssyncset.done @!p0 $0x0  }
0x16d: {  	s1 =	sadd.s32 @!p0 $0x580, s1;
	[sflag:s28] =	ssyncadd.s32 @!p0 $0xFFFFE000;
	s28 =	simm.s32 @!p0 $0xC000  }
0x16e: {  	[tilespmem:s28], [sflag:$0x2] =	stream.indirect.gather @!p0 [hbm4b:s4+s29], $0x40, s1, s29, $0xb8;
	[tilespmem:$0x1E400] =	vst v63  }
.Ltmp3:
0x16f: {  	_ = 	snop;
	(pc) =	sbr.rel @p0 .LBB2_6-.Ltmp3, $4  }
0x170: {  	_ =	swait.ge [sflag:s20], $0x2000  }
0x171: {  	[sflag:s20] =	ssyncset.done $0x0  }
0x172: {  	s30 =	sadd.s32 $0x5480, s26;
	[sflag:s20] =	ssyncadd.s32 $0xFFFFE000  }
0x173: {  	[spmem:s2] =	stream.indirect.scatter.add.f32 [tilespmem:s15], [sflag:$0xA], $0x40, s30, s5, $0xb8;
	[tilespmem:$0x1E400] =	vst v63  }
.Ltmp4:
0x174: {  	(pc) =	sbr.rel .LBB2_4-.Ltmp4, $4  }
0x175: {  	_ =	swait.ge [sflag:s21], $0x2000  }
0x176: {  	[sflag:s21] =	ssyncset.done $0x0  }
0x177: {  	s1 =	sadd.s32 $0x600, s26;
	s25 =	sadd.s32 $0xA00, s25;
	[sflag:s21] =	ssyncadd.s32 $0xFFFFE000  }
0x178: {  	[tilespmem:s9], [sflag:$0x3] =	stream.indirect.gather [hbm4b:s4+s5], $0x40, s1, s5, $0xb8;
	[tilespmem:$0x1E400] =	vst v63  }
.LBB2_7:
0x179: {  	_ =	sfence.sel $0x180000  }
0x17a: {  	[bflag:$0x0] =	sbarrier.arrive $0xFFFF  }
0x17b: {  	_ =	strace $0x9000004A  }
0x17c: {  	s0 =	stileid.u32;
	[bflag:$0x2] =	sbarrier.arrive $0xFFFF  }
0x17d: {  	p0 =	sne.s32 s0, $0x0;
	s0 =	rddreg [dreg:$0x2]  }
0x17e: {  	s0 =	sadd.s32 @!p0 $0x100000, s0  }
0x17f: {  	[sflag:s0] =	ssyncadd.tile.s32 @!p0 $0x1;
	_ =	shalt  }
.Lfunc_end2:
_tile_overlayer_lowered:
.L_overlay_start_2:
0x180: {  	(tag) =	ssettag $0x2  }
0x181: {  	s0 =	rddreg [dreg:$0x0];
	s2 =	stileid.u32  }
0x182: {  	s1 =	rddreg [dreg:$0x1];
	p0 =	sne.s32 s2, $0x0  }
0x183: {  	s3 =	rddreg [dreg:$0x2];
	[bflag:$0x3] =	sbarrier.arrive $0xFFFF;
	s2 =	simm.s32 @!p0 $0x1C0C  }
0x184: {  	[timem:s3], [sflag:s2] =	dma.local @!p0 [hbm:s0], s1  }
0x185: {  	s0 =	simm.s32 @!p0 $0xC  }
0x186: {  	_ =	swait.ge @!p0 [sflag:s0], s1  }
0x187: {  	s1 =	ssub.s32 @!p0 $0x0, s1;
	[sflag:s0] =	ssyncset.done @!p0 $0x0  }
0x188: {  	[sflag:s0] =	ssyncadd.s32 @!p0 s1  }
0x189: {  	[bflag:$0x3] =	sbarrier.arrive $0xFFFF  }
0x18a: {  	_ =	shalt  }

// kernel: kernel.16.cloned.1.call-start
scs
__scs_entry_jumppad:
0x0: {  	(pc) =	sbr.rel $0x88, $3  }
0x1: {  	(tag) =	ssettag $0x0;
	lr =	simm.s32 $0x1  }
0x2: {  	[smem:$0x3F93] =	sst lr;
	_ =	strace $0xD0000000  }
0x3: {  	_ = 	snop  }
0x4: {  	_ = 	snop  }
0x5: {  	_ = 	snop  }
0x6: {  	_ = 	snop  }
0x7: {  	_ = 	snop  }
__scs_overlays_trampoline_lowered:
0x8: {  	[smem:$0x3FA2] =	sst s0  }
0x9: {  	[smem:$0x3FA3] =	sst s1  }
0xa: {  	[smem:$0x3FA4] =	sst s2  }
0xb: {  	[smem:$0x3FA5] =	sst s3  }
0xc: {  	[smem:$0x3FA6] =	sst s4  }
0xd: {  	[smem:$0x3FA7] =	sst s5  }
0xe: {  	[smem:$0x3FA8] =	sst s6  }
0xf: {  	[smem:$0x3FA9] =	sst s7  }
0x10: {  	[smem:$0x3FAA] =	sst s8  }
0x11: {  	[smem:$0x3FAB] =	sst s9;
	s0 =	simm.s32 @!p0 $0x0  }
0x12: {  	s1 =	sld [smem:$0x3F91];
	s0 =	simm.s32 @p0 $0x1  }
0x13: {  	[smem:$0x3FAC] =	sst s0;
	s0 =	simm.s32 @!p1 $0x0  }
0x14: {  	s2 =	sld [smem:$0x3F90];
	s0 =	simm.s32 @p1 $0x1  }
0x15: {  	[smem:$0x3FAD] =	sst s0;
	s0 =	simm.s32 @!p2 $0x0  }
0x16: {  	s3 =	sld [smem:$0x3FDB];
	s0 =	simm.s32 @p2 $0x1  }
0x17: {  	s4 =	simm.s32 $0x1BF5;
	[smem:$0x3FAF] =	sst s0  }
0x18: {  	s0 =	sld [smem:$0x3F92];
	_ =	swait.ge [sflag:s4], $0x0  }
0x19: {  	s7 =	sld [smem:$0x3F93]  }
0x1a: {  	s8 =	sadd.s32 $0xFFFFE003, lr  }
0x1b: {  	s9 =	sadd.s32 $0xFFFFFEF7, lr;
	s5 =	simm.s32 $0xFFFFFFFF;
	p2 =	slt.u32 s8, $0xFFFFF086  }
0x1c: {  	p1 =	slt.u32 s9, $0xF7A;
	s5 =	simm.s32 @!p2 $0x0  }
0x1d: {  	s5 =	simm.s32 @p1 $0x1;
	p0 =	seq.s32 s7, s2  }
0x1e: {  	s7 =	smul.u32 @!p0 $0xF7A, s2;
	p2 =	seq.s32 @!p0 s5, $0x0  }
0x1f: {  	s9 =	smul.u32 $0xF7A, s1;
	s8 =	simm.s32 @!p0 $0x1BF5;
	p2 =	por !p2, p0  }
0x20: {  	[sflag:s8] =	ssyncset.s32 @!p0 $0xFFFFF086;
	s6 =	sadd.s32 @!p0 s3, s7;
	s7 =	simm.s32 @!p0 $0x108  }
0x21: {  	s3 =	sadd.s32 s3, s9;
	s6 =	sadd.s32 @!p0 $0x88, s6;
	s7 =	simm.s32 @p2 $0x1082  }
0x22: {  	[simem:s7], [sflag:s8] =	dma.local @!p0 [hbm:s6], $0xF7A  }
0x23: {  	s9 =	sor.u32 $0xD0000000, s2;
	s6 =	simm.s32 $0x108;
	_ =	swait.ge @!p0 [sflag:s8], $0x0  }
0x24: {  	s3 =	sadd.s32 $0x88, s3;
	s6 =	simm.s32 @!p1 $0x1082;
	[sflag:s4] =	ssyncset.s32 $0xFFFFF086  }
0x25: {  	[simem:s6], [sflag:s4] =	dma.local [hbm:s3], $0xF7A  }
0x26: {  	[smem:$0x3F93] =	sst s1;
	(tag) =	ssettag s2;
	_ =	strace s9  }
0x27: {  	s1 =	sld [smem:$0x3FA3]  }
0x28: {  	s2 =	sld [smem:$0x3FA4]  }
0x29: {  	s4 =	sld [smem:$0x3FA6]  }
0x2a: {  	p0 =	seq.s32 s5, $0x0;
	s5 =	sld [smem:$0x3FA7]  }
0x2b: {  	s6 =	sld [smem:$0x3FA8]  }
0x2c: {  	s7 =	sld [smem:$0x3FA9]  }
0x2d: {  	s3 =	simm.s32 $0x108;
	s8 =	sld [smem:$0x3FAA]  }
0x2e: {  	s3 =	simm.s32 @!p0 $0x1082;
	s9 =	sld [smem:$0x3FAB]  }
0x2f: {  	lr =	sadd.s32 s0, s3;
	s0 =	sld [smem:$0x3FA2]  }
0x30: {  	s3 =	sld [smem:$0x3FA5]  }
0x31: {  	[smem:$0x3FAE] =	sst s10  }
0x32: {  	s10 =	sld [smem:$0x3FAC];
	_ =	sdelay $0x3  }
0x33: {  	p0 =	seq.s32 s10, $0x1;
	s10 =	sld [smem:$0x3FAE];
	_ =	sdelay $0x3  }
0x34: {  	[smem:$0x3FAE] =	sst s10  }
0x35: {  	s10 =	sld [smem:$0x3FAD];
	_ =	sdelay $0x3  }
0x36: {  	p1 =	seq.s32 s10, $0x1;
	s10 =	sld [smem:$0x3FAE];
	_ =	sdelay $0x3  }
0x37: {  	[smem:$0x3FAE] =	sst s10  }
0x38: {  	s10 =	sld [smem:$0x3FAF]  }
0x39: {  	_ = 	snop;
	(pc) =	sbr.ind lr, $3  }
0x3a: {  	_ = 	snop  }
0x3b: {  	_ = 	snop  }
0x3c: {  	p2 =	seq.s32 s10, $0x1;
	s10 =	sld [smem:$0x3FAE]  }
0x3d: {  	_ =	shalt  }
0x3e: {  	_ =	shalt  }
0x3f: {  	_ =	shalt  }
0x40: {  	_ =	shalt  }
0x41: {  	_ =	shalt  }
0x42: {  	_ =	shalt  }
0x43: {  	_ =	shalt  }
0x44: {  	_ =	shalt  }
0x45: {  	_ =	shalt  }
0x46: {  	_ =	shalt  }
0x47: {  	_ =	shalt  }
0x48: {  	_ =	shalt  }
0x49: {  	_ =	shalt  }
0x4a: {  	_ =	shalt  }
0x4b: {  	_ =	shalt  }
0x4c: {  	_ =	shalt  }
0x4d: {  	_ =	shalt  }
0x4e: {  	_ =	shalt  }
0x4f: {  	_ =	shalt  }
0x50: {  	_ =	shalt  }
0x51: {  	_ =	shalt  }
0x52: {  	_ =	shalt  }
0x53: {  	_ =	shalt  }
0x54: {  	_ =	shalt  }
0x55: {  	_ =	shalt  }
0x56: {  	_ =	shalt  }
0x57: {  	_ =	shalt  }
0x58: {  	_ =	shalt  }
0x59: {  	_ =	shalt  }
0x5a: {  	_ =	shalt  }
0x5b: {  	_ =	shalt  }
0x5c: {  	_ =	shalt  }
0x5d: {  	_ =	shalt  }
0x5e: {  	_ =	shalt  }
0x5f: {  	_ =	shalt  }
0x60: {  	_ =	shalt  }
0x61: {  	_ =	shalt  }
0x62: {  	_ =	shalt  }
0x63: {  	_ =	shalt  }
0x64: {  	_ =	shalt  }
0x65: {  	_ =	shalt  }
0x66: {  	_ =	shalt  }
0x67: {  	_ =	shalt  }
0x68: {  	_ =	shalt  }
0x69: {  	_ =	shalt  }
0x6a: {  	_ =	shalt  }
0x6b: {  	_ =	shalt  }
0x6c: {  	_ =	shalt  }
0x6d: {  	_ =	shalt  }
0x6e: {  	_ =	shalt  }
0x6f: {  	_ =	shalt  }
0x70: {  	_ =	shalt  }
0x71: {  	_ =	shalt  }
0x72: {  	_ =	shalt  }
0x73: {  	_ =	shalt  }
0x74: {  	_ =	shalt  }
0x75: {  	_ =	shalt  }
0x76: {  	_ =	shalt  }
0x77: {  	_ =	shalt  }
0x78: {  	_ =	shalt  }
0x79: {  	_ =	shalt  }
0x7a: {  	_ =	shalt  }
0x7b: {  	_ =	shalt  }
0x7c: {  	_ =	shalt  }
0x7d: {  	_ =	shalt  }
0x7e: {  	_ =	shalt  }
0x7f: {  	_ =	shalt  }
0x80: {  	_ =	shalt  }
0x81: {  	_ =	shalt  }
0x82: {  	_ =	shalt  }
0x83: {  	_ =	shalt  }
0x84: {  	_ =	shalt  }
0x85: {  	_ =	shalt  }
0x86: {  	_ =	shalt  }
0x87: {  	_ =	shalt  }
.Lfunc_end0:
.L_simem_size_0:
called_computation.2_lowered:
.L_overlay_start_0:
0x88: {  	s2 =	sld [smem:$0x3FD9]  }
0x89: {  	s3 =	sld [smem:$0x3FFE];
	_ =	sdelay $0x1  }
0x8a: {  	s1 =	srdreg.scid  }
0x8b: {  	s0 =	sand.u32 $0x1, s1  }
0x8c: {  	s16 =	sshll.u32 s0, $0xA;
	s2 =	sadd.s32 s3, s2  }
0x8d: {  	s2 =	sadd.s32 s2, s16  }
0x8e: {  	[smem:$0x3FBA] =	sst s2  }
0x8f: {  	_ = 	snop  }
0x90: {  	(tm) =	ssettm $0x1  }
0x91: {  	s17 =	sld [smem:$0x3FFB];
	_ =	sdelay $0x3  }
0x92: {  	_ =	strace s17  }
0x93: {  	s2 =	sld [smem:$0x3FFC];
	_ =	sdelay $0x3  }
0x94: {  	_ =	strace s2  }
0x95: {  	s2 =	sld [smem:$0x3FFD];
	_ =	sdelay $0x3  }
0x96: {  	_ =	strace s2  }
0x97: {  	_ =	strace $0x8FFFFFFF  }
0x98: {  	s18 =	sld [smem:$0x3FDB];
	_ =	sdelay $0x1  }
0x99: {  	s19 =	simm.s32 $_scs_section_size  }
0x9a: {  	s4 =	simm.s32 $_size__tile_overlayer_lowered;
	s5 =	simm.s32 $_tile_overlayer_lowered  }
0x9b: {  	s22 =	simm.s32 $0x1BFF;
	s21 =	sshll.u32 s5, $0x1;
	s2 =	sadd.s32 s19, s18  }
0x9c: {  	s6 =	simm.s32 $0x0;
	s20 =	sshll.u32 s4, $0x1;
	s4 =	sadd.s32 s21, s2  }
0x9d: {  	[timem:s6], [sflag:s22] =	dma.local [hbm:s4], s20  }
0x9e: {  	_ =	swait.ge [sflag:s22], s20  }
0x9f: {  	s3 =	ssub.s32 $0x0, s20;
	[sflag:s22] =	ssyncset.done $0x0  }
0xa0: {  	[sflag:s22] =	ssyncadd.s32 s3;
	_ =	sdelay $0x1  }
0xa1: {  	s23 =	simm.s32 $0x1B8B  }
0xa2: {  	_ =	swait.ge [sflag:s23], $0x1  }
0xa3: {  	[sflag:s23] =	ssyncset.done $0x0  }
0xa4: {  	s25 =	simm.s32 $0x1B8E;
	s24 =	sld [smem:$0x3FFE];
	[sflag:s23] =	ssyncadd.s32 $0xFFFFFFFF  }
0xa5: {  	s26 =	simm.s32 $execute0_lowered;
	[smem:$0x3FD2] =	sst s25  }
0xa6: {  	s4 =	sshll.u32 s26, $0x1;
	_ =	strace $0x8000004C;
	[dreg:$0x1] =	wrdreg $0xFFFFFFFF  }
0xa7: {  	s28 =	simm.s32 $_size_execute0_lowered;
	s2 =	sadd.s32 s2, s4;
	[dreg:$0x0] =	wrdreg $0x0  }
0xa8: {  	s4 =	sshll.u32 s28, $0x1;
	[dreg:$0x2] =	wrdreg s2  }
0xa9: {  	[dreg:$0x3] =	wrdreg s4  }
0xaa: {  	[dreg:$0x4] =	wrdreg $0xC0  }
0xab: {  	_ =	task [dreg:s6], $0x5FFFF  }
0xac: {  	[dreg:$0x1] =	wrdreg $0xFFFFFFFF  }
0xad: {  	[dreg:$0x0] =	wrdreg $0x60  }
0xae: {  	[dreg:$0x2] =	wrdreg s24  }
0xaf: {  	[dreg:$0x3] =	wrdreg $0x144000  }
0xb0: {  	[dreg:$0x4] =	wrdreg $0x9  }
0xb1: {  	_ =	task.clear_ibuf [dreg:s6], $0x5FFFF;
	_ =	strace $0x9000004C  }
0xb2: {  	s29 =	simm.s32 $0x9;
	_ =	strace $0x8000004E  }
0xb3: {  	_ =	swait.ge [sflag:s29], $0x1  }
0xb4: {  	[sflag:s29] =	ssyncadd.s32 $0xFFFFFFFF  }
0xb5: {  	_ =	strace $0x9000004E  }
0xb6: {  	_ =	sfence  }
0xb7: {  	s30 =	sld [smem:$0x0];
	_ =	sdelay $0x2  }
0xb8: {  	s31 =	sshll.u32 s1, $0xD;
	s1 =	sshrl.u32 s1, $0x2  }
0xb9: {  	s3 =	sand.u32 $0x4000, s31;
	s1 =	sadd.s32 s1, s30  }
0xba: {  	s0 =	sor.u32 s3, s0;
	s1 =	sshll.u32 s1, $0x11  }
0xbb: {  	s0 =	sor.u32 s1, s0  }
0xbc: {  	s0 =	sadd.s32 $0x8F2B, s0  }
0xbd: {  	[sflag:s0] =	ssyncadd.remote.s32 $0x1  }
0xbe: {  	_ =	sfence.sel $0xFFFF  }
0xbf: {  	[dreg:$0x0] =	wrdreg $0xFFFFFFFF;
	(pc) =	sbr.abs _section_cstart, $3  }
0xc0: {  	[dreg:$0x1] =	wrdreg $0xFFFFFFFF  }
0xc1: {  	_ =	task.clear_ibuf [dreg:s6], $0x2FFFF;
	_ =	strace $0x9FFFFFFF  }
0xc2: {  	(tm) =	ssettm $0x7FFFFFFF  }
0xc3: {  	_ =	shalt  }
tec
execute0_lowered:
.L_overlay_start_1:
0x0: {  	(tag) =	ssettag $0x1  }
0x1: {  	s0 =	rddreg [dreg:$0x0];
	s10 =	stileid.u32  }
0x2: {  	s1 =	srdreg.scid;
	s6 =	smul.u32 $0xA00, s10  }
0x3: {  	s2 =	rddreg [dreg:$0x1];
	s8 =	smul.u32 $0x28000, s10  }
0x4: {  	s3 =	simm.s32 $0x0;
	s1 =	sand.u32 $0x1, s1;
	s10 =	smul.u32 $0xA000, s10  }
0x5: {  	[smem:$0x7FF] =	sst s3;
	s5 =	smul.u32 $0xA000, s1;
	s7 =	ssub.s32 $0x2, s1  }
0x6: {  	_ =	strace $0x8000004D;
	s9 =	sshrl.u32 s7, $0x1;
	s22 =	sshrl.u32 s8, $0x2  }
0x7: {  	s25 =	sadd.s32 s10, s2;
	s29 =	sadd.s32 $0x4000, s10;
	s14 =	sadd.s32 $0x8000, s10  }
0x8: {  	s5 =	sadd.s32 s6, s5;
	[dreg:$0x5] =	wrdreg s25;
	s11 =	sadd.s32 s29, s2  }
0x9: {  	s6 =	sadd.s32 s6, s0;
	s15 =	sadd.s32 s14, s2;
	[dreg:$0x9] =	wrdreg s11  }
0xa: {  	s24 =	sadd.s32 $0x2000, s10;
	s21 =	sadd.s32 $0x20C00, s6;
	[dreg:$0xd] =	wrdreg s15  }
0xb: {  	s9 =	ssub.s32 s7, s9;
	s6 =	sadd.s32 s24, s2;
	[dreg:$0x4] =	wrdreg s21  }
0xc: {  	s7 =	sadd.s32 s22, s2;
	s16 =	smax.u32 s9, $0x1;
	[dreg:$0x7] =	wrdreg s6  }
0xd: {  	s17 =	sadd.s32 $0x400, s7;
	[dreg:$0xf] =	wrdreg s16  }
0xe: {  	s18 =	sadd.s32 $0x800, s7;
	[dreg:$0x10] =	wrdreg s17  }
0xf: {  	s19 =	sadd.s32 $0xC00, s7;
	[dreg:$0x11] =	wrdreg s18  }
0x10: {  	s1 =	smul.u32 $0xA0000, s1;
	s20 =	sadd.s32 $0x1000, s7;
	[dreg:$0x12] =	wrdreg s19  }
0x11: {  	s22 =	sadd.s32 $0x1800, s7;
	[dreg:$0x13] =	wrdreg s20  }
0x12: {  	s26 =	sadd.s32 s1, s24;
	s24 =	sadd.s32 $0x2000, s7;
	[dreg:$0x15] =	wrdreg s22  }
0x13: {  	s25 =	sadd.s32 $0x2400, s7;
	[dreg:$0x17] =	wrdreg s24  }
0x14: {  	s28 =	sshrl.u32 s26, $0x3;
	s26 =	sadd.s32 $0x2800, s7;
	[dreg:$0x18] =	wrdreg s25  }
0x15: {  	s30 =	sadd.s32 s1, s29;
	s29 =	sadd.s32 $0x3000, s7;
	[dreg:$0x19] =	wrdreg s26  }
0x16: {  	s8 =	sadd.s32 $0x4400, s7;
	[dreg:$0x1b] =	wrdreg s29  }
0x17: {  	s12 =	sadd.s32 $0x6000, s10;
	s9 =	sadd.s32 $0x4800, s7;
	[smem:$0x7E8] =	sst s8  }
0x18: {  	s23 =	sadd.s32 s10, s1;
	s10 =	sadd.s32 $0x4C00, s7;
	[smem:$0x7E9] =	sst s9  }
0x19: {  	s13 =	sadd.s32 s1, s12;
	s11 =	sadd.s32 $0x5000, s7;
	[smem:$0x7EA] =	sst s10  }
0x1a: {  	s1 =	sadd.s32 s1, s14;
	s14 =	sadd.s32 $0x5C00, s7;
	[smem:$0x7EB] =	sst s11  }
0x1b: {  	s5 =	sadd.s32 s5, s0;
	s15 =	sadd.s32 $0x6000, s7;
	[smem:$0x7EE] =	sst s14  }
0x1c: {  	s5 =	sadd.s32 $0xCC00, s5;
	[smem:$0x7EF] =	sst s15  }
0x1d: {  	s6 =	sadd.s32 s12, s2;
	[dreg:$0x3] =	wrdreg s5  }
0x1e: {  	s21 =	sadd.s32 $0x1400, s7;
	[dreg:$0xb] =	wrdreg s6  }
0x1f: {  	s4 =	sadd.s32 $0x78E00, s0;
	s12 =	sadd.s32 $0x5400, s7;
	[dreg:$0x14] =	wrdreg s21  }
0x20: {  	s0 =	sadd.s32 $0x2AC00, s0;
	s16 =	sadd.s32 $0x6400, s7;
	[smem:$0x7EC] =	sst s12  }
0x21: {  	s1 =	sshrl.u32 s1, $0x3;
	s17 =	sadd.s32 $0x6800, s7;
	[smem:$0x7F0] =	sst s16  }
0x22: {  	s31 =	sadd.s32 $0x9C00, s7;
	s18 =	sadd.s32 $0x6C00, s7;
	[smem:$0x7F1] =	sst s17  }
0x23: {  	s19 =	sadd.s32 $0x7000, s7;
	s20 =	sadd.s32 $0x7400, s7;
	[smem:$0x7F2] =	sst s18  }
0x24: {  	s22 =	sadd.s32 $0x7C00, s7;
	s24 =	sadd.s32 $0x8400, s7;
	[smem:$0x7F3] =	sst s19  }
0x25: {  	s25 =	sadd.s32 $0x8800, s7;
	s26 =	sadd.s32 $0x8C00, s7;
	[smem:$0x7F4] =	sst s20  }
0x26: {  	s29 =	sadd.s32 $0x9400, s7;
	s8 =	simm.s32 $0xC000;
	[smem:$0x7F6] =	sst s22  }
0x27: {  	s9 =	simm.s32 $0xE000;
	s10 =	simm.s32 $0x14000;
	[smem:$0x7F8] =	sst s24  }
0x28: {  	s11 =	simm.s32 $0xB;
	s14 =	simm.s32 $0x2;
	[smem:$0x7F9] =	sst s25  }
0x29: {  	s15 =	simm.s32 $0x12000;
	s5 =	sshrl.u32 s23, $0x3;
	[smem:$0x7FA] =	sst s26  }
0x2a: {  	s23 =	sadd.s32 $0x1C00, s7;
	s6 =	sadd.s32 $0x4000, s7;
	[smem:$0x7FC] =	sst s29  }
0x2b: {  	s21 =	sadd.s32 $0x7800, s7;
	s26 =	simm.s32 $0x5000;
	[dreg:$0x16] =	wrdreg s23  }
0x2c: {  	s12 =	simm.s32 $0x1;
	s16 =	simm.s32 $0x3;
	[dreg:$0x1f] =	wrdreg s6  }
0x2d: {  	s17 =	simm.s32 $0x6;
	s5 =	sadd.s32 s0, s5;
	[smem:$0x7F5] =	sst s21  }
0x2e: {  	s18 =	simm.s32 $0x4;
	s23 =	sadd.s32 $0x8000, s7;
	[dreg:$0x6] =	wrdreg s5  }
0x2f: {  	s19 =	simm.s32 $0x7;
	s5 =	sadd.s32 s0, s28;
	[smem:$0x7F7] =	sst s23  }
0x30: {  	s20 =	simm.s32 $0x5;
	s28 =	sadd.s32 $0x2C00, s7;
	[dreg:$0x8] =	wrdreg s5  }
0x31: {  	s5 =	sshrl.u32 s30, $0x3;
	[dreg:$0x1a] =	wrdreg s28;
	s30 =	sadd.s32 $0x3400, s7  }
0x32: {  	s22 =	simm.s32 $0x9;
	s28 =	sadd.s32 $0x9000, s7;
	[dreg:$0x1c] =	wrdreg s30  }
0x33: {  	s24 =	simm.s32 $0x0;
	s5 =	sadd.s32 s0, s5;
	[smem:$0x7FB] =	sst s28  }
0x34: {  	s6 =	simm.s32 $0xA000;
	s30 =	sadd.s32 $0x9800, s7;
	[dreg:$0xa] =	wrdreg s5  }
0x35: {  	s5 =	sshrl.u32 s13, $0x3;
	s13 =	sadd.s32 $0x5800, s7;
	[smem:$0x7FD] =	sst s30  }
.Ltmp0:
0x36: {  	s5 =	sadd.s32 s0, s5;
	[smem:$0x7ED] =	sst s13;
	(pc) =	sbr.rel .LBB2_1-.Ltmp0, $4  }
0x37: {  	s21 =	simm.s32 $0x8;
	s0 =	sadd.s32 s0, s1;
	[dreg:$0xc] =	wrdreg s5  }
0x38: {  	s23 =	simm.s32 $0xA;
	s1 =	sadd.s32 $0x3800, s7;
	[dreg:$0xe] =	wrdreg s0  }
0x39: {  	s13 =	simm.s32 $0x10000;
	[dreg:$0x1d] =	wrdreg s1;
	s5 =	sadd.s32 $0x3C00, s7  }
0x3a: {  	v0 =	vimm.f32 $0.0e+00;
	s0 =	simm.s32 $0xC;
	[dreg:$0x1e] =	wrdreg s5;
	s5 =	simm.s32 $0x80  }
.LBB2_6:
0x3b: {  	_ =	swait.ge [sflag:s17], $0x2000  }
0x3c: {  	[sflag:s17] =	ssyncset.done $0x0  }
0x3d: {  	[sflag:s17] =	ssyncadd.s32 $0xFFFFE000  }
0x3e: {  	_ =	swait.ge [sflag:s19], $0x2000  }
0x3f: {  	[sflag:s19] =	ssyncset.done $0x0  }
0x40: {  	[sflag:s19] =	ssyncadd.s32 $0xFFFFE000  }
0x41: {  	_ =	swait.ge [sflag:s21], $0x2000  }
0x42: {  	[sflag:s21] =	ssyncset.done $0x0  }
0x43: {  	[sflag:s21] =	ssyncadd.s32 $0xFFFFE000  }
0x44: {  	_ =	swait.ge [sflag:s22], $0x2000  }
0x45: {  	[sflag:s22] =	ssyncset.done $0x0  }
0x46: {  	[sflag:s22] =	ssyncadd.s32 $0xFFFFE000  }
0x47: {  	_ =	swait.ge [sflag:s23], $0x2000  }
0x48: {  	[sflag:s23] =	ssyncset.done $0x0  }
0x49: {  	[sflag:s23] =	ssyncadd.s32 $0xFFFFE000  }
0x4a: {  	[bflag:$0x0] =	sbarrier.arrive $0xFFFF  }
0x4b: {  	s1 =	rddreg [dreg:$0x5]  }
0x4c: {  	[tilespmem:s6], [sflag:$0x1] =	stream.linear.gather [spmem:s1], $0x2000, $0x38;
	[tilespmem:$0x1E400] =	vst v63  }
0x4d: {  	_ =	swait.ge [sflag:s12], $0x2000  }
0x4e: {  	[sflag:s12] =	ssyncset.done $0x0  }
0x4f: {  	s25 =	rddreg [dreg:$0x6];
	[sflag:s12] =	ssyncadd.s32 $0xFFFFE000  }
0x50: {  	[hbm4b:s25+s3] =	stream.linear.scatter [tilespmem:s6], [sflag:$0x6], $0x2000, $0x38;
	[tilespmem:$0x1E400] =	vst v63  }
0x51: {  	s26 =	rddreg [dreg:$0x7]  }
0x52: {  	[tilespmem:s8], [sflag:$0x2] =	stream.linear.gather [spmem:s26], $0x2000, $0x38;
	[tilespmem:$0x1E400] =	vst v63  }
0x53: {  	_ =	swait.ge [sflag:s14], $0x2000  }
0x54: {  	[sflag:s14] =	ssyncset.done $0x0  }
0x55: {  	s28 =	rddreg [dreg:$0x8];
	[sflag:s14] =	ssyncadd.s32 $0xFFFFE000  }
0x56: {  	[hbm4b:s28+s3] =	stream.linear.scatter [tilespmem:s8], [sflag:$0x7], $0x2000, $0x38;
	[tilespmem:$0x1E400] =	vst v63  }
0x57: {  	s29 =	rddreg [dreg:$0x9]  }
0x58: {  	[tilespmem:s9], [sflag:$0x3] =	stream.linear.gather [spmem:s29], $0x2000, $0x38;
	[tilespmem:$0x1E400] =	vst v63  }
0x59: {  	_ =	swait.ge [sflag:s16], $0x2000  }
0x5a: {  	[sflag:s16] =	ssyncset.done $0x0  }
0x5b: {  	s30 =	rddreg [dreg:$0xa];
	[sflag:s16] =	ssyncadd.s32 $0xFFFFE000  }
0x5c: {  	[hbm4b:s30+s3] =	stream.linear.scatter [tilespmem:s9], [sflag:$0x8], $0x2000, $0x38;
	[tilespmem:$0x1E400] =	vst v63  }
0x5d: {  	s25 =	rddreg [dreg:$0xb]  }
0x5e: {  	[tilespmem:s13], [sflag:$0x4] =	stream.linear.gather [spmem:s25], $0x2000, $0x38;
	[tilespmem:$0x1E400] =	vst v63  }
0x5f: {  	_ =	swait.ge [sflag:s18], $0x2000  }
0x60: {  	[sflag:s18] =	ssyncset.done $0x0  }
0x61: {  	s26 =	rddreg [dreg:$0xc];
	[sflag:s18] =	ssyncadd.s32 $0xFFFFE000  }
0x62: {  	[hbm4b:s26+s3] =	stream.linear.scatter [tilespmem:s13], [sflag:$0x9], $0x2000, $0x38;
	[tilespmem:$0x1E400] =	vst v63  }
0x63: {  	s28 =	rddreg [dreg:$0xd]  }
0x64: {  	[tilespmem:s15], [sflag:$0x5] =	stream.linear.gather [spmem:s28], $0x2000, $0x38;
	[tilespmem:$0x1E400] =	vst v63  }
0x65: {  	_ =	swait.ge [sflag:s20], $0x2000  }
0x66: {  	[sflag:s20] =	ssyncset.done $0x0  }
0x67: {  	s29 =	rddreg [dreg:$0xe];
	[sflag:s20] =	ssyncadd.s32 $0xFFFFE000  }
0x68: {  	[hbm4b:s29+s3] =	stream.linear.scatter [tilespmem:s15], [sflag:$0xA], $0x2000, $0x38;
	[tilespmem:$0x1E400] =	vst v63  }
0x69: {  	_ =	swait.ge [sflag:s17], $0x2000  }
0x6a: {  	[sflag:s17] =	ssyncset.done $0x0  }
0x6b: {  	[sflag:s17] =	ssyncadd.s32 $0xFFFFE000  }
0x6c: {  	_ =	swait.ge [sflag:s19], $0x2000  }
0x6d: {  	[sflag:s19] =	ssyncset.done $0x0  }
0x6e: {  	[sflag:s19] =	ssyncadd.s32 $0xFFFFE000  }
0x6f: {  	_ =	swait.ge [sflag:s21], $0x2000  }
0x70: {  	[sflag:s21] =	ssyncset.done $0x0  }
0x71: {  	[sflag:s21] =	ssyncadd.s32 $0xFFFFE000  }
0x72: {  	_ =	swait.ge [sflag:s22], $0x2000  }
0x73: {  	[sflag:s22] =	ssyncset.done $0x0  }
0x74: {  	[sflag:s22] =	ssyncadd.s32 $0xFFFFE000  }
0x75: {  	_ =	swait.ge [sflag:s23], $0x2000  }
0x76: {  	s24 =	sadd.s32 $0x1, s24;
	s30 =	rddreg [dreg:$0xf]  }
0x77: {  	p0 =	sne.s32 s24, s30  }
.Ltmp1:
0x78: {  	_ = 	snop;
	(pc) =	sbr.rel @!p0 .LBB2_7-.Ltmp1, $3  }
0x79: {  	_ =	sdelay $0x1  }
0x7a: {  	[sflag:s23] =	ssyncset.done $0x0  }
0x7b: {  	s26 =	simm.s32 $0x5000;
	[sflag:s23] =	ssyncadd.s32 $0xFFFFE000  }
.LBB2_1:
0x7c: {  	s1 =	rddreg [dreg:$0x3]  }
0x7d: {  	[tilespmem:s3], [sflag:$0xC] =	stream.linear.gather [hbm4b:s1+s3], $0x5000, $0x38;
	[tilespmem:$0x1E400] =	vst v63  }
0x7e: {  	_ =	swait.ge [sflag:s0], $0x5000  }
0x7f: {  	[sflag:s0] =	ssyncset.done $0x0  }
0x80: {  	s25 =	rddreg [dreg:$0x4];
	[sflag:s0] =	ssyncadd.s32 $0xFFFFB000  }
0x81: {  	[tilespmem:s26], [sflag:$0xC] =	stream.linear.gather [hbm4b:s25+s3], $0x5000, $0x38;
	[tilespmem:$0x1E400] =	vst v63  }
0x82: {  	_ =	swait.ge [sflag:s0], $0x5000  }
0x83: {  	[sflag:s0] =	ssyncset.done $0x0  }
0x84: {  	[sflag:s0] =	ssyncadd.s32 $0xFFFFB000  }
0x85: {  	[tilespmem:s6], [sflag:$0x1] =	stream.indirect.gather [hbm4b:s4+s5], $0x40, s3, s5, $0xb8;
	[tilespmem:$0x1E400] =	vst v63  }
0x86: {  	_ = 	snop  }
0x87: {  	[tilespmem:s8], [sflag:$0x2] =	stream.indirect.gather [hbm4b:s4+s5], $0x40, s5, s5, $0xb8;
	[tilespmem:$0x1E400] =	vst v63  }
0x88: {  	s28 =	simm.s32 $0x100  }
0x89: {  	[tilespmem:s9], [sflag:$0x3] =	stream.indirect.gather [hbm4b:s4+s5], $0x40, s28, s5, $0xb8;
	[tilespmem:$0x1E400] =	vst v63  }
0x8a: {  	[tilespmem:$0x14000] =	vst v0  }
0x8b: {  	[tilespmem:$0x14010] =	vst v0  }
0x8c: {  	[tilespmem:$0x14020] =	vst v0  }
0x8d: {  	[tilespmem:$0x14030] =	vst v0  }
0x8e: {  	[tilespmem:$0x14040] =	vst v0  }
0x8f: {  	[tilespmem:$0x14050] =	vst v0  }
0x90: {  	[tilespmem:$0x14060] =	vst v0  }
0x91: {  	[tilespmem:$0x14070] =	vst v0  }
0x92: {  	[tilespmem:$0x14080] =	vst v0  }
0x93: {  	[tilespmem:$0x14090] =	vst v0  }
0x94: {  	[tilespmem:$0x140A0] =	vst v0  }
0x95: {  	[tilespmem:$0x140B0] =	vst v0  }
0x96: {  	[tilespmem:$0x140C0] =	vst v0  }
0x97: {  	[tilespmem:$0x140D0] =	vst v0  }
0x98: {  	[tilespmem:$0x140E0] =	vst v0  }
0x99: {  	[tilespmem:$0x140F0] =	vst v0  }
0x9a: {  	[tilespmem:$0x14100] =	vst v0  }
0x9b: {  	[tilespmem:$0x14110] =	vst v0  }
0x9c: {  	[tilespmem:$0x14120] =	vst v0  }
0x9d: {  	[tilespmem:$0x14130] =	vst v0  }
0x9e: {  	[tilespmem:$0x14140] =	vst v0  }
0x9f: {  	[tilespmem:$0x14150] =	vst v0  }
0xa0: {  	[tilespmem:$0x14160] =	vst v0  }
0xa1: {  	[tilespmem:$0x14170] =	vst v0  }
0xa2: {  	[tilespmem:$0x14180] =	vst v0  }
0xa3: {  	[tilespmem:$0x14190] =	vst v0  }
0xa4: {  	[tilespmem:$0x141A0] =	vst v0  }
0xa5: {  	[tilespmem:$0x141B0] =	vst v0  }
0xa6: {  	[tilespmem:$0x141C0] =	vst v0  }
0xa7: {  	[tilespmem:$0x141D0] =	vst v0  }
0xa8: {  	[tilespmem:$0x141E0] =	vst v0  }
0xa9: {  	[tilespmem:$0x141F0] =	vst v0  }
0xaa: {  	[tilespmem:$0x14200] =	vst v0  }
0xab: {  	[tilespmem:$0x14210] =	vst v0  }
0xac: {  	[tilespmem:$0x14220] =	vst v0  }
0xad: {  	[tilespmem:$0x14230] =	vst v0  }
0xae: {  	[tilespmem:$0x14240] =	vst v0  }
0xaf: {  	[tilespmem:$0x14250] =	vst v0  }
0xb0: {  	[tilespmem:$0x14260] =	vst v0  }
0xb1: {  	[tilespmem:$0x14270] =	vst v0  }
0xb2: {  	[tilespmem:$0x14280] =	vst v0  }
0xb3: {  	[tilespmem:$0x14290] =	vst v0  }
0xb4: {  	[tilespmem:$0x142A0] =	vst v0  }
0xb5: {  	[tilespmem:$0x142B0] =	vst v0  }
0xb6: {  	[tilespmem:$0x142C0] =	vst v0  }
0xb7: {  	[tilespmem:$0x142D0] =	vst v0  }
0xb8: {  	[tilespmem:$0x142E0] =	vst v0  }
0xb9: {  	[tilespmem:$0x142F0] =	vst v0  }
0xba: {  	[tilespmem:$0x14300] =	vst v0  }
0xbb: {  	[tilespmem:$0x14310] =	vst v0  }
0xbc: {  	[tilespmem:$0x14320] =	vst v0  }
0xbd: {  	[tilespmem:$0x14330] =	vst v0  }
0xbe: {  	[tilespmem:$0x14340] =	vst v0  }
0xbf: {  	[tilespmem:$0x14350] =	vst v0  }
0xc0: {  	[tilespmem:$0x14360] =	vst v0  }
0xc1: {  	[tilespmem:$0x14370] =	vst v0  }
0xc2: {  	[tilespmem:$0x14380] =	vst v0  }
0xc3: {  	[tilespmem:$0x14390] =	vst v0  }
0xc4: {  	[tilespmem:$0x143A0] =	vst v0  }
0xc5: {  	[tilespmem:$0x143B0] =	vst v0  }
0xc6: {  	[tilespmem:$0x143C0] =	vst v0  }
0xc7: {  	[tilespmem:$0x143D0] =	vst v0  }
0xc8: {  	[tilespmem:$0x143E0] =	vst v0  }
0xc9: {  	s29 =	rddreg [dreg:$0x10];
	[tilespmem:$0x143F0] =	vst v0  }
0xca: {  	[spmem:s7] =	stream.linear.scatter [tilespmem:s10], [sflag:$0xB], $0x400, $0x38;
	[tilespmem:$0x1E400] =	vst v63  }
0xcb: {  	s30 =	rddreg [dreg:$0x11]  }
0xcc: {  	[spmem:s29] =	stream.linear.scatter [tilespmem:s10], [sflag:$0xB], $0x400, $0x38;
	[tilespmem:$0x1E400] =	vst v63  }
0xcd: {  	s25 =	rddreg [dreg:$0x12]  }
0xce: {  	[spmem:s30] =	stream.linear.scatter [tilespmem:s10], [sflag:$0xB], $0x400, $0x38;
	[tilespmem:$0x1E400] =	vst v63  }
0xcf: {  	s28 =	rddreg [dreg:$0x13]  }
0xd0: {  	[spmem:s25] =	stream.linear.scatter [tilespmem:s10], [sflag:$0xB], $0x400, $0x38;
	[tilespmem:$0x1E400] =	vst v63  }
0xd1: {  	s29 =	rddreg [dreg:$0x14]  }
0xd2: {  	[spmem:s28] =	stream.linear.scatter [tilespmem:s10], [sflag:$0xB], $0x400, $0x38;
	[tilespmem:$0x1E400] =	vst v63  }
0xd3: {  	s30 =	rddreg [dreg:$0x15]  }
0xd4: {  	[spmem:s29] =	stream.linear.scatter [tilespmem:s10], [sflag:$0xB], $0x400, $0x38;
	[tilespmem:$0x1E400] =	vst v63  }
0xd5: {  	s25 =	rddreg [dreg:$0x16]  }
0xd6: {  	[spmem:s30] =	stream.linear.scatter [tilespmem:s10], [sflag:$0xB], $0x400, $0x38;
	[tilespmem:$0x1E400] =	vst v63  }
0xd7: {  	s28 =	rddreg [dreg:$0x17]  }
0xd8: {  	[spmem:s25] =	stream.linear.scatter [tilespmem:s10], [sflag:$0xB], $0x400, $0x38;
	[tilespmem:$0x1E400] =	vst v63  }
0xd9: {  	s29 =	rddreg [dreg:$0x18]  }
0xda: {  	[spmem:s28] =	stream.linear.scatter [tilespmem:s10], [sflag:$0xB], $0x400, $0x38;
	[tilespmem:$0x1E400] =	vst v63  }
0xdb: {  	s30 =	rddreg [dreg:$0x19]  }
0xdc: {  	[spmem:s29] =	stream.linear.scatter [tilespmem:s10], [sflag:$0xB], $0x400, $0x38;
	[tilespmem:$0x1E400] =	vst v63  }
0xdd: {  	s25 =	rddreg [dreg:$0x1a]  }
0xde: {  	[spmem:s30] =	stream.linear.scatter [tilespmem:s10], [sflag:$0xB], $0x400, $0x38;
	[tilespmem:$0x1E400] =	vst v63  }
0xdf: {  	s28 =	rddreg [dreg:$0x1b]  }
0xe0: {  	[spmem:s25] =	stream.linear.scatter [tilespmem:s10], [sflag:$0xB], $0x400, $0x38;
	[tilespmem:$0x1E400] =	vst v63  }
0xe1: {  	s29 =	rddreg [dreg:$0x1c]  }
0xe2: {  	[spmem:s28] =	stream.linear.scatter [tilespmem:s10], [sflag:$0xB], $0x400, $0x38;
	[tilespmem:$0x1E400] =	vst v63  }
0xe3: {  	s30 =	rddreg [dreg:$0x1d]  }
0xe4: {  	[spmem:s29] =	stream.linear.scatter [tilespmem:s10], [sflag:$0xB], $0x400, $0x38;
	[tilespmem:$0x1E400] =	vst v63  }
0xe5: {  	s25 =	rddreg [dreg:$0x1e]  }
0xe6: {  	[spmem:s30] =	stream.linear.scatter [tilespmem:s10], [sflag:$0xB], $0x400, $0x38;
	[tilespmem:$0x1E400] =	vst v63  }
0xe7: {  	s28 =	rddreg [dreg:$0x1f]  }
0xe8: {  	[spmem:s25] =	stream.linear.scatter [tilespmem:s10], [sflag:$0xB], $0x400, $0x38;
	[tilespmem:$0x1E400] =	vst v63  }
0xe9: {  	s29 =	sld [smem:$0x7E8]  }
0xea: {  	[spmem:s28] =	stream.linear.scatter [tilespmem:s10], [sflag:$0xB], $0x400, $0x38;
	[tilespmem:$0x1E400] =	vst v63  }
0xeb: {  	s30 =	sld [smem:$0x7E9]  }
0xec: {  	[spmem:s29] =	stream.linear.scatter [tilespmem:s10], [sflag:$0xB], $0x400, $0x38;
	[tilespmem:$0x1E400] =	vst v63  }
0xed: {  	s25 =	sld [smem:$0x7EA]  }
0xee: {  	[spmem:s30] =	stream.linear.scatter [tilespmem:s10], [sflag:$0xB], $0x400, $0x38;
	[tilespmem:$0x1E400] =	vst v63  }
0xef: {  	s28 =	sld [smem:$0x7EB]  }
0xf0: {  	[spmem:s25] =	stream.linear.scatter [tilespmem:s10], [sflag:$0xB], $0x400, $0x38;
	[tilespmem:$0x1E400] =	vst v63  }
0xf1: {  	s29 =	sld [smem:$0x7EC]  }
0xf2: {  	[spmem:s28] =	stream.linear.scatter [tilespmem:s10], [sflag:$0xB], $0x400, $0x38;
	[tilespmem:$0x1E400] =	vst v63  }
0xf3: {  	s30 =	sld [smem:$0x7ED]  }
0xf4: {  	[spmem:s29] =	stream.linear.scatter [tilespmem:s10], [sflag:$0xB], $0x400, $0x38;
	[tilespmem:$0x1E400] =	vst v63  }
0xf5: {  	s25 =	sld [smem:$0x7EE]  }
0xf6: {  	[spmem:s30] =	stream.linear.scatter [tilespmem:s10], [sflag:$0xB], $0x400, $0x38;
	[tilespmem:$0x1E400] =	vst v63  }
0xf7: {  	s28 =	sld [smem:$0x7EF]  }
0xf8: {  	[spmem:s25] =	stream.linear.scatter [tilespmem:s10], [sflag:$0xB], $0x400, $0x38;
	[tilespmem:$0x1E400] =	vst v63  }
0xf9: {  	s29 =	sld [smem:$0x7F0]  }
0xfa: {  	[spmem:s28] =	stream.linear.scatter [tilespmem:s10], [sflag:$0xB], $0x400, $0x38;
	[tilespmem:$0x1E400] =	vst v63  }
0xfb: {  	s30 =	sld [smem:$0x7F1]  }
0xfc: {  	[spmem:s29] =	stream.linear.scatter [tilespmem:s10], [sflag:$0xB], $0x400, $0x38;
	[tilespmem:$0x1E400] =	vst v63  }
0xfd: {  	s25 =	sld [smem:$0x7F2]  }
0xfe: {  	[spmem:s30] =	stream.linear.scatter [tilespmem:s10], [sflag:$0xB], $0x400, $0x38;
	[tilespmem:$0x1E400] =	vst v63  }
0xff: {  	s28 =	sld [smem:$0x7F3]  }
0x100: {  	[spmem:s25] =	stream.linear.scatter [tilespmem:s10], [sflag:$0xB], $0x400, $0x38;
	[tilespmem:$0x1E400] =	vst v63  }
0x101: {  	s29 =	sld [smem:$0x7F4]  }
0x102: {  	[spmem:s28] =	stream.linear.scatter [tilespmem:s10], [sflag:$0xB], $0x400, $0x38;
	[tilespmem:$0x1E400] =	vst v63  }
0x103: {  	s30 =	sld [smem:$0x7F5]  }
0x104: {  	[spmem:s29] =	stream.linear.scatter [tilespmem:s10], [sflag:$0xB], $0x400, $0x38;
	[tilespmem:$0x1E400] =	vst v63  }
0x105: {  	s25 =	sld [smem:$0x7F6]  }
0x106: {  	[spmem:s30] =	stream.linear.scatter [tilespmem:s10], [sflag:$0xB], $0x400, $0x38;
	[tilespmem:$0x1E400] =	vst v63  }
0x107: {  	s28 =	sld [smem:$0x7F7]  }
0x108: {  	[spmem:s25] =	stream.linear.scatter [tilespmem:s10], [sflag:$0xB], $0x400, $0x38;
	[tilespmem:$0x1E400] =	vst v63  }
0x109: {  	s29 =	sld [smem:$0x7F8]  }
0x10a: {  	[spmem:s28] =	stream.linear.scatter [tilespmem:s10], [sflag:$0xB], $0x400, $0x38;
	[tilespmem:$0x1E400] =	vst v63  }
0x10b: {  	s30 =	sld [smem:$0x7F9]  }
0x10c: {  	[spmem:s29] =	stream.linear.scatter [tilespmem:s10], [sflag:$0xB], $0x400, $0x38;
	[tilespmem:$0x1E400] =	vst v63  }
0x10d: {  	s25 =	sld [smem:$0x7FA]  }
0x10e: {  	[spmem:s30] =	stream.linear.scatter [tilespmem:s10], [sflag:$0xB], $0x400, $0x38;
	[tilespmem:$0x1E400] =	vst v63  }
0x10f: {  	s28 =	sld [smem:$0x7FB]  }
0x110: {  	[spmem:s25] =	stream.linear.scatter [tilespmem:s10], [sflag:$0xB], $0x400, $0x38;
	[tilespmem:$0x1E400] =	vst v63  }
0x111: {  	s29 =	sld [smem:$0x7FC]  }
0x112: {  	[spmem:s28] =	stream.linear.scatter [tilespmem:s10], [sflag:$0xB], $0x400, $0x38;
	[tilespmem:$0x1E400] =	vst v63  }
0x113: {  	s30 =	sld [smem:$0x7FD]  }
0x114: {  	[spmem:s29] =	stream.linear.scatter [tilespmem:s10], [sflag:$0xB], $0x400, $0x38;
	[tilespmem:$0x1E400] =	vst v63  }
0x115: {  	_ = 	snop  }
0x116: {  	[spmem:s30] =	stream.linear.scatter [tilespmem:s10], [sflag:$0xB], $0x400, $0x38;
	[tilespmem:$0x1E400] =	vst v63  }
0x117: {  	_ = 	snop  }
0x118: {  	[spmem:s31] =	stream.linear.scatter [tilespmem:s10], [sflag:$0xB], $0x400, $0x38;
	[tilespmem:$0x1E400] =	vst v63  }
0x119: {  	_ =	swait.ge [sflag:s11], $0x400  }
0x11a: {  	s25 =	simm.s32 $0x27;
	[sflag:s11] =	ssyncset.done $0x0  }
.LBB2_2:
0x11b: {  	p0 =	sne.s32 s25, $0x1;
	s25 =	sadd.s32 $0xFFFFFFFF, s25;
	[sflag:s11] =	ssyncadd.s32 $0xFFFFFC00  }
.Ltmp2:
0x11c: {  	(pc) =	sbr.rel @p0 .LBB2_2-.Ltmp2, $3  }
0x11d: {  	_ =	sdelay $0x1  }
0x11e: {  	_ =	swait.ge [sflag:s11], $0x400  }
0x11f: {  	[sflag:s11] =	ssyncset.done $0x0  }
0x120: {  	[sflag:s11] =	ssyncadd.s32 $0xFFFFFC00  }
0x121: {  	[bflag:$0x0] =	sbarrier.arrive $0xFFFF  }
0x122: {  	_ =	swait.ge [sflag:s12], $0x2000  }
0x123: {  	[sflag:s12] =	ssyncset.done $0x0  }
0x124: {  	[sflag:s12] =	ssyncadd.s32 $0xFFFFE000  }
0x125: {  	[spmem:s2] =	stream.indirect.scatter.add.f32 [tilespmem:s6], [sflag:$0x6], $0x40, s26, s5, $0xb8;
	[tilespmem:$0x1E400] =	vst v63  }
0x126: {  	s1 =	simm.s32 $0x180  }
0x127: {  	[tilespmem:s13], [sflag:$0x4] =	stream.indirect.gather [hbm4b:s4+s5], $0x40, s1, s5, $0xb8;
	[tilespmem:$0x1E400] =	vst v63  }
0x128: {  	_ =	swait.ge [sflag:s14], $0x2000  }
0x129: {  	[sflag:s14] =	ssyncset.done $0x0  }
0x12a: {  	s28 =	simm.s32 $0x5080;
	[sflag:s14] =	ssyncadd.s32 $0xFFFFE000  }
0x12b: {  	[spmem:s2] =	stream.indirect.scatter.add.f32 [tilespmem:s8], [sflag:$0x7], $0x40, s28, s5, $0xb8;
	[tilespmem:$0x1E400] =	vst v63  }
0x12c: {  	s29 =	simm.s32 $0x200  }
0x12d: {  	[tilespmem:s15], [sflag:$0x5] =	stream.indirect.gather [hbm4b:s4+s5], $0x40, s29, s5, $0xb8;
	[tilespmem:$0x1E400] =	vst v63  }
0x12e: {  	_ =	swait.ge [sflag:s16], $0x2000  }
0x12f: {  	[sflag:s16] =	ssyncset.done $0x0  }
0x130: {  	s30 =	simm.s32 $0x5100;
	[sflag:s16] =	ssyncadd.s32 $0xFFFFE000  }
0x131: {  	[spmem:s2] =	stream.indirect.scatter.add.f32 [tilespmem:s9], [sflag:$0x8], $0x40, s30, s5, $0xb8;
	[tilespmem:$0x1E400] =	vst v63  }
0x132: {  	_ =	swait.ge [sflag:s17], $0x2000  }
0x133: {  	[sflag:s17] =	ssyncset.done $0x0  }
0x134: {  	s25 =	simm.s32 $0x280;
	[sflag:s17] =	ssyncadd.s32 $0xFFFFE000  }
0x135: {  	[tilespmem:s6], [sflag:$0x1] =	stream.indirect.gather [hbm4b:s4+s5], $0x40, s25, s5, $0xb8;
	[tilespmem:$0x1E400] =	vst v63  }
0x136: {  	_ =	swait.ge [sflag:s18], $0x2000  }
0x137: {  	[sflag:s18] =	ssyncset.done $0x0  }
0x138: {  	s26 =	simm.s32 $0x5180;
	[sflag:s18] =	ssyncadd.s32 $0xFFFFE000  }
0x139: {  	[spmem:s2] =	stream.indirect.scatter.add.f32 [tilespmem:s13], [sflag:$0x9], $0x40, s26, s5, $0xb8;
	[tilespmem:$0x1E400] =	vst v63  }
0x13a: {  	_ =	swait.ge [sflag:s19], $0x2000  }
0x13b: {  	[sflag:s19] =	ssyncset.done $0x0  }
0x13c: {  	s28 =	simm.s32 $0x300;
	[sflag:s19] =	ssyncadd.s32 $0xFFFFE000  }
0x13d: {  	[tilespmem:s8], [sflag:$0x2] =	stream.indirect.gather [hbm4b:s4+s5], $0x40, s28, s5, $0xb8;
	[tilespmem:$0x1E400] =	vst v63  }
0x13e: {  	_ =	swait.ge [sflag:s20], $0x2000  }
0x13f: {  	[sflag:s20] =	ssyncset.done $0x0  }
0x140: {  	s29 =	simm.s32 $0x5200;
	[sflag:s20] =	ssyncadd.s32 $0xFFFFE000  }
0x141: {  	[spmem:s2] =	stream.indirect.scatter.add.f32 [tilespmem:s15], [sflag:$0xA], $0x40, s29, s5, $0xb8;
	[tilespmem:$0x1E400] =	vst v63  }
0x142: {  	_ =	swait.ge [sflag:s21], $0x2000  }
0x143: {  	[sflag:s21] =	ssyncset.done $0x0  }
0x144: {  	s30 =	simm.s32 $0x380;
	s25 =	simm.s32 $0x0;
	[sflag:s21] =	ssyncadd.s32 $0xFFFFE000  }
0x145: {  	[tilespmem:s9], [sflag:$0x3] =	stream.indirect.gather [hbm4b:s4+s5], $0x40, s30, s5, $0xb8;
	[tilespmem:$0x1E400] =	vst v63  }
.LBB2_4:
0x146: {  	_ =	swait.ge [sflag:s12], $0x2000  }
0x147: {  	s26 =	sshra.s32 s25, $0x2;
	[sflag:s12] =	ssyncset.done $0x0  }
0x148: {  	s1 =	sadd.s32 $0x5280, s26;
	[sflag:s12] =	ssyncadd.s32 $0xFFFFE000  }
0x149: {  	[spmem:s2] =	stream.indirect.scatter.add.f32 [tilespmem:s6], [sflag:$0x6], $0x40, s1, s5, $0xb8;
	[tilespmem:$0x1E400] =	vst v63  }
0x14a: {  	_ =	swait.ge [sflag:s22], $0x2000  }
0x14b: {  	[sflag:s22] =	ssyncset.done $0x0  }
0x14c: {  	s29 =	sadd.s32 $0x400, s26;
	[sflag:s22] =	ssyncadd.s32 $0xFFFFE000  }
0x14d: {  	[tilespmem:s13], [sflag:$0x4] =	stream.indirect.gather [hbm4b:s4+s5], $0x40, s29, s5, $0xb8;
	[tilespmem:$0x1E400] =	vst v63  }
0x14e: {  	_ =	swait.ge [sflag:s14], $0x2000  }
0x14f: {  	[sflag:s14] =	ssyncset.done $0x0  }
0x150: {  	s30 =	sadd.s32 $0x5300, s26;
	[sflag:s14] =	ssyncadd.s32 $0xFFFFE000  }
0x151: {  	[spmem:s2] =	stream.indirect.scatter.add.f32 [tilespmem:s8], [sflag:$0x7], $0x40, s30, s5, $0xb8;
	[tilespmem:$0x1E400] =	vst v63  }
0x152: {  	_ =	swait.ge [sflag:s23], $0x2000  }
0x153: {  	[sflag:s23] =	ssyncset.done $0x0  }
0x154: {  	s28 =	sadd.s32 $0x480, s26;
	[sflag:s23] =	ssyncadd.s32 $0xFFFFE000  }
0x155: {  	[tilespmem:s15], [sflag:$0x5] =	stream.indirect.gather [hbm4b:s4+s5], $0x40, s28, s5, $0xb8;
	[tilespmem:$0x1E400] =	vst v63  }
0x156: {  	_ =	swait.ge [sflag:s16], $0x2000  }
0x157: {  	p0 =	seq.s32 s25, $0x12C00;
	[sflag:s16] =	ssyncset.done $0x0  }
0x158: {  	s1 =	simm.s32 @p0 $0x4;
	s29 =	sadd.s32 $0x5380, s26;
	[sflag:s16] =	ssyncadd.s32 $0xFFFFE000  }
0x159: {  	[spmem:s2] =	stream.indirect.scatter.add.f32 [tilespmem:s9], [sflag:$0x8], $0x40, s29, s5, $0xb8;
	[tilespmem:$0x1E400] =	vst v63  }
0x15a: {  	_ =	swait.ge @p0 [sflag:s1], $0x2000  }
0x15b: {  	[sflag:s1] =	ssyncset.done @p0 $0x0  }
0x15c: {  	[sflag:s1] =	ssyncadd.s32 @p0 $0xFFFFE000;
	s1 =	sshra.s32 @p0 s25, $0x2  }
0x15d: {  	s28 =	simm.s32 @p0 $0x80;
	s29 =	simm.s32 @p0 $0x10000;
	s1 =	sadd.s32 @p0 $0x5400, s1  }
0x15e: {  	[spmem:s2] =	stream.indirect.scatter.add.f32 @p0 [tilespmem:s29], [sflag:$0x9], $0x40, s1, s28, $0xb8;
	[tilespmem:$0x1E400] =	vst v63  }
0x15f: {  	s1 =	simm.s32 @!p0 $0x6  }
0x160: {  	_ =	swait.ge @!p0 [sflag:s1], $0x2000  }
0x161: {  	[sflag:s1] =	ssyncset.done @!p0 $0x0  }
0x162: {  	[sflag:s1] =	ssyncadd.s32 @!p0 $0xFFFFE000;
	s1 =	sshra.s32 @!p0 s25, $0x2  }
0x163: {  	s30 =	simm.s32 @!p0 $0xA000;
	s29 =	simm.s32 @!p0 $0x80;
	s28 =	sadd.s32 @!p0 $0x500, s1  }
0x164: {  	[tilespmem:s30], [sflag:$0x1] =	stream.indirect.gather @!p0 [hbm4b:s4+s29], $0x40, s28, s29, $0xb8;
	[tilespmem:$0x1E400] =	vst v63  }
0x165: {  	s28 =	simm.s32 @!p0 $0x4  }
0x166: {  	_ =	swait.ge @!p0 [sflag:s28], $0x2000  }
0x167: {  	[sflag:s28] =	ssyncset.done @!p0 $0x0  }
0x168: {  	s30 =	simm.s32 @!p0 $0x10000;
	[sflag:s28] =	ssyncadd.s32 @!p0 $0xFFFFE000;
	s28 =	sadd.s32 @!p0 $0x5400, s1  }
0x169: {  	[spmem:s2] =	stream.indirect.scatter.add.f32 @!p0 [tilespmem:s30], [sflag:$0x9], $0x40, s28, s29, $0xb8;
	[tilespmem:$0x1E400] =	vst v63  }
0x16a: {  	s28 =	simm.s32 @!p0 $0x7  }
0x16b: {  	_ =	swait.ge @!p0 [sflag:s28], $0x2000  }
0x16c: {  	[sflag:s28] =	ssyncset.done @!p0 $0x0  }
0x16d: {  	s1 =	sadd.s32 @!p0 $0x580, s1;
	[sflag:s28] =	ssyncadd.s32 @!p0 $0xFFFFE000;
	s28 =	simm.s32 @!p0 $0xC000  }
0x16e: {  	[tilespmem:s28], [sflag:$0x2] =	stream.indirect.gather @!p0 [hbm4b:s4+s29], $0x40, s1, s29, $0xb8;
	[tilespmem:$0x1E400] =	vst v63  }
.Ltmp3:
0x16f: {  	_ = 	snop;
	(pc) =	sbr.rel @p0 .LBB2_6-.Ltmp3, $4  }
0x170: {  	_ =	swait.ge [sflag:s20], $0x2000  }
0x171: {  	[sflag:s20] =	ssyncset.done $0x0  }
0x172: {  	s30 =	sadd.s32 $0x5480, s26;
	[sflag:s20] =	ssyncadd.s32 $0xFFFFE000  }
0x173: {  	[spmem:s2] =	stream.indirect.scatter.add.f32 [tilespmem:s15], [sflag:$0xA], $0x40, s30, s5, $0xb8;
	[tilespmem:$0x1E400] =	vst v63  }
.Ltmp4:
0x174: {  	(pc) =	sbr.rel .LBB2_4-.Ltmp4, $4  }
0x175: {  	_ =	swait.ge [sflag:s21], $0x2000  }
0x176: {  	[sflag:s21] =	ssyncset.done $0x0  }
0x177: {  	s1 =	sadd.s32 $0x600, s26;
	s25 =	sadd.s32 $0xA00, s25;
	[sflag:s21] =	ssyncadd.s32 $0xFFFFE000  }
0x178: {  	[tilespmem:s9], [sflag:$0x3] =	stream.indirect.gather [hbm4b:s4+s5], $0x40, s1, s5, $0xb8;
	[tilespmem:$0x1E400] =	vst v63  }
.LBB2_7:
0x179: {  	_ =	sfence.sel $0x180000  }
0x17a: {  	[bflag:$0x0] =	sbarrier.arrive $0xFFFF  }
0x17b: {  	_ =	strace $0x9000004D  }
0x17c: {  	s0 =	stileid.u32;
	[bflag:$0x2] =	sbarrier.arrive $0xFFFF  }
0x17d: {  	p0 =	sne.s32 s0, $0x0;
	s0 =	rddreg [dreg:$0x2]  }
0x17e: {  	s0 =	sadd.s32 @!p0 $0x100000, s0  }
0x17f: {  	[sflag:s0] =	ssyncadd.tile.s32 @!p0 $0x1;
	_ =	shalt  }
.Lfunc_end2:
_tile_overlayer_lowered:
.L_overlay_start_2:
0x180: {  	(tag) =	ssettag $0x2  }
0x181: {  	s0 =	rddreg [dreg:$0x0];
	s2 =	stileid.u32  }
0x182: {  	s1 =	rddreg [dreg:$0x1];
	p0 =	sne.s32 s2, $0x0  }
0x183: {  	s3 =	rddreg [dreg:$0x2];
	[bflag:$0x3] =	sbarrier.arrive $0xFFFF;
	s2 =	simm.s32 @!p0 $0x1C0C  }
0x184: {  	[timem:s3], [sflag:s2] =	dma.local @!p0 [hbm:s0], s1  }
0x185: {  	s0 =	simm.s32 @!p0 $0xC  }
0x186: {  	_ =	swait.ge @!p0 [sflag:s0], s1  }
0x187: {  	s1 =	ssub.s32 @!p0 $0x0, s1;
	[sflag:s0] =	ssyncset.done @!p0 $0x0  }
0x188: {  	[sflag:s0] =	ssyncadd.s32 @!p0 s1  }
0x189: {  	[bflag:$0x3] =	sbarrier.arrive $0xFFFF  }
0x18a: {  	_ =	shalt  }

</sc_bundles>
